<compile_context>
chip_gen: v7x
topology: tpu7x:2x2x1
jax: 0.10.2.dev20260603
libtpu: 0.0.44.dev20260713+nightly
codegen_flags: <defaults>
</compile_context>

<pallas_src>
import jax
import jax.numpy as jnp
from jax import lax
from jax.experimental import pallas as pl
from jax.experimental.pallas import tpu as pltpu, tpu_sc as plsc

B, S, DEPTH = 1024, 50, 1000
NW = 32
DC = 125
CPS = DEPTH // DC
NCHUNK = S * CPS
GROUPS = B // 16


def _sc_body(idx_hbm, zeros_hbm, out_hbm, idx_v, buf):
    wid = lax.axis_index("s") * 2 + lax.axis_index("c")
    pltpu.sync_copy(zeros_hbm, buf)
    iota = lax.iota(jnp.int32, 16)
    ones = jnp.full((16,), 1.0, jnp.float32)
    zeros = jnp.zeros((16,), jnp.float32)
    nmine = (NCHUNK - wid + NW - 1) // NW

    def scatter(d0, val):
        for g in range(GROUPS):
            b16 = iota + g * 16
            idxg = idx_v[pl.ds(g * 16, 16)]
            dloc = idxg - d0
            mask = (dloc >= 0) & (dloc < DC)
            dloc = jnp.minimum(jnp.maximum(dloc, 0), DC - 1)
            plsc.store_scatter(buf, [dloc, b16], val, mask=mask)

    def chunk(i, carry):
        cid = wid + i * NW
        s = cid // CPS
        d0 = (cid % CPS) * DC
        pltpu.sync_copy(idx_hbm.at[pl.ds(s * B, B)], idx_v)
        scatter(d0, ones)
        pltpu.sync_copy(buf, out_hbm.at[s].at[pl.ds(d0, DC)])
        scatter(d0, zeros)
        return carry

    lax.fori_loop(0, nmine, chunk, 0)


def kernel(inputs):
    idx_t = inputs.astype(jnp.int32).T.reshape(S * B)
    zblock = jnp.zeros((DC, B), jnp.float32)
    mesh = plsc.VectorSubcoreMesh(core_axis_name="c", subcore_axis_name="s")
    k = pl.kernel(
        _sc_body,
        out_type=jax.ShapeDtypeStruct((S, DEPTH, B), jnp.float32),
        mesh=mesh,
        compiler_params=pltpu.CompilerParams(use_tc_tiling_on_sc=False, needs_layout_passes=False),
        scratch_types=[
            pltpu.VMEM((B,), jnp.int32),
            pltpu.VMEM((DC, B), jnp.float32),
        ],
    )
    out_t = k(idx_t, zblock)
    return out_t.transpose(2, 0, 1)

# --- scband reference (transcript-rebuilt; emitter-appended) ---
"""Pipeline reference for scband-one-hot-layer-89747636617647 (READ-ONLY COPY).

The authoritative reference and input builder live on the scoring server;
editing this copy changes nothing except your own understanding.
"""

import jax, jax.numpy as jnp
import numpy as np

DEPTH = 1000

def setup_inputs(seed: int = 0) -> dict:
    key = jax.random.key(seed)
    inputs = jax.random.randint(key, (1024, 50), 0, DEPTH, dtype=jnp.int64)
    return {"inputs": inputs}

def reference(inputs):
    # tf.cast(inputs, 'int32') then tf.one_hot(inputs, depth)
    idx = inputs.astype(jnp.int32)
    return jax.nn.one_hot(idx, DEPTH, dtype=jnp.float32)

if __name__ == "__main__":
    import jax
    _d = setup_inputs()
    print(jax.jit(kernel)(*tuple(_d.values())))

</pallas_src>

<mosaic_0001>
#map = affine_map<(d0, d1) -> (0)>
#map1 = affine_map<(d0, d1) -> (0, 0)>
#map2 = affine_map<(d0, d1) -> (0, 0, 0)>
module attributes {stable_mosaic.version = 14 : i64} {
  func.func @_sc_body(%arg0: i32, %arg1: i32, %arg2: memref<51200xi32, #tpu.memory_space<hbm>>, %arg3: memref<125x1024xf32, #tpu.memory_space<hbm>>, %arg4: memref<50x1000x1024xf32, #tpu.memory_space<hbm>>, %arg5: memref<1024xi32, #tpu.memory_space<vmem>>, %arg6: memref<125x1024xf32, #tpu.memory_space<vmem>>) attributes {dimension_semantics = [#tpu.dimension_semantics<core_parallel>, #tpu.dimension_semantics<subcore_parallel>], iteration_bounds = array<i64: 2, 16>, scalar_prefetch = 0 : i64, scratch_operands = 2 : i64, tpu.core_type = #tpu.core_type<sc_vector_subcore>, window_params = [{transform_indices = #map}, {transform_indices = #map1}, {transform_indices = #map2}]} {
    %mul3A = arith.constant 2 : i32
    %mul3A_0 = arith.muli %arg1, %mul3A : i32
    %add3A = arith.addi %mul3A_0, %arg0 : i32
    "tpu.region"() ({
      %run_scoped3A = tpu.sem_alloc : memref<!tpu.dma_semaphore, #tpu.memory_space<semaphore_mem>>
      tpu.enqueue_dma source(%arg3 : memref<125x1024xf32, #tpu.memory_space<hbm>>) target(%arg6 : memref<125x1024xf32, #tpu.memory_space<vmem>>) target_semaphore(%run_scoped3A : memref<!tpu.dma_semaphore, #tpu.memory_space<semaphore_mem>>)
      tpu.wait_dma2 semaphore(%run_scoped3A : memref<!tpu.dma_semaphore, #tpu.memory_space<semaphore_mem>>) src(%arg3 : memref<125x1024xf32, #tpu.memory_space<hbm>>) dst(%arg6 : memref<125x1024xf32, #tpu.memory_space<vmem>>)
      tpu.yield
    }) : () -> ()
    %iota3A = tpu.iota {dimensions = array<i32: 0>} : vector<16xi32>
    %broadcast_in_dim3A = arith.constant 1.000000e+00 : f32
    %broadcast_in_dim3A_1 = vector.broadcast %broadcast_in_dim3A : f32 to vector<16xf32>
    %broadcast_in_dim3A_2 = arith.constant 0.000000e+00 : f32
    %broadcast_in_dim3A_3 = vector.broadcast %broadcast_in_dim3A_2 : f32 to vector<16xf32>
    %sub3A = arith.constant 400 : i32
    %sub3A_4 = arith.subi %sub3A, %add3A : i32
    %add3A_5 = arith.constant 32 : i32
    %add3A_6 = arith.addi %sub3A_4, %add3A_5 : i32
    %sub3A_7 = arith.constant 1 : i32
    %sub3A_8 = arith.subi %add3A_6, %sub3A_7 : i32
    %jit3A = arith.constant 32 : i32
    %div3A = arith.divsi %sub3A_8, %jit3A : i32
    %sign3A = arith.constant 0 : i32
    %sign3A_9 = arith.cmpi sgt, %sub3A_8, %sign3A : i32
    %sign3A_10 = arith.extui %sign3A_9 : i1 to i32
    %sign3A_11 = arith.constant 0 : i32
    %sign3A_12 = arith.cmpi slt, %sub3A_8, %sign3A_11 : i32
    %sign3A_13 = arith.extui %sign3A_12 : i1 to i32
    %sign3A_14 = arith.subi %sign3A_10, %sign3A_13 : i32
    %sign3A_15 = arith.constant 0 : i32
    %sign3A_16 = arith.cmpi sgt, %jit3A, %sign3A_15 : i32
    %sign3A_17 = arith.extui %sign3A_16 : i1 to i32
    %sign3A_18 = arith.constant 0 : i32
    %sign3A_19 = arith.cmpi slt, %jit3A, %sign3A_18 : i32
    %sign3A_20 = arith.extui %sign3A_19 : i1 to i32
    %sign3A_21 = arith.subi %sign3A_17, %sign3A_20 : i32
    %ne3A = arith.cmpi ne, %sign3A_14, %sign3A_21 : i32
    %rem3A = arith.remsi %sub3A_8, %jit3A : i32
    %ne3A_22 = arith.constant 0 : i32
    %ne3A_23 = arith.cmpi ne, %rem3A, %ne3A_22 : i32
    %and3A = arith.andi %ne3A, %ne3A_23 : i1
    %sub3A_24 = arith.constant 1 : i32
    %sub3A_25 = arith.subi %div3A, %sub3A_24 : i32
    %select_n3A = arith.select %and3A, %sub3A_25, %div3A : i32
    %while3A = arith.constant 0 : i32
    %while3A_26 = arith.constant 0 : i32
    %while3A_27 = arith.subi %select_n3A, %while3A_26 : i32
    %while3A_28 = arith.addi %while3A_26, %while3A_27 : i32
    %while3A_29 = arith.constant 1 : i32
    %while3A_30 = arith.divsi %while3A_27, %while3A_29 : i32
    %while3A_31 = arith.muli %while3A_30, %while3A_29 : i32
    %while3A_32 = arith.addi %while3A_26, %while3A_31 : i32
    %while3A_33 = arith.constant 1 : i32
    scf.for %while3A_35 = %while3A_26 to %while3A_32 step %while3A_33  : i32 {
      %mul3A_36 = arith.constant 32 : i32
      %mul3A_37 = arith.muli %while3A_35, %mul3A_36 : i32
      %add3A_38 = arith.addi %add3A, %mul3A_37 : i32
      %jit3A_39 = arith.constant 8 : i32
      %div3A_40 = arith.divsi %add3A_38, %jit3A_39 : i32
      %sign3A_41 = arith.constant 0 : i32
      %sign3A_42 = arith.cmpi sgt, %add3A_38, %sign3A_41 : i32
      %sign3A_43 = arith.extui %sign3A_42 : i1 to i32
      %sign3A_44 = arith.constant 0 : i32
      %sign3A_45 = arith.cmpi slt, %add3A_38, %sign3A_44 : i32
      %sign3A_46 = arith.extui %sign3A_45 : i1 to i32
      %sign3A_47 = arith.subi %sign3A_43, %sign3A_46 : i32
      %sign3A_48 = arith.constant 0 : i32
      %sign3A_49 = arith.cmpi sgt, %jit3A_39, %sign3A_48 : i32
      %sign3A_50 = arith.extui %sign3A_49 : i1 to i32
      %sign3A_51 = arith.constant 0 : i32
      %sign3A_52 = arith.cmpi slt, %jit3A_39, %sign3A_51 : i32
      %sign3A_53 = arith.extui %sign3A_52 : i1 to i32
      %sign3A_54 = arith.subi %sign3A_50, %sign3A_53 : i32
      %ne3A_55 = arith.cmpi ne, %sign3A_47, %sign3A_54 : i32
      %rem3A_56 = arith.remsi %add3A_38, %jit3A_39 : i32
      %ne3A_57 = arith.constant 0 : i32
      %ne3A_58 = arith.cmpi ne, %rem3A_56, %ne3A_57 : i32
      %and3A_59 = arith.andi %ne3A_55, %ne3A_58 : i1
      %sub3A_60 = arith.constant 1 : i32
      %sub3A_61 = arith.subi %div3A_40, %sub3A_60 : i32
      %select_n3A_62 = arith.select %and3A_59, %sub3A_61, %div3A_40 : i32
      %jit3A_63 = arith.constant 8 : i32
      %eq3A = arith.constant 0 : i32
      %eq3A_64 = arith.cmpi eq, %jit3A_63, %eq3A : i32
      %jit3A_65 = arith.constant 1 : i32
      %select_n3A_66 = arith.select %eq3A_64, %jit3A_65, %jit3A_63 : i32
      %rem3A_67 = arith.remsi %add3A_38, %select_n3A_66 : i32
      %ne3A_68 = arith.constant 0 : i32
      %ne3A_69 = arith.cmpi ne, %rem3A_67, %ne3A_68 : i32
      %lt3A = arith.constant 0 : i32
      %lt3A_70 = arith.cmpi slt, %rem3A_67, %lt3A : i32
      %lt3A_71 = arith.constant 0 : i32
      %lt3A_72 = arith.cmpi slt, %select_n3A_66, %lt3A_71 : i32
      %ne3A_73 = arith.xori %lt3A_70, %lt3A_72 : i1
      %and3A_74 = arith.andi %ne3A_73, %ne3A_69 : i1
      %add3A_75 = arith.addi %rem3A_67, %select_n3A_66 : i32
      %select_n3A_76 = arith.select %and3A_74, %add3A_75, %rem3A_67 : i32
      %mul3A_77 = arith.constant 125 : i32
      %mul3A_78 = arith.muli %select_n3A_76, %mul3A_77 : i32
      %mul3A_79 = arith.constant 1024 : i32
      %mul3A_80 = arith.muli %select_n3A_62, %mul3A_79 : i32
      "tpu.region"() ({
        %run_scoped3A = tpu.sem_alloc : memref<!tpu.dma_semaphore, #tpu.memory_space<semaphore_mem>>
        %dma_start3A = tpu.memref_slice %arg2[%mul3A_80] : memref<51200xi32, #tpu.memory_space<hbm>> -> memref<1024xi32, #tpu.memory_space<hbm>>
        %dma_start3A_2637 = tpu.memref_slice %arg2[%mul3A_80] : memref<51200xi32, #tpu.memory_space<hbm>> -> memref<1024xi32, #tpu.memory_space<hbm>>
        tpu.enqueue_dma source(%dma_start3A_2637 : memref<1024xi32, #tpu.memory_space<hbm>>) target(%arg5 : memref<1024xi32, #tpu.memory_space<vmem>>) target_semaphore(%run_scoped3A : memref<!tpu.dma_semaphore, #tpu.memory_space<semaphore_mem>>)
        %dma_wait3A = tpu.memref_slice %arg2[%mul3A_80] : memref<51200xi32, #tpu.memory_space<hbm>> -> memref<1024xi32, #tpu.memory_space<hbm>>
        %dma_wait3A_2638 = tpu.memref_slice %arg2[%mul3A_80] : memref<51200xi32, #tpu.memory_space<hbm>> -> memref<1024xi32, #tpu.memory_space<hbm>>
        tpu.wait_dma2 semaphore(%run_scoped3A : memref<!tpu.dma_semaphore, #tpu.memory_space<semaphore_mem>>) src(%dma_wait3A_2638 : memref<1024xi32, #tpu.memory_space<hbm>>) dst(%arg5 : memref<1024xi32, #tpu.memory_space<vmem>>)
        tpu.yield
      }) : () -> ()
      %add3A_81 = arith.constant 0 : i32
      %add3A_82 = vector.broadcast %add3A_81 : i32 to vector<16xi32>
      %add3A_83 = arith.addi %iota3A, %add3A_82 : vector<16xi32>
      %get3A = arith.constant 0 : index
      %get3A_84 = tpu.vector_load %arg5[%get3A] {strides = array<i32>} : memref<1024xi32, #tpu.memory_space<vmem>>, vector<16xi32>,
      %sub3A_85 = vector.broadcast %mul3A_78 : i32 to vector<16xi32>
      %sub3A_86 = arith.subi %get3A_84, %sub3A_85 : vector<16xi32>
      %ge3A = arith.constant 0 : i32
      %ge3A_87 = vector.broadcast %ge3A : i32 to vector<16xi32>
      %ge3A_88 = arith.cmpi sge, %sub3A_86, %ge3A_87 : vector<16xi32>
      %lt3A_89 = arith.constant 125 : i32
      %lt3A_90 = vector.broadcast %lt3A_89 : i32 to vector<16xi32>
      %lt3A_91 = arith.cmpi slt, %sub3A_86, %lt3A_90 : vector<16xi32>
      %and3A_92 = arith.andi %ge3A_88, %lt3A_91 : vector<16xi1>
      %max3A = arith.constant 0 : i32
      %max3A_93 = vector.broadcast %max3A : i32 to vector<16xi32>
      %max3A_94 = arith.maxsi %sub3A_86, %max3A_93 : vector<16xi32>
      %min3A = arith.constant 124 : i32
      %min3A_95 = vector.broadcast %min3A : i32 to vector<16xi32>
      %min3A_96 = arith.minsi %max3A_94, %min3A_95 : vector<16xi32>
      tpu.vector_store_idx %arg6[%min3A_96, %add3A_83], %broadcast_in_dim3A_1 masked %and3A_92 : memref<125x1024xf32, #tpu.memory_space<vmem>>[vector<16xi32>, vector<16xi32>], vector<16xf32>, vector<16xi1>
      %add3A_97 = arith.constant 16 : i32
      %add3A_98 = vector.broadcast %add3A_97 : i32 to vector<16xi32>
      %add3A_99 = arith.addi %iota3A, %add3A_98 : vector<16xi32>
      %get3A_100 = arith.constant 16 : index
      %get3A_101 = tpu.vector_load %arg5[%get3A_100] {strides = array<i32>} : memref<1024xi32, #tpu.memory_space<vmem>>, vector<16xi32>,
      %sub3A_102 = vector.broadcast %mul3A_78 : i32 to vector<16xi32>
      %sub3A_103 = arith.subi %get3A_101, %sub3A_102 : vector<16xi32>
      %ge3A_104 = arith.constant 0 : i32
      %ge3A_105 = vector.broadcast %ge3A_104 : i32 to vector<16xi32>
      %ge3A_106 = arith.cmpi sge, %sub3A_103, %ge3A_105 : vector<16xi32>
      %lt3A_107 = arith.constant 125 : i32
      %lt3A_108 = vector.broadcast %lt3A_107 : i32 to vector<16xi32>
      %lt3A_109 = arith.cmpi slt, %sub3A_103, %lt3A_108 : vector<16xi32>
      %and3A_110 = arith.andi %ge3A_106, %lt3A_109 : vector<16xi1>
      %max3A_111 = arith.constant 0 : i32
      %max3A_112 = vector.broadcast %max3A_111 : i32 to vector<16xi32>
      %max3A_113 = arith.maxsi %sub3A_103, %max3A_112 : vector<16xi32>
      %min3A_114 = arith.constant 124 : i32
      %min3A_115 = vector.broadcast %min3A_114 : i32 to vector<16xi32>
      %min3A_116 = arith.minsi %max3A_113, %min3A_115 : vector<16xi32>
      tpu.vector_store_idx %arg6[%min3A_116, %add3A_99], %broadcast_in_dim3A_1 masked %and3A_110 : memref<125x1024xf32, #tpu.memory_space<vmem>>[vector<16xi32>, vector<16xi32>], vector<16xf32>, vector<16xi1>
      %add3A_117 = arith.constant 32 : i32
      %add3A_118 = vector.broadcast %add3A_117 : i32 to vector<16xi32>
      %add3A_119 = arith.addi %iota3A, %add3A_118 : vector<16xi32>
      %get3A_120 = arith.constant 32 : index
      %get3A_121 = tpu.vector_load %arg5[%get3A_120] {strides = array<i32>} : memref<1024xi32, #tpu.memory_space<vmem>>, vector<16xi32>,
      %sub3A_122 = vector.broadcast %mul3A_78 : i32 to vector<16xi32>
      %sub3A_123 = arith.subi %get3A_121, %sub3A_122 : vector<16xi32>
      %ge3A_124 = arith.constant 0 : i32
      %ge3A_125 = vector.broadcast %ge3A_124 : i32 to vector<16xi32>
      %ge3A_126 = arith.cmpi sge, %sub3A_123, %ge3A_125 : vector<16xi32>
      %lt3A_127 = arith.constant 125 : i32
      %lt3A_128 = vector.broadcast %lt3A_127 : i32 to vector<16xi32>
      %lt3A_129 = arith.cmpi slt, %sub3A_123, %lt3A_128 : vector<16xi32>
      %and3A_130 = arith.andi %ge3A_126, %lt3A_129 : vector<16xi1>
      %max3A_131 = arith.constant 0 : i32
      %max3A_132 = vector.broadcast %max3A_131 : i32 to vector<16xi32>
      %max3A_133 = arith.maxsi %sub3A_123, %max3A_132 : vector<16xi32>
      %min3A_134 = arith.constant 124 : i32
      %min3A_135 = vector.broadcast %min3A_134 : i32 to vector<16xi32>
      %min3A_136 = arith.minsi %max3A_133, %min3A_135 : vector<16xi32>
      tpu.vector_store_idx %arg6[%min3A_136, %add3A_119], %broadcast_in_dim3A_1 masked %and3A_130 : memref<125x1024xf32, #tpu.memory_space<vmem>>[vector<16xi32>, vector<16xi32>], vector<16xf32>, vector<16xi1>
      %add3A_137 = arith.constant 48 : i32
      %add3A_138 = vector.broadcast %add3A_137 : i32 to vector<16xi32>
      %add3A_139 = arith.addi %iota3A, %add3A_138 : vector<16xi32>
      %get3A_140 = arith.constant 48 : index
      %get3A_141 = tpu.vector_load %arg5[%get3A_140] {strides = array<i32>} : memref<1024xi32, #tpu.memory_space<vmem>>, vector<16xi32>,
      %sub3A_142 = vector.broadcast %mul3A_78 : i32 to vector<16xi32>
      %sub3A_143 = arith.subi %get3A_141, %sub3A_142 : vector<16xi32>
      %ge3A_144 = arith.constant 0 : i32
      %ge3A_145 = vector.broadcast %ge3A_144 : i32 to vector<16xi32>
      %ge3A_146 = arith.cmpi sge, %sub3A_143, %ge3A_145 : vector<16xi32>
      %lt3A_147 = arith.constant 125 : i32
      %lt3A_148 = vector.broadcast %lt3A_147 : i32 to vector<16xi32>
      %lt3A_149 = arith.cmpi slt, %sub3A_143, %lt3A_148 : vector<16xi32>
      %and3A_150 = arith.andi %ge3A_146, %lt3A_149 : vector<16xi1>
      %max3A_151 = arith.constant 0 : i32
      %max3A_152 = vector.broadcast %max3A_151 : i32 to vector<16xi32>
      %max3A_153 = arith.maxsi %sub3A_143, %max3A_152 : vector<16xi32>
      %min3A_154 = arith.constant 124 : i32
      %min3A_155 = vector.broadcast %min3A_154 : i32 to vector<16xi32>
      %min3A_156 = arith.minsi %max3A_153, %min3A_155 : vector<16xi32>
      tpu.vector_store_idx %arg6[%min3A_156, %add3A_139], %broadcast_in_dim3A_1 masked %and3A_150 : memref<125x1024xf32, #tpu.memory_space<vmem>>[vector<16xi32>, vector<16xi32>], vector<16xf32>, vector<16xi1>
      %add3A_157 = arith.constant 64 : i32
      %add3A_158 = vector.broadcast %add3A_157 : i32 to vector<16xi32>
      %add3A_159 = arith.addi %iota3A, %add3A_158 : vector<16xi32>
      %get3A_160 = arith.constant 64 : index
      %get3A_161 = tpu.vector_load %arg5[%get3A_160] {strides = array<i32>} : memref<1024xi32, #tpu.memory_space<vmem>>, vector<16xi32>,
      %sub3A_162 = vector.broadcast %mul3A_78 : i32 to vector<16xi32>
      %sub3A_163 = arith.subi %get3A_161, %sub3A_162 : vector<16xi32>
      %ge3A_164 = arith.constant 0 : i32
      %ge3A_165 = vector.broadcast %ge3A_164 : i32 to vector<16xi32>
      %ge3A_166 = arith.cmpi sge, %sub3A_163, %ge3A_165 : vector<16xi32>
      %lt3A_167 = arith.constant 125 : i32
      %lt3A_168 = vector.broadcast %lt3A_167 : i32 to vector<16xi32>
      %lt3A_169 = arith.cmpi slt, %sub3A_163, %lt3A_168 : vector<16xi32>
      %and3A_170 = arith.andi %ge3A_166, %lt3A_169 : vector<16xi1>
      %max3A_171 = arith.constant 0 : i32
      %max3A_172 = vector.broadcast %max3A_171 : i32 to vector<16xi32>
      %max3A_173 = arith.maxsi %sub3A_163, %max3A_172 : vector<16xi32>
      %min3A_174 = arith.constant 124 : i32
      %min3A_175 = vector.broadcast %min3A_174 : i32 to vector<16xi32>
      %min3A_176 = arith.minsi %max3A_173, %min3A_175 : vector<16xi32>
      tpu.vector_store_idx %arg6[%min3A_176, %add3A_159], %broadcast_in_dim3A_1 masked %and3A_170 : memref<125x1024xf32, #tpu.memory_space<vmem>>[vector<16xi32>, vector<16xi32>], vector<16xf32>, vector<16xi1>
      %add3A_177 = arith.constant 80 : i32
      %add3A_178 = vector.broadcast %add3A_177 : i32 to vector<16xi32>
      %add3A_179 = arith.addi %iota3A, %add3A_178 : vector<16xi32>
      %get3A_180 = arith.constant 80 : index
      %get3A_181 = tpu.vector_load %arg5[%get3A_180] {strides = array<i32>} : memref<1024xi32, #tpu.memory_space<vmem>>, vector<16xi32>,
      %sub3A_182 = vector.broadcast %mul3A_78 : i32 to vector<16xi32>
      %sub3A_183 = arith.subi %get3A_181, %sub3A_182 : vector<16xi32>
      %ge3A_184 = arith.constant 0 : i32
      %ge3A_185 = vector.broadcast %ge3A_184 : i32 to vector<16xi32>
      %ge3A_186 = arith.cmpi sge, %sub3A_183, %ge3A_185 : vector<16xi32>
      %lt3A_187 = arith.constant 125 : i32
      %lt3A_188 = vector.broadcast %lt3A_187 : i32 to vector<16xi32>
      %lt3A_189 = arith.cmpi slt, %sub3A_183, %lt3A_188 : vector<16xi32>
      %and3A_190 = arith.andi %ge3A_186, %lt3A_189 : vector<16xi1>
      %max3A_191 = arith.constant 0 : i32
      %max3A_192 = vector.broadcast %max3A_191 : i32 to vector<16xi32>
      %max3A_193 = arith.maxsi %sub3A_183, %max3A_192 : vector<16xi32>
      %min3A_194 = arith.constant 124 : i32
      %min3A_195 = vector.broadcast %min3A_194 : i32 to vector<16xi32>
      %min3A_196 = arith.minsi %max3A_193, %min3A_195 : vector<16xi32>
      tpu.vector_store_idx %arg6[%min3A_196, %add3A_179], %broadcast_in_dim3A_1 masked %and3A_190 : memref<125x1024xf32, #tpu.memory_space<vmem>>[vector<16xi32>, vector<16xi32>], vector<16xf32>, vector<16xi1>
      %add3A_197 = arith.constant 96 : i32
      %add3A_198 = vector.broadcast %add3A_197 : i32 to vector<16xi32>
      %add3A_199 = arith.addi %iota3A, %add3A_198 : vector<16xi32>
      %get3A_200 = arith.constant 96 : index
      %get3A_201 = tpu.vector_load %arg5[%get3A_200] {strides = array<i32>} : memref<1024xi32, #tpu.memory_space<vmem>>, vector<16xi32>,
      %sub3A_202 = vector.broadcast %mul3A_78 : i32 to vector<16xi32>
      %sub3A_203 = arith.subi %get3A_201, %sub3A_202 : vector<16xi32>
      %ge3A_204 = arith.constant 0 : i32
      %ge3A_205 = vector.broadcast %ge3A_204 : i32 to vector<16xi32>
      %ge3A_206 = arith.cmpi sge, %sub3A_203, %ge3A_205 : vector<16xi32>
      %lt3A_207 = arith.constant 125 : i32
      %lt3A_208 = vector.broadcast %lt3A_207 : i32 to vector<16xi32>
      %lt3A_209 = arith.cmpi slt, %sub3A_203, %lt3A_208 : vector<16xi32>
      %and3A_210 = arith.andi %ge3A_206, %lt3A_209 : vector<16xi1>
      %max3A_211 = arith.constant 0 : i32
      %max3A_212 = vector.broadcast %max3A_211 : i32 to vector<16xi32>
      %max3A_213 = arith.maxsi %sub3A_203, %max3A_212 : vector<16xi32>
      %min3A_214 = arith.constant 124 : i32
      %min3A_215 = vector.broadcast %min3A_214 : i32 to vector<16xi32>
      %min3A_216 = arith.minsi %max3A_213, %min3A_215 : vector<16xi32>
      tpu.vector_store_idx %arg6[%min3A_216, %add3A_199], %broadcast_in_dim3A_1 masked %and3A_210 : memref<125x1024xf32, #tpu.memory_space<vmem>>[vector<16xi32>, vector<16xi32>], vector<16xf32>, vector<16xi1>
      %add3A_217 = arith.constant 112 : i32
      %add3A_218 = vector.broadcast %add3A_217 : i32 to vector<16xi32>
      %add3A_219 = arith.addi %iota3A, %add3A_218 : vector<16xi32>
      %get3A_220 = arith.constant 112 : index
      %get3A_221 = tpu.vector_load %arg5[%get3A_220] {strides = array<i32>} : memref<1024xi32, #tpu.memory_space<vmem>>, vector<16xi32>,
      %sub3A_222 = vector.broadcast %mul3A_78 : i32 to vector<16xi32>
      %sub3A_223 = arith.subi %get3A_221, %sub3A_222 : vector<16xi32>
      %ge3A_224 = arith.constant 0 : i32
      %ge3A_225 = vector.broadcast %ge3A_224 : i32 to vector<16xi32>
      %ge3A_226 = arith.cmpi sge, %sub3A_223, %ge3A_225 : vector<16xi32>
      %lt3A_227 = arith.constant 125 : i32
      %lt3A_228 = vector.broadcast %lt3A_227 : i32 to vector<16xi32>
      %lt3A_229 = arith.cmpi slt, %sub3A_223, %lt3A_228 : vector<16xi32>
      %and3A_230 = arith.andi %ge3A_226, %lt3A_229 : vector<16xi1>
      %max3A_231 = arith.constant 0 : i32
      %max3A_232 = vector.broadcast %max3A_231 : i32 to vector<16xi32>
      %max3A_233 = arith.maxsi %sub3A_223, %max3A_232 : vector<16xi32>
      %min3A_234 = arith.constant 124 : i32
      %min3A_235 = vector.broadcast %min3A_234 : i32 to vector<16xi32>
      %min3A_236 = arith.minsi %max3A_233, %min3A_235 : vector<16xi32>
      tpu.vector_store_idx %arg6[%min3A_236, %add3A_219], %broadcast_in_dim3A_1 masked %and3A_230 : memref<125x1024xf32, #tpu.memory_space<vmem>>[vector<16xi32>, vector<16xi32>], vector<16xf32>, vector<16xi1>
      %add3A_237 = arith.constant 128 : i32
      %add3A_238 = vector.broadcast %add3A_237 : i32 to vector<16xi32>
      %add3A_239 = arith.addi %iota3A, %add3A_238 : vector<16xi32>
      %get3A_240 = arith.constant 128 : index
      %get3A_241 = tpu.vector_load %arg5[%get3A_240] {strides = array<i32>} : memref<1024xi32, #tpu.memory_space<vmem>>, vector<16xi32>,
      %sub3A_242 = vector.broadcast %mul3A_78 : i32 to vector<16xi32>
      %sub3A_243 = arith.subi %get3A_241, %sub3A_242 : vector<16xi32>
      %ge3A_244 = arith.constant 0 : i32
      %ge3A_245 = vector.broadcast %ge3A_244 : i32 to vector<16xi32>
      %ge3A_246 = arith.cmpi sge, %sub3A_243, %ge3A_245 : vector<16xi32>
      %lt3A_247 = arith.constant 125 : i32
      %lt3A_248 = vector.broadcast %lt3A_247 : i32 to vector<16xi32>
      %lt3A_249 = arith.cmpi slt, %sub3A_243, %lt3A_248 : vector<16xi32>
      %and3A_250 = arith.andi %ge3A_246, %lt3A_249 : vector<16xi1>
      %max3A_251 = arith.constant 0 : i32
      %max3A_252 = vector.broadcast %max3A_251 : i32 to vector<16xi32>
      %max3A_253 = arith.maxsi %sub3A_243, %max3A_252 : vector<16xi32>
      %min3A_254 = arith.constant 124 : i32
      %min3A_255 = vector.broadcast %min3A_254 : i32 to vector<16xi32>
      %min3A_256 = arith.minsi %max3A_253, %min3A_255 : vector<16xi32>
      tpu.vector_store_idx %arg6[%min3A_256, %add3A_239], %broadcast_in_dim3A_1 masked %and3A_250 : memref<125x1024xf32, #tpu.memory_space<vmem>>[vector<16xi32>, vector<16xi32>], vector<16xf32>, vector<16xi1>
      %add3A_257 = arith.constant 144 : i32
      %add3A_258 = vector.broadcast %add3A_257 : i32 to vector<16xi32>
      %add3A_259 = arith.addi %iota3A, %add3A_258 : vector<16xi32>
      %get3A_260 = arith.constant 144 : index
      %get3A_261 = tpu.vector_load %arg5[%get3A_260] {strides = array<i32>} : memref<1024xi32, #tpu.memory_space<vmem>>, vector<16xi32>,
      %sub3A_262 = vector.broadcast %mul3A_78 : i32 to vector<16xi32>
      %sub3A_263 = arith.subi %get3A_261, %sub3A_262 : vector<16xi32>
      %ge3A_264 = arith.constant 0 : i32
      %ge3A_265 = vector.broadcast %ge3A_264 : i32 to vector<16xi32>
      %ge3A_266 = arith.cmpi sge, %sub3A_263, %ge3A_265 : vector<16xi32>
      %lt3A_267 = arith.constant 125 : i32
      %lt3A_268 = vector.broadcast %lt3A_267 : i32 to vector<16xi32>
      %lt3A_269 = arith.cmpi slt, %sub3A_263, %lt3A_268 : vector<16xi32>
      %and3A_270 = arith.andi %ge3A_266, %lt3A_269 : vector<16xi1>
      %max3A_271 = arith.constant 0 : i32
      %max3A_272 = vector.broadcast %max3A_271 : i32 to vector<16xi32>
      %max3A_273 = arith.maxsi %sub3A_263, %max3A_272 : vector<16xi32>
      %min3A_274 = arith.constant 124 : i32
      %min3A_275 = vector.broadcast %min3A_274 : i32 to vector<16xi32>
      %min3A_276 = arith.minsi %max3A_273, %min3A_275 : vector<16xi32>
      tpu.vector_store_idx %arg6[%min3A_276, %add3A_259], %broadcast_in_dim3A_1 masked %and3A_270 : memref<125x1024xf32, #tpu.memory_space<vmem>>[vector<16xi32>, vector<16xi32>], vector<16xf32>, vector<16xi1>
      %add3A_277 = arith.constant 160 : i32
      %add3A_278 = vector.broadcast %add3A_277 : i32 to vector<16xi32>
      %add3A_279 = arith.addi %iota3A, %add3A_278 : vector<16xi32>
      %get3A_280 = arith.constant 160 : index
      %get3A_281 = tpu.vector_load %arg5[%get3A_280] {strides = array<i32>} : memref<1024xi32, #tpu.memory_space<vmem>>, vector<16xi32>,
      %sub3A_282 = vector.broadcast %mul3A_78 : i32 to vector<16xi32>
      %sub3A_283 = arith.subi %get3A_281, %sub3A_282 : vector<16xi32>
      %ge3A_284 = arith.constant 0 : i32
      %ge3A_285 = vector.broadcast %ge3A_284 : i32 to vector<16xi32>
      %ge3A_286 = arith.cmpi sge, %sub3A_283, %ge3A_285 : vector<16xi32>
      %lt3A_287 = arith.constant 125 : i32
      %lt3A_288 = vector.broadcast %lt3A_287 : i32 to vector<16xi32>
      %lt3A_289 = arith.cmpi slt, %sub3A_283, %lt3A_288 : vector<16xi32>
      %and3A_290 = arith.andi %ge3A_286, %lt3A_289 : vector<16xi1>
      %max3A_291 = arith.constant 0 : i32
      %max3A_292 = vector.broadcast %max3A_291 : i32 to vector<16xi32>
      %max3A_293 = arith.maxsi %sub3A_283, %max3A_292 : vector<16xi32>
      %min3A_294 = arith.constant 124 : i32
      %min3A_295 = vector.broadcast %min3A_294 : i32 to vector<16xi32>
      %min3A_296 = arith.minsi %max3A_293, %min3A_295 : vector<16xi32>
      tpu.vector_store_idx %arg6[%min3A_296, %add3A_279], %broadcast_in_dim3A_1 masked %and3A_290 : memref<125x1024xf32, #tpu.memory_space<vmem>>[vector<16xi32>, vector<16xi32>], vector<16xf32>, vector<16xi1>
      %add3A_297 = arith.constant 176 : i32
      %add3A_298 = vector.broadcast %add3A_297 : i32 to vector<16xi32>
      %add3A_299 = arith.addi %iota3A, %add3A_298 : vector<16xi32>
      %get3A_300 = arith.constant 176 : index
      %get3A_301 = tpu.vector_load %arg5[%get3A_300] {strides = array<i32>} : memref<1024xi32, #tpu.memory_space<vmem>>, vector<16xi32>,
      %sub3A_302 = vector.broadcast %mul3A_78 : i32 to vector<16xi32>
      %sub3A_303 = arith.subi %get3A_301, %sub3A_302 : vector<16xi32>
      %ge3A_304 = arith.constant 0 : i32
      %ge3A_305 = vector.broadcast %ge3A_304 : i32 to vector<16xi32>
      %ge3A_306 = arith.cmpi sge, %sub3A_303, %ge3A_305 : vector<16xi32>
      %lt3A_307 = arith.constant 125 : i32
      %lt3A_308 = vector.broadcast %lt3A_307 : i32 to vector<16xi32>
      %lt3A_309 = arith.cmpi slt, %sub3A_303, %lt3A_308 : vector<16xi32>
      %and3A_310 = arith.andi %ge3A_306, %lt3A_309 : vector<16xi1>
      %max3A_311 = arith.constant 0 : i32
      %max3A_312 = vector.broadcast %max3A_311 : i32 to vector<16xi32>
      %max3A_313 = arith.maxsi %sub3A_303, %max3A_312 : vector<16xi32>
      %min3A_314 = arith.constant 124 : i32
      %min3A_315 = vector.broadcast %min3A_314 : i32 to vector<16xi32>
      %min3A_316 = arith.minsi %max3A_313, %min3A_315 : vector<16xi32>
      tpu.vector_store_idx %arg6[%min3A_316, %add3A_299], %broadcast_in_dim3A_1 masked %and3A_310 : memref<125x1024xf32, #tpu.memory_space<vmem>>[vector<16xi32>, vector<16xi32>], vector<16xf32>, vector<16xi1>
      %add3A_317 = arith.constant 192 : i32
      %add3A_318 = vector.broadcast %add3A_317 : i32 to vector<16xi32>
      %add3A_319 = arith.addi %iota3A, %add3A_318 : vector<16xi32>
      %get3A_320 = arith.constant 192 : index
      %get3A_321 = tpu.vector_load %arg5[%get3A_320] {strides = array<i32>} : memref<1024xi32, #tpu.memory_space<vmem>>, vector<16xi32>,
      %sub3A_322 = vector.broadcast %mul3A_78 : i32 to vector<16xi32>
      %sub3A_323 = arith.subi %get3A_321, %sub3A_322 : vector<16xi32>
      %ge3A_324 = arith.constant 0 : i32
      %ge3A_325 = vector.broadcast %ge3A_324 : i32 to vector<16xi32>
      %ge3A_326 = arith.cmpi sge, %sub3A_323, %ge3A_325 : vector<16xi32>
      %lt3A_327 = arith.constant 125 : i32
      %lt3A_328 = vector.broadcast %lt3A_327 : i32 to vector<16xi32>
      %lt3A_329 = arith.cmpi slt, %sub3A_323, %lt3A_328 : vector<16xi32>
      %and3A_330 = arith.andi %ge3A_326, %lt3A_329 : vector<16xi1>
      %max3A_331 = arith.constant 0 : i32
      %max3A_332 = vector.broadcast %max3A_331 : i32 to vector<16xi32>
      %max3A_333 = arith.maxsi %sub3A_323, %max3A_332 : vector<16xi32>
      %min3A_334 = arith.constant 124 : i32
      %min3A_335 = vector.broadcast %min3A_334 : i32 to vector<16xi32>
      %min3A_336 = arith.minsi %max3A_333, %min3A_335 : vector<16xi32>
      tpu.vector_store_idx %arg6[%min3A_336, %add3A_319], %broadcast_in_dim3A_1 masked %and3A_330 : memref<125x1024xf32, #tpu.memory_space<vmem>>[vector<16xi32>, vector<16xi32>], vector<16xf32>, vector<16xi1>
      %add3A_337 = arith.constant 208 : i32
      %add3A_338 = vector.broadcast %add3A_337 : i32 to vector<16xi32>
      %add3A_339 = arith.addi %iota3A, %add3A_338 : vector<16xi32>
      %get3A_340 = arith.constant 208 : index
      %get3A_341 = tpu.vector_load %arg5[%get3A_340] {strides = array<i32>} : memref<1024xi32, #tpu.memory_space<vmem>>, vector<16xi32>,
      %sub3A_342 = vector.broadcast %mul3A_78 : i32 to vector<16xi32>
      %sub3A_343 = arith.subi %get3A_341, %sub3A_342 : vector<16xi32>
      %ge3A_344 = arith.constant 0 : i32
      %ge3A_345 = vector.broadcast %ge3A_344 : i32 to vector<16xi32>
      %ge3A_346 = arith.cmpi sge, %sub3A_343, %ge3A_345 : vector<16xi32>
      %lt3A_347 = arith.constant 125 : i32
      %lt3A_348 = vector.broadcast %lt3A_347 : i32 to vector<16xi32>
      %lt3A_349 = arith.cmpi slt, %sub3A_343, %lt3A_348 : vector<16xi32>
      %and3A_350 = arith.andi %ge3A_346, %lt3A_349 : vector<16xi1>
      %max3A_351 = arith.constant 0 : i32
      %max3A_352 = vector.broadcast %max3A_351 : i32 to vector<16xi32>
      %max3A_353 = arith.maxsi %sub3A_343, %max3A_352 : vector<16xi32>
      %min3A_354 = arith.constant 124 : i32
      %min3A_355 = vector.broadcast %min3A_354 : i32 to vector<16xi32>
      %min3A_356 = arith.minsi %max3A_353, %min3A_355 : vector<16xi32>
      tpu.vector_store_idx %arg6[%min3A_356, %add3A_339], %broadcast_in_dim3A_1 masked %and3A_350 : memref<125x1024xf32, #tpu.memory_space<vmem>>[vector<16xi32>, vector<16xi32>], vector<16xf32>, vector<16xi1>
      %add3A_357 = arith.constant 224 : i32
      %add3A_358 = vector.broadcast %add3A_357 : i32 to vector<16xi32>
      %add3A_359 = arith.addi %iota3A, %add3A_358 : vector<16xi32>
      %get3A_360 = arith.constant 224 : index
      %get3A_361 = tpu.vector_load %arg5[%get3A_360] {strides = array<i32>} : memref<1024xi32, #tpu.memory_space<vmem>>, vector<16xi32>,
      %sub3A_362 = vector.broadcast %mul3A_78 : i32 to vector<16xi32>
      %sub3A_363 = arith.subi %get3A_361, %sub3A_362 : vector<16xi32>
      %ge3A_364 = arith.constant 0 : i32
      %ge3A_365 = vector.broadcast %ge3A_364 : i32 to vector<16xi32>
      %ge3A_366 = arith.cmpi sge, %sub3A_363, %ge3A_365 : vector<16xi32>
      %lt3A_367 = arith.constant 125 : i32
      %lt3A_368 = vector.broadcast %lt3A_367 : i32 to vector<16xi32>
      %lt3A_369 = arith.cmpi slt, %sub3A_363, %lt3A_368 : vector<16xi32>
      %and3A_370 = arith.andi %ge3A_366, %lt3A_369 : vector<16xi1>
      %max3A_371 = arith.constant 0 : i32
      %max3A_372 = vector.broadcast %max3A_371 : i32 to vector<16xi32>
      %max3A_373 = arith.maxsi %sub3A_363, %max3A_372 : vector<16xi32>
      %min3A_374 = arith.constant 124 : i32
      %min3A_375 = vector.broadcast %min3A_374 : i32 to vector<16xi32>
      %min3A_376 = arith.minsi %max3A_373, %min3A_375 : vector<16xi32>
      tpu.vector_store_idx %arg6[%min3A_376, %add3A_359], %broadcast_in_dim3A_1 masked %and3A_370 : memref<125x1024xf32, #tpu.memory_space<vmem>>[vector<16xi32>, vector<16xi32>], vector<16xf32>, vector<16xi1>
      %add3A_377 = arith.constant 240 : i32
      %add3A_378 = vector.broadcast %add3A_377 : i32 to vector<16xi32>
      %add3A_379 = arith.addi %iota3A, %add3A_378 : vector<16xi32>
      %get3A_380 = arith.constant 240 : index
      %get3A_381 = tpu.vector_load %arg5[%get3A_380] {strides = array<i32>} : memref<1024xi32, #tpu.memory_space<vmem>>, vector<16xi32>,
      %sub3A_382 = vector.broadcast %mul3A_78 : i32 to vector<16xi32>
      %sub3A_383 = arith.subi %get3A_381, %sub3A_382 : vector<16xi32>
      %ge3A_384 = arith.constant 0 : i32
      %ge3A_385 = vector.broadcast %ge3A_384 : i32 to vector<16xi32>
      %ge3A_386 = arith.cmpi sge, %sub3A_383, %ge3A_385 : vector<16xi32>
      %lt3A_387 = arith.constant 125 : i32
      %lt3A_388 = vector.broadcast %lt3A_387 : i32 to vector<16xi32>
      %lt3A_389 = arith.cmpi slt, %sub3A_383, %lt3A_388 : vector<16xi32>
      %and3A_390 = arith.andi %ge3A_386, %lt3A_389 : vector<16xi1>
      %max3A_391 = arith.constant 0 : i32
      %max3A_392 = vector.broadcast %max3A_391 : i32 to vector<16xi32>
      %max3A_393 = arith.maxsi %sub3A_383, %max3A_392 : vector<16xi32>
      %min3A_394 = arith.constant 124 : i32
      %min3A_395 = vector.broadcast %min3A_394 : i32 to vector<16xi32>
      %min3A_396 = arith.minsi %max3A_393, %min3A_395 : vector<16xi32>
      tpu.vector_store_idx %arg6[%min3A_396, %add3A_379], %broadcast_in_dim3A_1 masked %and3A_390 : memref<125x1024xf32, #tpu.memory_space<vmem>>[vector<16xi32>, vector<16xi32>], vector<16xf32>, vector<16xi1>
      %add3A_397 = arith.constant 256 : i32
      %add3A_398 = vector.broadcast %add3A_397 : i32 to vector<16xi32>
      %add3A_399 = arith.addi %iota3A, %add3A_398 : vector<16xi32>
      %get3A_400 = arith.constant 256 : index
      %get3A_401 = tpu.vector_load %arg5[%get3A_400] {strides = array<i32>} : memref<1024xi32, #tpu.memory_space<vmem>>, vector<16xi32>,
      %sub3A_402 = vector.broadcast %mul3A_78 : i32 to vector<16xi32>
      %sub3A_403 = arith.subi %get3A_401, %sub3A_402 : vector<16xi32>
      %ge3A_404 = arith.constant 0 : i32
      %ge3A_405 = vector.broadcast %ge3A_404 : i32 to vector<16xi32>
      %ge3A_406 = arith.cmpi sge, %sub3A_403, %ge3A_405 : vector<16xi32>
      %lt3A_407 = arith.constant 125 : i32
      %lt3A_408 = vector.broadcast %lt3A_407 : i32 to vector<16xi32>
      %lt3A_409 = arith.cmpi slt, %sub3A_403, %lt3A_408 : vector<16xi32>
      %and3A_410 = arith.andi %ge3A_406, %lt3A_409 : vector<16xi1>
      %max3A_411 = arith.constant 0 : i32
      %max3A_412 = vector.broadcast %max3A_411 : i32 to vector<16xi32>
      %max3A_413 = arith.maxsi %sub3A_403, %max3A_412 : vector<16xi32>
      %min3A_414 = arith.constant 124 : i32
      %min3A_415 = vector.broadcast %min3A_414 : i32 to vector<16xi32>
      %min3A_416 = arith.minsi %max3A_413, %min3A_415 : vector<16xi32>
      tpu.vector_store_idx %arg6[%min3A_416, %add3A_399], %broadcast_in_dim3A_1 masked %and3A_410 : memref<125x1024xf32, #tpu.memory_space<vmem>>[vector<16xi32>, vector<16xi32>], vector<16xf32>, vector<16xi1>
      %add3A_417 = arith.constant 272 : i32
      %add3A_418 = vector.broadcast %add3A_417 : i32 to vector<16xi32>
      %add3A_419 = arith.addi %iota3A, %add3A_418 : vector<16xi32>
      %get3A_420 = arith.constant 272 : index
      %get3A_421 = tpu.vector_load %arg5[%get3A_420] {strides = array<i32>} : memref<1024xi32, #tpu.memory_space<vmem>>, vector<16xi32>,
      %sub3A_422 = vector.broadcast %mul3A_78 : i32 to vector<16xi32>
      %sub3A_423 = arith.subi %get3A_421, %sub3A_422 : vector<16xi32>
      %ge3A_424 = arith.constant 0 : i32
      %ge3A_425 = vector.broadcast %ge3A_424 : i32 to vector<16xi32>
      %ge3A_426 = arith.cmpi sge, %sub3A_423, %ge3A_425 : vector<16xi32>
      %lt3A_427 = arith.constant 125 : i32
      %lt3A_428 = vector.broadcast %lt3A_427 : i32 to vector<16xi32>
      %lt3A_429 = arith.cmpi slt, %sub3A_423, %lt3A_428 : vector<16xi32>
      %and3A_430 = arith.andi %ge3A_426, %lt3A_429 : vector<16xi1>
      %max3A_431 = arith.constant 0 : i32
      %max3A_432 = vector.broadcast %max3A_431 : i32 to vector<16xi32>
      %max3A_433 = arith.maxsi %sub3A_423, %max3A_432 : vector<16xi32>
      %min3A_434 = arith.constant 124 : i32
      %min3A_435 = vector.broadcast %min3A_434 : i32 to vector<16xi32>
      %min3A_436 = arith.minsi %max3A_433, %min3A_435 : vector<16xi32>
      tpu.vector_store_idx %arg6[%min3A_436, %add3A_419], %broadcast_in_dim3A_1 masked %and3A_430 : memref<125x1024xf32, #tpu.memory_space<vmem>>[vector<16xi32>, vector<16xi32>], vector<16xf32>, vector<16xi1>
      %add3A_437 = arith.constant 288 : i32
      %add3A_438 = vector.broadcast %add3A_437 : i32 to vector<16xi32>
      %add3A_439 = arith.addi %iota3A, %add3A_438 : vector<16xi32>
      %get3A_440 = arith.constant 288 : index
      %get3A_441 = tpu.vector_load %arg5[%get3A_440] {strides = array<i32>} : memref<1024xi32, #tpu.memory_space<vmem>>, vector<16xi32>,
      %sub3A_442 = vector.broadcast %mul3A_78 : i32 to vector<16xi32>
      %sub3A_443 = arith.subi %get3A_441, %sub3A_442 : vector<16xi32>
      %ge3A_444 = arith.constant 0 : i32
      %ge3A_445 = vector.broadcast %ge3A_444 : i32 to vector<16xi32>
      %ge3A_446 = arith.cmpi sge, %sub3A_443, %ge3A_445 : vector<16xi32>
      %lt3A_447 = arith.constant 125 : i32
      %lt3A_448 = vector.broadcast %lt3A_447 : i32 to vector<16xi32>
      %lt3A_449 = arith.cmpi slt, %sub3A_443, %lt3A_448 : vector<16xi32>
      %and3A_450 = arith.andi %ge3A_446, %lt3A_449 : vector<16xi1>
      %max3A_451 = arith.constant 0 : i32
      %max3A_452 = vector.broadcast %max3A_451 : i32 to vector<16xi32>
      %max3A_453 = arith.maxsi %sub3A_443, %max3A_452 : vector<16xi32>
      %min3A_454 = arith.constant 124 : i32
      %min3A_455 = vector.broadcast %min3A_454 : i32 to vector<16xi32>
      %min3A_456 = arith.minsi %max3A_453, %min3A_455 : vector<16xi32>
      tpu.vector_store_idx %arg6[%min3A_456, %add3A_439], %broadcast_in_dim3A_1 masked %and3A_450 : memref<125x1024xf32, #tpu.memory_space<vmem>>[vector<16xi32>, vector<16xi32>], vector<16xf32>, vector<16xi1>
      %add3A_457 = arith.constant 304 : i32
      %add3A_458 = vector.broadcast %add3A_457 : i32 to vector<16xi32>
      %add3A_459 = arith.addi %iota3A, %add3A_458 : vector<16xi32>
      %get3A_460 = arith.constant 304 : index
      %get3A_461 = tpu.vector_load %arg5[%get3A_460] {strides = array<i32>} : memref<1024xi32, #tpu.memory_space<vmem>>, vector<16xi32>,
      %sub3A_462 = vector.broadcast %mul3A_78 : i32 to vector<16xi32>
      %sub3A_463 = arith.subi %get3A_461, %sub3A_462 : vector<16xi32>
      %ge3A_464 = arith.constant 0 : i32
      %ge3A_465 = vector.broadcast %ge3A_464 : i32 to vector<16xi32>
      %ge3A_466 = arith.cmpi sge, %sub3A_463, %ge3A_465 : vector<16xi32>
      %lt3A_467 = arith.constant 125 : i32
      %lt3A_468 = vector.broadcast %lt3A_467 : i32 to vector<16xi32>
      %lt3A_469 = arith.cmpi slt, %sub3A_463, %lt3A_468 : vector<16xi32>
      %and3A_470 = arith.andi %ge3A_466, %lt3A_469 : vector<16xi1>
      %max3A_471 = arith.constant 0 : i32
      %max3A_472 = vector.broadcast %max3A_471 : i32 to vector<16xi32>
      %max3A_473 = arith.maxsi %sub3A_463, %max3A_472 : vector<16xi32>
      %min3A_474 = arith.constant 124 : i32
      %min3A_475 = vector.broadcast %min3A_474 : i32 to vector<16xi32>
      %min3A_476 = arith.minsi %max3A_473, %min3A_475 : vector<16xi32>
      tpu.vector_store_idx %arg6[%min3A_476, %add3A_459], %broadcast_in_dim3A_1 masked %and3A_470 : memref<125x1024xf32, #tpu.memory_space<vmem>>[vector<16xi32>, vector<16xi32>], vector<16xf32>, vector<16xi1>
      %add3A_477 = arith.constant 320 : i32
      %add3A_478 = vector.broadcast %add3A_477 : i32 to vector<16xi32>
      %add3A_479 = arith.addi %iota3A, %add3A_478 : vector<16xi32>
      %get3A_480 = arith.constant 320 : index
      %get3A_481 = tpu.vector_load %arg5[%get3A_480] {strides = array<i32>} : memref<1024xi32, #tpu.memory_space<vmem>>, vector<16xi32>,
      %sub3A_482 = vector.broadcast %mul3A_78 : i32 to vector<16xi32>
      %sub3A_483 = arith.subi %get3A_481, %sub3A_482 : vector<16xi32>
      %ge3A_484 = arith.constant 0 : i32
      %ge3A_485 = vector.broadcast %ge3A_484 : i32 to vector<16xi32>
      %ge3A_486 = arith.cmpi sge, %sub3A_483, %ge3A_485 : vector<16xi32>
      %lt3A_487 = arith.constant 125 : i32
      %lt3A_488 = vector.broadcast %lt3A_487 : i32 to vector<16xi32>
      %lt3A_489 = arith.cmpi slt, %sub3A_483, %lt3A_488 : vector<16xi32>
      %and3A_490 = arith.andi %ge3A_486, %lt3A_489 : vector<16xi1>
      %max3A_491 = arith.constant 0 : i32
      %max3A_492 = vector.broadcast %max3A_491 : i32 to vector<16xi32>
      %max3A_493 = arith.maxsi %sub3A_483, %max3A_492 : vector<16xi32>
      %min3A_494 = arith.constant 124 : i32
      %min3A_495 = vector.broadcast %min3A_494 : i32 to vector<16xi32>
      %min3A_496 = arith.minsi %max3A_493, %min3A_495 : vector<16xi32>
      tpu.vector_store_idx %arg6[%min3A_496, %add3A_479], %broadcast_in_dim3A_1 masked %and3A_490 : memref<125x1024xf32, #tpu.memory_space<vmem>>[vector<16xi32>, vector<16xi32>], vector<16xf32>, vector<16xi1>
      %add3A_497 = arith.constant 336 : i32
      %add3A_498 = vector.broadcast %add3A_497 : i32 to vector<16xi32>
      %add3A_499 = arith.addi %iota3A, %add3A_498 : vector<16xi32>
      %get3A_500 = arith.constant 336 : index
      %get3A_501 = tpu.vector_load %arg5[%get3A_500] {strides = array<i32>} : memref<1024xi32, #tpu.memory_space<vmem>>, vector<16xi32>,
      %sub3A_502 = vector.broadcast %mul3A_78 : i32 to vector<16xi32>
      %sub3A_503 = arith.subi %get3A_501, %sub3A_502 : vector<16xi32>
      %ge3A_504 = arith.constant 0 : i32
      %ge3A_505 = vector.broadcast %ge3A_504 : i32 to vector<16xi32>
      %ge3A_506 = arith.cmpi sge, %sub3A_503, %ge3A_505 : vector<16xi32>
      %lt3A_507 = arith.constant 125 : i32
      %lt3A_508 = vector.broadcast %lt3A_507 : i32 to vector<16xi32>
      %lt3A_509 = arith.cmpi slt, %sub3A_503, %lt3A_508 : vector<16xi32>
      %and3A_510 = arith.andi %ge3A_506, %lt3A_509 : vector<16xi1>
      %max3A_511 = arith.constant 0 : i32
      %max3A_512 = vector.broadcast %max3A_511 : i32 to vector<16xi32>
      %max3A_513 = arith.maxsi %sub3A_503, %max3A_512 : vector<16xi32>
      %min3A_514 = arith.constant 124 : i32
      %min3A_515 = vector.broadcast %min3A_514 : i32 to vector<16xi32>
      %min3A_516 = arith.minsi %max3A_513, %min3A_515 : vector<16xi32>
      tpu.vector_store_idx %arg6[%min3A_516, %add3A_499], %broadcast_in_dim3A_1 masked %and3A_510 : memref<125x1024xf32, #tpu.memory_space<vmem>>[vector<16xi32>, vector<16xi32>], vector<16xf32>, vector<16xi1>
      %add3A_517 = arith.constant 352 : i32
      %add3A_518 = vector.broadcast %add3A_517 : i32 to vector<16xi32>
      %add3A_519 = arith.addi %iota3A, %add3A_518 : vector<16xi32>
      %get3A_520 = arith.constant 352 : index
      %get3A_521 = tpu.vector_load %arg5[%get3A_520] {strides = array<i32>} : memref<1024xi32, #tpu.memory_space<vmem>>, vector<16xi32>,
      %sub3A_522 = vector.broadcast %mul3A_78 : i32 to vector<16xi32>
      %sub3A_523 = arith.subi %get3A_521, %sub3A_522 : vector<16xi32>
      %ge3A_524 = arith.constant 0 : i32
      %ge3A_525 = vector.broadcast %ge3A_524 : i32 to vector<16xi32>
      %ge3A_526 = arith.cmpi sge, %sub3A_523, %ge3A_525 : vector<16xi32>
      %lt3A_527 = arith.constant 125 : i32
      %lt3A_528 = vector.broadcast %lt3A_527 : i32 to vector<16xi32>
      %lt3A_529 = arith.cmpi slt, %sub3A_523, %lt3A_528 : vector<16xi32>
      %and3A_530 = arith.andi %ge3A_526, %lt3A_529 : vector<16xi1>
      %max3A_531 = arith.constant 0 : i32
      %max3A_532 = vector.broadcast %max3A_531 : i32 to vector<16xi32>
      %max3A_533 = arith.maxsi %sub3A_523, %max3A_532 : vector<16xi32>
      %min3A_534 = arith.constant 124 : i32
      %min3A_535 = vector.broadcast %min3A_534 : i32 to vector<16xi32>
      %min3A_536 = arith.minsi %max3A_533, %min3A_535 : vector<16xi32>
      tpu.vector_store_idx %arg6[%min3A_536, %add3A_519], %broadcast_in_dim3A_1 masked %and3A_530 : memref<125x1024xf32, #tpu.memory_space<vmem>>[vector<16xi32>, vector<16xi32>], vector<16xf32>, vector<16xi1>
      %add3A_537 = arith.constant 368 : i32
      %add3A_538 = vector.broadcast %add3A_537 : i32 to vector<16xi32>
      %add3A_539 = arith.addi %iota3A, %add3A_538 : vector<16xi32>
      %get3A_540 = arith.constant 368 : index
      %get3A_541 = tpu.vector_load %arg5[%get3A_540] {strides = array<i32>} : memref<1024xi32, #tpu.memory_space<vmem>>, vector<16xi32>,
      %sub3A_542 = vector.broadcast %mul3A_78 : i32 to vector<16xi32>
      %sub3A_543 = arith.subi %get3A_541, %sub3A_542 : vector<16xi32>
      %ge3A_544 = arith.constant 0 : i32
      %ge3A_545 = vector.broadcast %ge3A_544 : i32 to vector<16xi32>
      %ge3A_546 = arith.cmpi sge, %sub3A_543, %ge3A_545 : vector<16xi32>
      %lt3A_547 = arith.constant 125 : i32
      %lt3A_548 = vector.broadcast %lt3A_547 : i32 to vector<16xi32>
      %lt3A_549 = arith.cmpi slt, %sub3A_543, %lt3A_548 : vector<16xi32>
      %and3A_550 = arith.andi %ge3A_546, %lt3A_549 : vector<16xi1>
      %max3A_551 = arith.constant 0 : i32
      %max3A_552 = vector.broadcast %max3A_551 : i32 to vector<16xi32>
      %max3A_553 = arith.maxsi %sub3A_543, %max3A_552 : vector<16xi32>
      %min3A_554 = arith.constant 124 : i32
      %min3A_555 = vector.broadcast %min3A_554 : i32 to vector<16xi32>
      %min3A_556 = arith.minsi %max3A_553, %min3A_555 : vector<16xi32>
      tpu.vector_store_idx %arg6[%min3A_556, %add3A_539], %broadcast_in_dim3A_1 masked %and3A_550 : memref<125x1024xf32, #tpu.memory_space<vmem>>[vector<16xi32>, vector<16xi32>], vector<16xf32>, vector<16xi1>
      %add3A_557 = arith.constant 384 : i32
      %add3A_558 = vector.broadcast %add3A_557 : i32 to vector<16xi32>
      %add3A_559 = arith.addi %iota3A, %add3A_558 : vector<16xi32>
      %get3A_560 = arith.constant 384 : index
      %get3A_561 = tpu.vector_load %arg5[%get3A_560] {strides = array<i32>} : memref<1024xi32, #tpu.memory_space<vmem>>, vector<16xi32>,
      %sub3A_562 = vector.broadcast %mul3A_78 : i32 to vector<16xi32>
      %sub3A_563 = arith.subi %get3A_561, %sub3A_562 : vector<16xi32>
      %ge3A_564 = arith.constant 0 : i32
      %ge3A_565 = vector.broadcast %ge3A_564 : i32 to vector<16xi32>
      %ge3A_566 = arith.cmpi sge, %sub3A_563, %ge3A_565 : vector<16xi32>
      %lt3A_567 = arith.constant 125 : i32
      %lt3A_568 = vector.broadcast %lt3A_567 : i32 to vector<16xi32>
      %lt3A_569 = arith.cmpi slt, %sub3A_563, %lt3A_568 : vector<16xi32>
      %and3A_570 = arith.andi %ge3A_566, %lt3A_569 : vector<16xi1>
      %max3A_571 = arith.constant 0 : i32
      %max3A_572 = vector.broadcast %max3A_571 : i32 to vector<16xi32>
      %max3A_573 = arith.maxsi %sub3A_563, %max3A_572 : vector<16xi32>
      %min3A_574 = arith.constant 124 : i32
      %min3A_575 = vector.broadcast %min3A_574 : i32 to vector<16xi32>
      %min3A_576 = arith.minsi %max3A_573, %min3A_575 : vector<16xi32>
      tpu.vector_store_idx %arg6[%min3A_576, %add3A_559], %broadcast_in_dim3A_1 masked %and3A_570 : memref<125x1024xf32, #tpu.memory_space<vmem>>[vector<16xi32>, vector<16xi32>], vector<16xf32>, vector<16xi1>
      %add3A_577 = arith.constant 400 : i32
      %add3A_578 = vector.broadcast %add3A_577 : i32 to vector<16xi32>
      %add3A_579 = arith.addi %iota3A, %add3A_578 : vector<16xi32>
      %get3A_580 = arith.constant 400 : index
      %get3A_581 = tpu.vector_load %arg5[%get3A_580] {strides = array<i32>} : memref<1024xi32, #tpu.memory_space<vmem>>, vector<16xi32>,
      %sub3A_582 = vector.broadcast %mul3A_78 : i32 to vector<16xi32>
      %sub3A_583 = arith.subi %get3A_581, %sub3A_582 : vector<16xi32>
      %ge3A_584 = arith.constant 0 : i32
      %ge3A_585 = vector.broadcast %ge3A_584 : i32 to vector<16xi32>
      %ge3A_586 = arith.cmpi sge, %sub3A_583, %ge3A_585 : vector<16xi32>
      %lt3A_587 = arith.constant 125 : i32
      %lt3A_588 = vector.broadcast %lt3A_587 : i32 to vector<16xi32>
      %lt3A_589 = arith.cmpi slt, %sub3A_583, %lt3A_588 : vector<16xi32>
      %and3A_590 = arith.andi %ge3A_586, %lt3A_589 : vector<16xi1>
      %max3A_591 = arith.constant 0 : i32
      %max3A_592 = vector.broadcast %max3A_591 : i32 to vector<16xi32>
      %max3A_593 = arith.maxsi %sub3A_583, %max3A_592 : vector<16xi32>
      %min3A_594 = arith.constant 124 : i32
      %min3A_595 = vector.broadcast %min3A_594 : i32 to vector<16xi32>
      %min3A_596 = arith.minsi %max3A_593, %min3A_595 : vector<16xi32>
      tpu.vector_store_idx %arg6[%min3A_596, %add3A_579], %broadcast_in_dim3A_1 masked %and3A_590 : memref<125x1024xf32, #tpu.memory_space<vmem>>[vector<16xi32>, vector<16xi32>], vector<16xf32>, vector<16xi1>
      %add3A_597 = arith.constant 416 : i32
      %add3A_598 = vector.broadcast %add3A_597 : i32 to vector<16xi32>
      %add3A_599 = arith.addi %iota3A, %add3A_598 : vector<16xi32>
      %get3A_600 = arith.constant 416 : index
      %get3A_601 = tpu.vector_load %arg5[%get3A_600] {strides = array<i32>} : memref<1024xi32, #tpu.memory_space<vmem>>, vector<16xi32>,
      %sub3A_602 = vector.broadcast %mul3A_78 : i32 to vector<16xi32>
      %sub3A_603 = arith.subi %get3A_601, %sub3A_602 : vector<16xi32>
      %ge3A_604 = arith.constant 0 : i32
      %ge3A_605 = vector.broadcast %ge3A_604 : i32 to vector<16xi32>
      %ge3A_606 = arith.cmpi sge, %sub3A_603, %ge3A_605 : vector<16xi32>
      %lt3A_607 = arith.constant 125 : i32
      %lt3A_608 = vector.broadcast %lt3A_607 : i32 to vector<16xi32>
      %lt3A_609 = arith.cmpi slt, %sub3A_603, %lt3A_608 : vector<16xi32>
      %and3A_610 = arith.andi %ge3A_606, %lt3A_609 : vector<16xi1>
      %max3A_611 = arith.constant 0 : i32
      %max3A_612 = vector.broadcast %max3A_611 : i32 to vector<16xi32>
      %max3A_613 = arith.maxsi %sub3A_603, %max3A_612 : vector<16xi32>
      %min3A_614 = arith.constant 124 : i32
      %min3A_615 = vector.broadcast %min3A_614 : i32 to vector<16xi32>
      %min3A_616 = arith.minsi %max3A_613, %min3A_615 : vector<16xi32>
      tpu.vector_store_idx %arg6[%min3A_616, %add3A_599], %broadcast_in_dim3A_1 masked %and3A_610 : memref<125x1024xf32, #tpu.memory_space<vmem>>[vector<16xi32>, vector<16xi32>], vector<16xf32>, vector<16xi1>
      %add3A_617 = arith.constant 432 : i32
      %add3A_618 = vector.broadcast %add3A_617 : i32 to vector<16xi32>
      %add3A_619 = arith.addi %iota3A, %add3A_618 : vector<16xi32>
      %get3A_620 = arith.constant 432 : index
      %get3A_621 = tpu.vector_load %arg5[%get3A_620] {strides = array<i32>} : memref<1024xi32, #tpu.memory_space<vmem>>, vector<16xi32>,
      %sub3A_622 = vector.broadcast %mul3A_78 : i32 to vector<16xi32>
      %sub3A_623 = arith.subi %get3A_621, %sub3A_622 : vector<16xi32>
      %ge3A_624 = arith.constant 0 : i32
      %ge3A_625 = vector.broadcast %ge3A_624 : i32 to vector<16xi32>
      %ge3A_626 = arith.cmpi sge, %sub3A_623, %ge3A_625 : vector<16xi32>
      %lt3A_627 = arith.constant 125 : i32
      %lt3A_628 = vector.broadcast %lt3A_627 : i32 to vector<16xi32>
      %lt3A_629 = arith.cmpi slt, %sub3A_623, %lt3A_628 : vector<16xi32>
      %and3A_630 = arith.andi %ge3A_626, %lt3A_629 : vector<16xi1>
      %max3A_631 = arith.constant 0 : i32
      %max3A_632 = vector.broadcast %max3A_631 : i32 to vector<16xi32>
      %max3A_633 = arith.maxsi %sub3A_623, %max3A_632 : vector<16xi32>
      %min3A_634 = arith.constant 124 : i32
      %min3A_635 = vector.broadcast %min3A_634 : i32 to vector<16xi32>
      %min3A_636 = arith.minsi %max3A_633, %min3A_635 : vector<16xi32>
      tpu.vector_store_idx %arg6[%min3A_636, %add3A_619], %broadcast_in_dim3A_1 masked %and3A_630 : memref<125x1024xf32, #tpu.memory_space<vmem>>[vector<16xi32>, vector<16xi32>], vector<16xf32>, vector<16xi1>
      %add3A_637 = arith.constant 448 : i32
      %add3A_638 = vector.broadcast %add3A_637 : i32 to vector<16xi32>
      %add3A_639 = arith.addi %iota3A, %add3A_638 : vector<16xi32>
      %get3A_640 = arith.constant 448 : index
      %get3A_641 = tpu.vector_load %arg5[%get3A_640] {strides = array<i32>} : memref<1024xi32, #tpu.memory_space<vmem>>, vector<16xi32>,
      %sub3A_642 = vector.broadcast %mul3A_78 : i32 to vector<16xi32>
      %sub3A_643 = arith.subi %get3A_641, %sub3A_642 : vector<16xi32>
      %ge3A_644 = arith.constant 0 : i32
      %ge3A_645 = vector.broadcast %ge3A_644 : i32 to vector<16xi32>
      %ge3A_646 = arith.cmpi sge, %sub3A_643, %ge3A_645 : vector<16xi32>
      %lt3A_647 = arith.constant 125 : i32
      %lt3A_648 = vector.broadcast %lt3A_647 : i32 to vector<16xi32>
      %lt3A_649 = arith.cmpi slt, %sub3A_643, %lt3A_648 : vector<16xi32>
      %and3A_650 = arith.andi %ge3A_646, %lt3A_649 : vector<16xi1>
      %max3A_651 = arith.constant 0 : i32
      %max3A_652 = vector.broadcast %max3A_651 : i32 to vector<16xi32>
      %max3A_653 = arith.maxsi %sub3A_643, %max3A_652 : vector<16xi32>
      %min3A_654 = arith.constant 124 : i32
      %min3A_655 = vector.broadcast %min3A_654 : i32 to vector<16xi32>
      %min3A_656 = arith.minsi %max3A_653, %min3A_655 : vector<16xi32>
      tpu.vector_store_idx %arg6[%min3A_656, %add3A_639], %broadcast_in_dim3A_1 masked %and3A_650 : memref<125x1024xf32, #tpu.memory_space<vmem>>[vector<16xi32>, vector<16xi32>], vector<16xf32>, vector<16xi1>
      %add3A_657 = arith.constant 464 : i32
      %add3A_658 = vector.broadcast %add3A_657 : i32 to vector<16xi32>
      %add3A_659 = arith.addi %iota3A, %add3A_658 : vector<16xi32>
      %get3A_660 = arith.constant 464 : index
      %get3A_661 = tpu.vector_load %arg5[%get3A_660] {strides = array<i32>} : memref<1024xi32, #tpu.memory_space<vmem>>, vector<16xi32>,
      %sub3A_662 = vector.broadcast %mul3A_78 : i32 to vector<16xi32>
      %sub3A_663 = arith.subi %get3A_661, %sub3A_662 : vector<16xi32>
      %ge3A_664 = arith.constant 0 : i32
      %ge3A_665 = vector.broadcast %ge3A_664 : i32 to vector<16xi32>
      %ge3A_666 = arith.cmpi sge, %sub3A_663, %ge3A_665 : vector<16xi32>
      %lt3A_667 = arith.constant 125 : i32
      %lt3A_668 = vector.broadcast %lt3A_667 : i32 to vector<16xi32>
      %lt3A_669 = arith.cmpi slt, %sub3A_663, %lt3A_668 : vector<16xi32>
      %and3A_670 = arith.andi %ge3A_666, %lt3A_669 : vector<16xi1>
      %max3A_671 = arith.constant 0 : i32
      %max3A_672 = vector.broadcast %max3A_671 : i32 to vector<16xi32>
      %max3A_673 = arith.maxsi %sub3A_663, %max3A_672 : vector<16xi32>
      %min3A_674 = arith.constant 124 : i32
      %min3A_675 = vector.broadcast %min3A_674 : i32 to vector<16xi32>
      %min3A_676 = arith.minsi %max3A_673, %min3A_675 : vector<16xi32>
      tpu.vector_store_idx %arg6[%min3A_676, %add3A_659], %broadcast_in_dim3A_1 masked %and3A_670 : memref<125x1024xf32, #tpu.memory_space<vmem>>[vector<16xi32>, vector<16xi32>], vector<16xf32>, vector<16xi1>
      %add3A_677 = arith.constant 480 : i32
      %add3A_678 = vector.broadcast %add3A_677 : i32 to vector<16xi32>
      %add3A_679 = arith.addi %iota3A, %add3A_678 : vector<16xi32>
      %get3A_680 = arith.constant 480 : index
      %get3A_681 = tpu.vector_load %arg5[%get3A_680] {strides = array<i32>} : memref<1024xi32, #tpu.memory_space<vmem>>, vector<16xi32>,
      %sub3A_682 = vector.broadcast %mul3A_78 : i32 to vector<16xi32>
      %sub3A_683 = arith.subi %get3A_681, %sub3A_682 : vector<16xi32>
      %ge3A_684 = arith.constant 0 : i32
      %ge3A_685 = vector.broadcast %ge3A_684 : i32 to vector<16xi32>
      %ge3A_686 = arith.cmpi sge, %sub3A_683, %ge3A_685 : vector<16xi32>
      %lt3A_687 = arith.constant 125 : i32
      %lt3A_688 = vector.broadcast %lt3A_687 : i32 to vector<16xi32>
      %lt3A_689 = arith.cmpi slt, %sub3A_683, %lt3A_688 : vector<16xi32>
      %and3A_690 = arith.andi %ge3A_686, %lt3A_689 : vector<16xi1>
      %max3A_691 = arith.constant 0 : i32
      %max3A_692 = vector.broadcast %max3A_691 : i32 to vector<16xi32>
      %max3A_693 = arith.maxsi %sub3A_683, %max3A_692 : vector<16xi32>
      %min3A_694 = arith.constant 124 : i32
      %min3A_695 = vector.broadcast %min3A_694 : i32 to vector<16xi32>
      %min3A_696 = arith.minsi %max3A_693, %min3A_695 : vector<16xi32>
      tpu.vector_store_idx %arg6[%min3A_696, %add3A_679], %broadcast_in_dim3A_1 masked %and3A_690 : memref<125x1024xf32, #tpu.memory_space<vmem>>[vector<16xi32>, vector<16xi32>], vector<16xf32>, vector<16xi1>
      %add3A_697 = arith.constant 496 : i32
      %add3A_698 = vector.broadcast %add3A_697 : i32 to vector<16xi32>
      %add3A_699 = arith.addi %iota3A, %add3A_698 : vector<16xi32>
      %get3A_700 = arith.constant 496 : index
      %get3A_701 = tpu.vector_load %arg5[%get3A_700] {strides = array<i32>} : memref<1024xi32, #tpu.memory_space<vmem>>, vector<16xi32>,
      %sub3A_702 = vector.broadcast %mul3A_78 : i32 to vector<16xi32>
      %sub3A_703 = arith.subi %get3A_701, %sub3A_702 : vector<16xi32>
      %ge3A_704 = arith.constant 0 : i32
      %ge3A_705 = vector.broadcast %ge3A_704 : i32 to vector<16xi32>
      %ge3A_706 = arith.cmpi sge, %sub3A_703, %ge3A_705 : vector<16xi32>
      %lt3A_707 = arith.constant 125 : i32
      %lt3A_708 = vector.broadcast %lt3A_707 : i32 to vector<16xi32>
      %lt3A_709 = arith.cmpi slt, %sub3A_703, %lt3A_708 : vector<16xi32>
      %and3A_710 = arith.andi %ge3A_706, %lt3A_709 : vector<16xi1>
      %max3A_711 = arith.constant 0 : i32
      %max3A_712 = vector.broadcast %max3A_711 : i32 to vector<16xi32>
      %max3A_713 = arith.maxsi %sub3A_703, %max3A_712 : vector<16xi32>
      %min3A_714 = arith.constant 124 : i32
      %min3A_715 = vector.broadcast %min3A_714 : i32 to vector<16xi32>
      %min3A_716 = arith.minsi %max3A_713, %min3A_715 : vector<16xi32>
      tpu.vector_store_idx %arg6[%min3A_716, %add3A_699], %broadcast_in_dim3A_1 masked %and3A_710 : memref<125x1024xf32, #tpu.memory_space<vmem>>[vector<16xi32>, vector<16xi32>], vector<16xf32>, vector<16xi1>
      %add3A_717 = arith.constant 512 : i32
      %add3A_718 = vector.broadcast %add3A_717 : i32 to vector<16xi32>
      %add3A_719 = arith.addi %iota3A, %add3A_718 : vector<16xi32>
      %get3A_720 = arith.constant 512 : index
      %get3A_721 = tpu.vector_load %arg5[%get3A_720] {strides = array<i32>} : memref<1024xi32, #tpu.memory_space<vmem>>, vector<16xi32>,
      %sub3A_722 = vector.broadcast %mul3A_78 : i32 to vector<16xi32>
      %sub3A_723 = arith.subi %get3A_721, %sub3A_722 : vector<16xi32>
      %ge3A_724 = arith.constant 0 : i32
      %ge3A_725 = vector.broadcast %ge3A_724 : i32 to vector<16xi32>
      %ge3A_726 = arith.cmpi sge, %sub3A_723, %ge3A_725 : vector<16xi32>
      %lt3A_727 = arith.constant 125 : i32
      %lt3A_728 = vector.broadcast %lt3A_727 : i32 to vector<16xi32>
      %lt3A_729 = arith.cmpi slt, %sub3A_723, %lt3A_728 : vector<16xi32>
      %and3A_730 = arith.andi %ge3A_726, %lt3A_729 : vector<16xi1>
      %max3A_731 = arith.constant 0 : i32
      %max3A_732 = vector.broadcast %max3A_731 : i32 to vector<16xi32>
      %max3A_733 = arith.maxsi %sub3A_723, %max3A_732 : vector<16xi32>
      %min3A_734 = arith.constant 124 : i32
      %min3A_735 = vector.broadcast %min3A_734 : i32 to vector<16xi32>
      %min3A_736 = arith.minsi %max3A_733, %min3A_735 : vector<16xi32>
      tpu.vector_store_idx %arg6[%min3A_736, %add3A_719], %broadcast_in_dim3A_1 masked %and3A_730 : memref<125x1024xf32, #tpu.memory_space<vmem>>[vector<16xi32>, vector<16xi32>], vector<16xf32>, vector<16xi1>
      %add3A_737 = arith.constant 528 : i32
      %add3A_738 = vector.broadcast %add3A_737 : i32 to vector<16xi32>
      %add3A_739 = arith.addi %iota3A, %add3A_738 : vector<16xi32>
      %get3A_740 = arith.constant 528 : index
      %get3A_741 = tpu.vector_load %arg5[%get3A_740] {strides = array<i32>} : memref<1024xi32, #tpu.memory_space<vmem>>, vector<16xi32>,
      %sub3A_742 = vector.broadcast %mul3A_78 : i32 to vector<16xi32>
      %sub3A_743 = arith.subi %get3A_741, %sub3A_742 : vector<16xi32>
      %ge3A_744 = arith.constant 0 : i32
      %ge3A_745 = vector.broadcast %ge3A_744 : i32 to vector<16xi32>
      %ge3A_746 = arith.cmpi sge, %sub3A_743, %ge3A_745 : vector<16xi32>
      %lt3A_747 = arith.constant 125 : i32
      %lt3A_748 = vector.broadcast %lt3A_747 : i32 to vector<16xi32>
      %lt3A_749 = arith.cmpi slt, %sub3A_743, %lt3A_748 : vector<16xi32>
      %and3A_750 = arith.andi %ge3A_746, %lt3A_749 : vector<16xi1>
      %max3A_751 = arith.constant 0 : i32
      %max3A_752 = vector.broadcast %max3A_751 : i32 to vector<16xi32>
      %max3A_753 = arith.maxsi %sub3A_743, %max3A_752 : vector<16xi32>
      %min3A_754 = arith.constant 124 : i32
      %min3A_755 = vector.broadcast %min3A_754 : i32 to vector<16xi32>
      %min3A_756 = arith.minsi %max3A_753, %min3A_755 : vector<16xi32>
      tpu.vector_store_idx %arg6[%min3A_756, %add3A_739], %broadcast_in_dim3A_1 masked %and3A_750 : memref<125x1024xf32, #tpu.memory_space<vmem>>[vector<16xi32>, vector<16xi32>], vector<16xf32>, vector<16xi1>
      %add3A_757 = arith.constant 544 : i32
      %add3A_758 = vector.broadcast %add3A_757 : i32 to vector<16xi32>
      %add3A_759 = arith.addi %iota3A, %add3A_758 : vector<16xi32>
      %get3A_760 = arith.constant 544 : index
      %get3A_761 = tpu.vector_load %arg5[%get3A_760] {strides = array<i32>} : memref<1024xi32, #tpu.memory_space<vmem>>, vector<16xi32>,
      %sub3A_762 = vector.broadcast %mul3A_78 : i32 to vector<16xi32>
      %sub3A_763 = arith.subi %get3A_761, %sub3A_762 : vector<16xi32>
      %ge3A_764 = arith.constant 0 : i32
      %ge3A_765 = vector.broadcast %ge3A_764 : i32 to vector<16xi32>
      %ge3A_766 = arith.cmpi sge, %sub3A_763, %ge3A_765 : vector<16xi32>
      %lt3A_767 = arith.constant 125 : i32
      %lt3A_768 = vector.broadcast %lt3A_767 : i32 to vector<16xi32>
      %lt3A_769 = arith.cmpi slt, %sub3A_763, %lt3A_768 : vector<16xi32>
      %and3A_770 = arith.andi %ge3A_766, %lt3A_769 : vector<16xi1>
      %max3A_771 = arith.constant 0 : i32
      %max3A_772 = vector.broadcast %max3A_771 : i32 to vector<16xi32>
      %max3A_773 = arith.maxsi %sub3A_763, %max3A_772 : vector<16xi32>
      %min3A_774 = arith.constant 124 : i32
      %min3A_775 = vector.broadcast %min3A_774 : i32 to vector<16xi32>
      %min3A_776 = arith.minsi %max3A_773, %min3A_775 : vector<16xi32>
      tpu.vector_store_idx %arg6[%min3A_776, %add3A_759], %broadcast_in_dim3A_1 masked %and3A_770 : memref<125x1024xf32, #tpu.memory_space<vmem>>[vector<16xi32>, vector<16xi32>], vector<16xf32>, vector<16xi1>
      %add3A_777 = arith.constant 560 : i32
      %add3A_778 = vector.broadcast %add3A_777 : i32 to vector<16xi32>
      %add3A_779 = arith.addi %iota3A, %add3A_778 : vector<16xi32>
      %get3A_780 = arith.constant 560 : index
      %get3A_781 = tpu.vector_load %arg5[%get3A_780] {strides = array<i32>} : memref<1024xi32, #tpu.memory_space<vmem>>, vector<16xi32>,
      %sub3A_782 = vector.broadcast %mul3A_78 : i32 to vector<16xi32>
      %sub3A_783 = arith.subi %get3A_781, %sub3A_782 : vector<16xi32>
      %ge3A_784 = arith.constant 0 : i32
      %ge3A_785 = vector.broadcast %ge3A_784 : i32 to vector<16xi32>
      %ge3A_786 = arith.cmpi sge, %sub3A_783, %ge3A_785 : vector<16xi32>
      %lt3A_787 = arith.constant 125 : i32
      %lt3A_788 = vector.broadcast %lt3A_787 : i32 to vector<16xi32>
      %lt3A_789 = arith.cmpi slt, %sub3A_783, %lt3A_788 : vector<16xi32>
      %and3A_790 = arith.andi %ge3A_786, %lt3A_789 : vector<16xi1>
      %max3A_791 = arith.constant 0 : i32
      %max3A_792 = vector.broadcast %max3A_791 : i32 to vector<16xi32>
      %max3A_793 = arith.maxsi %sub3A_783, %max3A_792 : vector<16xi32>
      %min3A_794 = arith.constant 124 : i32
      %min3A_795 = vector.broadcast %min3A_794 : i32 to vector<16xi32>
      %min3A_796 = arith.minsi %max3A_793, %min3A_795 : vector<16xi32>
      tpu.vector_store_idx %arg6[%min3A_796, %add3A_779], %broadcast_in_dim3A_1 masked %and3A_790 : memref<125x1024xf32, #tpu.memory_space<vmem>>[vector<16xi32>, vector<16xi32>], vector<16xf32>, vector<16xi1>
      %add3A_797 = arith.constant 576 : i32
      %add3A_798 = vector.broadcast %add3A_797 : i32 to vector<16xi32>
      %add3A_799 = arith.addi %iota3A, %add3A_798 : vector<16xi32>
      %get3A_800 = arith.constant 576 : index
      %get3A_801 = tpu.vector_load %arg5[%get3A_800] {strides = array<i32>} : memref<1024xi32, #tpu.memory_space<vmem>>, vector<16xi32>,
      %sub3A_802 = vector.broadcast %mul3A_78 : i32 to vector<16xi32>
      %sub3A_803 = arith.subi %get3A_801, %sub3A_802 : vector<16xi32>
      %ge3A_804 = arith.constant 0 : i32
      %ge3A_805 = vector.broadcast %ge3A_804 : i32 to vector<16xi32>
      %ge3A_806 = arith.cmpi sge, %sub3A_803, %ge3A_805 : vector<16xi32>
      %lt3A_807 = arith.constant 125 : i32
      %lt3A_808 = vector.broadcast %lt3A_807 : i32 to vector<16xi32>
      %lt3A_809 = arith.cmpi slt, %sub3A_803, %lt3A_808 : vector<16xi32>
      %and3A_810 = arith.andi %ge3A_806, %lt3A_809 : vector<16xi1>
      %max3A_811 = arith.constant 0 : i32
      %max3A_812 = vector.broadcast %max3A_811 : i32 to vector<16xi32>
      %max3A_813 = arith.maxsi %sub3A_803, %max3A_812 : vector<16xi32>
      %min3A_814 = arith.constant 124 : i32
      %min3A_815 = vector.broadcast %min3A_814 : i32 to vector<16xi32>
      %min3A_816 = arith.minsi %max3A_813, %min3A_815 : vector<16xi32>
      tpu.vector_store_idx %arg6[%min3A_816, %add3A_799], %broadcast_in_dim3A_1 masked %and3A_810 : memref<125x1024xf32, #tpu.memory_space<vmem>>[vector<16xi32>, vector<16xi32>], vector<16xf32>, vector<16xi1>
      %add3A_817 = arith.constant 592 : i32
      %add3A_818 = vector.broadcast %add3A_817 : i32 to vector<16xi32>
      %add3A_819 = arith.addi %iota3A, %add3A_818 : vector<16xi32>
      %get3A_820 = arith.constant 592 : index
      %get3A_821 = tpu.vector_load %arg5[%get3A_820] {strides = array<i32>} : memref<1024xi32, #tpu.memory_space<vmem>>, vector<16xi32>,
      %sub3A_822 = vector.broadcast %mul3A_78 : i32 to vector<16xi32>
      %sub3A_823 = arith.subi %get3A_821, %sub3A_822 : vector<16xi32>
      %ge3A_824 = arith.constant 0 : i32
      %ge3A_825 = vector.broadcast %ge3A_824 : i32 to vector<16xi32>
      %ge3A_826 = arith.cmpi sge, %sub3A_823, %ge3A_825 : vector<16xi32>
      %lt3A_827 = arith.constant 125 : i32
      %lt3A_828 = vector.broadcast %lt3A_827 : i32 to vector<16xi32>
      %lt3A_829 = arith.cmpi slt, %sub3A_823, %lt3A_828 : vector<16xi32>
      %and3A_830 = arith.andi %ge3A_826, %lt3A_829 : vector<16xi1>
      %max3A_831 = arith.constant 0 : i32
      %max3A_832 = vector.broadcast %max3A_831 : i32 to vector<16xi32>
      %max3A_833 = arith.maxsi %sub3A_823, %max3A_832 : vector<16xi32>
      %min3A_834 = arith.constant 124 : i32
      %min3A_835 = vector.broadcast %min3A_834 : i32 to vector<16xi32>
      %min3A_836 = arith.minsi %max3A_833, %min3A_835 : vector<16xi32>
      tpu.vector_store_idx %arg6[%min3A_836, %add3A_819], %broadcast_in_dim3A_1 masked %and3A_830 : memref<125x1024xf32, #tpu.memory_space<vmem>>[vector<16xi32>, vector<16xi32>], vector<16xf32>, vector<16xi1>
      %add3A_837 = arith.constant 608 : i32
      %add3A_838 = vector.broadcast %add3A_837 : i32 to vector<16xi32>
      %add3A_839 = arith.addi %iota3A, %add3A_838 : vector<16xi32>
      %get3A_840 = arith.constant 608 : index
      %get3A_841 = tpu.vector_load %arg5[%get3A_840] {strides = array<i32>} : memref<1024xi32, #tpu.memory_space<vmem>>, vector<16xi32>,
      %sub3A_842 = vector.broadcast %mul3A_78 : i32 to vector<16xi32>
      %sub3A_843 = arith.subi %get3A_841, %sub3A_842 : vector<16xi32>
      %ge3A_844 = arith.constant 0 : i32
      %ge3A_845 = vector.broadcast %ge3A_844 : i32 to vector<16xi32>
      %ge3A_846 = arith.cmpi sge, %sub3A_843, %ge3A_845 : vector<16xi32>
      %lt3A_847 = arith.constant 125 : i32
      %lt3A_848 = vector.broadcast %lt3A_847 : i32 to vector<16xi32>
      %lt3A_849 = arith.cmpi slt, %sub3A_843, %lt3A_848 : vector<16xi32>
      %and3A_850 = arith.andi %ge3A_846, %lt3A_849 : vector<16xi1>
      %max3A_851 = arith.constant 0 : i32
      %max3A_852 = vector.broadcast %max3A_851 : i32 to vector<16xi32>
      %max3A_853 = arith.maxsi %sub3A_843, %max3A_852 : vector<16xi32>
      %min3A_854 = arith.constant 124 : i32
      %min3A_855 = vector.broadcast %min3A_854 : i32 to vector<16xi32>
      %min3A_856 = arith.minsi %max3A_853, %min3A_855 : vector<16xi32>
      tpu.vector_store_idx %arg6[%min3A_856, %add3A_839], %broadcast_in_dim3A_1 masked %and3A_850 : memref<125x1024xf32, #tpu.memory_space<vmem>>[vector<16xi32>, vector<16xi32>], vector<16xf32>, vector<16xi1>
      %add3A_857 = arith.constant 624 : i32
      %add3A_858 = vector.broadcast %add3A_857 : i32 to vector<16xi32>
      %add3A_859 = arith.addi %iota3A, %add3A_858 : vector<16xi32>
      %get3A_860 = arith.constant 624 : index
      %get3A_861 = tpu.vector_load %arg5[%get3A_860] {strides = array<i32>} : memref<1024xi32, #tpu.memory_space<vmem>>, vector<16xi32>,
      %sub3A_862 = vector.broadcast %mul3A_78 : i32 to vector<16xi32>
      %sub3A_863 = arith.subi %get3A_861, %sub3A_862 : vector<16xi32>
      %ge3A_864 = arith.constant 0 : i32
      %ge3A_865 = vector.broadcast %ge3A_864 : i32 to vector<16xi32>
      %ge3A_866 = arith.cmpi sge, %sub3A_863, %ge3A_865 : vector<16xi32>
      %lt3A_867 = arith.constant 125 : i32
      %lt3A_868 = vector.broadcast %lt3A_867 : i32 to vector<16xi32>
      %lt3A_869 = arith.cmpi slt, %sub3A_863, %lt3A_868 : vector<16xi32>
      %and3A_870 = arith.andi %ge3A_866, %lt3A_869 : vector<16xi1>
      %max3A_871 = arith.constant 0 : i32
      %max3A_872 = vector.broadcast %max3A_871 : i32 to vector<16xi32>
      %max3A_873 = arith.maxsi %sub3A_863, %max3A_872 : vector<16xi32>
      %min3A_874 = arith.constant 124 : i32
      %min3A_875 = vector.broadcast %min3A_874 : i32 to vector<16xi32>
      %min3A_876 = arith.minsi %max3A_873, %min3A_875 : vector<16xi32>
      tpu.vector_store_idx %arg6[%min3A_876, %add3A_859], %broadcast_in_dim3A_1 masked %and3A_870 : memref<125x1024xf32, #tpu.memory_space<vmem>>[vector<16xi32>, vector<16xi32>], vector<16xf32>, vector<16xi1>
      %add3A_877 = arith.constant 640 : i32
      %add3A_878 = vector.broadcast %add3A_877 : i32 to vector<16xi32>
      %add3A_879 = arith.addi %iota3A, %add3A_878 : vector<16xi32>
      %get3A_880 = arith.constant 640 : index
      %get3A_881 = tpu.vector_load %arg5[%get3A_880] {strides = array<i32>} : memref<1024xi32, #tpu.memory_space<vmem>>, vector<16xi32>,
      %sub3A_882 = vector.broadcast %mul3A_78 : i32 to vector<16xi32>
      %sub3A_883 = arith.subi %get3A_881, %sub3A_882 : vector<16xi32>
      %ge3A_884 = arith.constant 0 : i32
      %ge3A_885 = vector.broadcast %ge3A_884 : i32 to vector<16xi32>
      %ge3A_886 = arith.cmpi sge, %sub3A_883, %ge3A_885 : vector<16xi32>
      %lt3A_887 = arith.constant 125 : i32
      %lt3A_888 = vector.broadcast %lt3A_887 : i32 to vector<16xi32>
      %lt3A_889 = arith.cmpi slt, %sub3A_883, %lt3A_888 : vector<16xi32>
      %and3A_890 = arith.andi %ge3A_886, %lt3A_889 : vector<16xi1>
      %max3A_891 = arith.constant 0 : i32
      %max3A_892 = vector.broadcast %max3A_891 : i32 to vector<16xi32>
      %max3A_893 = arith.maxsi %sub3A_883, %max3A_892 : vector<16xi32>
      %min3A_894 = arith.constant 124 : i32
      %min3A_895 = vector.broadcast %min3A_894 : i32 to vector<16xi32>
      %min3A_896 = arith.minsi %max3A_893, %min3A_895 : vector<16xi32>
      tpu.vector_store_idx %arg6[%min3A_896, %add3A_879], %broadcast_in_dim3A_1 masked %and3A_890 : memref<125x1024xf32, #tpu.memory_space<vmem>>[vector<16xi32>, vector<16xi32>], vector<16xf32>, vector<16xi1>
      %add3A_897 = arith.constant 656 : i32
      %add3A_898 = vector.broadcast %add3A_897 : i32 to vector<16xi32>
      %add3A_899 = arith.addi %iota3A, %add3A_898 : vector<16xi32>
      %get3A_900 = arith.constant 656 : index
      %get3A_901 = tpu.vector_load %arg5[%get3A_900] {strides = array<i32>} : memref<1024xi32, #tpu.memory_space<vmem>>, vector<16xi32>,
      %sub3A_902 = vector.broadcast %mul3A_78 : i32 to vector<16xi32>
      %sub3A_903 = arith.subi %get3A_901, %sub3A_902 : vector<16xi32>
      %ge3A_904 = arith.constant 0 : i32
      %ge3A_905 = vector.broadcast %ge3A_904 : i32 to vector<16xi32>
      %ge3A_906 = arith.cmpi sge, %sub3A_903, %ge3A_905 : vector<16xi32>
      %lt3A_907 = arith.constant 125 : i32
      %lt3A_908 = vector.broadcast %lt3A_907 : i32 to vector<16xi32>
      %lt3A_909 = arith.cmpi slt, %sub3A_903, %lt3A_908 : vector<16xi32>
      %and3A_910 = arith.andi %ge3A_906, %lt3A_909 : vector<16xi1>
      %max3A_911 = arith.constant 0 : i32
      %max3A_912 = vector.broadcast %max3A_911 : i32 to vector<16xi32>
      %max3A_913 = arith.maxsi %sub3A_903, %max3A_912 : vector<16xi32>
      %min3A_914 = arith.constant 124 : i32
      %min3A_915 = vector.broadcast %min3A_914 : i32 to vector<16xi32>
      %min3A_916 = arith.minsi %max3A_913, %min3A_915 : vector<16xi32>
      tpu.vector_store_idx %arg6[%min3A_916, %add3A_899], %broadcast_in_dim3A_1 masked %and3A_910 : memref<125x1024xf32, #tpu.memory_space<vmem>>[vector<16xi32>, vector<16xi32>], vector<16xf32>, vector<16xi1>
      %add3A_917 = arith.constant 672 : i32
      %add3A_918 = vector.broadcast %add3A_917 : i32 to vector<16xi32>
      %add3A_919 = arith.addi %iota3A, %add3A_918 : vector<16xi32>
      %get3A_920 = arith.constant 672 : index
      %get3A_921 = tpu.vector_load %arg5[%get3A_920] {strides = array<i32>} : memref<1024xi32, #tpu.memory_space<vmem>>, vector<16xi32>,
      %sub3A_922 = vector.broadcast %mul3A_78 : i32 to vector<16xi32>
      %sub3A_923 = arith.subi %get3A_921, %sub3A_922 : vector<16xi32>
      %ge3A_924 = arith.constant 0 : i32
      %ge3A_925 = vector.broadcast %ge3A_924 : i32 to vector<16xi32>
      %ge3A_926 = arith.cmpi sge, %sub3A_923, %ge3A_925 : vector<16xi32>
      %lt3A_927 = arith.constant 125 : i32
      %lt3A_928 = vector.broadcast %lt3A_927 : i32 to vector<16xi32>
      %lt3A_929 = arith.cmpi slt, %sub3A_923, %lt3A_928 : vector<16xi32>
      %and3A_930 = arith.andi %ge3A_926, %lt3A_929 : vector<16xi1>
      %max3A_931 = arith.constant 0 : i32
      %max3A_932 = vector.broadcast %max3A_931 : i32 to vector<16xi32>
      %max3A_933 = arith.maxsi %sub3A_923, %max3A_932 : vector<16xi32>
      %min3A_934 = arith.constant 124 : i32
      %min3A_935 = vector.broadcast %min3A_934 : i32 to vector<16xi32>
      %min3A_936 = arith.minsi %max3A_933, %min3A_935 : vector<16xi32>
      tpu.vector_store_idx %arg6[%min3A_936, %add3A_919], %broadcast_in_dim3A_1 masked %and3A_930 : memref<125x1024xf32, #tpu.memory_space<vmem>>[vector<16xi32>, vector<16xi32>], vector<16xf32>, vector<16xi1>
      %add3A_937 = arith.constant 688 : i32
      %add3A_938 = vector.broadcast %add3A_937 : i32 to vector<16xi32>
      %add3A_939 = arith.addi %iota3A, %add3A_938 : vector<16xi32>
      %get3A_940 = arith.constant 688 : index
      %get3A_941 = tpu.vector_load %arg5[%get3A_940] {strides = array<i32>} : memref<1024xi32, #tpu.memory_space<vmem>>, vector<16xi32>,
      %sub3A_942 = vector.broadcast %mul3A_78 : i32 to vector<16xi32>
      %sub3A_943 = arith.subi %get3A_941, %sub3A_942 : vector<16xi32>
      %ge3A_944 = arith.constant 0 : i32
      %ge3A_945 = vector.broadcast %ge3A_944 : i32 to vector<16xi32>
      %ge3A_946 = arith.cmpi sge, %sub3A_943, %ge3A_945 : vector<16xi32>
      %lt3A_947 = arith.constant 125 : i32
      %lt3A_948 = vector.broadcast %lt3A_947 : i32 to vector<16xi32>
      %lt3A_949 = arith.cmpi slt, %sub3A_943, %lt3A_948 : vector<16xi32>
      %and3A_950 = arith.andi %ge3A_946, %lt3A_949 : vector<16xi1>
      %max3A_951 = arith.constant 0 : i32
      %max3A_952 = vector.broadcast %max3A_951 : i32 to vector<16xi32>
      %max3A_953 = arith.maxsi %sub3A_943, %max3A_952 : vector<16xi32>
      %min3A_954 = arith.constant 124 : i32
      %min3A_955 = vector.broadcast %min3A_954 : i32 to vector<16xi32>
      %min3A_956 = arith.minsi %max3A_953, %min3A_955 : vector<16xi32>
      tpu.vector_store_idx %arg6[%min3A_956, %add3A_939], %broadcast_in_dim3A_1 masked %and3A_950 : memref<125x1024xf32, #tpu.memory_space<vmem>>[vector<16xi32>, vector<16xi32>], vector<16xf32>, vector<16xi1>
      %add3A_957 = arith.constant 704 : i32
      %add3A_958 = vector.broadcast %add3A_957 : i32 to vector<16xi32>
      %add3A_959 = arith.addi %iota3A, %add3A_958 : vector<16xi32>
      %get3A_960 = arith.constant 704 : index
      %get3A_961 = tpu.vector_load %arg5[%get3A_960] {strides = array<i32>} : memref<1024xi32, #tpu.memory_space<vmem>>, vector<16xi32>,
      %sub3A_962 = vector.broadcast %mul3A_78 : i32 to vector<16xi32>
      %sub3A_963 = arith.subi %get3A_961, %sub3A_962 : vector<16xi32>
      %ge3A_964 = arith.constant 0 : i32
      %ge3A_965 = vector.broadcast %ge3A_964 : i32 to vector<16xi32>
      %ge3A_966 = arith.cmpi sge, %sub3A_963, %ge3A_965 : vector<16xi32>
      %lt3A_967 = arith.constant 125 : i32
      %lt3A_968 = vector.broadcast %lt3A_967 : i32 to vector<16xi32>
      %lt3A_969 = arith.cmpi slt, %sub3A_963, %lt3A_968 : vector<16xi32>
      %and3A_970 = arith.andi %ge3A_966, %lt3A_969 : vector<16xi1>
      %max3A_971 = arith.constant 0 : i32
      %max3A_972 = vector.broadcast %max3A_971 : i32 to vector<16xi32>
      %max3A_973 = arith.maxsi %sub3A_963, %max3A_972 : vector<16xi32>
      %min3A_974 = arith.constant 124 : i32
      %min3A_975 = vector.broadcast %min3A_974 : i32 to vector<16xi32>
      %min3A_976 = arith.minsi %max3A_973, %min3A_975 : vector<16xi32>
      tpu.vector_store_idx %arg6[%min3A_976, %add3A_959], %broadcast_in_dim3A_1 masked %and3A_970 : memref<125x1024xf32, #tpu.memory_space<vmem>>[vector<16xi32>, vector<16xi32>], vector<16xf32>, vector<16xi1>
      %add3A_977 = arith.constant 720 : i32
      %add3A_978 = vector.broadcast %add3A_977 : i32 to vector<16xi32>
      %add3A_979 = arith.addi %iota3A, %add3A_978 : vector<16xi32>
      %get3A_980 = arith.constant 720 : index
      %get3A_981 = tpu.vector_load %arg5[%get3A_980] {strides = array<i32>} : memref<1024xi32, #tpu.memory_space<vmem>>, vector<16xi32>,
      %sub3A_982 = vector.broadcast %mul3A_78 : i32 to vector<16xi32>
      %sub3A_983 = arith.subi %get3A_981, %sub3A_982 : vector<16xi32>
      %ge3A_984 = arith.constant 0 : i32
      %ge3A_985 = vector.broadcast %ge3A_984 : i32 to vector<16xi32>
      %ge3A_986 = arith.cmpi sge, %sub3A_983, %ge3A_985 : vector<16xi32>
      %lt3A_987 = arith.constant 125 : i32
      %lt3A_988 = vector.broadcast %lt3A_987 : i32 to vector<16xi32>
      %lt3A_989 = arith.cmpi slt, %sub3A_983, %lt3A_988 : vector<16xi32>
      %and3A_990 = arith.andi %ge3A_986, %lt3A_989 : vector<16xi1>
      %max3A_991 = arith.constant 0 : i32
      %max3A_992 = vector.broadcast %max3A_991 : i32 to vector<16xi32>
      %max3A_993 = arith.maxsi %sub3A_983, %max3A_992 : vector<16xi32>
      %min3A_994 = arith.constant 124 : i32
      %min3A_995 = vector.broadcast %min3A_994 : i32 to vector<16xi32>
      %min3A_996 = arith.minsi %max3A_993, %min3A_995 : vector<16xi32>
      tpu.vector_store_idx %arg6[%min3A_996, %add3A_979], %broadcast_in_dim3A_1 masked %and3A_990 : memref<125x1024xf32, #tpu.memory_space<vmem>>[vector<16xi32>, vector<16xi32>], vector<16xf32>, vector<16xi1>
      %add3A_997 = arith.constant 736 : i32
      %add3A_998 = vector.broadcast %add3A_997 : i32 to vector<16xi32>
      %add3A_999 = arith.addi %iota3A, %add3A_998 : vector<16xi32>
      %get3A_1000 = arith.constant 736 : index
      %get3A_1001 = tpu.vector_load %arg5[%get3A_1000] {strides = array<i32>} : memref<1024xi32, #tpu.memory_space<vmem>>, vector<16xi32>,
      %sub3A_1002 = vector.broadcast %mul3A_78 : i32 to vector<16xi32>
      %sub3A_1003 = arith.subi %get3A_1001, %sub3A_1002 : vector<16xi32>
      %ge3A_1004 = arith.constant 0 : i32
      %ge3A_1005 = vector.broadcast %ge3A_1004 : i32 to vector<16xi32>
      %ge3A_1006 = arith.cmpi sge, %sub3A_1003, %ge3A_1005 : vector<16xi32>
      %lt3A_1007 = arith.constant 125 : i32
      %lt3A_1008 = vector.broadcast %lt3A_1007 : i32 to vector<16xi32>
      %lt3A_1009 = arith.cmpi slt, %sub3A_1003, %lt3A_1008 : vector<16xi32>
      %and3A_1010 = arith.andi %ge3A_1006, %lt3A_1009 : vector<16xi1>
      %max3A_1011 = arith.constant 0 : i32
      %max3A_1012 = vector.broadcast %max3A_1011 : i32 to vector<16xi32>
      %max3A_1013 = arith.maxsi %sub3A_1003, %max3A_1012 : vector<16xi32>
      %min3A_1014 = arith.constant 124 : i32
      %min3A_1015 = vector.broadcast %min3A_1014 : i32 to vector<16xi32>
      %min3A_1016 = arith.minsi %max3A_1013, %min3A_1015 : vector<16xi32>
      tpu.vector_store_idx %arg6[%min3A_1016, %add3A_999], %broadcast_in_dim3A_1 masked %and3A_1010 : memref<125x1024xf32, #tpu.memory_space<vmem>>[vector<16xi32>, vector<16xi32>], vector<16xf32>, vector<16xi1>
      %add3A_1017 = arith.constant 752 : i32
      %add3A_1018 = vector.broadcast %add3A_1017 : i32 to vector<16xi32>
      %add3A_1019 = arith.addi %iota3A, %add3A_1018 : vector<16xi32>
      %get3A_1020 = arith.constant 752 : index
      %get3A_1021 = tpu.vector_load %arg5[%get3A_1020] {strides = array<i32>} : memref<1024xi32, #tpu.memory_space<vmem>>, vector<16xi32>,
      %sub3A_1022 = vector.broadcast %mul3A_78 : i32 to vector<16xi32>
      %sub3A_1023 = arith.subi %get3A_1021, %sub3A_1022 : vector<16xi32>
      %ge3A_1024 = arith.constant 0 : i32
      %ge3A_1025 = vector.broadcast %ge3A_1024 : i32 to vector<16xi32>
      %ge3A_1026 = arith.cmpi sge, %sub3A_1023, %ge3A_1025 : vector<16xi32>
      %lt3A_1027 = arith.constant 125 : i32
      %lt3A_1028 = vector.broadcast %lt3A_1027 : i32 to vector<16xi32>
      %lt3A_1029 = arith.cmpi slt, %sub3A_1023, %lt3A_1028 : vector<16xi32>
      %and3A_1030 = arith.andi %ge3A_1026, %lt3A_1029 : vector<16xi1>
      %max3A_1031 = arith.constant 0 : i32
      %max3A_1032 = vector.broadcast %max3A_1031 : i32 to vector<16xi32>
      %max3A_1033 = arith.maxsi %sub3A_1023, %max3A_1032 : vector<16xi32>
      %min3A_1034 = arith.constant 124 : i32
      %min3A_1035 = vector.broadcast %min3A_1034 : i32 to vector<16xi32>
      %min3A_1036 = arith.minsi %max3A_1033, %min3A_1035 : vector<16xi32>
      tpu.vector_store_idx %arg6[%min3A_1036, %add3A_1019], %broadcast_in_dim3A_1 masked %and3A_1030 : memref<125x1024xf32, #tpu.memory_space<vmem>>[vector<16xi32>, vector<16xi32>], vector<16xf32>, vector<16xi1>
      %add3A_1037 = arith.constant 768 : i32
      %add3A_1038 = vector.broadcast %add3A_1037 : i32 to vector<16xi32>
      %add3A_1039 = arith.addi %iota3A, %add3A_1038 : vector<16xi32>
      %get3A_1040 = arith.constant 768 : index
      %get3A_1041 = tpu.vector_load %arg5[%get3A_1040] {strides = array<i32>} : memref<1024xi32, #tpu.memory_space<vmem>>, vector<16xi32>,
      %sub3A_1042 = vector.broadcast %mul3A_78 : i32 to vector<16xi32>
      %sub3A_1043 = arith.subi %get3A_1041, %sub3A_1042 : vector<16xi32>
      %ge3A_1044 = arith.constant 0 : i32
      %ge3A_1045 = vector.broadcast %ge3A_1044 : i32 to vector<16xi32>
      %ge3A_1046 = arith.cmpi sge, %sub3A_1043, %ge3A_1045 : vector<16xi32>
      %lt3A_1047 = arith.constant 125 : i32
      %lt3A_1048 = vector.broadcast %lt3A_1047 : i32 to vector<16xi32>
      %lt3A_1049 = arith.cmpi slt, %sub3A_1043, %lt3A_1048 : vector<16xi32>
      %and3A_1050 = arith.andi %ge3A_1046, %lt3A_1049 : vector<16xi1>
      %max3A_1051 = arith.constant 0 : i32
      %max3A_1052 = vector.broadcast %max3A_1051 : i32 to vector<16xi32>
      %max3A_1053 = arith.maxsi %sub3A_1043, %max3A_1052 : vector<16xi32>
      %min3A_1054 = arith.constant 124 : i32
      %min3A_1055 = vector.broadcast %min3A_1054 : i32 to vector<16xi32>
      %min3A_1056 = arith.minsi %max3A_1053, %min3A_1055 : vector<16xi32>
      tpu.vector_store_idx %arg6[%min3A_1056, %add3A_1039], %broadcast_in_dim3A_1 masked %and3A_1050 : memref<125x1024xf32, #tpu.memory_space<vmem>>[vector<16xi32>, vector<16xi32>], vector<16xf32>, vector<16xi1>
      %add3A_1057 = arith.constant 784 : i32
      %add3A_1058 = vector.broadcast %add3A_1057 : i32 to vector<16xi32>
      %add3A_1059 = arith.addi %iota3A, %add3A_1058 : vector<16xi32>
      %get3A_1060 = arith.constant 784 : index
      %get3A_1061 = tpu.vector_load %arg5[%get3A_1060] {strides = array<i32>} : memref<1024xi32, #tpu.memory_space<vmem>>, vector<16xi32>,
      %sub3A_1062 = vector.broadcast %mul3A_78 : i32 to vector<16xi32>
      %sub3A_1063 = arith.subi %get3A_1061, %sub3A_1062 : vector<16xi32>
      %ge3A_1064 = arith.constant 0 : i32
      %ge3A_1065 = vector.broadcast %ge3A_1064 : i32 to vector<16xi32>
      %ge3A_1066 = arith.cmpi sge, %sub3A_1063, %ge3A_1065 : vector<16xi32>
      %lt3A_1067 = arith.constant 125 : i32
      %lt3A_1068 = vector.broadcast %lt3A_1067 : i32 to vector<16xi32>
      %lt3A_1069 = arith.cmpi slt, %sub3A_1063, %lt3A_1068 : vector<16xi32>
      %and3A_1070 = arith.andi %ge3A_1066, %lt3A_1069 : vector<16xi1>
      %max3A_1071 = arith.constant 0 : i32
      %max3A_1072 = vector.broadcast %max3A_1071 : i32 to vector<16xi32>
      %max3A_1073 = arith.maxsi %sub3A_1063, %max3A_1072 : vector<16xi32>
      %min3A_1074 = arith.constant 124 : i32
      %min3A_1075 = vector.broadcast %min3A_1074 : i32 to vector<16xi32>
      %min3A_1076 = arith.minsi %max3A_1073, %min3A_1075 : vector<16xi32>
      tpu.vector_store_idx %arg6[%min3A_1076, %add3A_1059], %broadcast_in_dim3A_1 masked %and3A_1070 : memref<125x1024xf32, #tpu.memory_space<vmem>>[vector<16xi32>, vector<16xi32>], vector<16xf32>, vector<16xi1>
      %add3A_1077 = arith.constant 800 : i32
      %add3A_1078 = vector.broadcast %add3A_1077 : i32 to vector<16xi32>
      %add3A_1079 = arith.addi %iota3A, %add3A_1078 : vector<16xi32>
      %get3A_1080 = arith.constant 800 : index
      %get3A_1081 = tpu.vector_load %arg5[%get3A_1080] {strides = array<i32>} : memref<1024xi32, #tpu.memory_space<vmem>>, vector<16xi32>,
      %sub3A_1082 = vector.broadcast %mul3A_78 : i32 to vector<16xi32>
      %sub3A_1083 = arith.subi %get3A_1081, %sub3A_1082 : vector<16xi32>
      %ge3A_1084 = arith.constant 0 : i32
      %ge3A_1085 = vector.broadcast %ge3A_1084 : i32 to vector<16xi32>
      %ge3A_1086 = arith.cmpi sge, %sub3A_1083, %ge3A_1085 : vector<16xi32>
      %lt3A_1087 = arith.constant 125 : i32
      %lt3A_1088 = vector.broadcast %lt3A_1087 : i32 to vector<16xi32>
      %lt3A_1089 = arith.cmpi slt, %sub3A_1083, %lt3A_1088 : vector<16xi32>
      %and3A_1090 = arith.andi %ge3A_1086, %lt3A_1089 : vector<16xi1>
      %max3A_1091 = arith.constant 0 : i32
      %max3A_1092 = vector.broadcast %max3A_1091 : i32 to vector<16xi32>
      %max3A_1093 = arith.maxsi %sub3A_1083, %max3A_1092 : vector<16xi32>
      %min3A_1094 = arith.constant 124 : i32
      %min3A_1095 = vector.broadcast %min3A_1094 : i32 to vector<16xi32>
      %min3A_1096 = arith.minsi %max3A_1093, %min3A_1095 : vector<16xi32>
      tpu.vector_store_idx %arg6[%min3A_1096, %add3A_1079], %broadcast_in_dim3A_1 masked %and3A_1090 : memref<125x1024xf32, #tpu.memory_space<vmem>>[vector<16xi32>, vector<16xi32>], vector<16xf32>, vector<16xi1>
      %add3A_1097 = arith.constant 816 : i32
      %add3A_1098 = vector.broadcast %add3A_1097 : i32 to vector<16xi32>
      %add3A_1099 = arith.addi %iota3A, %add3A_1098 : vector<16xi32>
      %get3A_1100 = arith.constant 816 : index
      %get3A_1101 = tpu.vector_load %arg5[%get3A_1100] {strides = array<i32>} : memref<1024xi32, #tpu.memory_space<vmem>>, vector<16xi32>,
      %sub3A_1102 = vector.broadcast %mul3A_78 : i32 to vector<16xi32>
      %sub3A_1103 = arith.subi %get3A_1101, %sub3A_1102 : vector<16xi32>
      %ge3A_1104 = arith.constant 0 : i32
      %ge3A_1105 = vector.broadcast %ge3A_1104 : i32 to vector<16xi32>
      %ge3A_1106 = arith.cmpi sge, %sub3A_1103, %ge3A_1105 : vector<16xi32>
      %lt3A_1107 = arith.constant 125 : i32
      %lt3A_1108 = vector.broadcast %lt3A_1107 : i32 to vector<16xi32>
      %lt3A_1109 = arith.cmpi slt, %sub3A_1103, %lt3A_1108 : vector<16xi32>
      %and3A_1110 = arith.andi %ge3A_1106, %lt3A_1109 : vector<16xi1>
      %max3A_1111 = arith.constant 0 : i32
      %max3A_1112 = vector.broadcast %max3A_1111 : i32 to vector<16xi32>
      %max3A_1113 = arith.maxsi %sub3A_1103, %max3A_1112 : vector<16xi32>
      %min3A_1114 = arith.constant 124 : i32
      %min3A_1115 = vector.broadcast %min3A_1114 : i32 to vector<16xi32>
      %min3A_1116 = arith.minsi %max3A_1113, %min3A_1115 : vector<16xi32>
      tpu.vector_store_idx %arg6[%min3A_1116, %add3A_1099], %broadcast_in_dim3A_1 masked %and3A_1110 : memref<125x1024xf32, #tpu.memory_space<vmem>>[vector<16xi32>, vector<16xi32>], vector<16xf32>, vector<16xi1>
      %add3A_1117 = arith.constant 832 : i32
      %add3A_1118 = vector.broadcast %add3A_1117 : i32 to vector<16xi32>
      %add3A_1119 = arith.addi %iota3A, %add3A_1118 : vector<16xi32>
      %get3A_1120 = arith.constant 832 : index
      %get3A_1121 = tpu.vector_load %arg5[%get3A_1120] {strides = array<i32>} : memref<1024xi32, #tpu.memory_space<vmem>>, vector<16xi32>,
      %sub3A_1122 = vector.broadcast %mul3A_78 : i32 to vector<16xi32>
      %sub3A_1123 = arith.subi %get3A_1121, %sub3A_1122 : vector<16xi32>
      %ge3A_1124 = arith.constant 0 : i32
      %ge3A_1125 = vector.broadcast %ge3A_1124 : i32 to vector<16xi32>
      %ge3A_1126 = arith.cmpi sge, %sub3A_1123, %ge3A_1125 : vector<16xi32>
      %lt3A_1127 = arith.constant 125 : i32
      %lt3A_1128 = vector.broadcast %lt3A_1127 : i32 to vector<16xi32>
      %lt3A_1129 = arith.cmpi slt, %sub3A_1123, %lt3A_1128 : vector<16xi32>
      %and3A_1130 = arith.andi %ge3A_1126, %lt3A_1129 : vector<16xi1>
      %max3A_1131 = arith.constant 0 : i32
      %max3A_1132 = vector.broadcast %max3A_1131 : i32 to vector<16xi32>
      %max3A_1133 = arith.maxsi %sub3A_1123, %max3A_1132 : vector<16xi32>
      %min3A_1134 = arith.constant 124 : i32
      %min3A_1135 = vector.broadcast %min3A_1134 : i32 to vector<16xi32>
      %min3A_1136 = arith.minsi %max3A_1133, %min3A_1135 : vector<16xi32>
      tpu.vector_store_idx %arg6[%min3A_1136, %add3A_1119], %broadcast_in_dim3A_1 masked %and3A_1130 : memref<125x1024xf32, #tpu.memory_space<vmem>>[vector<16xi32>, vector<16xi32>], vector<16xf32>, vector<16xi1>
      %add3A_1137 = arith.constant 848 : i32
      %add3A_1138 = vector.broadcast %add3A_1137 : i32 to vector<16xi32>
      %add3A_1139 = arith.addi %iota3A, %add3A_1138 : vector<16xi32>
      %get3A_1140 = arith.constant 848 : index
      %get3A_1141 = tpu.vector_load %arg5[%get3A_1140] {strides = array<i32>} : memref<1024xi32, #tpu.memory_space<vmem>>, vector<16xi32>,
      %sub3A_1142 = vector.broadcast %mul3A_78 : i32 to vector<16xi32>
      %sub3A_1143 = arith.subi %get3A_1141, %sub3A_1142 : vector<16xi32>
      %ge3A_1144 = arith.constant 0 : i32
      %ge3A_1145 = vector.broadcast %ge3A_1144 : i32 to vector<16xi32>
      %ge3A_1146 = arith.cmpi sge, %sub3A_1143, %ge3A_1145 : vector<16xi32>
      %lt3A_1147 = arith.constant 125 : i32
      %lt3A_1148 = vector.broadcast %lt3A_1147 : i32 to vector<16xi32>
      %lt3A_1149 = arith.cmpi slt, %sub3A_1143, %lt3A_1148 : vector<16xi32>
      %and3A_1150 = arith.andi %ge3A_1146, %lt3A_1149 : vector<16xi1>
      %max3A_1151 = arith.constant 0 : i32
      %max3A_1152 = vector.broadcast %max3A_1151 : i32 to vector<16xi32>
      %max3A_1153 = arith.maxsi %sub3A_1143, %max3A_1152 : vector<16xi32>
      %min3A_1154 = arith.constant 124 : i32
      %min3A_1155 = vector.broadcast %min3A_1154 : i32 to vector<16xi32>
      %min3A_1156 = arith.minsi %max3A_1153, %min3A_1155 : vector<16xi32>
      tpu.vector_store_idx %arg6[%min3A_1156, %add3A_1139], %broadcast_in_dim3A_1 masked %and3A_1150 : memref<125x1024xf32, #tpu.memory_space<vmem>>[vector<16xi32>, vector<16xi32>], vector<16xf32>, vector<16xi1>
      %add3A_1157 = arith.constant 864 : i32
      %add3A_1158 = vector.broadcast %add3A_1157 : i32 to vector<16xi32>
      %add3A_1159 = arith.addi %iota3A, %add3A_1158 : vector<16xi32>
      %get3A_1160 = arith.constant 864 : index
      %get3A_1161 = tpu.vector_load %arg5[%get3A_1160] {strides = array<i32>} : memref<1024xi32, #tpu.memory_space<vmem>>, vector<16xi32>,
      %sub3A_1162 = vector.broadcast %mul3A_78 : i32 to vector<16xi32>
      %sub3A_1163 = arith.subi %get3A_1161, %sub3A_1162 : vector<16xi32>
      %ge3A_1164 = arith.constant 0 : i32
      %ge3A_1165 = vector.broadcast %ge3A_1164 : i32 to vector<16xi32>
      %ge3A_1166 = arith.cmpi sge, %sub3A_1163, %ge3A_1165 : vector<16xi32>
      %lt3A_1167 = arith.constant 125 : i32
      %lt3A_1168 = vector.broadcast %lt3A_1167 : i32 to vector<16xi32>
      %lt3A_1169 = arith.cmpi slt, %sub3A_1163, %lt3A_1168 : vector<16xi32>
      %and3A_1170 = arith.andi %ge3A_1166, %lt3A_1169 : vector<16xi1>
      %max3A_1171 = arith.constant 0 : i32
      %max3A_1172 = vector.broadcast %max3A_1171 : i32 to vector<16xi32>
      %max3A_1173 = arith.maxsi %sub3A_1163, %max3A_1172 : vector<16xi32>
      %min3A_1174 = arith.constant 124 : i32
      %min3A_1175 = vector.broadcast %min3A_1174 : i32 to vector<16xi32>
      %min3A_1176 = arith.minsi %max3A_1173, %min3A_1175 : vector<16xi32>
      tpu.vector_store_idx %arg6[%min3A_1176, %add3A_1159], %broadcast_in_dim3A_1 masked %and3A_1170 : memref<125x1024xf32, #tpu.memory_space<vmem>>[vector<16xi32>, vector<16xi32>], vector<16xf32>, vector<16xi1>
      %add3A_1177 = arith.constant 880 : i32
      %add3A_1178 = vector.broadcast %add3A_1177 : i32 to vector<16xi32>
      %add3A_1179 = arith.addi %iota3A, %add3A_1178 : vector<16xi32>
      %get3A_1180 = arith.constant 880 : index
      %get3A_1181 = tpu.vector_load %arg5[%get3A_1180] {strides = array<i32>} : memref<1024xi32, #tpu.memory_space<vmem>>, vector<16xi32>,
      %sub3A_1182 = vector.broadcast %mul3A_78 : i32 to vector<16xi32>
      %sub3A_1183 = arith.subi %get3A_1181, %sub3A_1182 : vector<16xi32>
      %ge3A_1184 = arith.constant 0 : i32
      %ge3A_1185 = vector.broadcast %ge3A_1184 : i32 to vector<16xi32>
      %ge3A_1186 = arith.cmpi sge, %sub3A_1183, %ge3A_1185 : vector<16xi32>
      %lt3A_1187 = arith.constant 125 : i32
      %lt3A_1188 = vector.broadcast %lt3A_1187 : i32 to vector<16xi32>
      %lt3A_1189 = arith.cmpi slt, %sub3A_1183, %lt3A_1188 : vector<16xi32>
      %and3A_1190 = arith.andi %ge3A_1186, %lt3A_1189 : vector<16xi1>
      %max3A_1191 = arith.constant 0 : i32
      %max3A_1192 = vector.broadcast %max3A_1191 : i32 to vector<16xi32>
      %max3A_1193 = arith.maxsi %sub3A_1183, %max3A_1192 : vector<16xi32>
      %min3A_1194 = arith.constant 124 : i32
      %min3A_1195 = vector.broadcast %min3A_1194 : i32 to vector<16xi32>
      %min3A_1196 = arith.minsi %max3A_1193, %min3A_1195 : vector<16xi32>
      tpu.vector_store_idx %arg6[%min3A_1196, %add3A_1179], %broadcast_in_dim3A_1 masked %and3A_1190 : memref<125x1024xf32, #tpu.memory_space<vmem>>[vector<16xi32>, vector<16xi32>], vector<16xf32>, vector<16xi1>
      %add3A_1197 = arith.constant 896 : i32
      %add3A_1198 = vector.broadcast %add3A_1197 : i32 to vector<16xi32>
      %add3A_1199 = arith.addi %iota3A, %add3A_1198 : vector<16xi32>
      %get3A_1200 = arith.constant 896 : index
      %get3A_1201 = tpu.vector_load %arg5[%get3A_1200] {strides = array<i32>} : memref<1024xi32, #tpu.memory_space<vmem>>, vector<16xi32>,
      %sub3A_1202 = vector.broadcast %mul3A_78 : i32 to vector<16xi32>
      %sub3A_1203 = arith.subi %get3A_1201, %sub3A_1202 : vector<16xi32>
      %ge3A_1204 = arith.constant 0 : i32
      %ge3A_1205 = vector.broadcast %ge3A_1204 : i32 to vector<16xi32>
      %ge3A_1206 = arith.cmpi sge, %sub3A_1203, %ge3A_1205 : vector<16xi32>
      %lt3A_1207 = arith.constant 125 : i32
      %lt3A_1208 = vector.broadcast %lt3A_1207 : i32 to vector<16xi32>
      %lt3A_1209 = arith.cmpi slt, %sub3A_1203, %lt3A_1208 : vector<16xi32>
      %and3A_1210 = arith.andi %ge3A_1206, %lt3A_1209 : vector<16xi1>
      %max3A_1211 = arith.constant 0 : i32
      %max3A_1212 = vector.broadcast %max3A_1211 : i32 to vector<16xi32>
      %max3A_1213 = arith.maxsi %sub3A_1203, %max3A_1212 : vector<16xi32>
      %min3A_1214 = arith.constant 124 : i32
      %min3A_1215 = vector.broadcast %min3A_1214 : i32 to vector<16xi32>
      %min3A_1216 = arith.minsi %max3A_1213, %min3A_1215 : vector<16xi32>
      tpu.vector_store_idx %arg6[%min3A_1216, %add3A_1199], %broadcast_in_dim3A_1 masked %and3A_1210 : memref<125x1024xf32, #tpu.memory_space<vmem>>[vector<16xi32>, vector<16xi32>], vector<16xf32>, vector<16xi1>
      %add3A_1217 = arith.constant 912 : i32
      %add3A_1218 = vector.broadcast %add3A_1217 : i32 to vector<16xi32>
      %add3A_1219 = arith.addi %iota3A, %add3A_1218 : vector<16xi32>
      %get3A_1220 = arith.constant 912 : index
      %get3A_1221 = tpu.vector_load %arg5[%get3A_1220] {strides = array<i32>} : memref<1024xi32, #tpu.memory_space<vmem>>, vector<16xi32>,
      %sub3A_1222 = vector.broadcast %mul3A_78 : i32 to vector<16xi32>
      %sub3A_1223 = arith.subi %get3A_1221, %sub3A_1222 : vector<16xi32>
      %ge3A_1224 = arith.constant 0 : i32
      %ge3A_1225 = vector.broadcast %ge3A_1224 : i32 to vector<16xi32>
      %ge3A_1226 = arith.cmpi sge, %sub3A_1223, %ge3A_1225 : vector<16xi32>
      %lt3A_1227 = arith.constant 125 : i32
      %lt3A_1228 = vector.broadcast %lt3A_1227 : i32 to vector<16xi32>
      %lt3A_1229 = arith.cmpi slt, %sub3A_1223, %lt3A_1228 : vector<16xi32>
      %and3A_1230 = arith.andi %ge3A_1226, %lt3A_1229 : vector<16xi1>
      %max3A_1231 = arith.constant 0 : i32
      %max3A_1232 = vector.broadcast %max3A_1231 : i32 to vector<16xi32>
      %max3A_1233 = arith.maxsi %sub3A_1223, %max3A_1232 : vector<16xi32>
      %min3A_1234 = arith.constant 124 : i32
      %min3A_1235 = vector.broadcast %min3A_1234 : i32 to vector<16xi32>
      %min3A_1236 = arith.minsi %max3A_1233, %min3A_1235 : vector<16xi32>
      tpu.vector_store_idx %arg6[%min3A_1236, %add3A_1219], %broadcast_in_dim3A_1 masked %and3A_1230 : memref<125x1024xf32, #tpu.memory_space<vmem>>[vector<16xi32>, vector<16xi32>], vector<16xf32>, vector<16xi1>
      %add3A_1237 = arith.constant 928 : i32
      %add3A_1238 = vector.broadcast %add3A_1237 : i32 to vector<16xi32>
      %add3A_1239 = arith.addi %iota3A, %add3A_1238 : vector<16xi32>
      %get3A_1240 = arith.constant 928 : index
      %get3A_1241 = tpu.vector_load %arg5[%get3A_1240] {strides = array<i32>} : memref<1024xi32, #tpu.memory_space<vmem>>, vector<16xi32>,
      %sub3A_1242 = vector.broadcast %mul3A_78 : i32 to vector<16xi32>
      %sub3A_1243 = arith.subi %get3A_1241, %sub3A_1242 : vector<16xi32>
      %ge3A_1244 = arith.constant 0 : i32
      %ge3A_1245 = vector.broadcast %ge3A_1244 : i32 to vector<16xi32>
      %ge3A_1246 = arith.cmpi sge, %sub3A_1243, %ge3A_1245 : vector<16xi32>
      %lt3A_1247 = arith.constant 125 : i32
      %lt3A_1248 = vector.broadcast %lt3A_1247 : i32 to vector<16xi32>
      %lt3A_1249 = arith.cmpi slt, %sub3A_1243, %lt3A_1248 : vector<16xi32>
      %and3A_1250 = arith.andi %ge3A_1246, %lt3A_1249 : vector<16xi1>
      %max3A_1251 = arith.constant 0 : i32
      %max3A_1252 = vector.broadcast %max3A_1251 : i32 to vector<16xi32>
      %max3A_1253 = arith.maxsi %sub3A_1243, %max3A_1252 : vector<16xi32>
      %min3A_1254 = arith.constant 124 : i32
      %min3A_1255 = vector.broadcast %min3A_1254 : i32 to vector<16xi32>
      %min3A_1256 = arith.minsi %max3A_1253, %min3A_1255 : vector<16xi32>
      tpu.vector_store_idx %arg6[%min3A_1256, %add3A_1239], %broadcast_in_dim3A_1 masked %and3A_1250 : memref<125x1024xf32, #tpu.memory_space<vmem>>[vector<16xi32>, vector<16xi32>], vector<16xf32>, vector<16xi1>
      %add3A_1257 = arith.constant 944 : i32
      %add3A_1258 = vector.broadcast %add3A_1257 : i32 to vector<16xi32>
      %add3A_1259 = arith.addi %iota3A, %add3A_1258 : vector<16xi32>
      %get3A_1260 = arith.constant 944 : index
      %get3A_1261 = tpu.vector_load %arg5[%get3A_1260] {strides = array<i32>} : memref<1024xi32, #tpu.memory_space<vmem>>, vector<16xi32>,
      %sub3A_1262 = vector.broadcast %mul3A_78 : i32 to vector<16xi32>
      %sub3A_1263 = arith.subi %get3A_1261, %sub3A_1262 : vector<16xi32>
      %ge3A_1264 = arith.constant 0 : i32
      %ge3A_1265 = vector.broadcast %ge3A_1264 : i32 to vector<16xi32>
      %ge3A_1266 = arith.cmpi sge, %sub3A_1263, %ge3A_1265 : vector<16xi32>
      %lt3A_1267 = arith.constant 125 : i32
      %lt3A_1268 = vector.broadcast %lt3A_1267 : i32 to vector<16xi32>
      %lt3A_1269 = arith.cmpi slt, %sub3A_1263, %lt3A_1268 : vector<16xi32>
      %and3A_1270 = arith.andi %ge3A_1266, %lt3A_1269 : vector<16xi1>
      %max3A_1271 = arith.constant 0 : i32
      %max3A_1272 = vector.broadcast %max3A_1271 : i32 to vector<16xi32>
      %max3A_1273 = arith.maxsi %sub3A_1263, %max3A_1272 : vector<16xi32>
      %min3A_1274 = arith.constant 124 : i32
      %min3A_1275 = vector.broadcast %min3A_1274 : i32 to vector<16xi32>
      %min3A_1276 = arith.minsi %max3A_1273, %min3A_1275 : vector<16xi32>
      tpu.vector_store_idx %arg6[%min3A_1276, %add3A_1259], %broadcast_in_dim3A_1 masked %and3A_1270 : memref<125x1024xf32, #tpu.memory_space<vmem>>[vector<16xi32>, vector<16xi32>], vector<16xf32>, vector<16xi1>
      %add3A_1277 = arith.constant 960 : i32
      %add3A_1278 = vector.broadcast %add3A_1277 : i32 to vector<16xi32>
      %add3A_1279 = arith.addi %iota3A, %add3A_1278 : vector<16xi32>
      %get3A_1280 = arith.constant 960 : index
      %get3A_1281 = tpu.vector_load %arg5[%get3A_1280] {strides = array<i32>} : memref<1024xi32, #tpu.memory_space<vmem>>, vector<16xi32>,
      %sub3A_1282 = vector.broadcast %mul3A_78 : i32 to vector<16xi32>
      %sub3A_1283 = arith.subi %get3A_1281, %sub3A_1282 : vector<16xi32>
      %ge3A_1284 = arith.constant 0 : i32
      %ge3A_1285 = vector.broadcast %ge3A_1284 : i32 to vector<16xi32>
      %ge3A_1286 = arith.cmpi sge, %sub3A_1283, %ge3A_1285 : vector<16xi32>
      %lt3A_1287 = arith.constant 125 : i32
      %lt3A_1288 = vector.broadcast %lt3A_1287 : i32 to vector<16xi32>
      %lt3A_1289 = arith.cmpi slt, %sub3A_1283, %lt3A_1288 : vector<16xi32>
      %and3A_1290 = arith.andi %ge3A_1286, %lt3A_1289 : vector<16xi1>
      %max3A_1291 = arith.constant 0 : i32
      %max3A_1292 = vector.broadcast %max3A_1291 : i32 to vector<16xi32>
      %max3A_1293 = arith.maxsi %sub3A_1283, %max3A_1292 : vector<16xi32>
      %min3A_1294 = arith.constant 124 : i32
      %min3A_1295 = vector.broadcast %min3A_1294 : i32 to vector<16xi32>
      %min3A_1296 = arith.minsi %max3A_1293, %min3A_1295 : vector<16xi32>
      tpu.vector_store_idx %arg6[%min3A_1296, %add3A_1279], %broadcast_in_dim3A_1 masked %and3A_1290 : memref<125x1024xf32, #tpu.memory_space<vmem>>[vector<16xi32>, vector<16xi32>], vector<16xf32>, vector<16xi1>
      %add3A_1297 = arith.constant 976 : i32
      %add3A_1298 = vector.broadcast %add3A_1297 : i32 to vector<16xi32>
      %add3A_1299 = arith.addi %iota3A, %add3A_1298 : vector<16xi32>
      %get3A_1300 = arith.constant 976 : index
      %get3A_1301 = tpu.vector_load %arg5[%get3A_1300] {strides = array<i32>} : memref<1024xi32, #tpu.memory_space<vmem>>, vector<16xi32>,
      %sub3A_1302 = vector.broadcast %mul3A_78 : i32 to vector<16xi32>
      %sub3A_1303 = arith.subi %get3A_1301, %sub3A_1302 : vector<16xi32>
      %ge3A_1304 = arith.constant 0 : i32
      %ge3A_1305 = vector.broadcast %ge3A_1304 : i32 to vector<16xi32>
      %ge3A_1306 = arith.cmpi sge, %sub3A_1303, %ge3A_1305 : vector<16xi32>
      %lt3A_1307 = arith.constant 125 : i32
      %lt3A_1308 = vector.broadcast %lt3A_1307 : i32 to vector<16xi32>
      %lt3A_1309 = arith.cmpi slt, %sub3A_1303, %lt3A_1308 : vector<16xi32>
      %and3A_1310 = arith.andi %ge3A_1306, %lt3A_1309 : vector<16xi1>
      %max3A_1311 = arith.constant 0 : i32
      %max3A_1312 = vector.broadcast %max3A_1311 : i32 to vector<16xi32>
      %max3A_1313 = arith.maxsi %sub3A_1303, %max3A_1312 : vector<16xi32>
      %min3A_1314 = arith.constant 124 : i32
      %min3A_1315 = vector.broadcast %min3A_1314 : i32 to vector<16xi32>
      %min3A_1316 = arith.minsi %max3A_1313, %min3A_1315 : vector<16xi32>
      tpu.vector_store_idx %arg6[%min3A_1316, %add3A_1299], %broadcast_in_dim3A_1 masked %and3A_1310 : memref<125x1024xf32, #tpu.memory_space<vmem>>[vector<16xi32>, vector<16xi32>], vector<16xf32>, vector<16xi1>
      %add3A_1317 = arith.constant 992 : i32
      %add3A_1318 = vector.broadcast %add3A_1317 : i32 to vector<16xi32>
      %add3A_1319 = arith.addi %iota3A, %add3A_1318 : vector<16xi32>
      %get3A_1320 = arith.constant 992 : index
      %get3A_1321 = tpu.vector_load %arg5[%get3A_1320] {strides = array<i32>} : memref<1024xi32, #tpu.memory_space<vmem>>, vector<16xi32>,
      %sub3A_1322 = vector.broadcast %mul3A_78 : i32 to vector<16xi32>
      %sub3A_1323 = arith.subi %get3A_1321, %sub3A_1322 : vector<16xi32>
      %ge3A_1324 = arith.constant 0 : i32
      %ge3A_1325 = vector.broadcast %ge3A_1324 : i32 to vector<16xi32>
      %ge3A_1326 = arith.cmpi sge, %sub3A_1323, %ge3A_1325 : vector<16xi32>
      %lt3A_1327 = arith.constant 125 : i32
      %lt3A_1328 = vector.broadcast %lt3A_1327 : i32 to vector<16xi32>
      %lt3A_1329 = arith.cmpi slt, %sub3A_1323, %lt3A_1328 : vector<16xi32>
      %and3A_1330 = arith.andi %ge3A_1326, %lt3A_1329 : vector<16xi1>
      %max3A_1331 = arith.constant 0 : i32
      %max3A_1332 = vector.broadcast %max3A_1331 : i32 to vector<16xi32>
      %max3A_1333 = arith.maxsi %sub3A_1323, %max3A_1332 : vector<16xi32>
      %min3A_1334 = arith.constant 124 : i32
      %min3A_1335 = vector.broadcast %min3A_1334 : i32 to vector<16xi32>
      %min3A_1336 = arith.minsi %max3A_1333, %min3A_1335 : vector<16xi32>
      tpu.vector_store_idx %arg6[%min3A_1336, %add3A_1319], %broadcast_in_dim3A_1 masked %and3A_1330 : memref<125x1024xf32, #tpu.memory_space<vmem>>[vector<16xi32>, vector<16xi32>], vector<16xf32>, vector<16xi1>
      %add3A_1337 = arith.constant 1008 : i32
      %add3A_1338 = vector.broadcast %add3A_1337 : i32 to vector<16xi32>
      %add3A_1339 = arith.addi %iota3A, %add3A_1338 : vector<16xi32>
      %get3A_1340 = arith.constant 1008 : index
      %get3A_1341 = tpu.vector_load %arg5[%get3A_1340] {strides = array<i32>} : memref<1024xi32, #tpu.memory_space<vmem>>, vector<16xi32>,
      %sub3A_1342 = vector.broadcast %mul3A_78 : i32 to vector<16xi32>
      %sub3A_1343 = arith.subi %get3A_1341, %sub3A_1342 : vector<16xi32>
      %ge3A_1344 = arith.constant 0 : i32
      %ge3A_1345 = vector.broadcast %ge3A_1344 : i32 to vector<16xi32>
      %ge3A_1346 = arith.cmpi sge, %sub3A_1343, %ge3A_1345 : vector<16xi32>
      %lt3A_1347 = arith.constant 125 : i32
      %lt3A_1348 = vector.broadcast %lt3A_1347 : i32 to vector<16xi32>
      %lt3A_1349 = arith.cmpi slt, %sub3A_1343, %lt3A_1348 : vector<16xi32>
      %and3A_1350 = arith.andi %ge3A_1346, %lt3A_1349 : vector<16xi1>
      %max3A_1351 = arith.constant 0 : i32
      %max3A_1352 = vector.broadcast %max3A_1351 : i32 to vector<16xi32>
      %max3A_1353 = arith.maxsi %sub3A_1343, %max3A_1352 : vector<16xi32>
      %min3A_1354 = arith.constant 124 : i32
      %min3A_1355 = vector.broadcast %min3A_1354 : i32 to vector<16xi32>
      %min3A_1356 = arith.minsi %max3A_1353, %min3A_1355 : vector<16xi32>
      tpu.vector_store_idx %arg6[%min3A_1356, %add3A_1339], %broadcast_in_dim3A_1 masked %and3A_1350 : memref<125x1024xf32, #tpu.memory_space<vmem>>[vector<16xi32>, vector<16xi32>], vector<16xf32>, vector<16xi1>
      "tpu.region"() ({
        %run_scoped3A = tpu.sem_alloc : memref<!tpu.dma_semaphore, #tpu.memory_space<semaphore_mem>>
        %dma_start3A = arith.constant 0 : i32
        %dma_start3A_2637 = arith.constant 0 : i32
        %dma_start3A_2638 = tpu.memref_slice %arg4[%select_n3A_62, %dma_start3A, %dma_start3A_2637] : memref<50x1000x1024xf32, #tpu.memory_space<hbm>> -> memref<1x1000x1024xf32, #tpu.memory_space<hbm>>
        %dma_start3A_2639 = tpu.memref_squeeze %dma_start3A_2638 : memref<1x1000x1024xf32, #tpu.memory_space<hbm>> -> memref<1000x1024xf32, #tpu.memory_space<hbm>>
        %dma_start3A_2640 = arith.constant 0 : i32
        %dma_start3A_2641 = tpu.memref_slice %dma_start3A_2639[%mul3A_78, %dma_start3A_2640] : memref<1000x1024xf32, #tpu.memory_space<hbm>> -> memref<125x1024xf32, #tpu.memory_space<hbm>>
        %dma_start3A_2642 = arith.constant 0 : i32
        %dma_start3A_2643 = arith.constant 0 : i32
        %dma_start3A_2644 = tpu.memref_slice %arg4[%select_n3A_62, %dma_start3A_2642, %dma_start3A_2643] : memref<50x1000x1024xf32, #tpu.memory_space<hbm>> -> memref<1x1000x1024xf32, #tpu.memory_space<hbm>>
        %dma_start3A_2645 = tpu.memref_squeeze %dma_start3A_2644 : memref<1x1000x1024xf32, #tpu.memory_space<hbm>> -> memref<1000x1024xf32, #tpu.memory_space<hbm>>
        %dma_start3A_2646 = arith.constant 0 : i32
        %dma_start3A_2647 = tpu.memref_slice %dma_start3A_2645[%mul3A_78, %dma_start3A_2646] : memref<1000x1024xf32, #tpu.memory_space<hbm>> -> memref<125x1024xf32, #tpu.memory_space<hbm>>
        tpu.enqueue_dma source(%arg6 : memref<125x1024xf32, #tpu.memory_space<vmem>>) target(%dma_start3A_2647 : memref<125x1024xf32, #tpu.memory_space<hbm>>) target_semaphore(%run_scoped3A : memref<!tpu.dma_semaphore, #tpu.memory_space<semaphore_mem>>)
        %dma_wait3A = arith.constant 0 : i32
        %dma_wait3A_2648 = arith.constant 0 : i32
        %dma_wait3A_2649 = tpu.memref_slice %arg4[%select_n3A_62, %dma_wait3A, %dma_wait3A_2648] : memref<50x1000x1024xf32, #tpu.memory_space<hbm>> -> memref<1x1000x1024xf32, #tpu.memory_space<hbm>>
        %dma_wait3A_2650 = tpu.memref_squeeze %dma_wait3A_2649 : memref<1x1000x1024xf32, #tpu.memory_space<hbm>> -> memref<1000x1024xf32, #tpu.memory_space<hbm>>
        %dma_wait3A_2651 = arith.constant 0 : i32
        %dma_wait3A_2652 = tpu.memref_slice %dma_wait3A_2650[%mul3A_78, %dma_wait3A_2651] : memref<1000x1024xf32, #tpu.memory_space<hbm>> -> memref<125x1024xf32, #tpu.memory_space<hbm>>
        %dma_wait3A_2653 = arith.constant 0 : i32
        %dma_wait3A_2654 = arith.constant 0 : i32
        %dma_wait3A_2655 = tpu.memref_slice %arg4[%select_n3A_62, %dma_wait3A_2653, %dma_wait3A_2654] : memref<50x1000x1024xf32, #tpu.memory_space<hbm>> -> memref<1x1000x1024xf32, #tpu.memory_space<hbm>>
        %dma_wait3A_2656 = tpu.memref_squeeze %dma_wait3A_2655 : memref<1x1000x1024xf32, #tpu.memory_space<hbm>> -> memref<1000x1024xf32, #tpu.memory_space<hbm>>
        %dma_wait3A_2657 = arith.constant 0 : i32
        %dma_wait3A_2658 = tpu.memref_slice %dma_wait3A_2656[%mul3A_78, %dma_wait3A_2657] : memref<1000x1024xf32, #tpu.memory_space<hbm>> -> memref<125x1024xf32, #tpu.memory_space<hbm>>
        tpu.wait_dma2 semaphore(%run_scoped3A : memref<!tpu.dma_semaphore, #tpu.memory_space<semaphore_mem>>) src(%arg6 : memref<125x1024xf32, #tpu.memory_space<vmem>>) dst(%dma_wait3A_2658 : memref<125x1024xf32, #tpu.memory_space<hbm>>)
        tpu.yield
      }) : () -> ()
      %add3A_1357 = arith.constant 0 : i32
      %add3A_1358 = vector.broadcast %add3A_1357 : i32 to vector<16xi32>
      %add3A_1359 = arith.addi %iota3A, %add3A_1358 : vector<16xi32>
      %get3A_1360 = arith.constant 0 : index
      %get3A_1361 = tpu.vector_load %arg5[%get3A_1360] {strides = array<i32>} : memref<1024xi32, #tpu.memory_space<vmem>>, vector<16xi32>,
      %sub3A_1362 = vector.broadcast %mul3A_78 : i32 to vector<16xi32>
      %sub3A_1363 = arith.subi %get3A_1361, %sub3A_1362 : vector<16xi32>
      %ge3A_1364 = arith.constant 0 : i32
      %ge3A_1365 = vector.broadcast %ge3A_1364 : i32 to vector<16xi32>
      %ge3A_1366 = arith.cmpi sge, %sub3A_1363, %ge3A_1365 : vector<16xi32>
      %lt3A_1367 = arith.constant 125 : i32
      %lt3A_1368 = vector.broadcast %lt3A_1367 : i32 to vector<16xi32>
      %lt3A_1369 = arith.cmpi slt, %sub3A_1363, %lt3A_1368 : vector<16xi32>
      %and3A_1370 = arith.andi %ge3A_1366, %lt3A_1369 : vector<16xi1>
      %max3A_1371 = arith.constant 0 : i32
      %max3A_1372 = vector.broadcast %max3A_1371 : i32 to vector<16xi32>
      %max3A_1373 = arith.maxsi %sub3A_1363, %max3A_1372 : vector<16xi32>
      %min3A_1374 = arith.constant 124 : i32
      %min3A_1375 = vector.broadcast %min3A_1374 : i32 to vector<16xi32>
      %min3A_1376 = arith.minsi %max3A_1373, %min3A_1375 : vector<16xi32>
      tpu.vector_store_idx %arg6[%min3A_1376, %add3A_1359], %broadcast_in_dim3A_3 masked %and3A_1370 : memref<125x1024xf32, #tpu.memory_space<vmem>>[vector<16xi32>, vector<16xi32>], vector<16xf32>, vector<16xi1>
      %add3A_1377 = arith.constant 16 : i32
      %add3A_1378 = vector.broadcast %add3A_1377 : i32 to vector<16xi32>
      %add3A_1379 = arith.addi %iota3A, %add3A_1378 : vector<16xi32>
      %get3A_1380 = arith.constant 16 : index
      %get3A_1381 = tpu.vector_load %arg5[%get3A_1380] {strides = array<i32>} : memref<1024xi32, #tpu.memory_space<vmem>>, vector<16xi32>,
      %sub3A_1382 = vector.broadcast %mul3A_78 : i32 to vector<16xi32>
      %sub3A_1383 = arith.subi %get3A_1381, %sub3A_1382 : vector<16xi32>
      %ge3A_1384 = arith.constant 0 : i32
      %ge3A_1385 = vector.broadcast %ge3A_1384 : i32 to vector<16xi32>
      %ge3A_1386 = arith.cmpi sge, %sub3A_1383, %ge3A_1385 : vector<16xi32>
      %lt3A_1387 = arith.constant 125 : i32
      %lt3A_1388 = vector.broadcast %lt3A_1387 : i32 to vector<16xi32>
      %lt3A_1389 = arith.cmpi slt, %sub3A_1383, %lt3A_1388 : vector<16xi32>
      %and3A_1390 = arith.andi %ge3A_1386, %lt3A_1389 : vector<16xi1>
      %max3A_1391 = arith.constant 0 : i32
      %max3A_1392 = vector.broadcast %max3A_1391 : i32 to vector<16xi32>
      %max3A_1393 = arith.maxsi %sub3A_1383, %max3A_1392 : vector<16xi32>
      %min3A_1394 = arith.constant 124 : i32
      %min3A_1395 = vector.broadcast %min3A_1394 : i32 to vector<16xi32>
      %min3A_1396 = arith.minsi %max3A_1393, %min3A_1395 : vector<16xi32>
      tpu.vector_store_idx %arg6[%min3A_1396, %add3A_1379], %broadcast_in_dim3A_3 masked %and3A_1390 : memref<125x1024xf32, #tpu.memory_space<vmem>>[vector<16xi32>, vector<16xi32>], vector<16xf32>, vector<16xi1>
      %add3A_1397 = arith.constant 32 : i32
      %add3A_1398 = vector.broadcast %add3A_1397 : i32 to vector<16xi32>
      %add3A_1399 = arith.addi %iota3A, %add3A_1398 : vector<16xi32>
      %get3A_1400 = arith.constant 32 : index
      %get3A_1401 = tpu.vector_load %arg5[%get3A_1400] {strides = array<i32>} : memref<1024xi32, #tpu.memory_space<vmem>>, vector<16xi32>,
      %sub3A_1402 = vector.broadcast %mul3A_78 : i32 to vector<16xi32>
      %sub3A_1403 = arith.subi %get3A_1401, %sub3A_1402 : vector<16xi32>
      %ge3A_1404 = arith.constant 0 : i32
      %ge3A_1405 = vector.broadcast %ge3A_1404 : i32 to vector<16xi32>
      %ge3A_1406 = arith.cmpi sge, %sub3A_1403, %ge3A_1405 : vector<16xi32>
      %lt3A_1407 = arith.constant 125 : i32
      %lt3A_1408 = vector.broadcast %lt3A_1407 : i32 to vector<16xi32>
      %lt3A_1409 = arith.cmpi slt, %sub3A_1403, %lt3A_1408 : vector<16xi32>
      %and3A_1410 = arith.andi %ge3A_1406, %lt3A_1409 : vector<16xi1>
      %max3A_1411 = arith.constant 0 : i32
      %max3A_1412 = vector.broadcast %max3A_1411 : i32 to vector<16xi32>
      %max3A_1413 = arith.maxsi %sub3A_1403, %max3A_1412 : vector<16xi32>
      %min3A_1414 = arith.constant 124 : i32
      %min3A_1415 = vector.broadcast %min3A_1414 : i32 to vector<16xi32>
      %min3A_1416 = arith.minsi %max3A_1413, %min3A_1415 : vector<16xi32>
      tpu.vector_store_idx %arg6[%min3A_1416, %add3A_1399], %broadcast_in_dim3A_3 masked %and3A_1410 : memref<125x1024xf32, #tpu.memory_space<vmem>>[vector<16xi32>, vector<16xi32>], vector<16xf32>, vector<16xi1>
      %add3A_1417 = arith.constant 48 : i32
      %add3A_1418 = vector.broadcast %add3A_1417 : i32 to vector<16xi32>
      %add3A_1419 = arith.addi %iota3A, %add3A_1418 : vector<16xi32>
      %get3A_1420 = arith.constant 48 : index
      %get3A_1421 = tpu.vector_load %arg5[%get3A_1420] {strides = array<i32>} : memref<1024xi32, #tpu.memory_space<vmem>>, vector<16xi32>,
      %sub3A_1422 = vector.broadcast %mul3A_78 : i32 to vector<16xi32>
      %sub3A_1423 = arith.subi %get3A_1421, %sub3A_1422 : vector<16xi32>
      %ge3A_1424 = arith.constant 0 : i32
      %ge3A_1425 = vector.broadcast %ge3A_1424 : i32 to vector<16xi32>
      %ge3A_1426 = arith.cmpi sge, %sub3A_1423, %ge3A_1425 : vector<16xi32>
      %lt3A_1427 = arith.constant 125 : i32
      %lt3A_1428 = vector.broadcast %lt3A_1427 : i32 to vector<16xi32>
      %lt3A_1429 = arith.cmpi slt, %sub3A_1423, %lt3A_1428 : vector<16xi32>
      %and3A_1430 = arith.andi %ge3A_1426, %lt3A_1429 : vector<16xi1>
      %max3A_1431 = arith.constant 0 : i32
      %max3A_1432 = vector.broadcast %max3A_1431 : i32 to vector<16xi32>
      %max3A_1433 = arith.maxsi %sub3A_1423, %max3A_1432 : vector<16xi32>
      %min3A_1434 = arith.constant 124 : i32
      %min3A_1435 = vector.broadcast %min3A_1434 : i32 to vector<16xi32>
      %min3A_1436 = arith.minsi %max3A_1433, %min3A_1435 : vector<16xi32>
      tpu.vector_store_idx %arg6[%min3A_1436, %add3A_1419], %broadcast_in_dim3A_3 masked %and3A_1430 : memref<125x1024xf32, #tpu.memory_space<vmem>>[vector<16xi32>, vector<16xi32>], vector<16xf32>, vector<16xi1>
      %add3A_1437 = arith.constant 64 : i32
      %add3A_1438 = vector.broadcast %add3A_1437 : i32 to vector<16xi32>
      %add3A_1439 = arith.addi %iota3A, %add3A_1438 : vector<16xi32>
      %get3A_1440 = arith.constant 64 : index
      %get3A_1441 = tpu.vector_load %arg5[%get3A_1440] {strides = array<i32>} : memref<1024xi32, #tpu.memory_space<vmem>>, vector<16xi32>,
      %sub3A_1442 = vector.broadcast %mul3A_78 : i32 to vector<16xi32>
      %sub3A_1443 = arith.subi %get3A_1441, %sub3A_1442 : vector<16xi32>
      %ge3A_1444 = arith.constant 0 : i32
      %ge3A_1445 = vector.broadcast %ge3A_1444 : i32 to vector<16xi32>
      %ge3A_1446 = arith.cmpi sge, %sub3A_1443, %ge3A_1445 : vector<16xi32>
      %lt3A_1447 = arith.constant 125 : i32
      %lt3A_1448 = vector.broadcast %lt3A_1447 : i32 to vector<16xi32>
      %lt3A_1449 = arith.cmpi slt, %sub3A_1443, %lt3A_1448 : vector<16xi32>
      %and3A_1450 = arith.andi %ge3A_1446, %lt3A_1449 : vector<16xi1>
      %max3A_1451 = arith.constant 0 : i32
      %max3A_1452 = vector.broadcast %max3A_1451 : i32 to vector<16xi32>
      %max3A_1453 = arith.maxsi %sub3A_1443, %max3A_1452 : vector<16xi32>
      %min3A_1454 = arith.constant 124 : i32
      %min3A_1455 = vector.broadcast %min3A_1454 : i32 to vector<16xi32>
      %min3A_1456 = arith.minsi %max3A_1453, %min3A_1455 : vector<16xi32>
      tpu.vector_store_idx %arg6[%min3A_1456, %add3A_1439], %broadcast_in_dim3A_3 masked %and3A_1450 : memref<125x1024xf32, #tpu.memory_space<vmem>>[vector<16xi32>, vector<16xi32>], vector<16xf32>, vector<16xi1>
      %add3A_1457 = arith.constant 80 : i32
      %add3A_1458 = vector.broadcast %add3A_1457 : i32 to vector<16xi32>
      %add3A_1459 = arith.addi %iota3A, %add3A_1458 : vector<16xi32>
      %get3A_1460 = arith.constant 80 : index
      %get3A_1461 = tpu.vector_load %arg5[%get3A_1460] {strides = array<i32>} : memref<1024xi32, #tpu.memory_space<vmem>>, vector<16xi32>,
      %sub3A_1462 = vector.broadcast %mul3A_78 : i32 to vector<16xi32>
      %sub3A_1463 = arith.subi %get3A_1461, %sub3A_1462 : vector<16xi32>
      %ge3A_1464 = arith.constant 0 : i32
      %ge3A_1465 = vector.broadcast %ge3A_1464 : i32 to vector<16xi32>
      %ge3A_1466 = arith.cmpi sge, %sub3A_1463, %ge3A_1465 : vector<16xi32>
      %lt3A_1467 = arith.constant 125 : i32
      %lt3A_1468 = vector.broadcast %lt3A_1467 : i32 to vector<16xi32>
      %lt3A_1469 = arith.cmpi slt, %sub3A_1463, %lt3A_1468 : vector<16xi32>
      %and3A_1470 = arith.andi %ge3A_1466, %lt3A_1469 : vector<16xi1>
      %max3A_1471 = arith.constant 0 : i32
      %max3A_1472 = vector.broadcast %max3A_1471 : i32 to vector<16xi32>
      %max3A_1473 = arith.maxsi %sub3A_1463, %max3A_1472 : vector<16xi32>
      %min3A_1474 = arith.constant 124 : i32
      %min3A_1475 = vector.broadcast %min3A_1474 : i32 to vector<16xi32>
      %min3A_1476 = arith.minsi %max3A_1473, %min3A_1475 : vector<16xi32>
      tpu.vector_store_idx %arg6[%min3A_1476, %add3A_1459], %broadcast_in_dim3A_3 masked %and3A_1470 : memref<125x1024xf32, #tpu.memory_space<vmem>>[vector<16xi32>, vector<16xi32>], vector<16xf32>, vector<16xi1>
      %add3A_1477 = arith.constant 96 : i32
      %add3A_1478 = vector.broadcast %add3A_1477 : i32 to vector<16xi32>
      %add3A_1479 = arith.addi %iota3A, %add3A_1478 : vector<16xi32>
      %get3A_1480 = arith.constant 96 : index
      %get3A_1481 = tpu.vector_load %arg5[%get3A_1480] {strides = array<i32>} : memref<1024xi32, #tpu.memory_space<vmem>>, vector<16xi32>,
      %sub3A_1482 = vector.broadcast %mul3A_78 : i32 to vector<16xi32>
      %sub3A_1483 = arith.subi %get3A_1481, %sub3A_1482 : vector<16xi32>
      %ge3A_1484 = arith.constant 0 : i32
      %ge3A_1485 = vector.broadcast %ge3A_1484 : i32 to vector<16xi32>
      %ge3A_1486 = arith.cmpi sge, %sub3A_1483, %ge3A_1485 : vector<16xi32>
      %lt3A_1487 = arith.constant 125 : i32
      %lt3A_1488 = vector.broadcast %lt3A_1487 : i32 to vector<16xi32>
      %lt3A_1489 = arith.cmpi slt, %sub3A_1483, %lt3A_1488 : vector<16xi32>
      %and3A_1490 = arith.andi %ge3A_1486, %lt3A_1489 : vector<16xi1>
      %max3A_1491 = arith.constant 0 : i32
      %max3A_1492 = vector.broadcast %max3A_1491 : i32 to vector<16xi32>
      %max3A_1493 = arith.maxsi %sub3A_1483, %max3A_1492 : vector<16xi32>
      %min3A_1494 = arith.constant 124 : i32
      %min3A_1495 = vector.broadcast %min3A_1494 : i32 to vector<16xi32>
      %min3A_1496 = arith.minsi %max3A_1493, %min3A_1495 : vector<16xi32>
      tpu.vector_store_idx %arg6[%min3A_1496, %add3A_1479], %broadcast_in_dim3A_3 masked %and3A_1490 : memref<125x1024xf32, #tpu.memory_space<vmem>>[vector<16xi32>, vector<16xi32>], vector<16xf32>, vector<16xi1>
      %add3A_1497 = arith.constant 112 : i32
      %add3A_1498 = vector.broadcast %add3A_1497 : i32 to vector<16xi32>
      %add3A_1499 = arith.addi %iota3A, %add3A_1498 : vector<16xi32>
      %get3A_1500 = arith.constant 112 : index
      %get3A_1501 = tpu.vector_load %arg5[%get3A_1500] {strides = array<i32>} : memref<1024xi32, #tpu.memory_space<vmem>>, vector<16xi32>,
      %sub3A_1502 = vector.broadcast %mul3A_78 : i32 to vector<16xi32>
      %sub3A_1503 = arith.subi %get3A_1501, %sub3A_1502 : vector<16xi32>
      %ge3A_1504 = arith.constant 0 : i32
      %ge3A_1505 = vector.broadcast %ge3A_1504 : i32 to vector<16xi32>
      %ge3A_1506 = arith.cmpi sge, %sub3A_1503, %ge3A_1505 : vector<16xi32>
      %lt3A_1507 = arith.constant 125 : i32
      %lt3A_1508 = vector.broadcast %lt3A_1507 : i32 to vector<16xi32>
      %lt3A_1509 = arith.cmpi slt, %sub3A_1503, %lt3A_1508 : vector<16xi32>
      %and3A_1510 = arith.andi %ge3A_1506, %lt3A_1509 : vector<16xi1>
      %max3A_1511 = arith.constant 0 : i32
      %max3A_1512 = vector.broadcast %max3A_1511 : i32 to vector<16xi32>
      %max3A_1513 = arith.maxsi %sub3A_1503, %max3A_1512 : vector<16xi32>
      %min3A_1514 = arith.constant 124 : i32
      %min3A_1515 = vector.broadcast %min3A_1514 : i32 to vector<16xi32>
      %min3A_1516 = arith.minsi %max3A_1513, %min3A_1515 : vector<16xi32>
      tpu.vector_store_idx %arg6[%min3A_1516, %add3A_1499], %broadcast_in_dim3A_3 masked %and3A_1510 : memref<125x1024xf32, #tpu.memory_space<vmem>>[vector<16xi32>, vector<16xi32>], vector<16xf32>, vector<16xi1>
      %add3A_1517 = arith.constant 128 : i32
      %add3A_1518 = vector.broadcast %add3A_1517 : i32 to vector<16xi32>
      %add3A_1519 = arith.addi %iota3A, %add3A_1518 : vector<16xi32>
      %get3A_1520 = arith.constant 128 : index
      %get3A_1521 = tpu.vector_load %arg5[%get3A_1520] {strides = array<i32>} : memref<1024xi32, #tpu.memory_space<vmem>>, vector<16xi32>,
      %sub3A_1522 = vector.broadcast %mul3A_78 : i32 to vector<16xi32>
      %sub3A_1523 = arith.subi %get3A_1521, %sub3A_1522 : vector<16xi32>
      %ge3A_1524 = arith.constant 0 : i32
      %ge3A_1525 = vector.broadcast %ge3A_1524 : i32 to vector<16xi32>
      %ge3A_1526 = arith.cmpi sge, %sub3A_1523, %ge3A_1525 : vector<16xi32>
      %lt3A_1527 = arith.constant 125 : i32
      %lt3A_1528 = vector.broadcast %lt3A_1527 : i32 to vector<16xi32>
      %lt3A_1529 = arith.cmpi slt, %sub3A_1523, %lt3A_1528 : vector<16xi32>
      %and3A_1530 = arith.andi %ge3A_1526, %lt3A_1529 : vector<16xi1>
      %max3A_1531 = arith.constant 0 : i32
      %max3A_1532 = vector.broadcast %max3A_1531 : i32 to vector<16xi32>
      %max3A_1533 = arith.maxsi %sub3A_1523, %max3A_1532 : vector<16xi32>
      %min3A_1534 = arith.constant 124 : i32
      %min3A_1535 = vector.broadcast %min3A_1534 : i32 to vector<16xi32>
      %min3A_1536 = arith.minsi %max3A_1533, %min3A_1535 : vector<16xi32>
      tpu.vector_store_idx %arg6[%min3A_1536, %add3A_1519], %broadcast_in_dim3A_3 masked %and3A_1530 : memref<125x1024xf32, #tpu.memory_space<vmem>>[vector<16xi32>, vector<16xi32>], vector<16xf32>, vector<16xi1>
      %add3A_1537 = arith.constant 144 : i32
      %add3A_1538 = vector.broadcast %add3A_1537 : i32 to vector<16xi32>
      %add3A_1539 = arith.addi %iota3A, %add3A_1538 : vector<16xi32>
      %get3A_1540 = arith.constant 144 : index
      %get3A_1541 = tpu.vector_load %arg5[%get3A_1540] {strides = array<i32>} : memref<1024xi32, #tpu.memory_space<vmem>>, vector<16xi32>,
      %sub3A_1542 = vector.broadcast %mul3A_78 : i32 to vector<16xi32>
      %sub3A_1543 = arith.subi %get3A_1541, %sub3A_1542 : vector<16xi32>
      %ge3A_1544 = arith.constant 0 : i32
      %ge3A_1545 = vector.broadcast %ge3A_1544 : i32 to vector<16xi32>
      %ge3A_1546 = arith.cmpi sge, %sub3A_1543, %ge3A_1545 : vector<16xi32>
      %lt3A_1547 = arith.constant 125 : i32
      %lt3A_1548 = vector.broadcast %lt3A_1547 : i32 to vector<16xi32>
      %lt3A_1549 = arith.cmpi slt, %sub3A_1543, %lt3A_1548 : vector<16xi32>
      %and3A_1550 = arith.andi %ge3A_1546, %lt3A_1549 : vector<16xi1>
      %max3A_1551 = arith.constant 0 : i32
      %max3A_1552 = vector.broadcast %max3A_1551 : i32 to vector<16xi32>
      %max3A_1553 = arith.maxsi %sub3A_1543, %max3A_1552 : vector<16xi32>
      %min3A_1554 = arith.constant 124 : i32
      %min3A_1555 = vector.broadcast %min3A_1554 : i32 to vector<16xi32>
      %min3A_1556 = arith.minsi %max3A_1553, %min3A_1555 : vector<16xi32>
      tpu.vector_store_idx %arg6[%min3A_1556, %add3A_1539], %broadcast_in_dim3A_3 masked %and3A_1550 : memref<125x1024xf32, #tpu.memory_space<vmem>>[vector<16xi32>, vector<16xi32>], vector<16xf32>, vector<16xi1>
      %add3A_1557 = arith.constant 160 : i32
      %add3A_1558 = vector.broadcast %add3A_1557 : i32 to vector<16xi32>
      %add3A_1559 = arith.addi %iota3A, %add3A_1558 : vector<16xi32>
      %get3A_1560 = arith.constant 160 : index
      %get3A_1561 = tpu.vector_load %arg5[%get3A_1560] {strides = array<i32>} : memref<1024xi32, #tpu.memory_space<vmem>>, vector<16xi32>,
      %sub3A_1562 = vector.broadcast %mul3A_78 : i32 to vector<16xi32>
      %sub3A_1563 = arith.subi %get3A_1561, %sub3A_1562 : vector<16xi32>
      %ge3A_1564 = arith.constant 0 : i32
      %ge3A_1565 = vector.broadcast %ge3A_1564 : i32 to vector<16xi32>
      %ge3A_1566 = arith.cmpi sge, %sub3A_1563, %ge3A_1565 : vector<16xi32>
      %lt3A_1567 = arith.constant 125 : i32
      %lt3A_1568 = vector.broadcast %lt3A_1567 : i32 to vector<16xi32>
      %lt3A_1569 = arith.cmpi slt, %sub3A_1563, %lt3A_1568 : vector<16xi32>
      %and3A_1570 = arith.andi %ge3A_1566, %lt3A_1569 : vector<16xi1>
      %max3A_1571 = arith.constant 0 : i32
      %max3A_1572 = vector.broadcast %max3A_1571 : i32 to vector<16xi32>
      %max3A_1573 = arith.maxsi %sub3A_1563, %max3A_1572 : vector<16xi32>
      %min3A_1574 = arith.constant 124 : i32
      %min3A_1575 = vector.broadcast %min3A_1574 : i32 to vector<16xi32>
      %min3A_1576 = arith.minsi %max3A_1573, %min3A_1575 : vector<16xi32>
      tpu.vector_store_idx %arg6[%min3A_1576, %add3A_1559], %broadcast_in_dim3A_3 masked %and3A_1570 : memref<125x1024xf32, #tpu.memory_space<vmem>>[vector<16xi32>, vector<16xi32>], vector<16xf32>, vector<16xi1>
      %add3A_1577 = arith.constant 176 : i32
      %add3A_1578 = vector.broadcast %add3A_1577 : i32 to vector<16xi32>
      %add3A_1579 = arith.addi %iota3A, %add3A_1578 : vector<16xi32>
      %get3A_1580 = arith.constant 176 : index
      %get3A_1581 = tpu.vector_load %arg5[%get3A_1580] {strides = array<i32>} : memref<1024xi32, #tpu.memory_space<vmem>>, vector<16xi32>,
      %sub3A_1582 = vector.broadcast %mul3A_78 : i32 to vector<16xi32>
      %sub3A_1583 = arith.subi %get3A_1581, %sub3A_1582 : vector<16xi32>
      %ge3A_1584 = arith.constant 0 : i32
      %ge3A_1585 = vector.broadcast %ge3A_1584 : i32 to vector<16xi32>
      %ge3A_1586 = arith.cmpi sge, %sub3A_1583, %ge3A_1585 : vector<16xi32>
      %lt3A_1587 = arith.constant 125 : i32
      %lt3A_1588 = vector.broadcast %lt3A_1587 : i32 to vector<16xi32>
      %lt3A_1589 = arith.cmpi slt, %sub3A_1583, %lt3A_1588 : vector<16xi32>
      %and3A_1590 = arith.andi %ge3A_1586, %lt3A_1589 : vector<16xi1>
      %max3A_1591 = arith.constant 0 : i32
      %max3A_1592 = vector.broadcast %max3A_1591 : i32 to vector<16xi32>
      %max3A_1593 = arith.maxsi %sub3A_1583, %max3A_1592 : vector<16xi32>
      %min3A_1594 = arith.constant 124 : i32
      %min3A_1595 = vector.broadcast %min3A_1594 : i32 to vector<16xi32>
      %min3A_1596 = arith.minsi %max3A_1593, %min3A_1595 : vector<16xi32>
      tpu.vector_store_idx %arg6[%min3A_1596, %add3A_1579], %broadcast_in_dim3A_3 masked %and3A_1590 : memref<125x1024xf32, #tpu.memory_space<vmem>>[vector<16xi32>, vector<16xi32>], vector<16xf32>, vector<16xi1>
      %add3A_1597 = arith.constant 192 : i32
      %add3A_1598 = vector.broadcast %add3A_1597 : i32 to vector<16xi32>
      %add3A_1599 = arith.addi %iota3A, %add3A_1598 : vector<16xi32>
      %get3A_1600 = arith.constant 192 : index
      %get3A_1601 = tpu.vector_load %arg5[%get3A_1600] {strides = array<i32>} : memref<1024xi32, #tpu.memory_space<vmem>>, vector<16xi32>,
      %sub3A_1602 = vector.broadcast %mul3A_78 : i32 to vector<16xi32>
      %sub3A_1603 = arith.subi %get3A_1601, %sub3A_1602 : vector<16xi32>
      %ge3A_1604 = arith.constant 0 : i32
      %ge3A_1605 = vector.broadcast %ge3A_1604 : i32 to vector<16xi32>
      %ge3A_1606 = arith.cmpi sge, %sub3A_1603, %ge3A_1605 : vector<16xi32>
      %lt3A_1607 = arith.constant 125 : i32
      %lt3A_1608 = vector.broadcast %lt3A_1607 : i32 to vector<16xi32>
      %lt3A_1609 = arith.cmpi slt, %sub3A_1603, %lt3A_1608 : vector<16xi32>
      %and3A_1610 = arith.andi %ge3A_1606, %lt3A_1609 : vector<16xi1>
      %max3A_1611 = arith.constant 0 : i32
      %max3A_1612 = vector.broadcast %max3A_1611 : i32 to vector<16xi32>
      %max3A_1613 = arith.maxsi %sub3A_1603, %max3A_1612 : vector<16xi32>
      %min3A_1614 = arith.constant 124 : i32
      %min3A_1615 = vector.broadcast %min3A_1614 : i32 to vector<16xi32>
      %min3A_1616 = arith.minsi %max3A_1613, %min3A_1615 : vector<16xi32>
      tpu.vector_store_idx %arg6[%min3A_1616, %add3A_1599], %broadcast_in_dim3A_3 masked %and3A_1610 : memref<125x1024xf32, #tpu.memory_space<vmem>>[vector<16xi32>, vector<16xi32>], vector<16xf32>, vector<16xi1>
      %add3A_1617 = arith.constant 208 : i32
      %add3A_1618 = vector.broadcast %add3A_1617 : i32 to vector<16xi32>
      %add3A_1619 = arith.addi %iota3A, %add3A_1618 : vector<16xi32>
      %get3A_1620 = arith.constant 208 : index
      %get3A_1621 = tpu.vector_load %arg5[%get3A_1620] {strides = array<i32>} : memref<1024xi32, #tpu.memory_space<vmem>>, vector<16xi32>,
      %sub3A_1622 = vector.broadcast %mul3A_78 : i32 to vector<16xi32>
      %sub3A_1623 = arith.subi %get3A_1621, %sub3A_1622 : vector<16xi32>
      %ge3A_1624 = arith.constant 0 : i32
      %ge3A_1625 = vector.broadcast %ge3A_1624 : i32 to vector<16xi32>
      %ge3A_1626 = arith.cmpi sge, %sub3A_1623, %ge3A_1625 : vector<16xi32>
      %lt3A_1627 = arith.constant 125 : i32
      %lt3A_1628 = vector.broadcast %lt3A_1627 : i32 to vector<16xi32>
      %lt3A_1629 = arith.cmpi slt, %sub3A_1623, %lt3A_1628 : vector<16xi32>
      %and3A_1630 = arith.andi %ge3A_1626, %lt3A_1629 : vector<16xi1>
      %max3A_1631 = arith.constant 0 : i32
      %max3A_1632 = vector.broadcast %max3A_1631 : i32 to vector<16xi32>
      %max3A_1633 = arith.maxsi %sub3A_1623, %max3A_1632 : vector<16xi32>
      %min3A_1634 = arith.constant 124 : i32
      %min3A_1635 = vector.broadcast %min3A_1634 : i32 to vector<16xi32>
      %min3A_1636 = arith.minsi %max3A_1633, %min3A_1635 : vector<16xi32>
      tpu.vector_store_idx %arg6[%min3A_1636, %add3A_1619], %broadcast_in_dim3A_3 masked %and3A_1630 : memref<125x1024xf32, #tpu.memory_space<vmem>>[vector<16xi32>, vector<16xi32>], vector<16xf32>, vector<16xi1>
      %add3A_1637 = arith.constant 224 : i32
      %add3A_1638 = vector.broadcast %add3A_1637 : i32 to vector<16xi32>
      %add3A_1639 = arith.addi %iota3A, %add3A_1638 : vector<16xi32>
      %get3A_1640 = arith.constant 224 : index
      %get3A_1641 = tpu.vector_load %arg5[%get3A_1640] {strides = array<i32>} : memref<1024xi32, #tpu.memory_space<vmem>>, vector<16xi32>,
      %sub3A_1642 = vector.broadcast %mul3A_78 : i32 to vector<16xi32>
      %sub3A_1643 = arith.subi %get3A_1641, %sub3A_1642 : vector<16xi32>
      %ge3A_1644 = arith.constant 0 : i32
      %ge3A_1645 = vector.broadcast %ge3A_1644 : i32 to vector<16xi32>
      %ge3A_1646 = arith.cmpi sge, %sub3A_1643, %ge3A_1645 : vector<16xi32>
      %lt3A_1647 = arith.constant 125 : i32
      %lt3A_1648 = vector.broadcast %lt3A_1647 : i32 to vector<16xi32>
      %lt3A_1649 = arith.cmpi slt, %sub3A_1643, %lt3A_1648 : vector<16xi32>
      %and3A_1650 = arith.andi %ge3A_1646, %lt3A_1649 : vector<16xi1>
      %max3A_1651 = arith.constant 0 : i32
      %max3A_1652 = vector.broadcast %max3A_1651 : i32 to vector<16xi32>
      %max3A_1653 = arith.maxsi %sub3A_1643, %max3A_1652 : vector<16xi32>
      %min3A_1654 = arith.constant 124 : i32
      %min3A_1655 = vector.broadcast %min3A_1654 : i32 to vector<16xi32>
      %min3A_1656 = arith.minsi %max3A_1653, %min3A_1655 : vector<16xi32>
      tpu.vector_store_idx %arg6[%min3A_1656, %add3A_1639], %broadcast_in_dim3A_3 masked %and3A_1650 : memref<125x1024xf32, #tpu.memory_space<vmem>>[vector<16xi32>, vector<16xi32>], vector<16xf32>, vector<16xi1>
      %add3A_1657 = arith.constant 240 : i32
      %add3A_1658 = vector.broadcast %add3A_1657 : i32 to vector<16xi32>
      %add3A_1659 = arith.addi %iota3A, %add3A_1658 : vector<16xi32>
      %get3A_1660 = arith.constant 240 : index
      %get3A_1661 = tpu.vector_load %arg5[%get3A_1660] {strides = array<i32>} : memref<1024xi32, #tpu.memory_space<vmem>>, vector<16xi32>,
      %sub3A_1662 = vector.broadcast %mul3A_78 : i32 to vector<16xi32>
      %sub3A_1663 = arith.subi %get3A_1661, %sub3A_1662 : vector<16xi32>
      %ge3A_1664 = arith.constant 0 : i32
      %ge3A_1665 = vector.broadcast %ge3A_1664 : i32 to vector<16xi32>
      %ge3A_1666 = arith.cmpi sge, %sub3A_1663, %ge3A_1665 : vector<16xi32>
      %lt3A_1667 = arith.constant 125 : i32
      %lt3A_1668 = vector.broadcast %lt3A_1667 : i32 to vector<16xi32>
      %lt3A_1669 = arith.cmpi slt, %sub3A_1663, %lt3A_1668 : vector<16xi32>
      %and3A_1670 = arith.andi %ge3A_1666, %lt3A_1669 : vector<16xi1>
      %max3A_1671 = arith.constant 0 : i32
      %max3A_1672 = vector.broadcast %max3A_1671 : i32 to vector<16xi32>
      %max3A_1673 = arith.maxsi %sub3A_1663, %max3A_1672 : vector<16xi32>
      %min3A_1674 = arith.constant 124 : i32
      %min3A_1675 = vector.broadcast %min3A_1674 : i32 to vector<16xi32>
      %min3A_1676 = arith.minsi %max3A_1673, %min3A_1675 : vector<16xi32>
      tpu.vector_store_idx %arg6[%min3A_1676, %add3A_1659], %broadcast_in_dim3A_3 masked %and3A_1670 : memref<125x1024xf32, #tpu.memory_space<vmem>>[vector<16xi32>, vector<16xi32>], vector<16xf32>, vector<16xi1>
      %add3A_1677 = arith.constant 256 : i32
      %add3A_1678 = vector.broadcast %add3A_1677 : i32 to vector<16xi32>
      %add3A_1679 = arith.addi %iota3A, %add3A_1678 : vector<16xi32>
      %get3A_1680 = arith.constant 256 : index
      %get3A_1681 = tpu.vector_load %arg5[%get3A_1680] {strides = array<i32>} : memref<1024xi32, #tpu.memory_space<vmem>>, vector<16xi32>,
      %sub3A_1682 = vector.broadcast %mul3A_78 : i32 to vector<16xi32>
      %sub3A_1683 = arith.subi %get3A_1681, %sub3A_1682 : vector<16xi32>
      %ge3A_1684 = arith.constant 0 : i32
      %ge3A_1685 = vector.broadcast %ge3A_1684 : i32 to vector<16xi32>
      %ge3A_1686 = arith.cmpi sge, %sub3A_1683, %ge3A_1685 : vector<16xi32>
      %lt3A_1687 = arith.constant 125 : i32
      %lt3A_1688 = vector.broadcast %lt3A_1687 : i32 to vector<16xi32>
      %lt3A_1689 = arith.cmpi slt, %sub3A_1683, %lt3A_1688 : vector<16xi32>
      %and3A_1690 = arith.andi %ge3A_1686, %lt3A_1689 : vector<16xi1>
      %max3A_1691 = arith.constant 0 : i32
      %max3A_1692 = vector.broadcast %max3A_1691 : i32 to vector<16xi32>
      %max3A_1693 = arith.maxsi %sub3A_1683, %max3A_1692 : vector<16xi32>
      %min3A_1694 = arith.constant 124 : i32
      %min3A_1695 = vector.broadcast %min3A_1694 : i32 to vector<16xi32>
      %min3A_1696 = arith.minsi %max3A_1693, %min3A_1695 : vector<16xi32>
      tpu.vector_store_idx %arg6[%min3A_1696, %add3A_1679], %broadcast_in_dim3A_3 masked %and3A_1690 : memref<125x1024xf32, #tpu.memory_space<vmem>>[vector<16xi32>, vector<16xi32>], vector<16xf32>, vector<16xi1>
      %add3A_1697 = arith.constant 272 : i32
      %add3A_1698 = vector.broadcast %add3A_1697 : i32 to vector<16xi32>
      %add3A_1699 = arith.addi %iota3A, %add3A_1698 : vector<16xi32>
      %get3A_1700 = arith.constant 272 : index
      %get3A_1701 = tpu.vector_load %arg5[%get3A_1700] {strides = array<i32>} : memref<1024xi32, #tpu.memory_space<vmem>>, vector<16xi32>,
      %sub3A_1702 = vector.broadcast %mul3A_78 : i32 to vector<16xi32>
      %sub3A_1703 = arith.subi %get3A_1701, %sub3A_1702 : vector<16xi32>
      %ge3A_1704 = arith.constant 0 : i32
      %ge3A_1705 = vector.broadcast %ge3A_1704 : i32 to vector<16xi32>
      %ge3A_1706 = arith.cmpi sge, %sub3A_1703, %ge3A_1705 : vector<16xi32>
      %lt3A_1707 = arith.constant 125 : i32
      %lt3A_1708 = vector.broadcast %lt3A_1707 : i32 to vector<16xi32>
      %lt3A_1709 = arith.cmpi slt, %sub3A_1703, %lt3A_1708 : vector<16xi32>
      %and3A_1710 = arith.andi %ge3A_1706, %lt3A_1709 : vector<16xi1>
      %max3A_1711 = arith.constant 0 : i32
      %max3A_1712 = vector.broadcast %max3A_1711 : i32 to vector<16xi32>
      %max3A_1713 = arith.maxsi %sub3A_1703, %max3A_1712 : vector<16xi32>
      %min3A_1714 = arith.constant 124 : i32
      %min3A_1715 = vector.broadcast %min3A_1714 : i32 to vector<16xi32>
      %min3A_1716 = arith.minsi %max3A_1713, %min3A_1715 : vector<16xi32>
      tpu.vector_store_idx %arg6[%min3A_1716, %add3A_1699], %broadcast_in_dim3A_3 masked %and3A_1710 : memref<125x1024xf32, #tpu.memory_space<vmem>>[vector<16xi32>, vector<16xi32>], vector<16xf32>, vector<16xi1>
      %add3A_1717 = arith.constant 288 : i32
      %add3A_1718 = vector.broadcast %add3A_1717 : i32 to vector<16xi32>
      %add3A_1719 = arith.addi %iota3A, %add3A_1718 : vector<16xi32>
      %get3A_1720 = arith.constant 288 : index
      %get3A_1721 = tpu.vector_load %arg5[%get3A_1720] {strides = array<i32>} : memref<1024xi32, #tpu.memory_space<vmem>>, vector<16xi32>,
      %sub3A_1722 = vector.broadcast %mul3A_78 : i32 to vector<16xi32>
      %sub3A_1723 = arith.subi %get3A_1721, %sub3A_1722 : vector<16xi32>
      %ge3A_1724 = arith.constant 0 : i32
      %ge3A_1725 = vector.broadcast %ge3A_1724 : i32 to vector<16xi32>
      %ge3A_1726 = arith.cmpi sge, %sub3A_1723, %ge3A_1725 : vector<16xi32>
      %lt3A_1727 = arith.constant 125 : i32
      %lt3A_1728 = vector.broadcast %lt3A_1727 : i32 to vector<16xi32>
      %lt3A_1729 = arith.cmpi slt, %sub3A_1723, %lt3A_1728 : vector<16xi32>
      %and3A_1730 = arith.andi %ge3A_1726, %lt3A_1729 : vector<16xi1>
      %max3A_1731 = arith.constant 0 : i32
      %max3A_1732 = vector.broadcast %max3A_1731 : i32 to vector<16xi32>
      %max3A_1733 = arith.maxsi %sub3A_1723, %max3A_1732 : vector<16xi32>
      %min3A_1734 = arith.constant 124 : i32
      %min3A_1735 = vector.broadcast %min3A_1734 : i32 to vector<16xi32>
      %min3A_1736 = arith.minsi %max3A_1733, %min3A_1735 : vector<16xi32>
      tpu.vector_store_idx %arg6[%min3A_1736, %add3A_1719], %broadcast_in_dim3A_3 masked %and3A_1730 : memref<125x1024xf32, #tpu.memory_space<vmem>>[vector<16xi32>, vector<16xi32>], vector<16xf32>, vector<16xi1>
      %add3A_1737 = arith.constant 304 : i32
      %add3A_1738 = vector.broadcast %add3A_1737 : i32 to vector<16xi32>
      %add3A_1739 = arith.addi %iota3A, %add3A_1738 : vector<16xi32>
      %get3A_1740 = arith.constant 304 : index
      %get3A_1741 = tpu.vector_load %arg5[%get3A_1740] {strides = array<i32>} : memref<1024xi32, #tpu.memory_space<vmem>>, vector<16xi32>,
      %sub3A_1742 = vector.broadcast %mul3A_78 : i32 to vector<16xi32>
      %sub3A_1743 = arith.subi %get3A_1741, %sub3A_1742 : vector<16xi32>
      %ge3A_1744 = arith.constant 0 : i32
      %ge3A_1745 = vector.broadcast %ge3A_1744 : i32 to vector<16xi32>
      %ge3A_1746 = arith.cmpi sge, %sub3A_1743, %ge3A_1745 : vector<16xi32>
      %lt3A_1747 = arith.constant 125 : i32
      %lt3A_1748 = vector.broadcast %lt3A_1747 : i32 to vector<16xi32>
      %lt3A_1749 = arith.cmpi slt, %sub3A_1743, %lt3A_1748 : vector<16xi32>
      %and3A_1750 = arith.andi %ge3A_1746, %lt3A_1749 : vector<16xi1>
      %max3A_1751 = arith.constant 0 : i32
      %max3A_1752 = vector.broadcast %max3A_1751 : i32 to vector<16xi32>
      %max3A_1753 = arith.maxsi %sub3A_1743, %max3A_1752 : vector<16xi32>
      %min3A_1754 = arith.constant 124 : i32
      %min3A_1755 = vector.broadcast %min3A_1754 : i32 to vector<16xi32>
      %min3A_1756 = arith.minsi %max3A_1753, %min3A_1755 : vector<16xi32>
      tpu.vector_store_idx %arg6[%min3A_1756, %add3A_1739], %broadcast_in_dim3A_3 masked %and3A_1750 : memref<125x1024xf32, #tpu.memory_space<vmem>>[vector<16xi32>, vector<16xi32>], vector<16xf32>, vector<16xi1>
      %add3A_1757 = arith.constant 320 : i32
      %add3A_1758 = vector.broadcast %add3A_1757 : i32 to vector<16xi32>
      %add3A_1759 = arith.addi %iota3A, %add3A_1758 : vector<16xi32>
      %get3A_1760 = arith.constant 320 : index
      %get3A_1761 = tpu.vector_load %arg5[%get3A_1760] {strides = array<i32>} : memref<1024xi32, #tpu.memory_space<vmem>>, vector<16xi32>,
      %sub3A_1762 = vector.broadcast %mul3A_78 : i32 to vector<16xi32>
      %sub3A_1763 = arith.subi %get3A_1761, %sub3A_1762 : vector<16xi32>
      %ge3A_1764 = arith.constant 0 : i32
      %ge3A_1765 = vector.broadcast %ge3A_1764 : i32 to vector<16xi32>
      %ge3A_1766 = arith.cmpi sge, %sub3A_1763, %ge3A_1765 : vector<16xi32>
      %lt3A_1767 = arith.constant 125 : i32
      %lt3A_1768 = vector.broadcast %lt3A_1767 : i32 to vector<16xi32>
      %lt3A_1769 = arith.cmpi slt, %sub3A_1763, %lt3A_1768 : vector<16xi32>
      %and3A_1770 = arith.andi %ge3A_1766, %lt3A_1769 : vector<16xi1>
      %max3A_1771 = arith.constant 0 : i32
      %max3A_1772 = vector.broadcast %max3A_1771 : i32 to vector<16xi32>
      %max3A_1773 = arith.maxsi %sub3A_1763, %max3A_1772 : vector<16xi32>
      %min3A_1774 = arith.constant 124 : i32
      %min3A_1775 = vector.broadcast %min3A_1774 : i32 to vector<16xi32>
      %min3A_1776 = arith.minsi %max3A_1773, %min3A_1775 : vector<16xi32>
      tpu.vector_store_idx %arg6[%min3A_1776, %add3A_1759], %broadcast_in_dim3A_3 masked %and3A_1770 : memref<125x1024xf32, #tpu.memory_space<vmem>>[vector<16xi32>, vector<16xi32>], vector<16xf32>, vector<16xi1>
      %add3A_1777 = arith.constant 336 : i32
      %add3A_1778 = vector.broadcast %add3A_1777 : i32 to vector<16xi32>
      %add3A_1779 = arith.addi %iota3A, %add3A_1778 : vector<16xi32>
      %get3A_1780 = arith.constant 336 : index
      %get3A_1781 = tpu.vector_load %arg5[%get3A_1780] {strides = array<i32>} : memref<1024xi32, #tpu.memory_space<vmem>>, vector<16xi32>,
      %sub3A_1782 = vector.broadcast %mul3A_78 : i32 to vector<16xi32>
      %sub3A_1783 = arith.subi %get3A_1781, %sub3A_1782 : vector<16xi32>
      %ge3A_1784 = arith.constant 0 : i32
      %ge3A_1785 = vector.broadcast %ge3A_1784 : i32 to vector<16xi32>
      %ge3A_1786 = arith.cmpi sge, %sub3A_1783, %ge3A_1785 : vector<16xi32>
      %lt3A_1787 = arith.constant 125 : i32
      %lt3A_1788 = vector.broadcast %lt3A_1787 : i32 to vector<16xi32>
      %lt3A_1789 = arith.cmpi slt, %sub3A_1783, %lt3A_1788 : vector<16xi32>
      %and3A_1790 = arith.andi %ge3A_1786, %lt3A_1789 : vector<16xi1>
      %max3A_1791 = arith.constant 0 : i32
      %max3A_1792 = vector.broadcast %max3A_1791 : i32 to vector<16xi32>
      %max3A_1793 = arith.maxsi %sub3A_1783, %max3A_1792 : vector<16xi32>
      %min3A_1794 = arith.constant 124 : i32
      %min3A_1795 = vector.broadcast %min3A_1794 : i32 to vector<16xi32>
      %min3A_1796 = arith.minsi %max3A_1793, %min3A_1795 : vector<16xi32>
      tpu.vector_store_idx %arg6[%min3A_1796, %add3A_1779], %broadcast_in_dim3A_3 masked %and3A_1790 : memref<125x1024xf32, #tpu.memory_space<vmem>>[vector<16xi32>, vector<16xi32>], vector<16xf32>, vector<16xi1>
      %add3A_1797 = arith.constant 352 : i32
      %add3A_1798 = vector.broadcast %add3A_1797 : i32 to vector<16xi32>
      %add3A_1799 = arith.addi %iota3A, %add3A_1798 : vector<16xi32>
      %get3A_1800 = arith.constant 352 : index
      %get3A_1801 = tpu.vector_load %arg5[%get3A_1800] {strides = array<i32>} : memref<1024xi32, #tpu.memory_space<vmem>>, vector<16xi32>,
      %sub3A_1802 = vector.broadcast %mul3A_78 : i32 to vector<16xi32>
      %sub3A_1803 = arith.subi %get3A_1801, %sub3A_1802 : vector<16xi32>
      %ge3A_1804 = arith.constant 0 : i32
      %ge3A_1805 = vector.broadcast %ge3A_1804 : i32 to vector<16xi32>
      %ge3A_1806 = arith.cmpi sge, %sub3A_1803, %ge3A_1805 : vector<16xi32>
      %lt3A_1807 = arith.constant 125 : i32
      %lt3A_1808 = vector.broadcast %lt3A_1807 : i32 to vector<16xi32>
      %lt3A_1809 = arith.cmpi slt, %sub3A_1803, %lt3A_1808 : vector<16xi32>
      %and3A_1810 = arith.andi %ge3A_1806, %lt3A_1809 : vector<16xi1>
      %max3A_1811 = arith.constant 0 : i32
      %max3A_1812 = vector.broadcast %max3A_1811 : i32 to vector<16xi32>
      %max3A_1813 = arith.maxsi %sub3A_1803, %max3A_1812 : vector<16xi32>
      %min3A_1814 = arith.constant 124 : i32
      %min3A_1815 = vector.broadcast %min3A_1814 : i32 to vector<16xi32>
      %min3A_1816 = arith.minsi %max3A_1813, %min3A_1815 : vector<16xi32>
      tpu.vector_store_idx %arg6[%min3A_1816, %add3A_1799], %broadcast_in_dim3A_3 masked %and3A_1810 : memref<125x1024xf32, #tpu.memory_space<vmem>>[vector<16xi32>, vector<16xi32>], vector<16xf32>, vector<16xi1>
      %add3A_1817 = arith.constant 368 : i32
      %add3A_1818 = vector.broadcast %add3A_1817 : i32 to vector<16xi32>
      %add3A_1819 = arith.addi %iota3A, %add3A_1818 : vector<16xi32>
      %get3A_1820 = arith.constant 368 : index
      %get3A_1821 = tpu.vector_load %arg5[%get3A_1820] {strides = array<i32>} : memref<1024xi32, #tpu.memory_space<vmem>>, vector<16xi32>,
      %sub3A_1822 = vector.broadcast %mul3A_78 : i32 to vector<16xi32>
      %sub3A_1823 = arith.subi %get3A_1821, %sub3A_1822 : vector<16xi32>
      %ge3A_1824 = arith.constant 0 : i32
      %ge3A_1825 = vector.broadcast %ge3A_1824 : i32 to vector<16xi32>
      %ge3A_1826 = arith.cmpi sge, %sub3A_1823, %ge3A_1825 : vector<16xi32>
      %lt3A_1827 = arith.constant 125 : i32
      %lt3A_1828 = vector.broadcast %lt3A_1827 : i32 to vector<16xi32>
      %lt3A_1829 = arith.cmpi slt, %sub3A_1823, %lt3A_1828 : vector<16xi32>
      %and3A_1830 = arith.andi %ge3A_1826, %lt3A_1829 : vector<16xi1>
      %max3A_1831 = arith.constant 0 : i32
      %max3A_1832 = vector.broadcast %max3A_1831 : i32 to vector<16xi32>
      %max3A_1833 = arith.maxsi %sub3A_1823, %max3A_1832 : vector<16xi32>
      %min3A_1834 = arith.constant 124 : i32
      %min3A_1835 = vector.broadcast %min3A_1834 : i32 to vector<16xi32>
      %min3A_1836 = arith.minsi %max3A_1833, %min3A_1835 : vector<16xi32>
      tpu.vector_store_idx %arg6[%min3A_1836, %add3A_1819], %broadcast_in_dim3A_3 masked %and3A_1830 : memref<125x1024xf32, #tpu.memory_space<vmem>>[vector<16xi32>, vector<16xi32>], vector<16xf32>, vector<16xi1>
      %add3A_1837 = arith.constant 384 : i32
      %add3A_1838 = vector.broadcast %add3A_1837 : i32 to vector<16xi32>
      %add3A_1839 = arith.addi %iota3A, %add3A_1838 : vector<16xi32>
      %get3A_1840 = arith.constant 384 : index
      %get3A_1841 = tpu.vector_load %arg5[%get3A_1840] {strides = array<i32>} : memref<1024xi32, #tpu.memory_space<vmem>>, vector<16xi32>,
      %sub3A_1842 = vector.broadcast %mul3A_78 : i32 to vector<16xi32>
      %sub3A_1843 = arith.subi %get3A_1841, %sub3A_1842 : vector<16xi32>
      %ge3A_1844 = arith.constant 0 : i32
      %ge3A_1845 = vector.broadcast %ge3A_1844 : i32 to vector<16xi32>
      %ge3A_1846 = arith.cmpi sge, %sub3A_1843, %ge3A_1845 : vector<16xi32>
      %lt3A_1847 = arith.constant 125 : i32
      %lt3A_1848 = vector.broadcast %lt3A_1847 : i32 to vector<16xi32>
      %lt3A_1849 = arith.cmpi slt, %sub3A_1843, %lt3A_1848 : vector<16xi32>
      %and3A_1850 = arith.andi %ge3A_1846, %lt3A_1849 : vector<16xi1>
      %max3A_1851 = arith.constant 0 : i32
      %max3A_1852 = vector.broadcast %max3A_1851 : i32 to vector<16xi32>
      %max3A_1853 = arith.maxsi %sub3A_1843, %max3A_1852 : vector<16xi32>
      %min3A_1854 = arith.constant 124 : i32
      %min3A_1855 = vector.broadcast %min3A_1854 : i32 to vector<16xi32>
      %min3A_1856 = arith.minsi %max3A_1853, %min3A_1855 : vector<16xi32>
      tpu.vector_store_idx %arg6[%min3A_1856, %add3A_1839], %broadcast_in_dim3A_3 masked %and3A_1850 : memref<125x1024xf32, #tpu.memory_space<vmem>>[vector<16xi32>, vector<16xi32>], vector<16xf32>, vector<16xi1>
      %add3A_1857 = arith.constant 400 : i32
      %add3A_1858 = vector.broadcast %add3A_1857 : i32 to vector<16xi32>
      %add3A_1859 = arith.addi %iota3A, %add3A_1858 : vector<16xi32>
      %get3A_1860 = arith.constant 400 : index
      %get3A_1861 = tpu.vector_load %arg5[%get3A_1860] {strides = array<i32>} : memref<1024xi32, #tpu.memory_space<vmem>>, vector<16xi32>,
      %sub3A_1862 = vector.broadcast %mul3A_78 : i32 to vector<16xi32>
      %sub3A_1863 = arith.subi %get3A_1861, %sub3A_1862 : vector<16xi32>
      %ge3A_1864 = arith.constant 0 : i32
      %ge3A_1865 = vector.broadcast %ge3A_1864 : i32 to vector<16xi32>
      %ge3A_1866 = arith.cmpi sge, %sub3A_1863, %ge3A_1865 : vector<16xi32>
      %lt3A_1867 = arith.constant 125 : i32
      %lt3A_1868 = vector.broadcast %lt3A_1867 : i32 to vector<16xi32>
      %lt3A_1869 = arith.cmpi slt, %sub3A_1863, %lt3A_1868 : vector<16xi32>
      %and3A_1870 = arith.andi %ge3A_1866, %lt3A_1869 : vector<16xi1>
      %max3A_1871 = arith.constant 0 : i32
      %max3A_1872 = vector.broadcast %max3A_1871 : i32 to vector<16xi32>
      %max3A_1873 = arith.maxsi %sub3A_1863, %max3A_1872 : vector<16xi32>
      %min3A_1874 = arith.constant 124 : i32
      %min3A_1875 = vector.broadcast %min3A_1874 : i32 to vector<16xi32>
      %min3A_1876 = arith.minsi %max3A_1873, %min3A_1875 : vector<16xi32>
      tpu.vector_store_idx %arg6[%min3A_1876, %add3A_1859], %broadcast_in_dim3A_3 masked %and3A_1870 : memref<125x1024xf32, #tpu.memory_space<vmem>>[vector<16xi32>, vector<16xi32>], vector<16xf32>, vector<16xi1>
      %add3A_1877 = arith.constant 416 : i32
      %add3A_1878 = vector.broadcast %add3A_1877 : i32 to vector<16xi32>
      %add3A_1879 = arith.addi %iota3A, %add3A_1878 : vector<16xi32>
      %get3A_1880 = arith.constant 416 : index
      %get3A_1881 = tpu.vector_load %arg5[%get3A_1880] {strides = array<i32>} : memref<1024xi32, #tpu.memory_space<vmem>>, vector<16xi32>,
      %sub3A_1882 = vector.broadcast %mul3A_78 : i32 to vector<16xi32>
      %sub3A_1883 = arith.subi %get3A_1881, %sub3A_1882 : vector<16xi32>
      %ge3A_1884 = arith.constant 0 : i32
      %ge3A_1885 = vector.broadcast %ge3A_1884 : i32 to vector<16xi32>
      %ge3A_1886 = arith.cmpi sge, %sub3A_1883, %ge3A_1885 : vector<16xi32>
      %lt3A_1887 = arith.constant 125 : i32
      %lt3A_1888 = vector.broadcast %lt3A_1887 : i32 to vector<16xi32>
      %lt3A_1889 = arith.cmpi slt, %sub3A_1883, %lt3A_1888 : vector<16xi32>
      %and3A_1890 = arith.andi %ge3A_1886, %lt3A_1889 : vector<16xi1>
      %max3A_1891 = arith.constant 0 : i32
      %max3A_1892 = vector.broadcast %max3A_1891 : i32 to vector<16xi32>
      %max3A_1893 = arith.maxsi %sub3A_1883, %max3A_1892 : vector<16xi32>
      %min3A_1894 = arith.constant 124 : i32
      %min3A_1895 = vector.broadcast %min3A_1894 : i32 to vector<16xi32>
      %min3A_1896 = arith.minsi %max3A_1893, %min3A_1895 : vector<16xi32>
      tpu.vector_store_idx %arg6[%min3A_1896, %add3A_1879], %broadcast_in_dim3A_3 masked %and3A_1890 : memref<125x1024xf32, #tpu.memory_space<vmem>>[vector<16xi32>, vector<16xi32>], vector<16xf32>, vector<16xi1>
      %add3A_1897 = arith.constant 432 : i32
      %add3A_1898 = vector.broadcast %add3A_1897 : i32 to vector<16xi32>
      %add3A_1899 = arith.addi %iota3A, %add3A_1898 : vector<16xi32>
      %get3A_1900 = arith.constant 432 : index
      %get3A_1901 = tpu.vector_load %arg5[%get3A_1900] {strides = array<i32>} : memref<1024xi32, #tpu.memory_space<vmem>>, vector<16xi32>,
      %sub3A_1902 = vector.broadcast %mul3A_78 : i32 to vector<16xi32>
      %sub3A_1903 = arith.subi %get3A_1901, %sub3A_1902 : vector<16xi32>
      %ge3A_1904 = arith.constant 0 : i32
      %ge3A_1905 = vector.broadcast %ge3A_1904 : i32 to vector<16xi32>
      %ge3A_1906 = arith.cmpi sge, %sub3A_1903, %ge3A_1905 : vector<16xi32>
      %lt3A_1907 = arith.constant 125 : i32
      %lt3A_1908 = vector.broadcast %lt3A_1907 : i32 to vector<16xi32>
      %lt3A_1909 = arith.cmpi slt, %sub3A_1903, %lt3A_1908 : vector<16xi32>
      %and3A_1910 = arith.andi %ge3A_1906, %lt3A_1909 : vector<16xi1>
      %max3A_1911 = arith.constant 0 : i32
      %max3A_1912 = vector.broadcast %max3A_1911 : i32 to vector<16xi32>
      %max3A_1913 = arith.maxsi %sub3A_1903, %max3A_1912 : vector<16xi32>
      %min3A_1914 = arith.constant 124 : i32
      %min3A_1915 = vector.broadcast %min3A_1914 : i32 to vector<16xi32>
      %min3A_1916 = arith.minsi %max3A_1913, %min3A_1915 : vector<16xi32>
      tpu.vector_store_idx %arg6[%min3A_1916, %add3A_1899], %broadcast_in_dim3A_3 masked %and3A_1910 : memref<125x1024xf32, #tpu.memory_space<vmem>>[vector<16xi32>, vector<16xi32>], vector<16xf32>, vector<16xi1>
      %add3A_1917 = arith.constant 448 : i32
      %add3A_1918 = vector.broadcast %add3A_1917 : i32 to vector<16xi32>
      %add3A_1919 = arith.addi %iota3A, %add3A_1918 : vector<16xi32>
      %get3A_1920 = arith.constant 448 : index
      %get3A_1921 = tpu.vector_load %arg5[%get3A_1920] {strides = array<i32>} : memref<1024xi32, #tpu.memory_space<vmem>>, vector<16xi32>,
      %sub3A_1922 = vector.broadcast %mul3A_78 : i32 to vector<16xi32>
      %sub3A_1923 = arith.subi %get3A_1921, %sub3A_1922 : vector<16xi32>
      %ge3A_1924 = arith.constant 0 : i32
      %ge3A_1925 = vector.broadcast %ge3A_1924 : i32 to vector<16xi32>
      %ge3A_1926 = arith.cmpi sge, %sub3A_1923, %ge3A_1925 : vector<16xi32>
      %lt3A_1927 = arith.constant 125 : i32
      %lt3A_1928 = vector.broadcast %lt3A_1927 : i32 to vector<16xi32>
      %lt3A_1929 = arith.cmpi slt, %sub3A_1923, %lt3A_1928 : vector<16xi32>
      %and3A_1930 = arith.andi %ge3A_1926, %lt3A_1929 : vector<16xi1>
      %max3A_1931 = arith.constant 0 : i32
      %max3A_1932 = vector.broadcast %max3A_1931 : i32 to vector<16xi32>
      %max3A_1933 = arith.maxsi %sub3A_1923, %max3A_1932 : vector<16xi32>
      %min3A_1934 = arith.constant 124 : i32
      %min3A_1935 = vector.broadcast %min3A_1934 : i32 to vector<16xi32>
      %min3A_1936 = arith.minsi %max3A_1933, %min3A_1935 : vector<16xi32>
      tpu.vector_store_idx %arg6[%min3A_1936, %add3A_1919], %broadcast_in_dim3A_3 masked %and3A_1930 : memref<125x1024xf32, #tpu.memory_space<vmem>>[vector<16xi32>, vector<16xi32>], vector<16xf32>, vector<16xi1>
      %add3A_1937 = arith.constant 464 : i32
      %add3A_1938 = vector.broadcast %add3A_1937 : i32 to vector<16xi32>
      %add3A_1939 = arith.addi %iota3A, %add3A_1938 : vector<16xi32>
      %get3A_1940 = arith.constant 464 : index
      %get3A_1941 = tpu.vector_load %arg5[%get3A_1940] {strides = array<i32>} : memref<1024xi32, #tpu.memory_space<vmem>>, vector<16xi32>,
      %sub3A_1942 = vector.broadcast %mul3A_78 : i32 to vector<16xi32>
      %sub3A_1943 = arith.subi %get3A_1941, %sub3A_1942 : vector<16xi32>
      %ge3A_1944 = arith.constant 0 : i32
      %ge3A_1945 = vector.broadcast %ge3A_1944 : i32 to vector<16xi32>
      %ge3A_1946 = arith.cmpi sge, %sub3A_1943, %ge3A_1945 : vector<16xi32>
      %lt3A_1947 = arith.constant 125 : i32
      %lt3A_1948 = vector.broadcast %lt3A_1947 : i32 to vector<16xi32>
      %lt3A_1949 = arith.cmpi slt, %sub3A_1943, %lt3A_1948 : vector<16xi32>
      %and3A_1950 = arith.andi %ge3A_1946, %lt3A_1949 : vector<16xi1>
      %max3A_1951 = arith.constant 0 : i32
      %max3A_1952 = vector.broadcast %max3A_1951 : i32 to vector<16xi32>
      %max3A_1953 = arith.maxsi %sub3A_1943, %max3A_1952 : vector<16xi32>
      %min3A_1954 = arith.constant 124 : i32
      %min3A_1955 = vector.broadcast %min3A_1954 : i32 to vector<16xi32>
      %min3A_1956 = arith.minsi %max3A_1953, %min3A_1955 : vector<16xi32>
      tpu.vector_store_idx %arg6[%min3A_1956, %add3A_1939], %broadcast_in_dim3A_3 masked %and3A_1950 : memref<125x1024xf32, #tpu.memory_space<vmem>>[vector<16xi32>, vector<16xi32>], vector<16xf32>, vector<16xi1>
      %add3A_1957 = arith.constant 480 : i32
      %add3A_1958 = vector.broadcast %add3A_1957 : i32 to vector<16xi32>
      %add3A_1959 = arith.addi %iota3A, %add3A_1958 : vector<16xi32>
      %get3A_1960 = arith.constant 480 : index
      %get3A_1961 = tpu.vector_load %arg5[%get3A_1960] {strides = array<i32>} : memref<1024xi32, #tpu.memory_space<vmem>>, vector<16xi32>,
      %sub3A_1962 = vector.broadcast %mul3A_78 : i32 to vector<16xi32>
      %sub3A_1963 = arith.subi %get3A_1961, %sub3A_1962 : vector<16xi32>
      %ge3A_1964 = arith.constant 0 : i32
      %ge3A_1965 = vector.broadcast %ge3A_1964 : i32 to vector<16xi32>
      %ge3A_1966 = arith.cmpi sge, %sub3A_1963, %ge3A_1965 : vector<16xi32>
      %lt3A_1967 = arith.constant 125 : i32
      %lt3A_1968 = vector.broadcast %lt3A_1967 : i32 to vector<16xi32>
      %lt3A_1969 = arith.cmpi slt, %sub3A_1963, %lt3A_1968 : vector<16xi32>
      %and3A_1970 = arith.andi %ge3A_1966, %lt3A_1969 : vector<16xi1>
      %max3A_1971 = arith.constant 0 : i32
      %max3A_1972 = vector.broadcast %max3A_1971 : i32 to vector<16xi32>
      %max3A_1973 = arith.maxsi %sub3A_1963, %max3A_1972 : vector<16xi32>
      %min3A_1974 = arith.constant 124 : i32
      %min3A_1975 = vector.broadcast %min3A_1974 : i32 to vector<16xi32>
      %min3A_1976 = arith.minsi %max3A_1973, %min3A_1975 : vector<16xi32>
      tpu.vector_store_idx %arg6[%min3A_1976, %add3A_1959], %broadcast_in_dim3A_3 masked %and3A_1970 : memref<125x1024xf32, #tpu.memory_space<vmem>>[vector<16xi32>, vector<16xi32>], vector<16xf32>, vector<16xi1>
      %add3A_1977 = arith.constant 496 : i32
      %add3A_1978 = vector.broadcast %add3A_1977 : i32 to vector<16xi32>
      %add3A_1979 = arith.addi %iota3A, %add3A_1978 : vector<16xi32>
      %get3A_1980 = arith.constant 496 : index
      %get3A_1981 = tpu.vector_load %arg5[%get3A_1980] {strides = array<i32>} : memref<1024xi32, #tpu.memory_space<vmem>>, vector<16xi32>,
      %sub3A_1982 = vector.broadcast %mul3A_78 : i32 to vector<16xi32>
      %sub3A_1983 = arith.subi %get3A_1981, %sub3A_1982 : vector<16xi32>
      %ge3A_1984 = arith.constant 0 : i32
      %ge3A_1985 = vector.broadcast %ge3A_1984 : i32 to vector<16xi32>
      %ge3A_1986 = arith.cmpi sge, %sub3A_1983, %ge3A_1985 : vector<16xi32>
      %lt3A_1987 = arith.constant 125 : i32
      %lt3A_1988 = vector.broadcast %lt3A_1987 : i32 to vector<16xi32>
      %lt3A_1989 = arith.cmpi slt, %sub3A_1983, %lt3A_1988 : vector<16xi32>
      %and3A_1990 = arith.andi %ge3A_1986, %lt3A_1989 : vector<16xi1>
      %max3A_1991 = arith.constant 0 : i32
      %max3A_1992 = vector.broadcast %max3A_1991 : i32 to vector<16xi32>
      %max3A_1993 = arith.maxsi %sub3A_1983, %max3A_1992 : vector<16xi32>
      %min3A_1994 = arith.constant 124 : i32
      %min3A_1995 = vector.broadcast %min3A_1994 : i32 to vector<16xi32>
      %min3A_1996 = arith.minsi %max3A_1993, %min3A_1995 : vector<16xi32>
      tpu.vector_store_idx %arg6[%min3A_1996, %add3A_1979], %broadcast_in_dim3A_3 masked %and3A_1990 : memref<125x1024xf32, #tpu.memory_space<vmem>>[vector<16xi32>, vector<16xi32>], vector<16xf32>, vector<16xi1>
      %add3A_1997 = arith.constant 512 : i32
      %add3A_1998 = vector.broadcast %add3A_1997 : i32 to vector<16xi32>
      %add3A_1999 = arith.addi %iota3A, %add3A_1998 : vector<16xi32>
      %get3A_2000 = arith.constant 512 : index
      %get3A_2001 = tpu.vector_load %arg5[%get3A_2000] {strides = array<i32>} : memref<1024xi32, #tpu.memory_space<vmem>>, vector<16xi32>,
      %sub3A_2002 = vector.broadcast %mul3A_78 : i32 to vector<16xi32>
      %sub3A_2003 = arith.subi %get3A_2001, %sub3A_2002 : vector<16xi32>
      %ge3A_2004 = arith.constant 0 : i32
      %ge3A_2005 = vector.broadcast %ge3A_2004 : i32 to vector<16xi32>
      %ge3A_2006 = arith.cmpi sge, %sub3A_2003, %ge3A_2005 : vector<16xi32>
      %lt3A_2007 = arith.constant 125 : i32
      %lt3A_2008 = vector.broadcast %lt3A_2007 : i32 to vector<16xi32>
      %lt3A_2009 = arith.cmpi slt, %sub3A_2003, %lt3A_2008 : vector<16xi32>
      %and3A_2010 = arith.andi %ge3A_2006, %lt3A_2009 : vector<16xi1>
      %max3A_2011 = arith.constant 0 : i32
      %max3A_2012 = vector.broadcast %max3A_2011 : i32 to vector<16xi32>
      %max3A_2013 = arith.maxsi %sub3A_2003, %max3A_2012 : vector<16xi32>
      %min3A_2014 = arith.constant 124 : i32
      %min3A_2015 = vector.broadcast %min3A_2014 : i32 to vector<16xi32>
      %min3A_2016 = arith.minsi %max3A_2013, %min3A_2015 : vector<16xi32>
      tpu.vector_store_idx %arg6[%min3A_2016, %add3A_1999], %broadcast_in_dim3A_3 masked %and3A_2010 : memref<125x1024xf32, #tpu.memory_space<vmem>>[vector<16xi32>, vector<16xi32>], vector<16xf32>, vector<16xi1>
      %add3A_2017 = arith.constant 528 : i32
      %add3A_2018 = vector.broadcast %add3A_2017 : i32 to vector<16xi32>
      %add3A_2019 = arith.addi %iota3A, %add3A_2018 : vector<16xi32>
      %get3A_2020 = arith.constant 528 : index
      %get3A_2021 = tpu.vector_load %arg5[%get3A_2020] {strides = array<i32>} : memref<1024xi32, #tpu.memory_space<vmem>>, vector<16xi32>,
      %sub3A_2022 = vector.broadcast %mul3A_78 : i32 to vector<16xi32>
      %sub3A_2023 = arith.subi %get3A_2021, %sub3A_2022 : vector<16xi32>
      %ge3A_2024 = arith.constant 0 : i32
      %ge3A_2025 = vector.broadcast %ge3A_2024 : i32 to vector<16xi32>
      %ge3A_2026 = arith.cmpi sge, %sub3A_2023, %ge3A_2025 : vector<16xi32>
      %lt3A_2027 = arith.constant 125 : i32
      %lt3A_2028 = vector.broadcast %lt3A_2027 : i32 to vector<16xi32>
      %lt3A_2029 = arith.cmpi slt, %sub3A_2023, %lt3A_2028 : vector<16xi32>
      %and3A_2030 = arith.andi %ge3A_2026, %lt3A_2029 : vector<16xi1>
      %max3A_2031 = arith.constant 0 : i32
      %max3A_2032 = vector.broadcast %max3A_2031 : i32 to vector<16xi32>
      %max3A_2033 = arith.maxsi %sub3A_2023, %max3A_2032 : vector<16xi32>
      %min3A_2034 = arith.constant 124 : i32
      %min3A_2035 = vector.broadcast %min3A_2034 : i32 to vector<16xi32>
      %min3A_2036 = arith.minsi %max3A_2033, %min3A_2035 : vector<16xi32>
      tpu.vector_store_idx %arg6[%min3A_2036, %add3A_2019], %broadcast_in_dim3A_3 masked %and3A_2030 : memref<125x1024xf32, #tpu.memory_space<vmem>>[vector<16xi32>, vector<16xi32>], vector<16xf32>, vector<16xi1>
      %add3A_2037 = arith.constant 544 : i32
      %add3A_2038 = vector.broadcast %add3A_2037 : i32 to vector<16xi32>
      %add3A_2039 = arith.addi %iota3A, %add3A_2038 : vector<16xi32>
      %get3A_2040 = arith.constant 544 : index
      %get3A_2041 = tpu.vector_load %arg5[%get3A_2040] {strides = array<i32>} : memref<1024xi32, #tpu.memory_space<vmem>>, vector<16xi32>,
      %sub3A_2042 = vector.broadcast %mul3A_78 : i32 to vector<16xi32>
      %sub3A_2043 = arith.subi %get3A_2041, %sub3A_2042 : vector<16xi32>
      %ge3A_2044 = arith.constant 0 : i32
      %ge3A_2045 = vector.broadcast %ge3A_2044 : i32 to vector<16xi32>
      %ge3A_2046 = arith.cmpi sge, %sub3A_2043, %ge3A_2045 : vector<16xi32>
      %lt3A_2047 = arith.constant 125 : i32
      %lt3A_2048 = vector.broadcast %lt3A_2047 : i32 to vector<16xi32>
      %lt3A_2049 = arith.cmpi slt, %sub3A_2043, %lt3A_2048 : vector<16xi32>
      %and3A_2050 = arith.andi %ge3A_2046, %lt3A_2049 : vector<16xi1>
      %max3A_2051 = arith.constant 0 : i32
      %max3A_2052 = vector.broadcast %max3A_2051 : i32 to vector<16xi32>
      %max3A_2053 = arith.maxsi %sub3A_2043, %max3A_2052 : vector<16xi32>
      %min3A_2054 = arith.constant 124 : i32
      %min3A_2055 = vector.broadcast %min3A_2054 : i32 to vector<16xi32>
      %min3A_2056 = arith.minsi %max3A_2053, %min3A_2055 : vector<16xi32>
      tpu.vector_store_idx %arg6[%min3A_2056, %add3A_2039], %broadcast_in_dim3A_3 masked %and3A_2050 : memref<125x1024xf32, #tpu.memory_space<vmem>>[vector<16xi32>, vector<16xi32>], vector<16xf32>, vector<16xi1>
      %add3A_2057 = arith.constant 560 : i32
      %add3A_2058 = vector.broadcast %add3A_2057 : i32 to vector<16xi32>
      %add3A_2059 = arith.addi %iota3A, %add3A_2058 : vector<16xi32>
      %get3A_2060 = arith.constant 560 : index
      %get3A_2061 = tpu.vector_load %arg5[%get3A_2060] {strides = array<i32>} : memref<1024xi32, #tpu.memory_space<vmem>>, vector<16xi32>,
      %sub3A_2062 = vector.broadcast %mul3A_78 : i32 to vector<16xi32>
      %sub3A_2063 = arith.subi %get3A_2061, %sub3A_2062 : vector<16xi32>
      %ge3A_2064 = arith.constant 0 : i32
      %ge3A_2065 = vector.broadcast %ge3A_2064 : i32 to vector<16xi32>
      %ge3A_2066 = arith.cmpi sge, %sub3A_2063, %ge3A_2065 : vector<16xi32>
      %lt3A_2067 = arith.constant 125 : i32
      %lt3A_2068 = vector.broadcast %lt3A_2067 : i32 to vector<16xi32>
      %lt3A_2069 = arith.cmpi slt, %sub3A_2063, %lt3A_2068 : vector<16xi32>
      %and3A_2070 = arith.andi %ge3A_2066, %lt3A_2069 : vector<16xi1>
      %max3A_2071 = arith.constant 0 : i32
      %max3A_2072 = vector.broadcast %max3A_2071 : i32 to vector<16xi32>
      %max3A_2073 = arith.maxsi %sub3A_2063, %max3A_2072 : vector<16xi32>
      %min3A_2074 = arith.constant 124 : i32
      %min3A_2075 = vector.broadcast %min3A_2074 : i32 to vector<16xi32>
      %min3A_2076 = arith.minsi %max3A_2073, %min3A_2075 : vector<16xi32>
      tpu.vector_store_idx %arg6[%min3A_2076, %add3A_2059], %broadcast_in_dim3A_3 masked %and3A_2070 : memref<125x1024xf32, #tpu.memory_space<vmem>>[vector<16xi32>, vector<16xi32>], vector<16xf32>, vector<16xi1>
      %add3A_2077 = arith.constant 576 : i32
      %add3A_2078 = vector.broadcast %add3A_2077 : i32 to vector<16xi32>
      %add3A_2079 = arith.addi %iota3A, %add3A_2078 : vector<16xi32>
      %get3A_2080 = arith.constant 576 : index
      %get3A_2081 = tpu.vector_load %arg5[%get3A_2080] {strides = array<i32>} : memref<1024xi32, #tpu.memory_space<vmem>>, vector<16xi32>,
      %sub3A_2082 = vector.broadcast %mul3A_78 : i32 to vector<16xi32>
      %sub3A_2083 = arith.subi %get3A_2081, %sub3A_2082 : vector<16xi32>
      %ge3A_2084 = arith.constant 0 : i32
      %ge3A_2085 = vector.broadcast %ge3A_2084 : i32 to vector<16xi32>
      %ge3A_2086 = arith.cmpi sge, %sub3A_2083, %ge3A_2085 : vector<16xi32>
      %lt3A_2087 = arith.constant 125 : i32
      %lt3A_2088 = vector.broadcast %lt3A_2087 : i32 to vector<16xi32>
      %lt3A_2089 = arith.cmpi slt, %sub3A_2083, %lt3A_2088 : vector<16xi32>
      %and3A_2090 = arith.andi %ge3A_2086, %lt3A_2089 : vector<16xi1>
      %max3A_2091 = arith.constant 0 : i32
      %max3A_2092 = vector.broadcast %max3A_2091 : i32 to vector<16xi32>
      %max3A_2093 = arith.maxsi %sub3A_2083, %max3A_2092 : vector<16xi32>
      %min3A_2094 = arith.constant 124 : i32
      %min3A_2095 = vector.broadcast %min3A_2094 : i32 to vector<16xi32>
      %min3A_2096 = arith.minsi %max3A_2093, %min3A_2095 : vector<16xi32>
      tpu.vector_store_idx %arg6[%min3A_2096, %add3A_2079], %broadcast_in_dim3A_3 masked %and3A_2090 : memref<125x1024xf32, #tpu.memory_space<vmem>>[vector<16xi32>, vector<16xi32>], vector<16xf32>, vector<16xi1>
      %add3A_2097 = arith.constant 592 : i32
      %add3A_2098 = vector.broadcast %add3A_2097 : i32 to vector<16xi32>
      %add3A_2099 = arith.addi %iota3A, %add3A_2098 : vector<16xi32>
      %get3A_2100 = arith.constant 592 : index
      %get3A_2101 = tpu.vector_load %arg5[%get3A_2100] {strides = array<i32>} : memref<1024xi32, #tpu.memory_space<vmem>>, vector<16xi32>,
      %sub3A_2102 = vector.broadcast %mul3A_78 : i32 to vector<16xi32>
      %sub3A_2103 = arith.subi %get3A_2101, %sub3A_2102 : vector<16xi32>
      %ge3A_2104 = arith.constant 0 : i32
      %ge3A_2105 = vector.broadcast %ge3A_2104 : i32 to vector<16xi32>
      %ge3A_2106 = arith.cmpi sge, %sub3A_2103, %ge3A_2105 : vector<16xi32>
      %lt3A_2107 = arith.constant 125 : i32
      %lt3A_2108 = vector.broadcast %lt3A_2107 : i32 to vector<16xi32>
      %lt3A_2109 = arith.cmpi slt, %sub3A_2103, %lt3A_2108 : vector<16xi32>
      %and3A_2110 = arith.andi %ge3A_2106, %lt3A_2109 : vector<16xi1>
      %max3A_2111 = arith.constant 0 : i32
      %max3A_2112 = vector.broadcast %max3A_2111 : i32 to vector<16xi32>
      %max3A_2113 = arith.maxsi %sub3A_2103, %max3A_2112 : vector<16xi32>
      %min3A_2114 = arith.constant 124 : i32
      %min3A_2115 = vector.broadcast %min3A_2114 : i32 to vector<16xi32>
      %min3A_2116 = arith.minsi %max3A_2113, %min3A_2115 : vector<16xi32>
      tpu.vector_store_idx %arg6[%min3A_2116, %add3A_2099], %broadcast_in_dim3A_3 masked %and3A_2110 : memref<125x1024xf32, #tpu.memory_space<vmem>>[vector<16xi32>, vector<16xi32>], vector<16xf32>, vector<16xi1>
      %add3A_2117 = arith.constant 608 : i32
      %add3A_2118 = vector.broadcast %add3A_2117 : i32 to vector<16xi32>
      %add3A_2119 = arith.addi %iota3A, %add3A_2118 : vector<16xi32>
      %get3A_2120 = arith.constant 608 : index
      %get3A_2121 = tpu.vector_load %arg5[%get3A_2120] {strides = array<i32>} : memref<1024xi32, #tpu.memory_space<vmem>>, vector<16xi32>,
      %sub3A_2122 = vector.broadcast %mul3A_78 : i32 to vector<16xi32>
      %sub3A_2123 = arith.subi %get3A_2121, %sub3A_2122 : vector<16xi32>
      %ge3A_2124 = arith.constant 0 : i32
      %ge3A_2125 = vector.broadcast %ge3A_2124 : i32 to vector<16xi32>
      %ge3A_2126 = arith.cmpi sge, %sub3A_2123, %ge3A_2125 : vector<16xi32>
      %lt3A_2127 = arith.constant 125 : i32
      %lt3A_2128 = vector.broadcast %lt3A_2127 : i32 to vector<16xi32>
      %lt3A_2129 = arith.cmpi slt, %sub3A_2123, %lt3A_2128 : vector<16xi32>
      %and3A_2130 = arith.andi %ge3A_2126, %lt3A_2129 : vector<16xi1>
      %max3A_2131 = arith.constant 0 : i32
      %max3A_2132 = vector.broadcast %max3A_2131 : i32 to vector<16xi32>
      %max3A_2133 = arith.maxsi %sub3A_2123, %max3A_2132 : vector<16xi32>
      %min3A_2134 = arith.constant 124 : i32
      %min3A_2135 = vector.broadcast %min3A_2134 : i32 to vector<16xi32>
      %min3A_2136 = arith.minsi %max3A_2133, %min3A_2135 : vector<16xi32>
      tpu.vector_store_idx %arg6[%min3A_2136, %add3A_2119], %broadcast_in_dim3A_3 masked %and3A_2130 : memref<125x1024xf32, #tpu.memory_space<vmem>>[vector<16xi32>, vector<16xi32>], vector<16xf32>, vector<16xi1>
      %add3A_2137 = arith.constant 624 : i32
      %add3A_2138 = vector.broadcast %add3A_2137 : i32 to vector<16xi32>
      %add3A_2139 = arith.addi %iota3A, %add3A_2138 : vector<16xi32>
      %get3A_2140 = arith.constant 624 : index
      %get3A_2141 = tpu.vector_load %arg5[%get3A_2140] {strides = array<i32>} : memref<1024xi32, #tpu.memory_space<vmem>>, vector<16xi32>,
      %sub3A_2142 = vector.broadcast %mul3A_78 : i32 to vector<16xi32>
      %sub3A_2143 = arith.subi %get3A_2141, %sub3A_2142 : vector<16xi32>
      %ge3A_2144 = arith.constant 0 : i32
      %ge3A_2145 = vector.broadcast %ge3A_2144 : i32 to vector<16xi32>
      %ge3A_2146 = arith.cmpi sge, %sub3A_2143, %ge3A_2145 : vector<16xi32>
      %lt3A_2147 = arith.constant 125 : i32
      %lt3A_2148 = vector.broadcast %lt3A_2147 : i32 to vector<16xi32>
      %lt3A_2149 = arith.cmpi slt, %sub3A_2143, %lt3A_2148 : vector<16xi32>
      %and3A_2150 = arith.andi %ge3A_2146, %lt3A_2149 : vector<16xi1>
      %max3A_2151 = arith.constant 0 : i32
      %max3A_2152 = vector.broadcast %max3A_2151 : i32 to vector<16xi32>
      %max3A_2153 = arith.maxsi %sub3A_2143, %max3A_2152 : vector<16xi32>
      %min3A_2154 = arith.constant 124 : i32
      %min3A_2155 = vector.broadcast %min3A_2154 : i32 to vector<16xi32>
      %min3A_2156 = arith.minsi %max3A_2153, %min3A_2155 : vector<16xi32>
      tpu.vector_store_idx %arg6[%min3A_2156, %add3A_2139], %broadcast_in_dim3A_3 masked %and3A_2150 : memref<125x1024xf32, #tpu.memory_space<vmem>>[vector<16xi32>, vector<16xi32>], vector<16xf32>, vector<16xi1>
      %add3A_2157 = arith.constant 640 : i32
      %add3A_2158 = vector.broadcast %add3A_2157 : i32 to vector<16xi32>
      %add3A_2159 = arith.addi %iota3A, %add3A_2158 : vector<16xi32>
      %get3A_2160 = arith.constant 640 : index
      %get3A_2161 = tpu.vector_load %arg5[%get3A_2160] {strides = array<i32>} : memref<1024xi32, #tpu.memory_space<vmem>>, vector<16xi32>,
      %sub3A_2162 = vector.broadcast %mul3A_78 : i32 to vector<16xi32>
      %sub3A_2163 = arith.subi %get3A_2161, %sub3A_2162 : vector<16xi32>
      %ge3A_2164 = arith.constant 0 : i32
      %ge3A_2165 = vector.broadcast %ge3A_2164 : i32 to vector<16xi32>
      %ge3A_2166 = arith.cmpi sge, %sub3A_2163, %ge3A_2165 : vector<16xi32>
      %lt3A_2167 = arith.constant 125 : i32
      %lt3A_2168 = vector.broadcast %lt3A_2167 : i32 to vector<16xi32>
      %lt3A_2169 = arith.cmpi slt, %sub3A_2163, %lt3A_2168 : vector<16xi32>
      %and3A_2170 = arith.andi %ge3A_2166, %lt3A_2169 : vector<16xi1>
      %max3A_2171 = arith.constant 0 : i32
      %max3A_2172 = vector.broadcast %max3A_2171 : i32 to vector<16xi32>
      %max3A_2173 = arith.maxsi %sub3A_2163, %max3A_2172 : vector<16xi32>
      %min3A_2174 = arith.constant 124 : i32
      %min3A_2175 = vector.broadcast %min3A_2174 : i32 to vector<16xi32>
      %min3A_2176 = arith.minsi %max3A_2173, %min3A_2175 : vector<16xi32>
      tpu.vector_store_idx %arg6[%min3A_2176, %add3A_2159], %broadcast_in_dim3A_3 masked %and3A_2170 : memref<125x1024xf32, #tpu.memory_space<vmem>>[vector<16xi32>, vector<16xi32>], vector<16xf32>, vector<16xi1>
      %add3A_2177 = arith.constant 656 : i32
      %add3A_2178 = vector.broadcast %add3A_2177 : i32 to vector<16xi32>
      %add3A_2179 = arith.addi %iota3A, %add3A_2178 : vector<16xi32>
      %get3A_2180 = arith.constant 656 : index
      %get3A_2181 = tpu.vector_load %arg5[%get3A_2180] {strides = array<i32>} : memref<1024xi32, #tpu.memory_space<vmem>>, vector<16xi32>,
      %sub3A_2182 = vector.broadcast %mul3A_78 : i32 to vector<16xi32>
      %sub3A_2183 = arith.subi %get3A_2181, %sub3A_2182 : vector<16xi32>
      %ge3A_2184 = arith.constant 0 : i32
      %ge3A_2185 = vector.broadcast %ge3A_2184 : i32 to vector<16xi32>
      %ge3A_2186 = arith.cmpi sge, %sub3A_2183, %ge3A_2185 : vector<16xi32>
      %lt3A_2187 = arith.constant 125 : i32
      %lt3A_2188 = vector.broadcast %lt3A_2187 : i32 to vector<16xi32>
      %lt3A_2189 = arith.cmpi slt, %sub3A_2183, %lt3A_2188 : vector<16xi32>
      %and3A_2190 = arith.andi %ge3A_2186, %lt3A_2189 : vector<16xi1>
      %max3A_2191 = arith.constant 0 : i32
      %max3A_2192 = vector.broadcast %max3A_2191 : i32 to vector<16xi32>
      %max3A_2193 = arith.maxsi %sub3A_2183, %max3A_2192 : vector<16xi32>
      %min3A_2194 = arith.constant 124 : i32
      %min3A_2195 = vector.broadcast %min3A_2194 : i32 to vector<16xi32>
      %min3A_2196 = arith.minsi %max3A_2193, %min3A_2195 : vector<16xi32>
      tpu.vector_store_idx %arg6[%min3A_2196, %add3A_2179], %broadcast_in_dim3A_3 masked %and3A_2190 : memref<125x1024xf32, #tpu.memory_space<vmem>>[vector<16xi32>, vector<16xi32>], vector<16xf32>, vector<16xi1>
      %add3A_2197 = arith.constant 672 : i32
      %add3A_2198 = vector.broadcast %add3A_2197 : i32 to vector<16xi32>
      %add3A_2199 = arith.addi %iota3A, %add3A_2198 : vector<16xi32>
      %get3A_2200 = arith.constant 672 : index
      %get3A_2201 = tpu.vector_load %arg5[%get3A_2200] {strides = array<i32>} : memref<1024xi32, #tpu.memory_space<vmem>>, vector<16xi32>,
      %sub3A_2202 = vector.broadcast %mul3A_78 : i32 to vector<16xi32>
      %sub3A_2203 = arith.subi %get3A_2201, %sub3A_2202 : vector<16xi32>
      %ge3A_2204 = arith.constant 0 : i32
      %ge3A_2205 = vector.broadcast %ge3A_2204 : i32 to vector<16xi32>
      %ge3A_2206 = arith.cmpi sge, %sub3A_2203, %ge3A_2205 : vector<16xi32>
      %lt3A_2207 = arith.constant 125 : i32
      %lt3A_2208 = vector.broadcast %lt3A_2207 : i32 to vector<16xi32>
      %lt3A_2209 = arith.cmpi slt, %sub3A_2203, %lt3A_2208 : vector<16xi32>
      %and3A_2210 = arith.andi %ge3A_2206, %lt3A_2209 : vector<16xi1>
      %max3A_2211 = arith.constant 0 : i32
      %max3A_2212 = vector.broadcast %max3A_2211 : i32 to vector<16xi32>
      %max3A_2213 = arith.maxsi %sub3A_2203, %max3A_2212 : vector<16xi32>
      %min3A_2214 = arith.constant 124 : i32
      %min3A_2215 = vector.broadcast %min3A_2214 : i32 to vector<16xi32>
      %min3A_2216 = arith.minsi %max3A_2213, %min3A_2215 : vector<16xi32>
      tpu.vector_store_idx %arg6[%min3A_2216, %add3A_2199], %broadcast_in_dim3A_3 masked %and3A_2210 : memref<125x1024xf32, #tpu.memory_space<vmem>>[vector<16xi32>, vector<16xi32>], vector<16xf32>, vector<16xi1>
      %add3A_2217 = arith.constant 688 : i32
      %add3A_2218 = vector.broadcast %add3A_2217 : i32 to vector<16xi32>
      %add3A_2219 = arith.addi %iota3A, %add3A_2218 : vector<16xi32>
      %get3A_2220 = arith.constant 688 : index
      %get3A_2221 = tpu.vector_load %arg5[%get3A_2220] {strides = array<i32>} : memref<1024xi32, #tpu.memory_space<vmem>>, vector<16xi32>,
      %sub3A_2222 = vector.broadcast %mul3A_78 : i32 to vector<16xi32>
      %sub3A_2223 = arith.subi %get3A_2221, %sub3A_2222 : vector<16xi32>
      %ge3A_2224 = arith.constant 0 : i32
      %ge3A_2225 = vector.broadcast %ge3A_2224 : i32 to vector<16xi32>
      %ge3A_2226 = arith.cmpi sge, %sub3A_2223, %ge3A_2225 : vector<16xi32>
      %lt3A_2227 = arith.constant 125 : i32
      %lt3A_2228 = vector.broadcast %lt3A_2227 : i32 to vector<16xi32>
      %lt3A_2229 = arith.cmpi slt, %sub3A_2223, %lt3A_2228 : vector<16xi32>
      %and3A_2230 = arith.andi %ge3A_2226, %lt3A_2229 : vector<16xi1>
      %max3A_2231 = arith.constant 0 : i32
      %max3A_2232 = vector.broadcast %max3A_2231 : i32 to vector<16xi32>
      %max3A_2233 = arith.maxsi %sub3A_2223, %max3A_2232 : vector<16xi32>
      %min3A_2234 = arith.constant 124 : i32
      %min3A_2235 = vector.broadcast %min3A_2234 : i32 to vector<16xi32>
      %min3A_2236 = arith.minsi %max3A_2233, %min3A_2235 : vector<16xi32>
      tpu.vector_store_idx %arg6[%min3A_2236, %add3A_2219], %broadcast_in_dim3A_3 masked %and3A_2230 : memref<125x1024xf32, #tpu.memory_space<vmem>>[vector<16xi32>, vector<16xi32>], vector<16xf32>, vector<16xi1>
      %add3A_2237 = arith.constant 704 : i32
      %add3A_2238 = vector.broadcast %add3A_2237 : i32 to vector<16xi32>
      %add3A_2239 = arith.addi %iota3A, %add3A_2238 : vector<16xi32>
      %get3A_2240 = arith.constant 704 : index
      %get3A_2241 = tpu.vector_load %arg5[%get3A_2240] {strides = array<i32>} : memref<1024xi32, #tpu.memory_space<vmem>>, vector<16xi32>,
      %sub3A_2242 = vector.broadcast %mul3A_78 : i32 to vector<16xi32>
      %sub3A_2243 = arith.subi %get3A_2241, %sub3A_2242 : vector<16xi32>
      %ge3A_2244 = arith.constant 0 : i32
      %ge3A_2245 = vector.broadcast %ge3A_2244 : i32 to vector<16xi32>
      %ge3A_2246 = arith.cmpi sge, %sub3A_2243, %ge3A_2245 : vector<16xi32>
      %lt3A_2247 = arith.constant 125 : i32
      %lt3A_2248 = vector.broadcast %lt3A_2247 : i32 to vector<16xi32>
      %lt3A_2249 = arith.cmpi slt, %sub3A_2243, %lt3A_2248 : vector<16xi32>
      %and3A_2250 = arith.andi %ge3A_2246, %lt3A_2249 : vector<16xi1>
      %max3A_2251 = arith.constant 0 : i32
      %max3A_2252 = vector.broadcast %max3A_2251 : i32 to vector<16xi32>
      %max3A_2253 = arith.maxsi %sub3A_2243, %max3A_2252 : vector<16xi32>
      %min3A_2254 = arith.constant 124 : i32
      %min3A_2255 = vector.broadcast %min3A_2254 : i32 to vector<16xi32>
      %min3A_2256 = arith.minsi %max3A_2253, %min3A_2255 : vector<16xi32>
      tpu.vector_store_idx %arg6[%min3A_2256, %add3A_2239], %broadcast_in_dim3A_3 masked %and3A_2250 : memref<125x1024xf32, #tpu.memory_space<vmem>>[vector<16xi32>, vector<16xi32>], vector<16xf32>, vector<16xi1>
      %add3A_2257 = arith.constant 720 : i32
      %add3A_2258 = vector.broadcast %add3A_2257 : i32 to vector<16xi32>
      %add3A_2259 = arith.addi %iota3A, %add3A_2258 : vector<16xi32>
      %get3A_2260 = arith.constant 720 : index
      %get3A_2261 = tpu.vector_load %arg5[%get3A_2260] {strides = array<i32>} : memref<1024xi32, #tpu.memory_space<vmem>>, vector<16xi32>,
      %sub3A_2262 = vector.broadcast %mul3A_78 : i32 to vector<16xi32>
      %sub3A_2263 = arith.subi %get3A_2261, %sub3A_2262 : vector<16xi32>
      %ge3A_2264 = arith.constant 0 : i32
      %ge3A_2265 = vector.broadcast %ge3A_2264 : i32 to vector<16xi32>
      %ge3A_2266 = arith.cmpi sge, %sub3A_2263, %ge3A_2265 : vector<16xi32>
      %lt3A_2267 = arith.constant 125 : i32
      %lt3A_2268 = vector.broadcast %lt3A_2267 : i32 to vector<16xi32>
      %lt3A_2269 = arith.cmpi slt, %sub3A_2263, %lt3A_2268 : vector<16xi32>
      %and3A_2270 = arith.andi %ge3A_2266, %lt3A_2269 : vector<16xi1>
      %max3A_2271 = arith.constant 0 : i32
      %max3A_2272 = vector.broadcast %max3A_2271 : i32 to vector<16xi32>
      %max3A_2273 = arith.maxsi %sub3A_2263, %max3A_2272 : vector<16xi32>
      %min3A_2274 = arith.constant 124 : i32
      %min3A_2275 = vector.broadcast %min3A_2274 : i32 to vector<16xi32>
      %min3A_2276 = arith.minsi %max3A_2273, %min3A_2275 : vector<16xi32>
      tpu.vector_store_idx %arg6[%min3A_2276, %add3A_2259], %broadcast_in_dim3A_3 masked %and3A_2270 : memref<125x1024xf32, #tpu.memory_space<vmem>>[vector<16xi32>, vector<16xi32>], vector<16xf32>, vector<16xi1>
      %add3A_2277 = arith.constant 736 : i32
      %add3A_2278 = vector.broadcast %add3A_2277 : i32 to vector<16xi32>
      %add3A_2279 = arith.addi %iota3A, %add3A_2278 : vector<16xi32>
      %get3A_2280 = arith.constant 736 : index
      %get3A_2281 = tpu.vector_load %arg5[%get3A_2280] {strides = array<i32>} : memref<1024xi32, #tpu.memory_space<vmem>>, vector<16xi32>,
      %sub3A_2282 = vector.broadcast %mul3A_78 : i32 to vector<16xi32>
      %sub3A_2283 = arith.subi %get3A_2281, %sub3A_2282 : vector<16xi32>
      %ge3A_2284 = arith.constant 0 : i32
      %ge3A_2285 = vector.broadcast %ge3A_2284 : i32 to vector<16xi32>
      %ge3A_2286 = arith.cmpi sge, %sub3A_2283, %ge3A_2285 : vector<16xi32>
      %lt3A_2287 = arith.constant 125 : i32
      %lt3A_2288 = vector.broadcast %lt3A_2287 : i32 to vector<16xi32>
      %lt3A_2289 = arith.cmpi slt, %sub3A_2283, %lt3A_2288 : vector<16xi32>
      %and3A_2290 = arith.andi %ge3A_2286, %lt3A_2289 : vector<16xi1>
      %max3A_2291 = arith.constant 0 : i32
      %max3A_2292 = vector.broadcast %max3A_2291 : i32 to vector<16xi32>
      %max3A_2293 = arith.maxsi %sub3A_2283, %max3A_2292 : vector<16xi32>
      %min3A_2294 = arith.constant 124 : i32
      %min3A_2295 = vector.broadcast %min3A_2294 : i32 to vector<16xi32>
      %min3A_2296 = arith.minsi %max3A_2293, %min3A_2295 : vector<16xi32>
      tpu.vector_store_idx %arg6[%min3A_2296, %add3A_2279], %broadcast_in_dim3A_3 masked %and3A_2290 : memref<125x1024xf32, #tpu.memory_space<vmem>>[vector<16xi32>, vector<16xi32>], vector<16xf32>, vector<16xi1>
      %add3A_2297 = arith.constant 752 : i32
      %add3A_2298 = vector.broadcast %add3A_2297 : i32 to vector<16xi32>
      %add3A_2299 = arith.addi %iota3A, %add3A_2298 : vector<16xi32>
      %get3A_2300 = arith.constant 752 : index
      %get3A_2301 = tpu.vector_load %arg5[%get3A_2300] {strides = array<i32>} : memref<1024xi32, #tpu.memory_space<vmem>>, vector<16xi32>,
      %sub3A_2302 = vector.broadcast %mul3A_78 : i32 to vector<16xi32>
      %sub3A_2303 = arith.subi %get3A_2301, %sub3A_2302 : vector<16xi32>
      %ge3A_2304 = arith.constant 0 : i32
      %ge3A_2305 = vector.broadcast %ge3A_2304 : i32 to vector<16xi32>
      %ge3A_2306 = arith.cmpi sge, %sub3A_2303, %ge3A_2305 : vector<16xi32>
      %lt3A_2307 = arith.constant 125 : i32
      %lt3A_2308 = vector.broadcast %lt3A_2307 : i32 to vector<16xi32>
      %lt3A_2309 = arith.cmpi slt, %sub3A_2303, %lt3A_2308 : vector<16xi32>
      %and3A_2310 = arith.andi %ge3A_2306, %lt3A_2309 : vector<16xi1>
      %max3A_2311 = arith.constant 0 : i32
      %max3A_2312 = vector.broadcast %max3A_2311 : i32 to vector<16xi32>
      %max3A_2313 = arith.maxsi %sub3A_2303, %max3A_2312 : vector<16xi32>
      %min3A_2314 = arith.constant 124 : i32
      %min3A_2315 = vector.broadcast %min3A_2314 : i32 to vector<16xi32>
      %min3A_2316 = arith.minsi %max3A_2313, %min3A_2315 : vector<16xi32>
      tpu.vector_store_idx %arg6[%min3A_2316, %add3A_2299], %broadcast_in_dim3A_3 masked %and3A_2310 : memref<125x1024xf32, #tpu.memory_space<vmem>>[vector<16xi32>, vector<16xi32>], vector<16xf32>, vector<16xi1>
      %add3A_2317 = arith.constant 768 : i32
      %add3A_2318 = vector.broadcast %add3A_2317 : i32 to vector<16xi32>
      %add3A_2319 = arith.addi %iota3A, %add3A_2318 : vector<16xi32>
      %get3A_2320 = arith.constant 768 : index
      %get3A_2321 = tpu.vector_load %arg5[%get3A_2320] {strides = array<i32>} : memref<1024xi32, #tpu.memory_space<vmem>>, vector<16xi32>,
      %sub3A_2322 = vector.broadcast %mul3A_78 : i32 to vector<16xi32>
      %sub3A_2323 = arith.subi %get3A_2321, %sub3A_2322 : vector<16xi32>
      %ge3A_2324 = arith.constant 0 : i32
      %ge3A_2325 = vector.broadcast %ge3A_2324 : i32 to vector<16xi32>
      %ge3A_2326 = arith.cmpi sge, %sub3A_2323, %ge3A_2325 : vector<16xi32>
      %lt3A_2327 = arith.constant 125 : i32
      %lt3A_2328 = vector.broadcast %lt3A_2327 : i32 to vector<16xi32>
      %lt3A_2329 = arith.cmpi slt, %sub3A_2323, %lt3A_2328 : vector<16xi32>
      %and3A_2330 = arith.andi %ge3A_2326, %lt3A_2329 : vector<16xi1>
      %max3A_2331 = arith.constant 0 : i32
      %max3A_2332 = vector.broadcast %max3A_2331 : i32 to vector<16xi32>
      %max3A_2333 = arith.maxsi %sub3A_2323, %max3A_2332 : vector<16xi32>
      %min3A_2334 = arith.constant 124 : i32
      %min3A_2335 = vector.broadcast %min3A_2334 : i32 to vector<16xi32>
      %min3A_2336 = arith.minsi %max3A_2333, %min3A_2335 : vector<16xi32>
      tpu.vector_store_idx %arg6[%min3A_2336, %add3A_2319], %broadcast_in_dim3A_3 masked %and3A_2330 : memref<125x1024xf32, #tpu.memory_space<vmem>>[vector<16xi32>, vector<16xi32>], vector<16xf32>, vector<16xi1>
      %add3A_2337 = arith.constant 784 : i32
      %add3A_2338 = vector.broadcast %add3A_2337 : i32 to vector<16xi32>
      %add3A_2339 = arith.addi %iota3A, %add3A_2338 : vector<16xi32>
      %get3A_2340 = arith.constant 784 : index
      %get3A_2341 = tpu.vector_load %arg5[%get3A_2340] {strides = array<i32>} : memref<1024xi32, #tpu.memory_space<vmem>>, vector<16xi32>,
      %sub3A_2342 = vector.broadcast %mul3A_78 : i32 to vector<16xi32>
      %sub3A_2343 = arith.subi %get3A_2341, %sub3A_2342 : vector<16xi32>
      %ge3A_2344 = arith.constant 0 : i32
      %ge3A_2345 = vector.broadcast %ge3A_2344 : i32 to vector<16xi32>
      %ge3A_2346 = arith.cmpi sge, %sub3A_2343, %ge3A_2345 : vector<16xi32>
      %lt3A_2347 = arith.constant 125 : i32
      %lt3A_2348 = vector.broadcast %lt3A_2347 : i32 to vector<16xi32>
      %lt3A_2349 = arith.cmpi slt, %sub3A_2343, %lt3A_2348 : vector<16xi32>
      %and3A_2350 = arith.andi %ge3A_2346, %lt3A_2349 : vector<16xi1>
      %max3A_2351 = arith.constant 0 : i32
      %max3A_2352 = vector.broadcast %max3A_2351 : i32 to vector<16xi32>
      %max3A_2353 = arith.maxsi %sub3A_2343, %max3A_2352 : vector<16xi32>
      %min3A_2354 = arith.constant 124 : i32
      %min3A_2355 = vector.broadcast %min3A_2354 : i32 to vector<16xi32>
      %min3A_2356 = arith.minsi %max3A_2353, %min3A_2355 : vector<16xi32>
      tpu.vector_store_idx %arg6[%min3A_2356, %add3A_2339], %broadcast_in_dim3A_3 masked %and3A_2350 : memref<125x1024xf32, #tpu.memory_space<vmem>>[vector<16xi32>, vector<16xi32>], vector<16xf32>, vector<16xi1>
      %add3A_2357 = arith.constant 800 : i32
      %add3A_2358 = vector.broadcast %add3A_2357 : i32 to vector<16xi32>
      %add3A_2359 = arith.addi %iota3A, %add3A_2358 : vector<16xi32>
      %get3A_2360 = arith.constant 800 : index
      %get3A_2361 = tpu.vector_load %arg5[%get3A_2360] {strides = array<i32>} : memref<1024xi32, #tpu.memory_space<vmem>>, vector<16xi32>,
      %sub3A_2362 = vector.broadcast %mul3A_78 : i32 to vector<16xi32>
      %sub3A_2363 = arith.subi %get3A_2361, %sub3A_2362 : vector<16xi32>
      %ge3A_2364 = arith.constant 0 : i32
      %ge3A_2365 = vector.broadcast %ge3A_2364 : i32 to vector<16xi32>
      %ge3A_2366 = arith.cmpi sge, %sub3A_2363, %ge3A_2365 : vector<16xi32>
      %lt3A_2367 = arith.constant 125 : i32
      %lt3A_2368 = vector.broadcast %lt3A_2367 : i32 to vector<16xi32>
      %lt3A_2369 = arith.cmpi slt, %sub3A_2363, %lt3A_2368 : vector<16xi32>
      %and3A_2370 = arith.andi %ge3A_2366, %lt3A_2369 : vector<16xi1>
      %max3A_2371 = arith.constant 0 : i32
      %max3A_2372 = vector.broadcast %max3A_2371 : i32 to vector<16xi32>
      %max3A_2373 = arith.maxsi %sub3A_2363, %max3A_2372 : vector<16xi32>
      %min3A_2374 = arith.constant 124 : i32
      %min3A_2375 = vector.broadcast %min3A_2374 : i32 to vector<16xi32>
      %min3A_2376 = arith.minsi %max3A_2373, %min3A_2375 : vector<16xi32>
      tpu.vector_store_idx %arg6[%min3A_2376, %add3A_2359], %broadcast_in_dim3A_3 masked %and3A_2370 : memref<125x1024xf32, #tpu.memory_space<vmem>>[vector<16xi32>, vector<16xi32>], vector<16xf32>, vector<16xi1>
      %add3A_2377 = arith.constant 816 : i32
      %add3A_2378 = vector.broadcast %add3A_2377 : i32 to vector<16xi32>
      %add3A_2379 = arith.addi %iota3A, %add3A_2378 : vector<16xi32>
      %get3A_2380 = arith.constant 816 : index
      %get3A_2381 = tpu.vector_load %arg5[%get3A_2380] {strides = array<i32>} : memref<1024xi32, #tpu.memory_space<vmem>>, vector<16xi32>,
      %sub3A_2382 = vector.broadcast %mul3A_78 : i32 to vector<16xi32>
      %sub3A_2383 = arith.subi %get3A_2381, %sub3A_2382 : vector<16xi32>
      %ge3A_2384 = arith.constant 0 : i32
      %ge3A_2385 = vector.broadcast %ge3A_2384 : i32 to vector<16xi32>
      %ge3A_2386 = arith.cmpi sge, %sub3A_2383, %ge3A_2385 : vector<16xi32>
      %lt3A_2387 = arith.constant 125 : i32
      %lt3A_2388 = vector.broadcast %lt3A_2387 : i32 to vector<16xi32>
      %lt3A_2389 = arith.cmpi slt, %sub3A_2383, %lt3A_2388 : vector<16xi32>
      %and3A_2390 = arith.andi %ge3A_2386, %lt3A_2389 : vector<16xi1>
      %max3A_2391 = arith.constant 0 : i32
      %max3A_2392 = vector.broadcast %max3A_2391 : i32 to vector<16xi32>
      %max3A_2393 = arith.maxsi %sub3A_2383, %max3A_2392 : vector<16xi32>
      %min3A_2394 = arith.constant 124 : i32
      %min3A_2395 = vector.broadcast %min3A_2394 : i32 to vector<16xi32>
      %min3A_2396 = arith.minsi %max3A_2393, %min3A_2395 : vector<16xi32>
      tpu.vector_store_idx %arg6[%min3A_2396, %add3A_2379], %broadcast_in_dim3A_3 masked %and3A_2390 : memref<125x1024xf32, #tpu.memory_space<vmem>>[vector<16xi32>, vector<16xi32>], vector<16xf32>, vector<16xi1>
      %add3A_2397 = arith.constant 832 : i32
      %add3A_2398 = vector.broadcast %add3A_2397 : i32 to vector<16xi32>
      %add3A_2399 = arith.addi %iota3A, %add3A_2398 : vector<16xi32>
      %get3A_2400 = arith.constant 832 : index
      %get3A_2401 = tpu.vector_load %arg5[%get3A_2400] {strides = array<i32>} : memref<1024xi32, #tpu.memory_space<vmem>>, vector<16xi32>,
      %sub3A_2402 = vector.broadcast %mul3A_78 : i32 to vector<16xi32>
      %sub3A_2403 = arith.subi %get3A_2401, %sub3A_2402 : vector<16xi32>
      %ge3A_2404 = arith.constant 0 : i32
      %ge3A_2405 = vector.broadcast %ge3A_2404 : i32 to vector<16xi32>
      %ge3A_2406 = arith.cmpi sge, %sub3A_2403, %ge3A_2405 : vector<16xi32>
      %lt3A_2407 = arith.constant 125 : i32
      %lt3A_2408 = vector.broadcast %lt3A_2407 : i32 to vector<16xi32>
      %lt3A_2409 = arith.cmpi slt, %sub3A_2403, %lt3A_2408 : vector<16xi32>
      %and3A_2410 = arith.andi %ge3A_2406, %lt3A_2409 : vector<16xi1>
      %max3A_2411 = arith.constant 0 : i32
      %max3A_2412 = vector.broadcast %max3A_2411 : i32 to vector<16xi32>
      %max3A_2413 = arith.maxsi %sub3A_2403, %max3A_2412 : vector<16xi32>
      %min3A_2414 = arith.constant 124 : i32
      %min3A_2415 = vector.broadcast %min3A_2414 : i32 to vector<16xi32>
      %min3A_2416 = arith.minsi %max3A_2413, %min3A_2415 : vector<16xi32>
      tpu.vector_store_idx %arg6[%min3A_2416, %add3A_2399], %broadcast_in_dim3A_3 masked %and3A_2410 : memref<125x1024xf32, #tpu.memory_space<vmem>>[vector<16xi32>, vector<16xi32>], vector<16xf32>, vector<16xi1>
      %add3A_2417 = arith.constant 848 : i32
      %add3A_2418 = vector.broadcast %add3A_2417 : i32 to vector<16xi32>
      %add3A_2419 = arith.addi %iota3A, %add3A_2418 : vector<16xi32>
      %get3A_2420 = arith.constant 848 : index
      %get3A_2421 = tpu.vector_load %arg5[%get3A_2420] {strides = array<i32>} : memref<1024xi32, #tpu.memory_space<vmem>>, vector<16xi32>,
      %sub3A_2422 = vector.broadcast %mul3A_78 : i32 to vector<16xi32>
      %sub3A_2423 = arith.subi %get3A_2421, %sub3A_2422 : vector<16xi32>
      %ge3A_2424 = arith.constant 0 : i32
      %ge3A_2425 = vector.broadcast %ge3A_2424 : i32 to vector<16xi32>
      %ge3A_2426 = arith.cmpi sge, %sub3A_2423, %ge3A_2425 : vector<16xi32>
      %lt3A_2427 = arith.constant 125 : i32
      %lt3A_2428 = vector.broadcast %lt3A_2427 : i32 to vector<16xi32>
      %lt3A_2429 = arith.cmpi slt, %sub3A_2423, %lt3A_2428 : vector<16xi32>
      %and3A_2430 = arith.andi %ge3A_2426, %lt3A_2429 : vector<16xi1>
      %max3A_2431 = arith.constant 0 : i32
      %max3A_2432 = vector.broadcast %max3A_2431 : i32 to vector<16xi32>
      %max3A_2433 = arith.maxsi %sub3A_2423, %max3A_2432 : vector<16xi32>
      %min3A_2434 = arith.constant 124 : i32
      %min3A_2435 = vector.broadcast %min3A_2434 : i32 to vector<16xi32>
      %min3A_2436 = arith.minsi %max3A_2433, %min3A_2435 : vector<16xi32>
      tpu.vector_store_idx %arg6[%min3A_2436, %add3A_2419], %broadcast_in_dim3A_3 masked %and3A_2430 : memref<125x1024xf32, #tpu.memory_space<vmem>>[vector<16xi32>, vector<16xi32>], vector<16xf32>, vector<16xi1>
      %add3A_2437 = arith.constant 864 : i32
      %add3A_2438 = vector.broadcast %add3A_2437 : i32 to vector<16xi32>
      %add3A_2439 = arith.addi %iota3A, %add3A_2438 : vector<16xi32>
      %get3A_2440 = arith.constant 864 : index
      %get3A_2441 = tpu.vector_load %arg5[%get3A_2440] {strides = array<i32>} : memref<1024xi32, #tpu.memory_space<vmem>>, vector<16xi32>,
      %sub3A_2442 = vector.broadcast %mul3A_78 : i32 to vector<16xi32>
      %sub3A_2443 = arith.subi %get3A_2441, %sub3A_2442 : vector<16xi32>
      %ge3A_2444 = arith.constant 0 : i32
      %ge3A_2445 = vector.broadcast %ge3A_2444 : i32 to vector<16xi32>
      %ge3A_2446 = arith.cmpi sge, %sub3A_2443, %ge3A_2445 : vector<16xi32>
      %lt3A_2447 = arith.constant 125 : i32
      %lt3A_2448 = vector.broadcast %lt3A_2447 : i32 to vector<16xi32>
      %lt3A_2449 = arith.cmpi slt, %sub3A_2443, %lt3A_2448 : vector<16xi32>
      %and3A_2450 = arith.andi %ge3A_2446, %lt3A_2449 : vector<16xi1>
      %max3A_2451 = arith.constant 0 : i32
      %max3A_2452 = vector.broadcast %max3A_2451 : i32 to vector<16xi32>
      %max3A_2453 = arith.maxsi %sub3A_2443, %max3A_2452 : vector<16xi32>
      %min3A_2454 = arith.constant 124 : i32
      %min3A_2455 = vector.broadcast %min3A_2454 : i32 to vector<16xi32>
      %min3A_2456 = arith.minsi %max3A_2453, %min3A_2455 : vector<16xi32>
      tpu.vector_store_idx %arg6[%min3A_2456, %add3A_2439], %broadcast_in_dim3A_3 masked %and3A_2450 : memref<125x1024xf32, #tpu.memory_space<vmem>>[vector<16xi32>, vector<16xi32>], vector<16xf32>, vector<16xi1>
      %add3A_2457 = arith.constant 880 : i32
      %add3A_2458 = vector.broadcast %add3A_2457 : i32 to vector<16xi32>
      %add3A_2459 = arith.addi %iota3A, %add3A_2458 : vector<16xi32>
      %get3A_2460 = arith.constant 880 : index
      %get3A_2461 = tpu.vector_load %arg5[%get3A_2460] {strides = array<i32>} : memref<1024xi32, #tpu.memory_space<vmem>>, vector<16xi32>,
      %sub3A_2462 = vector.broadcast %mul3A_78 : i32 to vector<16xi32>
      %sub3A_2463 = arith.subi %get3A_2461, %sub3A_2462 : vector<16xi32>
      %ge3A_2464 = arith.constant 0 : i32
      %ge3A_2465 = vector.broadcast %ge3A_2464 : i32 to vector<16xi32>
      %ge3A_2466 = arith.cmpi sge, %sub3A_2463, %ge3A_2465 : vector<16xi32>
      %lt3A_2467 = arith.constant 125 : i32
      %lt3A_2468 = vector.broadcast %lt3A_2467 : i32 to vector<16xi32>
      %lt3A_2469 = arith.cmpi slt, %sub3A_2463, %lt3A_2468 : vector<16xi32>
      %and3A_2470 = arith.andi %ge3A_2466, %lt3A_2469 : vector<16xi1>
      %max3A_2471 = arith.constant 0 : i32
      %max3A_2472 = vector.broadcast %max3A_2471 : i32 to vector<16xi32>
      %max3A_2473 = arith.maxsi %sub3A_2463, %max3A_2472 : vector<16xi32>
      %min3A_2474 = arith.constant 124 : i32
      %min3A_2475 = vector.broadcast %min3A_2474 : i32 to vector<16xi32>
      %min3A_2476 = arith.minsi %max3A_2473, %min3A_2475 : vector<16xi32>
      tpu.vector_store_idx %arg6[%min3A_2476, %add3A_2459], %broadcast_in_dim3A_3 masked %and3A_2470 : memref<125x1024xf32, #tpu.memory_space<vmem>>[vector<16xi32>, vector<16xi32>], vector<16xf32>, vector<16xi1>
      %add3A_2477 = arith.constant 896 : i32
      %add3A_2478 = vector.broadcast %add3A_2477 : i32 to vector<16xi32>
      %add3A_2479 = arith.addi %iota3A, %add3A_2478 : vector<16xi32>
      %get3A_2480 = arith.constant 896 : index
      %get3A_2481 = tpu.vector_load %arg5[%get3A_2480] {strides = array<i32>} : memref<1024xi32, #tpu.memory_space<vmem>>, vector<16xi32>,
      %sub3A_2482 = vector.broadcast %mul3A_78 : i32 to vector<16xi32>
      %sub3A_2483 = arith.subi %get3A_2481, %sub3A_2482 : vector<16xi32>
      %ge3A_2484 = arith.constant 0 : i32
      %ge3A_2485 = vector.broadcast %ge3A_2484 : i32 to vector<16xi32>
      %ge3A_2486 = arith.cmpi sge, %sub3A_2483, %ge3A_2485 : vector<16xi32>
      %lt3A_2487 = arith.constant 125 : i32
      %lt3A_2488 = vector.broadcast %lt3A_2487 : i32 to vector<16xi32>
      %lt3A_2489 = arith.cmpi slt, %sub3A_2483, %lt3A_2488 : vector<16xi32>
      %and3A_2490 = arith.andi %ge3A_2486, %lt3A_2489 : vector<16xi1>
      %max3A_2491 = arith.constant 0 : i32
      %max3A_2492 = vector.broadcast %max3A_2491 : i32 to vector<16xi32>
      %max3A_2493 = arith.maxsi %sub3A_2483, %max3A_2492 : vector<16xi32>
      %min3A_2494 = arith.constant 124 : i32
      %min3A_2495 = vector.broadcast %min3A_2494 : i32 to vector<16xi32>
      %min3A_2496 = arith.minsi %max3A_2493, %min3A_2495 : vector<16xi32>
      tpu.vector_store_idx %arg6[%min3A_2496, %add3A_2479], %broadcast_in_dim3A_3 masked %and3A_2490 : memref<125x1024xf32, #tpu.memory_space<vmem>>[vector<16xi32>, vector<16xi32>], vector<16xf32>, vector<16xi1>
      %add3A_2497 = arith.constant 912 : i32
      %add3A_2498 = vector.broadcast %add3A_2497 : i32 to vector<16xi32>
      %add3A_2499 = arith.addi %iota3A, %add3A_2498 : vector<16xi32>
      %get3A_2500 = arith.constant 912 : index
      %get3A_2501 = tpu.vector_load %arg5[%get3A_2500] {strides = array<i32>} : memref<1024xi32, #tpu.memory_space<vmem>>, vector<16xi32>,
      %sub3A_2502 = vector.broadcast %mul3A_78 : i32 to vector<16xi32>
      %sub3A_2503 = arith.subi %get3A_2501, %sub3A_2502 : vector<16xi32>
      %ge3A_2504 = arith.constant 0 : i32
      %ge3A_2505 = vector.broadcast %ge3A_2504 : i32 to vector<16xi32>
      %ge3A_2506 = arith.cmpi sge, %sub3A_2503, %ge3A_2505 : vector<16xi32>
      %lt3A_2507 = arith.constant 125 : i32
      %lt3A_2508 = vector.broadcast %lt3A_2507 : i32 to vector<16xi32>
      %lt3A_2509 = arith.cmpi slt, %sub3A_2503, %lt3A_2508 : vector<16xi32>
      %and3A_2510 = arith.andi %ge3A_2506, %lt3A_2509 : vector<16xi1>
      %max3A_2511 = arith.constant 0 : i32
      %max3A_2512 = vector.broadcast %max3A_2511 : i32 to vector<16xi32>
      %max3A_2513 = arith.maxsi %sub3A_2503, %max3A_2512 : vector<16xi32>
      %min3A_2514 = arith.constant 124 : i32
      %min3A_2515 = vector.broadcast %min3A_2514 : i32 to vector<16xi32>
      %min3A_2516 = arith.minsi %max3A_2513, %min3A_2515 : vector<16xi32>
      tpu.vector_store_idx %arg6[%min3A_2516, %add3A_2499], %broadcast_in_dim3A_3 masked %and3A_2510 : memref<125x1024xf32, #tpu.memory_space<vmem>>[vector<16xi32>, vector<16xi32>], vector<16xf32>, vector<16xi1>
      %add3A_2517 = arith.constant 928 : i32
      %add3A_2518 = vector.broadcast %add3A_2517 : i32 to vector<16xi32>
      %add3A_2519 = arith.addi %iota3A, %add3A_2518 : vector<16xi32>
      %get3A_2520 = arith.constant 928 : index
      %get3A_2521 = tpu.vector_load %arg5[%get3A_2520] {strides = array<i32>} : memref<1024xi32, #tpu.memory_space<vmem>>, vector<16xi32>,
      %sub3A_2522 = vector.broadcast %mul3A_78 : i32 to vector<16xi32>
      %sub3A_2523 = arith.subi %get3A_2521, %sub3A_2522 : vector<16xi32>
      %ge3A_2524 = arith.constant 0 : i32
      %ge3A_2525 = vector.broadcast %ge3A_2524 : i32 to vector<16xi32>
      %ge3A_2526 = arith.cmpi sge, %sub3A_2523, %ge3A_2525 : vector<16xi32>
      %lt3A_2527 = arith.constant 125 : i32
      %lt3A_2528 = vector.broadcast %lt3A_2527 : i32 to vector<16xi32>
      %lt3A_2529 = arith.cmpi slt, %sub3A_2523, %lt3A_2528 : vector<16xi32>
      %and3A_2530 = arith.andi %ge3A_2526, %lt3A_2529 : vector<16xi1>
      %max3A_2531 = arith.constant 0 : i32
      %max3A_2532 = vector.broadcast %max3A_2531 : i32 to vector<16xi32>
      %max3A_2533 = arith.maxsi %sub3A_2523, %max3A_2532 : vector<16xi32>
      %min3A_2534 = arith.constant 124 : i32
      %min3A_2535 = vector.broadcast %min3A_2534 : i32 to vector<16xi32>
      %min3A_2536 = arith.minsi %max3A_2533, %min3A_2535 : vector<16xi32>
      tpu.vector_store_idx %arg6[%min3A_2536, %add3A_2519], %broadcast_in_dim3A_3 masked %and3A_2530 : memref<125x1024xf32, #tpu.memory_space<vmem>>[vector<16xi32>, vector<16xi32>], vector<16xf32>, vector<16xi1>
      %add3A_2537 = arith.constant 944 : i32
      %add3A_2538 = vector.broadcast %add3A_2537 : i32 to vector<16xi32>
      %add3A_2539 = arith.addi %iota3A, %add3A_2538 : vector<16xi32>
      %get3A_2540 = arith.constant 944 : index
      %get3A_2541 = tpu.vector_load %arg5[%get3A_2540] {strides = array<i32>} : memref<1024xi32, #tpu.memory_space<vmem>>, vector<16xi32>,
      %sub3A_2542 = vector.broadcast %mul3A_78 : i32 to vector<16xi32>
      %sub3A_2543 = arith.subi %get3A_2541, %sub3A_2542 : vector<16xi32>
      %ge3A_2544 = arith.constant 0 : i32
      %ge3A_2545 = vector.broadcast %ge3A_2544 : i32 to vector<16xi32>
      %ge3A_2546 = arith.cmpi sge, %sub3A_2543, %ge3A_2545 : vector<16xi32>
      %lt3A_2547 = arith.constant 125 : i32
      %lt3A_2548 = vector.broadcast %lt3A_2547 : i32 to vector<16xi32>
      %lt3A_2549 = arith.cmpi slt, %sub3A_2543, %lt3A_2548 : vector<16xi32>
      %and3A_2550 = arith.andi %ge3A_2546, %lt3A_2549 : vector<16xi1>
      %max3A_2551 = arith.constant 0 : i32
      %max3A_2552 = vector.broadcast %max3A_2551 : i32 to vector<16xi32>
      %max3A_2553 = arith.maxsi %sub3A_2543, %max3A_2552 : vector<16xi32>
      %min3A_2554 = arith.constant 124 : i32
      %min3A_2555 = vector.broadcast %min3A_2554 : i32 to vector<16xi32>
      %min3A_2556 = arith.minsi %max3A_2553, %min3A_2555 : vector<16xi32>
      tpu.vector_store_idx %arg6[%min3A_2556, %add3A_2539], %broadcast_in_dim3A_3 masked %and3A_2550 : memref<125x1024xf32, #tpu.memory_space<vmem>>[vector<16xi32>, vector<16xi32>], vector<16xf32>, vector<16xi1>
      %add3A_2557 = arith.constant 960 : i32
      %add3A_2558 = vector.broadcast %add3A_2557 : i32 to vector<16xi32>
      %add3A_2559 = arith.addi %iota3A, %add3A_2558 : vector<16xi32>
      %get3A_2560 = arith.constant 960 : index
      %get3A_2561 = tpu.vector_load %arg5[%get3A_2560] {strides = array<i32>} : memref<1024xi32, #tpu.memory_space<vmem>>, vector<16xi32>,
      %sub3A_2562 = vector.broadcast %mul3A_78 : i32 to vector<16xi32>
      %sub3A_2563 = arith.subi %get3A_2561, %sub3A_2562 : vector<16xi32>
      %ge3A_2564 = arith.constant 0 : i32
      %ge3A_2565 = vector.broadcast %ge3A_2564 : i32 to vector<16xi32>
      %ge3A_2566 = arith.cmpi sge, %sub3A_2563, %ge3A_2565 : vector<16xi32>
      %lt3A_2567 = arith.constant 125 : i32
      %lt3A_2568 = vector.broadcast %lt3A_2567 : i32 to vector<16xi32>
      %lt3A_2569 = arith.cmpi slt, %sub3A_2563, %lt3A_2568 : vector<16xi32>
      %and3A_2570 = arith.andi %ge3A_2566, %lt3A_2569 : vector<16xi1>
      %max3A_2571 = arith.constant 0 : i32
      %max3A_2572 = vector.broadcast %max3A_2571 : i32 to vector<16xi32>
      %max3A_2573 = arith.maxsi %sub3A_2563, %max3A_2572 : vector<16xi32>
      %min3A_2574 = arith.constant 124 : i32
      %min3A_2575 = vector.broadcast %min3A_2574 : i32 to vector<16xi32>
      %min3A_2576 = arith.minsi %max3A_2573, %min3A_2575 : vector<16xi32>
      tpu.vector_store_idx %arg6[%min3A_2576, %add3A_2559], %broadcast_in_dim3A_3 masked %and3A_2570 : memref<125x1024xf32, #tpu.memory_space<vmem>>[vector<16xi32>, vector<16xi32>], vector<16xf32>, vector<16xi1>
      %add3A_2577 = arith.constant 976 : i32
      %add3A_2578 = vector.broadcast %add3A_2577 : i32 to vector<16xi32>
      %add3A_2579 = arith.addi %iota3A, %add3A_2578 : vector<16xi32>
      %get3A_2580 = arith.constant 976 : index
      %get3A_2581 = tpu.vector_load %arg5[%get3A_2580] {strides = array<i32>} : memref<1024xi32, #tpu.memory_space<vmem>>, vector<16xi32>,
      %sub3A_2582 = vector.broadcast %mul3A_78 : i32 to vector<16xi32>
      %sub3A_2583 = arith.subi %get3A_2581, %sub3A_2582 : vector<16xi32>
      %ge3A_2584 = arith.constant 0 : i32
      %ge3A_2585 = vector.broadcast %ge3A_2584 : i32 to vector<16xi32>
      %ge3A_2586 = arith.cmpi sge, %sub3A_2583, %ge3A_2585 : vector<16xi32>
      %lt3A_2587 = arith.constant 125 : i32
      %lt3A_2588 = vector.broadcast %lt3A_2587 : i32 to vector<16xi32>
      %lt3A_2589 = arith.cmpi slt, %sub3A_2583, %lt3A_2588 : vector<16xi32>
      %and3A_2590 = arith.andi %ge3A_2586, %lt3A_2589 : vector<16xi1>
      %max3A_2591 = arith.constant 0 : i32
      %max3A_2592 = vector.broadcast %max3A_2591 : i32 to vector<16xi32>
      %max3A_2593 = arith.maxsi %sub3A_2583, %max3A_2592 : vector<16xi32>
      %min3A_2594 = arith.constant 124 : i32
      %min3A_2595 = vector.broadcast %min3A_2594 : i32 to vector<16xi32>
      %min3A_2596 = arith.minsi %max3A_2593, %min3A_2595 : vector<16xi32>
      tpu.vector_store_idx %arg6[%min3A_2596, %add3A_2579], %broadcast_in_dim3A_3 masked %and3A_2590 : memref<125x1024xf32, #tpu.memory_space<vmem>>[vector<16xi32>, vector<16xi32>], vector<16xf32>, vector<16xi1>
      %add3A_2597 = arith.constant 992 : i32
      %add3A_2598 = vector.broadcast %add3A_2597 : i32 to vector<16xi32>
      %add3A_2599 = arith.addi %iota3A, %add3A_2598 : vector<16xi32>
      %get3A_2600 = arith.constant 992 : index
      %get3A_2601 = tpu.vector_load %arg5[%get3A_2600] {strides = array<i32>} : memref<1024xi32, #tpu.memory_space<vmem>>, vector<16xi32>,
      %sub3A_2602 = vector.broadcast %mul3A_78 : i32 to vector<16xi32>
      %sub3A_2603 = arith.subi %get3A_2601, %sub3A_2602 : vector<16xi32>
      %ge3A_2604 = arith.constant 0 : i32
      %ge3A_2605 = vector.broadcast %ge3A_2604 : i32 to vector<16xi32>
      %ge3A_2606 = arith.cmpi sge, %sub3A_2603, %ge3A_2605 : vector<16xi32>
      %lt3A_2607 = arith.constant 125 : i32
      %lt3A_2608 = vector.broadcast %lt3A_2607 : i32 to vector<16xi32>
      %lt3A_2609 = arith.cmpi slt, %sub3A_2603, %lt3A_2608 : vector<16xi32>
      %and3A_2610 = arith.andi %ge3A_2606, %lt3A_2609 : vector<16xi1>
      %max3A_2611 = arith.constant 0 : i32
      %max3A_2612 = vector.broadcast %max3A_2611 : i32 to vector<16xi32>
      %max3A_2613 = arith.maxsi %sub3A_2603, %max3A_2612 : vector<16xi32>
      %min3A_2614 = arith.constant 124 : i32
      %min3A_2615 = vector.broadcast %min3A_2614 : i32 to vector<16xi32>
      %min3A_2616 = arith.minsi %max3A_2613, %min3A_2615 : vector<16xi32>
      tpu.vector_store_idx %arg6[%min3A_2616, %add3A_2599], %broadcast_in_dim3A_3 masked %and3A_2610 : memref<125x1024xf32, #tpu.memory_space<vmem>>[vector<16xi32>, vector<16xi32>], vector<16xf32>, vector<16xi1>
      %add3A_2617 = arith.constant 1008 : i32
      %add3A_2618 = vector.broadcast %add3A_2617 : i32 to vector<16xi32>
      %add3A_2619 = arith.addi %iota3A, %add3A_2618 : vector<16xi32>
      %get3A_2620 = arith.constant 1008 : index
      %get3A_2621 = tpu.vector_load %arg5[%get3A_2620] {strides = array<i32>} : memref<1024xi32, #tpu.memory_space<vmem>>, vector<16xi32>,
      %sub3A_2622 = vector.broadcast %mul3A_78 : i32 to vector<16xi32>
      %sub3A_2623 = arith.subi %get3A_2621, %sub3A_2622 : vector<16xi32>
      %ge3A_2624 = arith.constant 0 : i32
      %ge3A_2625 = vector.broadcast %ge3A_2624 : i32 to vector<16xi32>
      %ge3A_2626 = arith.cmpi sge, %sub3A_2623, %ge3A_2625 : vector<16xi32>
      %lt3A_2627 = arith.constant 125 : i32
      %lt3A_2628 = vector.broadcast %lt3A_2627 : i32 to vector<16xi32>
      %lt3A_2629 = arith.cmpi slt, %sub3A_2623, %lt3A_2628 : vector<16xi32>
      %and3A_2630 = arith.andi %ge3A_2626, %lt3A_2629 : vector<16xi1>
      %max3A_2631 = arith.constant 0 : i32
      %max3A_2632 = vector.broadcast %max3A_2631 : i32 to vector<16xi32>
      %max3A_2633 = arith.maxsi %sub3A_2623, %max3A_2632 : vector<16xi32>
      %min3A_2634 = arith.constant 124 : i32
      %min3A_2635 = vector.broadcast %min3A_2634 : i32 to vector<16xi32>
      %min3A_2636 = arith.minsi %max3A_2633, %min3A_2635 : vector<16xi32>
      tpu.vector_store_idx %arg6[%min3A_2636, %add3A_2619], %broadcast_in_dim3A_3 masked %and3A_2630 : memref<125x1024xf32, #tpu.memory_space<vmem>>[vector<16xi32>, vector<16xi32>], vector<16xf32>, vector<16xi1>
    }
    %while3A_34 = arith.constant 1 : i32
    scf.for %while3A_35 = %while3A_32 to %while3A_28 step %while3A_34  : i32 {
      %mul3A_36 = arith.constant 32 : i32
      %mul3A_37 = arith.muli %while3A_35, %mul3A_36 : i32
      %add3A_38 = arith.addi %add3A, %mul3A_37 : i32
      %jit3A_39 = arith.constant 8 : i32
      %div3A_40 = arith.divsi %add3A_38, %jit3A_39 : i32
      %sign3A_41 = arith.constant 0 : i32
      %sign3A_42 = arith.cmpi sgt, %add3A_38, %sign3A_41 : i32
      %sign3A_43 = arith.extui %sign3A_42 : i1 to i32
      %sign3A_44 = arith.constant 0 : i32
      %sign3A_45 = arith.cmpi slt, %add3A_38, %sign3A_44 : i32
      %sign3A_46 = arith.extui %sign3A_45 : i1 to i32
      %sign3A_47 = arith.subi %sign3A_43, %sign3A_46 : i32
      %sign3A_48 = arith.constant 0 : i32
      %sign3A_49 = arith.cmpi sgt, %jit3A_39, %sign3A_48 : i32
      %sign3A_50 = arith.extui %sign3A_49 : i1 to i32
      %sign3A_51 = arith.constant 0 : i32
      %sign3A_52 = arith.cmpi slt, %jit3A_39, %sign3A_51 : i32
      %sign3A_53 = arith.extui %sign3A_52 : i1 to i32
      %sign3A_54 = arith.subi %sign3A_50, %sign3A_53 : i32
      %ne3A_55 = arith.cmpi ne, %sign3A_47, %sign3A_54 : i32
      %rem3A_56 = arith.remsi %add3A_38, %jit3A_39 : i32
      %ne3A_57 = arith.constant 0 : i32
      %ne3A_58 = arith.cmpi ne, %rem3A_56, %ne3A_57 : i32
      %and3A_59 = arith.andi %ne3A_55, %ne3A_58 : i1
      %sub3A_60 = arith.constant 1 : i32
      %sub3A_61 = arith.subi %div3A_40, %sub3A_60 : i32
      %select_n3A_62 = arith.select %and3A_59, %sub3A_61, %div3A_40 : i32
      %jit3A_63 = arith.constant 8 : i32
      %eq3A = arith.constant 0 : i32
      %eq3A_64 = arith.cmpi eq, %jit3A_63, %eq3A : i32
      %jit3A_65 = arith.constant 1 : i32
      %select_n3A_66 = arith.select %eq3A_64, %jit3A_65, %jit3A_63 : i32
      %rem3A_67 = arith.remsi %add3A_38, %select_n3A_66 : i32
      %ne3A_68 = arith.constant 0 : i32
      %ne3A_69 = arith.cmpi ne, %rem3A_67, %ne3A_68 : i32
      %lt3A = arith.constant 0 : i32
      %lt3A_70 = arith.cmpi slt, %rem3A_67, %lt3A : i32
      %lt3A_71 = arith.constant 0 : i32
      %lt3A_72 = arith.cmpi slt, %select_n3A_66, %lt3A_71 : i32
      %ne3A_73 = arith.xori %lt3A_70, %lt3A_72 : i1
      %and3A_74 = arith.andi %ne3A_73, %ne3A_69 : i1
      %add3A_75 = arith.addi %rem3A_67, %select_n3A_66 : i32
      %select_n3A_76 = arith.select %and3A_74, %add3A_75, %rem3A_67 : i32
      %mul3A_77 = arith.constant 125 : i32
      %mul3A_78 = arith.muli %select_n3A_76, %mul3A_77 : i32
      %mul3A_79 = arith.constant 1024 : i32
      %mul3A_80 = arith.muli %select_n3A_62, %mul3A_79 : i32
      "tpu.region"() ({
        %run_scoped3A = tpu.sem_alloc : memref<!tpu.dma_semaphore, #tpu.memory_space<semaphore_mem>>
        %dma_start3A = tpu.memref_slice %arg2[%mul3A_80] : memref<51200xi32, #tpu.memory_space<hbm>> -> memref<1024xi32, #tpu.memory_space<hbm>>
        %dma_start3A_2637 = tpu.memref_slice %arg2[%mul3A_80] : memref<51200xi32, #tpu.memory_space<hbm>> -> memref<1024xi32, #tpu.memory_space<hbm>>
        tpu.enqueue_dma source(%dma_start3A_2637 : memref<1024xi32, #tpu.memory_space<hbm>>) target(%arg5 : memref<1024xi32, #tpu.memory_space<vmem>>) target_semaphore(%run_scoped3A : memref<!tpu.dma_semaphore, #tpu.memory_space<semaphore_mem>>)
        %dma_wait3A = tpu.memref_slice %arg2[%mul3A_80] : memref<51200xi32, #tpu.memory_space<hbm>> -> memref<1024xi32, #tpu.memory_space<hbm>>
        %dma_wait3A_2638 = tpu.memref_slice %arg2[%mul3A_80] : memref<51200xi32, #tpu.memory_space<hbm>> -> memref<1024xi32, #tpu.memory_space<hbm>>
        tpu.wait_dma2 semaphore(%run_scoped3A : memref<!tpu.dma_semaphore, #tpu.memory_space<semaphore_mem>>) src(%dma_wait3A_2638 : memref<1024xi32, #tpu.memory_space<hbm>>) dst(%arg5 : memref<1024xi32, #tpu.memory_space<vmem>>)
        tpu.yield
      }) : () -> ()
      %add3A_81 = arith.constant 0 : i32
      %add3A_82 = vector.broadcast %add3A_81 : i32 to vector<16xi32>
      %add3A_83 = arith.addi %iota3A, %add3A_82 : vector<16xi32>
      %get3A = arith.constant 0 : index
      %get3A_84 = tpu.vector_load %arg5[%get3A] {strides = array<i32>} : memref<1024xi32, #tpu.memory_space<vmem>>, vector<16xi32>,
      %sub3A_85 = vector.broadcast %mul3A_78 : i32 to vector<16xi32>
      %sub3A_86 = arith.subi %get3A_84, %sub3A_85 : vector<16xi32>
      %ge3A = arith.constant 0 : i32
      %ge3A_87 = vector.broadcast %ge3A : i32 to vector<16xi32>
      %ge3A_88 = arith.cmpi sge, %sub3A_86, %ge3A_87 : vector<16xi32>
      %lt3A_89 = arith.constant 125 : i32
      %lt3A_90 = vector.broadcast %lt3A_89 : i32 to vector<16xi32>
      %lt3A_91 = arith.cmpi slt, %sub3A_86, %lt3A_90 : vector<16xi32>
      %and3A_92 = arith.andi %ge3A_88, %lt3A_91 : vector<16xi1>
      %max3A = arith.constant 0 : i32
      %max3A_93 = vector.broadcast %max3A : i32 to vector<16xi32>
      %max3A_94 = arith.maxsi %sub3A_86, %max3A_93 : vector<16xi32>
      %min3A = arith.constant 124 : i32
      %min3A_95 = vector.broadcast %min3A : i32 to vector<16xi32>
      %min3A_96 = arith.minsi %max3A_94, %min3A_95 : vector<16xi32>
      tpu.vector_store_idx %arg6[%min3A_96, %add3A_83], %broadcast_in_dim3A_1 masked %and3A_92 : memref<125x1024xf32, #tpu.memory_space<vmem>>[vector<16xi32>, vector<16xi32>], vector<16xf32>, vector<16xi1>
      %add3A_97 = arith.constant 16 : i32
      %add3A_98 = vector.broadcast %add3A_97 : i32 to vector<16xi32>
      %add3A_99 = arith.addi %iota3A, %add3A_98 : vector<16xi32>
      %get3A_100 = arith.constant 16 : index
      %get3A_101 = tpu.vector_load %arg5[%get3A_100] {strides = array<i32>} : memref<1024xi32, #tpu.memory_space<vmem>>, vector<16xi32>,
      %sub3A_102 = vector.broadcast %mul3A_78 : i32 to vector<16xi32>
      %sub3A_103 = arith.subi %get3A_101, %sub3A_102 : vector<16xi32>
      %ge3A_104 = arith.constant 0 : i32
      %ge3A_105 = vector.broadcast %ge3A_104 : i32 to vector<16xi32>
      %ge3A_106 = arith.cmpi sge, %sub3A_103, %ge3A_105 : vector<16xi32>
      %lt3A_107 = arith.constant 125 : i32
      %lt3A_108 = vector.broadcast %lt3A_107 : i32 to vector<16xi32>
      %lt3A_109 = arith.cmpi slt, %sub3A_103, %lt3A_108 : vector<16xi32>
      %and3A_110 = arith.andi %ge3A_106, %lt3A_109 : vector<16xi1>
      %max3A_111 = arith.constant 0 : i32
      %max3A_112 = vector.broadcast %max3A_111 : i32 to vector<16xi32>
      %max3A_113 = arith.maxsi %sub3A_103, %max3A_112 : vector<16xi32>
      %min3A_114 = arith.constant 124 : i32
      %min3A_115 = vector.broadcast %min3A_114 : i32 to vector<16xi32>
      %min3A_116 = arith.minsi %max3A_113, %min3A_115 : vector<16xi32>
      tpu.vector_store_idx %arg6[%min3A_116, %add3A_99], %broadcast_in_dim3A_1 masked %and3A_110 : memref<125x1024xf32, #tpu.memory_space<vmem>>[vector<16xi32>, vector<16xi32>], vector<16xf32>, vector<16xi1>
      %add3A_117 = arith.constant 32 : i32
      %add3A_118 = vector.broadcast %add3A_117 : i32 to vector<16xi32>
      %add3A_119 = arith.addi %iota3A, %add3A_118 : vector<16xi32>
      %get3A_120 = arith.constant 32 : index
      %get3A_121 = tpu.vector_load %arg5[%get3A_120] {strides = array<i32>} : memref<1024xi32, #tpu.memory_space<vmem>>, vector<16xi32>,
      %sub3A_122 = vector.broadcast %mul3A_78 : i32 to vector<16xi32>
      %sub3A_123 = arith.subi %get3A_121, %sub3A_122 : vector<16xi32>
      %ge3A_124 = arith.constant 0 : i32
      %ge3A_125 = vector.broadcast %ge3A_124 : i32 to vector<16xi32>
      %ge3A_126 = arith.cmpi sge, %sub3A_123, %ge3A_125 : vector<16xi32>
      %lt3A_127 = arith.constant 125 : i32
      %lt3A_128 = vector.broadcast %lt3A_127 : i32 to vector<16xi32>
      %lt3A_129 = arith.cmpi slt, %sub3A_123, %lt3A_128 : vector<16xi32>
      %and3A_130 = arith.andi %ge3A_126, %lt3A_129 : vector<16xi1>
      %max3A_131 = arith.constant 0 : i32
      %max3A_132 = vector.broadcast %max3A_131 : i32 to vector<16xi32>
      %max3A_133 = arith.maxsi %sub3A_123, %max3A_132 : vector<16xi32>
      %min3A_134 = arith.constant 124 : i32
      %min3A_135 = vector.broadcast %min3A_134 : i32 to vector<16xi32>
      %min3A_136 = arith.minsi %max3A_133, %min3A_135 : vector<16xi32>
      tpu.vector_store_idx %arg6[%min3A_136, %add3A_119], %broadcast_in_dim3A_1 masked %and3A_130 : memref<125x1024xf32, #tpu.memory_space<vmem>>[vector<16xi32>, vector<16xi32>], vector<16xf32>, vector<16xi1>
      %add3A_137 = arith.constant 48 : i32
      %add3A_138 = vector.broadcast %add3A_137 : i32 to vector<16xi32>
      %add3A_139 = arith.addi %iota3A, %add3A_138 : vector<16xi32>
      %get3A_140 = arith.constant 48 : index
      %get3A_141 = tpu.vector_load %arg5[%get3A_140] {strides = array<i32>} : memref<1024xi32, #tpu.memory_space<vmem>>, vector<16xi32>,
      %sub3A_142 = vector.broadcast %mul3A_78 : i32 to vector<16xi32>
      %sub3A_143 = arith.subi %get3A_141, %sub3A_142 : vector<16xi32>
      %ge3A_144 = arith.constant 0 : i32
      %ge3A_145 = vector.broadcast %ge3A_144 : i32 to vector<16xi32>
      %ge3A_146 = arith.cmpi sge, %sub3A_143, %ge3A_145 : vector<16xi32>
      %lt3A_147 = arith.constant 125 : i32
      %lt3A_148 = vector.broadcast %lt3A_147 : i32 to vector<16xi32>
      %lt3A_149 = arith.cmpi slt, %sub3A_143, %lt3A_148 : vector<16xi32>
      %and3A_150 = arith.andi %ge3A_146, %lt3A_149 : vector<16xi1>
      %max3A_151 = arith.constant 0 : i32
      %max3A_152 = vector.broadcast %max3A_151 : i32 to vector<16xi32>
      %max3A_153 = arith.maxsi %sub3A_143, %max3A_152 : vector<16xi32>
      %min3A_154 = arith.constant 124 : i32
      %min3A_155 = vector.broadcast %min3A_154 : i32 to vector<16xi32>
      %min3A_156 = arith.minsi %max3A_153, %min3A_155 : vector<16xi32>
      tpu.vector_store_idx %arg6[%min3A_156, %add3A_139], %broadcast_in_dim3A_1 masked %and3A_150 : memref<125x1024xf32, #tpu.memory_space<vmem>>[vector<16xi32>, vector<16xi32>], vector<16xf32>, vector<16xi1>
      %add3A_157 = arith.constant 64 : i32
      %add3A_158 = vector.broadcast %add3A_157 : i32 to vector<16xi32>
      %add3A_159 = arith.addi %iota3A, %add3A_158 : vector<16xi32>
      %get3A_160 = arith.constant 64 : index
      %get3A_161 = tpu.vector_load %arg5[%get3A_160] {strides = array<i32>} : memref<1024xi32, #tpu.memory_space<vmem>>, vector<16xi32>,
      %sub3A_162 = vector.broadcast %mul3A_78 : i32 to vector<16xi32>
      %sub3A_163 = arith.subi %get3A_161, %sub3A_162 : vector<16xi32>
      %ge3A_164 = arith.constant 0 : i32
      %ge3A_165 = vector.broadcast %ge3A_164 : i32 to vector<16xi32>
      %ge3A_166 = arith.cmpi sge, %sub3A_163, %ge3A_165 : vector<16xi32>
      %lt3A_167 = arith.constant 125 : i32
      %lt3A_168 = vector.broadcast %lt3A_167 : i32 to vector<16xi32>
      %lt3A_169 = arith.cmpi slt, %sub3A_163, %lt3A_168 : vector<16xi32>
      %and3A_170 = arith.andi %ge3A_166, %lt3A_169 : vector<16xi1>
      %max3A_171 = arith.constant 0 : i32
      %max3A_172 = vector.broadcast %max3A_171 : i32 to vector<16xi32>
      %max3A_173 = arith.maxsi %sub3A_163, %max3A_172 : vector<16xi32>
      %min3A_174 = arith.constant 124 : i32
      %min3A_175 = vector.broadcast %min3A_174 : i32 to vector<16xi32>
      %min3A_176 = arith.minsi %max3A_173, %min3A_175 : vector<16xi32>
      tpu.vector_store_idx %arg6[%min3A_176, %add3A_159], %broadcast_in_dim3A_1 masked %and3A_170 : memref<125x1024xf32, #tpu.memory_space<vmem>>[vector<16xi32>, vector<16xi32>], vector<16xf32>, vector<16xi1>
      %add3A_177 = arith.constant 80 : i32
      %add3A_178 = vector.broadcast %add3A_177 : i32 to vector<16xi32>
      %add3A_179 = arith.addi %iota3A, %add3A_178 : vector<16xi32>
      %get3A_180 = arith.constant 80 : index
      %get3A_181 = tpu.vector_load %arg5[%get3A_180] {strides = array<i32>} : memref<1024xi32, #tpu.memory_space<vmem>>, vector<16xi32>,
      %sub3A_182 = vector.broadcast %mul3A_78 : i32 to vector<16xi32>
      %sub3A_183 = arith.subi %get3A_181, %sub3A_182 : vector<16xi32>
      %ge3A_184 = arith.constant 0 : i32
      %ge3A_185 = vector.broadcast %ge3A_184 : i32 to vector<16xi32>
      %ge3A_186 = arith.cmpi sge, %sub3A_183, %ge3A_185 : vector<16xi32>
      %lt3A_187 = arith.constant 125 : i32
      %lt3A_188 = vector.broadcast %lt3A_187 : i32 to vector<16xi32>
      %lt3A_189 = arith.cmpi slt, %sub3A_183, %lt3A_188 : vector<16xi32>
      %and3A_190 = arith.andi %ge3A_186, %lt3A_189 : vector<16xi1>
      %max3A_191 = arith.constant 0 : i32
      %max3A_192 = vector.broadcast %max3A_191 : i32 to vector<16xi32>
      %max3A_193 = arith.maxsi %sub3A_183, %max3A_192 : vector<16xi32>
      %min3A_194 = arith.constant 124 : i32
      %min3A_195 = vector.broadcast %min3A_194 : i32 to vector<16xi32>
      %min3A_196 = arith.minsi %max3A_193, %min3A_195 : vector<16xi32>
      tpu.vector_store_idx %arg6[%min3A_196, %add3A_179], %broadcast_in_dim3A_1 masked %and3A_190 : memref<125x1024xf32, #tpu.memory_space<vmem>>[vector<16xi32>, vector<16xi32>], vector<16xf32>, vector<16xi1>
      %add3A_197 = arith.constant 96 : i32
      %add3A_198 = vector.broadcast %add3A_197 : i32 to vector<16xi32>
      %add3A_199 = arith.addi %iota3A, %add3A_198 : vector<16xi32>
      %get3A_200 = arith.constant 96 : index
      %get3A_201 = tpu.vector_load %arg5[%get3A_200] {strides = array<i32>} : memref<1024xi32, #tpu.memory_space<vmem>>, vector<16xi32>,
      %sub3A_202 = vector.broadcast %mul3A_78 : i32 to vector<16xi32>
      %sub3A_203 = arith.subi %get3A_201, %sub3A_202 : vector<16xi32>
      %ge3A_204 = arith.constant 0 : i32
      %ge3A_205 = vector.broadcast %ge3A_204 : i32 to vector<16xi32>
      %ge3A_206 = arith.cmpi sge, %sub3A_203, %ge3A_205 : vector<16xi32>
      %lt3A_207 = arith.constant 125 : i32
      %lt3A_208 = vector.broadcast %lt3A_207 : i32 to vector<16xi32>
      %lt3A_209 = arith.cmpi slt, %sub3A_203, %lt3A_208 : vector<16xi32>
      %and3A_210 = arith.andi %ge3A_206, %lt3A_209 : vector<16xi1>
      %max3A_211 = arith.constant 0 : i32
      %max3A_212 = vector.broadcast %max3A_211 : i32 to vector<16xi32>
      %max3A_213 = arith.maxsi %sub3A_203, %max3A_212 : vector<16xi32>
      %min3A_214 = arith.constant 124 : i32
      %min3A_215 = vector.broadcast %min3A_214 : i32 to vector<16xi32>
      %min3A_216 = arith.minsi %max3A_213, %min3A_215 : vector<16xi32>
      tpu.vector_store_idx %arg6[%min3A_216, %add3A_199], %broadcast_in_dim3A_1 masked %and3A_210 : memref<125x1024xf32, #tpu.memory_space<vmem>>[vector<16xi32>, vector<16xi32>], vector<16xf32>, vector<16xi1>
      %add3A_217 = arith.constant 112 : i32
      %add3A_218 = vector.broadcast %add3A_217 : i32 to vector<16xi32>
      %add3A_219 = arith.addi %iota3A, %add3A_218 : vector<16xi32>
      %get3A_220 = arith.constant 112 : index
      %get3A_221 = tpu.vector_load %arg5[%get3A_220] {strides = array<i32>} : memref<1024xi32, #tpu.memory_space<vmem>>, vector<16xi32>,
      %sub3A_222 = vector.broadcast %mul3A_78 : i32 to vector<16xi32>
      %sub3A_223 = arith.subi %get3A_221, %sub3A_222 : vector<16xi32>
      %ge3A_224 = arith.constant 0 : i32
      %ge3A_225 = vector.broadcast %ge3A_224 : i32 to vector<16xi32>
      %ge3A_226 = arith.cmpi sge, %sub3A_223, %ge3A_225 : vector<16xi32>
      %lt3A_227 = arith.constant 125 : i32
      %lt3A_228 = vector.broadcast %lt3A_227 : i32 to vector<16xi32>
      %lt3A_229 = arith.cmpi slt, %sub3A_223, %lt3A_228 : vector<16xi32>
      %and3A_230 = arith.andi %ge3A_226, %lt3A_229 : vector<16xi1>
      %max3A_231 = arith.constant 0 : i32
      %max3A_232 = vector.broadcast %max3A_231 : i32 to vector<16xi32>
      %max3A_233 = arith.maxsi %sub3A_223, %max3A_232 : vector<16xi32>
      %min3A_234 = arith.constant 124 : i32
      %min3A_235 = vector.broadcast %min3A_234 : i32 to vector<16xi32>
      %min3A_236 = arith.minsi %max3A_233, %min3A_235 : vector<16xi32>
      tpu.vector_store_idx %arg6[%min3A_236, %add3A_219], %broadcast_in_dim3A_1 masked %and3A_230 : memref<125x1024xf32, #tpu.memory_space<vmem>>[vector<16xi32>, vector<16xi32>], vector<16xf32>, vector<16xi1>
      %add3A_237 = arith.constant 128 : i32
      %add3A_238 = vector.broadcast %add3A_237 : i32 to vector<16xi32>
      %add3A_239 = arith.addi %iota3A, %add3A_238 : vector<16xi32>
      %get3A_240 = arith.constant 128 : index
      %get3A_241 = tpu.vector_load %arg5[%get3A_240] {strides = array<i32>} : memref<1024xi32, #tpu.memory_space<vmem>>, vector<16xi32>,
      %sub3A_242 = vector.broadcast %mul3A_78 : i32 to vector<16xi32>
      %sub3A_243 = arith.subi %get3A_241, %sub3A_242 : vector<16xi32>
      %ge3A_244 = arith.constant 0 : i32
      %ge3A_245 = vector.broadcast %ge3A_244 : i32 to vector<16xi32>
      %ge3A_246 = arith.cmpi sge, %sub3A_243, %ge3A_245 : vector<16xi32>
      %lt3A_247 = arith.constant 125 : i32
      %lt3A_248 = vector.broadcast %lt3A_247 : i32 to vector<16xi32>
      %lt3A_249 = arith.cmpi slt, %sub3A_243, %lt3A_248 : vector<16xi32>
      %and3A_250 = arith.andi %ge3A_246, %lt3A_249 : vector<16xi1>
      %max3A_251 = arith.constant 0 : i32
      %max3A_252 = vector.broadcast %max3A_251 : i32 to vector<16xi32>
      %max3A_253 = arith.maxsi %sub3A_243, %max3A_252 : vector<16xi32>
      %min3A_254 = arith.constant 124 : i32
      %min3A_255 = vector.broadcast %min3A_254 : i32 to vector<16xi32>
      %min3A_256 = arith.minsi %max3A_253, %min3A_255 : vector<16xi32>
      tpu.vector_store_idx %arg6[%min3A_256, %add3A_239], %broadcast_in_dim3A_1 masked %and3A_250 : memref<125x1024xf32, #tpu.memory_space<vmem>>[vector<16xi32>, vector<16xi32>], vector<16xf32>, vector<16xi1>
      %add3A_257 = arith.constant 144 : i32
      %add3A_258 = vector.broadcast %add3A_257 : i32 to vector<16xi32>
      %add3A_259 = arith.addi %iota3A, %add3A_258 : vector<16xi32>
      %get3A_260 = arith.constant 144 : index
      %get3A_261 = tpu.vector_load %arg5[%get3A_260] {strides = array<i32>} : memref<1024xi32, #tpu.memory_space<vmem>>, vector<16xi32>,
      %sub3A_262 = vector.broadcast %mul3A_78 : i32 to vector<16xi32>
      %sub3A_263 = arith.subi %get3A_261, %sub3A_262 : vector<16xi32>
      %ge3A_264 = arith.constant 0 : i32
      %ge3A_265 = vector.broadcast %ge3A_264 : i32 to vector<16xi32>
      %ge3A_266 = arith.cmpi sge, %sub3A_263, %ge3A_265 : vector<16xi32>
      %lt3A_267 = arith.constant 125 : i32
      %lt3A_268 = vector.broadcast %lt3A_267 : i32 to vector<16xi32>
      %lt3A_269 = arith.cmpi slt, %sub3A_263, %lt3A_268 : vector<16xi32>
      %and3A_270 = arith.andi %ge3A_266, %lt3A_269 : vector<16xi1>
      %max3A_271 = arith.constant 0 : i32
      %max3A_272 = vector.broadcast %max3A_271 : i32 to vector<16xi32>
      %max3A_273 = arith.maxsi %sub3A_263, %max3A_272 : vector<16xi32>
      %min3A_274 = arith.constant 124 : i32
      %min3A_275 = vector.broadcast %min3A_274 : i32 to vector<16xi32>
      %min3A_276 = arith.minsi %max3A_273, %min3A_275 : vector<16xi32>
      tpu.vector_store_idx %arg6[%min3A_276, %add3A_259], %broadcast_in_dim3A_1 masked %and3A_270 : memref<125x1024xf32, #tpu.memory_space<vmem>>[vector<16xi32>, vector<16xi32>], vector<16xf32>, vector<16xi1>
      %add3A_277 = arith.constant 160 : i32
      %add3A_278 = vector.broadcast %add3A_277 : i32 to vector<16xi32>
      %add3A_279 = arith.addi %iota3A, %add3A_278 : vector<16xi32>
      %get3A_280 = arith.constant 160 : index
      %get3A_281 = tpu.vector_load %arg5[%get3A_280] {strides = array<i32>} : memref<1024xi32, #tpu.memory_space<vmem>>, vector<16xi32>,
      %sub3A_282 = vector.broadcast %mul3A_78 : i32 to vector<16xi32>
      %sub3A_283 = arith.subi %get3A_281, %sub3A_282 : vector<16xi32>
      %ge3A_284 = arith.constant 0 : i32
      %ge3A_285 = vector.broadcast %ge3A_284 : i32 to vector<16xi32>
      %ge3A_286 = arith.cmpi sge, %sub3A_283, %ge3A_285 : vector<16xi32>
      %lt3A_287 = arith.constant 125 : i32
      %lt3A_288 = vector.broadcast %lt3A_287 : i32 to vector<16xi32>
      %lt3A_289 = arith.cmpi slt, %sub3A_283, %lt3A_288 : vector<16xi32>
      %and3A_290 = arith.andi %ge3A_286, %lt3A_289 : vector<16xi1>
      %max3A_291 = arith.constant 0 : i32
      %max3A_292 = vector.broadcast %max3A_291 : i32 to vector<16xi32>
      %max3A_293 = arith.maxsi %sub3A_283, %max3A_292 : vector<16xi32>
      %min3A_294 = arith.constant 124 : i32
      %min3A_295 = vector.broadcast %min3A_294 : i32 to vector<16xi32>
      %min3A_296 = arith.minsi %max3A_293, %min3A_295 : vector<16xi32>
      tpu.vector_store_idx %arg6[%min3A_296, %add3A_279], %broadcast_in_dim3A_1 masked %and3A_290 : memref<125x1024xf32, #tpu.memory_space<vmem>>[vector<16xi32>, vector<16xi32>], vector<16xf32>, vector<16xi1>
      %add3A_297 = arith.constant 176 : i32
      %add3A_298 = vector.broadcast %add3A_297 : i32 to vector<16xi32>
      %add3A_299 = arith.addi %iota3A, %add3A_298 : vector<16xi32>
      %get3A_300 = arith.constant 176 : index
      %get3A_301 = tpu.vector_load %arg5[%get3A_300] {strides = array<i32>} : memref<1024xi32, #tpu.memory_space<vmem>>, vector<16xi32>,
      %sub3A_302 = vector.broadcast %mul3A_78 : i32 to vector<16xi32>
      %sub3A_303 = arith.subi %get3A_301, %sub3A_302 : vector<16xi32>
      %ge3A_304 = arith.constant 0 : i32
      %ge3A_305 = vector.broadcast %ge3A_304 : i32 to vector<16xi32>
      %ge3A_306 = arith.cmpi sge, %sub3A_303, %ge3A_305 : vector<16xi32>
      %lt3A_307 = arith.constant 125 : i32
      %lt3A_308 = vector.broadcast %lt3A_307 : i32 to vector<16xi32>
      %lt3A_309 = arith.cmpi slt, %sub3A_303, %lt3A_308 : vector<16xi32>
      %and3A_310 = arith.andi %ge3A_306, %lt3A_309 : vector<16xi1>
      %max3A_311 = arith.constant 0 : i32
      %max3A_312 = vector.broadcast %max3A_311 : i32 to vector<16xi32>
      %max3A_313 = arith.maxsi %sub3A_303, %max3A_312 : vector<16xi32>
      %min3A_314 = arith.constant 124 : i32
      %min3A_315 = vector.broadcast %min3A_314 : i32 to vector<16xi32>
      %min3A_316 = arith.minsi %max3A_313, %min3A_315 : vector<16xi32>
      tpu.vector_store_idx %arg6[%min3A_316, %add3A_299], %broadcast_in_dim3A_1 masked %and3A_310 : memref<125x1024xf32, #tpu.memory_space<vmem>>[vector<16xi32>, vector<16xi32>], vector<16xf32>, vector<16xi1>
      %add3A_317 = arith.constant 192 : i32
      %add3A_318 = vector.broadcast %add3A_317 : i32 to vector<16xi32>
      %add3A_319 = arith.addi %iota3A, %add3A_318 : vector<16xi32>
      %get3A_320 = arith.constant 192 : index
      %get3A_321 = tpu.vector_load %arg5[%get3A_320] {strides = array<i32>} : memref<1024xi32, #tpu.memory_space<vmem>>, vector<16xi32>,
      %sub3A_322 = vector.broadcast %mul3A_78 : i32 to vector<16xi32>
      %sub3A_323 = arith.subi %get3A_321, %sub3A_322 : vector<16xi32>
      %ge3A_324 = arith.constant 0 : i32
      %ge3A_325 = vector.broadcast %ge3A_324 : i32 to vector<16xi32>
      %ge3A_326 = arith.cmpi sge, %sub3A_323, %ge3A_325 : vector<16xi32>
      %lt3A_327 = arith.constant 125 : i32
      %lt3A_328 = vector.broadcast %lt3A_327 : i32 to vector<16xi32>
      %lt3A_329 = arith.cmpi slt, %sub3A_323, %lt3A_328 : vector<16xi32>
      %and3A_330 = arith.andi %ge3A_326, %lt3A_329 : vector<16xi1>
      %max3A_331 = arith.constant 0 : i32
      %max3A_332 = vector.broadcast %max3A_331 : i32 to vector<16xi32>
      %max3A_333 = arith.maxsi %sub3A_323, %max3A_332 : vector<16xi32>
      %min3A_334 = arith.constant 124 : i32
      %min3A_335 = vector.broadcast %min3A_334 : i32 to vector<16xi32>
      %min3A_336 = arith.minsi %max3A_333, %min3A_335 : vector<16xi32>
      tpu.vector_store_idx %arg6[%min3A_336, %add3A_319], %broadcast_in_dim3A_1 masked %and3A_330 : memref<125x1024xf32, #tpu.memory_space<vmem>>[vector<16xi32>, vector<16xi32>], vector<16xf32>, vector<16xi1>
      %add3A_337 = arith.constant 208 : i32
      %add3A_338 = vector.broadcast %add3A_337 : i32 to vector<16xi32>
      %add3A_339 = arith.addi %iota3A, %add3A_338 : vector<16xi32>
      %get3A_340 = arith.constant 208 : index
      %get3A_341 = tpu.vector_load %arg5[%get3A_340] {strides = array<i32>} : memref<1024xi32, #tpu.memory_space<vmem>>, vector<16xi32>,
      %sub3A_342 = vector.broadcast %mul3A_78 : i32 to vector<16xi32>
      %sub3A_343 = arith.subi %get3A_341, %sub3A_342 : vector<16xi32>
      %ge3A_344 = arith.constant 0 : i32
      %ge3A_345 = vector.broadcast %ge3A_344 : i32 to vector<16xi32>
      %ge3A_346 = arith.cmpi sge, %sub3A_343, %ge3A_345 : vector<16xi32>
      %lt3A_347 = arith.constant 125 : i32
      %lt3A_348 = vector.broadcast %lt3A_347 : i32 to vector<16xi32>
      %lt3A_349 = arith.cmpi slt, %sub3A_343, %lt3A_348 : vector<16xi32>
      %and3A_350 = arith.andi %ge3A_346, %lt3A_349 : vector<16xi1>
      %max3A_351 = arith.constant 0 : i32
      %max3A_352 = vector.broadcast %max3A_351 : i32 to vector<16xi32>
      %max3A_353 = arith.maxsi %sub3A_343, %max3A_352 : vector<16xi32>
      %min3A_354 = arith.constant 124 : i32
      %min3A_355 = vector.broadcast %min3A_354 : i32 to vector<16xi32>
      %min3A_356 = arith.minsi %max3A_353, %min3A_355 : vector<16xi32>
      tpu.vector_store_idx %arg6[%min3A_356, %add3A_339], %broadcast_in_dim3A_1 masked %and3A_350 : memref<125x1024xf32, #tpu.memory_space<vmem>>[vector<16xi32>, vector<16xi32>], vector<16xf32>, vector<16xi1>
      %add3A_357 = arith.constant 224 : i32
      %add3A_358 = vector.broadcast %add3A_357 : i32 to vector<16xi32>
      %add3A_359 = arith.addi %iota3A, %add3A_358 : vector<16xi32>
      %get3A_360 = arith.constant 224 : index
      %get3A_361 = tpu.vector_load %arg5[%get3A_360] {strides = array<i32>} : memref<1024xi32, #tpu.memory_space<vmem>>, vector<16xi32>,
      %sub3A_362 = vector.broadcast %mul3A_78 : i32 to vector<16xi32>
      %sub3A_363 = arith.subi %get3A_361, %sub3A_362 : vector<16xi32>
      %ge3A_364 = arith.constant 0 : i32
      %ge3A_365 = vector.broadcast %ge3A_364 : i32 to vector<16xi32>
      %ge3A_366 = arith.cmpi sge, %sub3A_363, %ge3A_365 : vector<16xi32>
      %lt3A_367 = arith.constant 125 : i32
      %lt3A_368 = vector.broadcast %lt3A_367 : i32 to vector<16xi32>
      %lt3A_369 = arith.cmpi slt, %sub3A_363, %lt3A_368 : vector<16xi32>
      %and3A_370 = arith.andi %ge3A_366, %lt3A_369 : vector<16xi1>
      %max3A_371 = arith.constant 0 : i32
      %max3A_372 = vector.broadcast %max3A_371 : i32 to vector<16xi32>
      %max3A_373 = arith.maxsi %sub3A_363, %max3A_372 : vector<16xi32>
      %min3A_374 = arith.constant 124 : i32
      %min3A_375 = vector.broadcast %min3A_374 : i32 to vector<16xi32>
      %min3A_376 = arith.minsi %max3A_373, %min3A_375 : vector<16xi32>
      tpu.vector_store_idx %arg6[%min3A_376, %add3A_359], %broadcast_in_dim3A_1 masked %and3A_370 : memref<125x1024xf32, #tpu.memory_space<vmem>>[vector<16xi32>, vector<16xi32>], vector<16xf32>, vector<16xi1>
      %add3A_377 = arith.constant 240 : i32
      %add3A_378 = vector.broadcast %add3A_377 : i32 to vector<16xi32>
      %add3A_379 = arith.addi %iota3A, %add3A_378 : vector<16xi32>
      %get3A_380 = arith.constant 240 : index
      %get3A_381 = tpu.vector_load %arg5[%get3A_380] {strides = array<i32>} : memref<1024xi32, #tpu.memory_space<vmem>>, vector<16xi32>,
      %sub3A_382 = vector.broadcast %mul3A_78 : i32 to vector<16xi32>
      %sub3A_383 = arith.subi %get3A_381, %sub3A_382 : vector<16xi32>
      %ge3A_384 = arith.constant 0 : i32
      %ge3A_385 = vector.broadcast %ge3A_384 : i32 to vector<16xi32>
      %ge3A_386 = arith.cmpi sge, %sub3A_383, %ge3A_385 : vector<16xi32>
      %lt3A_387 = arith.constant 125 : i32
      %lt3A_388 = vector.broadcast %lt3A_387 : i32 to vector<16xi32>
      %lt3A_389 = arith.cmpi slt, %sub3A_383, %lt3A_388 : vector<16xi32>
      %and3A_390 = arith.andi %ge3A_386, %lt3A_389 : vector<16xi1>
      %max3A_391 = arith.constant 0 : i32
      %max3A_392 = vector.broadcast %max3A_391 : i32 to vector<16xi32>
      %max3A_393 = arith.maxsi %sub3A_383, %max3A_392 : vector<16xi32>
      %min3A_394 = arith.constant 124 : i32
      %min3A_395 = vector.broadcast %min3A_394 : i32 to vector<16xi32>
      %min3A_396 = arith.minsi %max3A_393, %min3A_395 : vector<16xi32>
      tpu.vector_store_idx %arg6[%min3A_396, %add3A_379], %broadcast_in_dim3A_1 masked %and3A_390 : memref<125x1024xf32, #tpu.memory_space<vmem>>[vector<16xi32>, vector<16xi32>], vector<16xf32>, vector<16xi1>
      %add3A_397 = arith.constant 256 : i32
      %add3A_398 = vector.broadcast %add3A_397 : i32 to vector<16xi32>
      %add3A_399 = arith.addi %iota3A, %add3A_398 : vector<16xi32>
      %get3A_400 = arith.constant 256 : index
      %get3A_401 = tpu.vector_load %arg5[%get3A_400] {strides = array<i32>} : memref<1024xi32, #tpu.memory_space<vmem>>, vector<16xi32>,
      %sub3A_402 = vector.broadcast %mul3A_78 : i32 to vector<16xi32>
      %sub3A_403 = arith.subi %get3A_401, %sub3A_402 : vector<16xi32>
      %ge3A_404 = arith.constant 0 : i32
      %ge3A_405 = vector.broadcast %ge3A_404 : i32 to vector<16xi32>
      %ge3A_406 = arith.cmpi sge, %sub3A_403, %ge3A_405 : vector<16xi32>
      %lt3A_407 = arith.constant 125 : i32
      %lt3A_408 = vector.broadcast %lt3A_407 : i32 to vector<16xi32>
      %lt3A_409 = arith.cmpi slt, %sub3A_403, %lt3A_408 : vector<16xi32>
      %and3A_410 = arith.andi %ge3A_406, %lt3A_409 : vector<16xi1>
      %max3A_411 = arith.constant 0 : i32
      %max3A_412 = vector.broadcast %max3A_411 : i32 to vector<16xi32>
      %max3A_413 = arith.maxsi %sub3A_403, %max3A_412 : vector<16xi32>
      %min3A_414 = arith.constant 124 : i32
      %min3A_415 = vector.broadcast %min3A_414 : i32 to vector<16xi32>
      %min3A_416 = arith.minsi %max3A_413, %min3A_415 : vector<16xi32>
      tpu.vector_store_idx %arg6[%min3A_416, %add3A_399], %broadcast_in_dim3A_1 masked %and3A_410 : memref<125x1024xf32, #tpu.memory_space<vmem>>[vector<16xi32>, vector<16xi32>], vector<16xf32>, vector<16xi1>
      %add3A_417 = arith.constant 272 : i32
      %add3A_418 = vector.broadcast %add3A_417 : i32 to vector<16xi32>
      %add3A_419 = arith.addi %iota3A, %add3A_418 : vector<16xi32>
      %get3A_420 = arith.constant 272 : index
      %get3A_421 = tpu.vector_load %arg5[%get3A_420] {strides = array<i32>} : memref<1024xi32, #tpu.memory_space<vmem>>, vector<16xi32>,
      %sub3A_422 = vector.broadcast %mul3A_78 : i32 to vector<16xi32>
      %sub3A_423 = arith.subi %get3A_421, %sub3A_422 : vector<16xi32>
      %ge3A_424 = arith.constant 0 : i32
      %ge3A_425 = vector.broadcast %ge3A_424 : i32 to vector<16xi32>
      %ge3A_426 = arith.cmpi sge, %sub3A_423, %ge3A_425 : vector<16xi32>
      %lt3A_427 = arith.constant 125 : i32
      %lt3A_428 = vector.broadcast %lt3A_427 : i32 to vector<16xi32>
      %lt3A_429 = arith.cmpi slt, %sub3A_423, %lt3A_428 : vector<16xi32>
      %and3A_430 = arith.andi %ge3A_426, %lt3A_429 : vector<16xi1>
      %max3A_431 = arith.constant 0 : i32
      %max3A_432 = vector.broadcast %max3A_431 : i32 to vector<16xi32>
      %max3A_433 = arith.maxsi %sub3A_423, %max3A_432 : vector<16xi32>
      %min3A_434 = arith.constant 124 : i32
      %min3A_435 = vector.broadcast %min3A_434 : i32 to vector<16xi32>
      %min3A_436 = arith.minsi %max3A_433, %min3A_435 : vector<16xi32>
      tpu.vector_store_idx %arg6[%min3A_436, %add3A_419], %broadcast_in_dim3A_1 masked %and3A_430 : memref<125x1024xf32, #tpu.memory_space<vmem>>[vector<16xi32>, vector<16xi32>], vector<16xf32>, vector<16xi1>
      %add3A_437 = arith.constant 288 : i32
      %add3A_438 = vector.broadcast %add3A_437 : i32 to vector<16xi32>
      %add3A_439 = arith.addi %iota3A, %add3A_438 : vector<16xi32>
      %get3A_440 = arith.constant 288 : index
      %get3A_441 = tpu.vector_load %arg5[%get3A_440] {strides = array<i32>} : memref<1024xi32, #tpu.memory_space<vmem>>, vector<16xi32>,
      %sub3A_442 = vector.broadcast %mul3A_78 : i32 to vector<16xi32>
      %sub3A_443 = arith.subi %get3A_441, %sub3A_442 : vector<16xi32>
      %ge3A_444 = arith.constant 0 : i32
      %ge3A_445 = vector.broadcast %ge3A_444 : i32 to vector<16xi32>
      %ge3A_446 = arith.cmpi sge, %sub3A_443, %ge3A_445 : vector<16xi32>
      %lt3A_447 = arith.constant 125 : i32
      %lt3A_448 = vector.broadcast %lt3A_447 : i32 to vector<16xi32>
      %lt3A_449 = arith.cmpi slt, %sub3A_443, %lt3A_448 : vector<16xi32>
      %and3A_450 = arith.andi %ge3A_446, %lt3A_449 : vector<16xi1>
      %max3A_451 = arith.constant 0 : i32
      %max3A_452 = vector.broadcast %max3A_451 : i32 to vector<16xi32>
      %max3A_453 = arith.maxsi %sub3A_443, %max3A_452 : vector<16xi32>
      %min3A_454 = arith.constant 124 : i32
      %min3A_455 = vector.broadcast %min3A_454 : i32 to vector<16xi32>
      %min3A_456 = arith.minsi %max3A_453, %min3A_455 : vector<16xi32>
      tpu.vector_store_idx %arg6[%min3A_456, %add3A_439], %broadcast_in_dim3A_1 masked %and3A_450 : memref<125x1024xf32, #tpu.memory_space<vmem>>[vector<16xi32>, vector<16xi32>], vector<16xf32>, vector<16xi1>
      %add3A_457 = arith.constant 304 : i32
      %add3A_458 = vector.broadcast %add3A_457 : i32 to vector<16xi32>
      %add3A_459 = arith.addi %iota3A, %add3A_458 : vector<16xi32>
      %get3A_460 = arith.constant 304 : index
      %get3A_461 = tpu.vector_load %arg5[%get3A_460] {strides = array<i32>} : memref<1024xi32, #tpu.memory_space<vmem>>, vector<16xi32>,
      %sub3A_462 = vector.broadcast %mul3A_78 : i32 to vector<16xi32>
      %sub3A_463 = arith.subi %get3A_461, %sub3A_462 : vector<16xi32>
      %ge3A_464 = arith.constant 0 : i32
      %ge3A_465 = vector.broadcast %ge3A_464 : i32 to vector<16xi32>
      %ge3A_466 = arith.cmpi sge, %sub3A_463, %ge3A_465 : vector<16xi32>
      %lt3A_467 = arith.constant 125 : i32
      %lt3A_468 = vector.broadcast %lt3A_467 : i32 to vector<16xi32>
      %lt3A_469 = arith.cmpi slt, %sub3A_463, %lt3A_468 : vector<16xi32>
      %and3A_470 = arith.andi %ge3A_466, %lt3A_469 : vector<16xi1>
      %max3A_471 = arith.constant 0 : i32
      %max3A_472 = vector.broadcast %max3A_471 : i32 to vector<16xi32>
      %max3A_473 = arith.maxsi %sub3A_463, %max3A_472 : vector<16xi32>
      %min3A_474 = arith.constant 124 : i32
      %min3A_475 = vector.broadcast %min3A_474 : i32 to vector<16xi32>
      %min3A_476 = arith.minsi %max3A_473, %min3A_475 : vector<16xi32>
      tpu.vector_store_idx %arg6[%min3A_476, %add3A_459], %broadcast_in_dim3A_1 masked %and3A_470 : memref<125x1024xf32, #tpu.memory_space<vmem>>[vector<16xi32>, vector<16xi32>], vector<16xf32>, vector<16xi1>
      %add3A_477 = arith.constant 320 : i32
      %add3A_478 = vector.broadcast %add3A_477 : i32 to vector<16xi32>
      %add3A_479 = arith.addi %iota3A, %add3A_478 : vector<16xi32>
      %get3A_480 = arith.constant 320 : index
      %get3A_481 = tpu.vector_load %arg5[%get3A_480] {strides = array<i32>} : memref<1024xi32, #tpu.memory_space<vmem>>, vector<16xi32>,
      %sub3A_482 = vector.broadcast %mul3A_78 : i32 to vector<16xi32>
      %sub3A_483 = arith.subi %get3A_481, %sub3A_482 : vector<16xi32>
      %ge3A_484 = arith.constant 0 : i32
      %ge3A_485 = vector.broadcast %ge3A_484 : i32 to vector<16xi32>
      %ge3A_486 = arith.cmpi sge, %sub3A_483, %ge3A_485 : vector<16xi32>
      %lt3A_487 = arith.constant 125 : i32
      %lt3A_488 = vector.broadcast %lt3A_487 : i32 to vector<16xi32>
      %lt3A_489 = arith.cmpi slt, %sub3A_483, %lt3A_488 : vector<16xi32>
      %and3A_490 = arith.andi %ge3A_486, %lt3A_489 : vector<16xi1>
      %max3A_491 = arith.constant 0 : i32
      %max3A_492 = vector.broadcast %max3A_491 : i32 to vector<16xi32>
      %max3A_493 = arith.maxsi %sub3A_483, %max3A_492 : vector<16xi32>
      %min3A_494 = arith.constant 124 : i32
      %min3A_495 = vector.broadcast %min3A_494 : i32 to vector<16xi32>
      %min3A_496 = arith.minsi %max3A_493, %min3A_495 : vector<16xi32>
      tpu.vector_store_idx %arg6[%min3A_496, %add3A_479], %broadcast_in_dim3A_1 masked %and3A_490 : memref<125x1024xf32, #tpu.memory_space<vmem>>[vector<16xi32>, vector<16xi32>], vector<16xf32>, vector<16xi1>
      %add3A_497 = arith.constant 336 : i32
      %add3A_498 = vector.broadcast %add3A_497 : i32 to vector<16xi32>
      %add3A_499 = arith.addi %iota3A, %add3A_498 : vector<16xi32>
      %get3A_500 = arith.constant 336 : index
      %get3A_501 = tpu.vector_load %arg5[%get3A_500] {strides = array<i32>} : memref<1024xi32, #tpu.memory_space<vmem>>, vector<16xi32>,
      %sub3A_502 = vector.broadcast %mul3A_78 : i32 to vector<16xi32>
      %sub3A_503 = arith.subi %get3A_501, %sub3A_502 : vector<16xi32>
      %ge3A_504 = arith.constant 0 : i32
      %ge3A_505 = vector.broadcast %ge3A_504 : i32 to vector<16xi32>
      %ge3A_506 = arith.cmpi sge, %sub3A_503, %ge3A_505 : vector<16xi32>
      %lt3A_507 = arith.constant 125 : i32
      %lt3A_508 = vector.broadcast %lt3A_507 : i32 to vector<16xi32>
      %lt3A_509 = arith.cmpi slt, %sub3A_503, %lt3A_508 : vector<16xi32>
      %and3A_510 = arith.andi %ge3A_506, %lt3A_509 : vector<16xi1>
      %max3A_511 = arith.constant 0 : i32
      %max3A_512 = vector.broadcast %max3A_511 : i32 to vector<16xi32>
      %max3A_513 = arith.maxsi %sub3A_503, %max3A_512 : vector<16xi32>
      %min3A_514 = arith.constant 124 : i32
      %min3A_515 = vector.broadcast %min3A_514 : i32 to vector<16xi32>
      %min3A_516 = arith.minsi %max3A_513, %min3A_515 : vector<16xi32>
      tpu.vector_store_idx %arg6[%min3A_516, %add3A_499], %broadcast_in_dim3A_1 masked %and3A_510 : memref<125x1024xf32, #tpu.memory_space<vmem>>[vector<16xi32>, vector<16xi32>], vector<16xf32>, vector<16xi1>
      %add3A_517 = arith.constant 352 : i32
      %add3A_518 = vector.broadcast %add3A_517 : i32 to vector<16xi32>
      %add3A_519 = arith.addi %iota3A, %add3A_518 : vector<16xi32>
      %get3A_520 = arith.constant 352 : index
      %get3A_521 = tpu.vector_load %arg5[%get3A_520] {strides = array<i32>} : memref<1024xi32, #tpu.memory_space<vmem>>, vector<16xi32>,
      %sub3A_522 = vector.broadcast %mul3A_78 : i32 to vector<16xi32>
      %sub3A_523 = arith.subi %get3A_521, %sub3A_522 : vector<16xi32>
      %ge3A_524 = arith.constant 0 : i32
      %ge3A_525 = vector.broadcast %ge3A_524 : i32 to vector<16xi32>
      %ge3A_526 = arith.cmpi sge, %sub3A_523, %ge3A_525 : vector<16xi32>
      %lt3A_527 = arith.constant 125 : i32
      %lt3A_528 = vector.broadcast %lt3A_527 : i32 to vector<16xi32>
      %lt3A_529 = arith.cmpi slt, %sub3A_523, %lt3A_528 : vector<16xi32>
      %and3A_530 = arith.andi %ge3A_526, %lt3A_529 : vector<16xi1>
      %max3A_531 = arith.constant 0 : i32
      %max3A_532 = vector.broadcast %max3A_531 : i32 to vector<16xi32>
      %max3A_533 = arith.maxsi %sub3A_523, %max3A_532 : vector<16xi32>
      %min3A_534 = arith.constant 124 : i32
      %min3A_535 = vector.broadcast %min3A_534 : i32 to vector<16xi32>
      %min3A_536 = arith.minsi %max3A_533, %min3A_535 : vector<16xi32>
      tpu.vector_store_idx %arg6[%min3A_536, %add3A_519], %broadcast_in_dim3A_1 masked %and3A_530 : memref<125x1024xf32, #tpu.memory_space<vmem>>[vector<16xi32>, vector<16xi32>], vector<16xf32>, vector<16xi1>
      %add3A_537 = arith.constant 368 : i32
      %add3A_538 = vector.broadcast %add3A_537 : i32 to vector<16xi32>
      %add3A_539 = arith.addi %iota3A, %add3A_538 : vector<16xi32>
      %get3A_540 = arith.constant 368 : index
      %get3A_541 = tpu.vector_load %arg5[%get3A_540] {strides = array<i32>} : memref<1024xi32, #tpu.memory_space<vmem>>, vector<16xi32>,
      %sub3A_542 = vector.broadcast %mul3A_78 : i32 to vector<16xi32>
      %sub3A_543 = arith.subi %get3A_541, %sub3A_542 : vector<16xi32>
      %ge3A_544 = arith.constant 0 : i32
      %ge3A_545 = vector.broadcast %ge3A_544 : i32 to vector<16xi32>
      %ge3A_546 = arith.cmpi sge, %sub3A_543, %ge3A_545 : vector<16xi32>
      %lt3A_547 = arith.constant 125 : i32
      %lt3A_548 = vector.broadcast %lt3A_547 : i32 to vector<16xi32>
      %lt3A_549 = arith.cmpi slt, %sub3A_543, %lt3A_548 : vector<16xi32>
      %and3A_550 = arith.andi %ge3A_546, %lt3A_549 : vector<16xi1>
      %max3A_551 = arith.constant 0 : i32
      %max3A_552 = vector.broadcast %max3A_551 : i32 to vector<16xi32>
      %max3A_553 = arith.maxsi %sub3A_543, %max3A_552 : vector<16xi32>
      %min3A_554 = arith.constant 124 : i32
      %min3A_555 = vector.broadcast %min3A_554 : i32 to vector<16xi32>
      %min3A_556 = arith.minsi %max3A_553, %min3A_555 : vector<16xi32>
      tpu.vector_store_idx %arg6[%min3A_556, %add3A_539], %broadcast_in_dim3A_1 masked %and3A_550 : memref<125x1024xf32, #tpu.memory_space<vmem>>[vector<16xi32>, vector<16xi32>], vector<16xf32>, vector<16xi1>
      %add3A_557 = arith.constant 384 : i32
      %add3A_558 = vector.broadcast %add3A_557 : i32 to vector<16xi32>
      %add3A_559 = arith.addi %iota3A, %add3A_558 : vector<16xi32>
      %get3A_560 = arith.constant 384 : index
      %get3A_561 = tpu.vector_load %arg5[%get3A_560] {strides = array<i32>} : memref<1024xi32, #tpu.memory_space<vmem>>, vector<16xi32>,
      %sub3A_562 = vector.broadcast %mul3A_78 : i32 to vector<16xi32>
      %sub3A_563 = arith.subi %get3A_561, %sub3A_562 : vector<16xi32>
      %ge3A_564 = arith.constant 0 : i32
      %ge3A_565 = vector.broadcast %ge3A_564 : i32 to vector<16xi32>
      %ge3A_566 = arith.cmpi sge, %sub3A_563, %ge3A_565 : vector<16xi32>
      %lt3A_567 = arith.constant 125 : i32
      %lt3A_568 = vector.broadcast %lt3A_567 : i32 to vector<16xi32>
      %lt3A_569 = arith.cmpi slt, %sub3A_563, %lt3A_568 : vector<16xi32>
      %and3A_570 = arith.andi %ge3A_566, %lt3A_569 : vector<16xi1>
      %max3A_571 = arith.constant 0 : i32
      %max3A_572 = vector.broadcast %max3A_571 : i32 to vector<16xi32>
      %max3A_573 = arith.maxsi %sub3A_563, %max3A_572 : vector<16xi32>
      %min3A_574 = arith.constant 124 : i32
      %min3A_575 = vector.broadcast %min3A_574 : i32 to vector<16xi32>
      %min3A_576 = arith.minsi %max3A_573, %min3A_575 : vector<16xi32>
      tpu.vector_store_idx %arg6[%min3A_576, %add3A_559], %broadcast_in_dim3A_1 masked %and3A_570 : memref<125x1024xf32, #tpu.memory_space<vmem>>[vector<16xi32>, vector<16xi32>], vector<16xf32>, vector<16xi1>
      %add3A_577 = arith.constant 400 : i32
      %add3A_578 = vector.broadcast %add3A_577 : i32 to vector<16xi32>
      %add3A_579 = arith.addi %iota3A, %add3A_578 : vector<16xi32>
      %get3A_580 = arith.constant 400 : index
      %get3A_581 = tpu.vector_load %arg5[%get3A_580] {strides = array<i32>} : memref<1024xi32, #tpu.memory_space<vmem>>, vector<16xi32>,
      %sub3A_582 = vector.broadcast %mul3A_78 : i32 to vector<16xi32>
      %sub3A_583 = arith.subi %get3A_581, %sub3A_582 : vector<16xi32>
      %ge3A_584 = arith.constant 0 : i32
      %ge3A_585 = vector.broadcast %ge3A_584 : i32 to vector<16xi32>
      %ge3A_586 = arith.cmpi sge, %sub3A_583, %ge3A_585 : vector<16xi32>
      %lt3A_587 = arith.constant 125 : i32
      %lt3A_588 = vector.broadcast %lt3A_587 : i32 to vector<16xi32>
      %lt3A_589 = arith.cmpi slt, %sub3A_583, %lt3A_588 : vector<16xi32>
      %and3A_590 = arith.andi %ge3A_586, %lt3A_589 : vector<16xi1>
      %max3A_591 = arith.constant 0 : i32
      %max3A_592 = vector.broadcast %max3A_591 : i32 to vector<16xi32>
      %max3A_593 = arith.maxsi %sub3A_583, %max3A_592 : vector<16xi32>
      %min3A_594 = arith.constant 124 : i32
      %min3A_595 = vector.broadcast %min3A_594 : i32 to vector<16xi32>
      %min3A_596 = arith.minsi %max3A_593, %min3A_595 : vector<16xi32>
      tpu.vector_store_idx %arg6[%min3A_596, %add3A_579], %broadcast_in_dim3A_1 masked %and3A_590 : memref<125x1024xf32, #tpu.memory_space<vmem>>[vector<16xi32>, vector<16xi32>], vector<16xf32>, vector<16xi1>
      %add3A_597 = arith.constant 416 : i32
      %add3A_598 = vector.broadcast %add3A_597 : i32 to vector<16xi32>
      %add3A_599 = arith.addi %iota3A, %add3A_598 : vector<16xi32>
      %get3A_600 = arith.constant 416 : index
      %get3A_601 = tpu.vector_load %arg5[%get3A_600] {strides = array<i32>} : memref<1024xi32, #tpu.memory_space<vmem>>, vector<16xi32>,
      %sub3A_602 = vector.broadcast %mul3A_78 : i32 to vector<16xi32>
      %sub3A_603 = arith.subi %get3A_601, %sub3A_602 : vector<16xi32>
      %ge3A_604 = arith.constant 0 : i32
      %ge3A_605 = vector.broadcast %ge3A_604 : i32 to vector<16xi32>
      %ge3A_606 = arith.cmpi sge, %sub3A_603, %ge3A_605 : vector<16xi32>
      %lt3A_607 = arith.constant 125 : i32
      %lt3A_608 = vector.broadcast %lt3A_607 : i32 to vector<16xi32>
      %lt3A_609 = arith.cmpi slt, %sub3A_603, %lt3A_608 : vector<16xi32>
      %and3A_610 = arith.andi %ge3A_606, %lt3A_609 : vector<16xi1>
      %max3A_611 = arith.constant 0 : i32
      %max3A_612 = vector.broadcast %max3A_611 : i32 to vector<16xi32>
      %max3A_613 = arith.maxsi %sub3A_603, %max3A_612 : vector<16xi32>
      %min3A_614 = arith.constant 124 : i32
      %min3A_615 = vector.broadcast %min3A_614 : i32 to vector<16xi32>
      %min3A_616 = arith.minsi %max3A_613, %min3A_615 : vector<16xi32>
      tpu.vector_store_idx %arg6[%min3A_616, %add3A_599], %broadcast_in_dim3A_1 masked %and3A_610 : memref<125x1024xf32, #tpu.memory_space<vmem>>[vector<16xi32>, vector<16xi32>], vector<16xf32>, vector<16xi1>
      %add3A_617 = arith.constant 432 : i32
      %add3A_618 = vector.broadcast %add3A_617 : i32 to vector<16xi32>
      %add3A_619 = arith.addi %iota3A, %add3A_618 : vector<16xi32>
      %get3A_620 = arith.constant 432 : index
      %get3A_621 = tpu.vector_load %arg5[%get3A_620] {strides = array<i32>} : memref<1024xi32, #tpu.memory_space<vmem>>, vector<16xi32>,
      %sub3A_622 = vector.broadcast %mul3A_78 : i32 to vector<16xi32>
      %sub3A_623 = arith.subi %get3A_621, %sub3A_622 : vector<16xi32>
      %ge3A_624 = arith.constant 0 : i32
      %ge3A_625 = vector.broadcast %ge3A_624 : i32 to vector<16xi32>
      %ge3A_626 = arith.cmpi sge, %sub3A_623, %ge3A_625 : vector<16xi32>
      %lt3A_627 = arith.constant 125 : i32
      %lt3A_628 = vector.broadcast %lt3A_627 : i32 to vector<16xi32>
      %lt3A_629 = arith.cmpi slt, %sub3A_623, %lt3A_628 : vector<16xi32>
      %and3A_630 = arith.andi %ge3A_626, %lt3A_629 : vector<16xi1>
      %max3A_631 = arith.constant 0 : i32
      %max3A_632 = vector.broadcast %max3A_631 : i32 to vector<16xi32>
      %max3A_633 = arith.maxsi %sub3A_623, %max3A_632 : vector<16xi32>
      %min3A_634 = arith.constant 124 : i32
      %min3A_635 = vector.broadcast %min3A_634 : i32 to vector<16xi32>
      %min3A_636 = arith.minsi %max3A_633, %min3A_635 : vector<16xi32>
      tpu.vector_store_idx %arg6[%min3A_636, %add3A_619], %broadcast_in_dim3A_1 masked %and3A_630 : memref<125x1024xf32, #tpu.memory_space<vmem>>[vector<16xi32>, vector<16xi32>], vector<16xf32>, vector<16xi1>
      %add3A_637 = arith.constant 448 : i32
      %add3A_638 = vector.broadcast %add3A_637 : i32 to vector<16xi32>
      %add3A_639 = arith.addi %iota3A, %add3A_638 : vector<16xi32>
      %get3A_640 = arith.constant 448 : index
      %get3A_641 = tpu.vector_load %arg5[%get3A_640] {strides = array<i32>} : memref<1024xi32, #tpu.memory_space<vmem>>, vector<16xi32>,
      %sub3A_642 = vector.broadcast %mul3A_78 : i32 to vector<16xi32>
      %sub3A_643 = arith.subi %get3A_641, %sub3A_642 : vector<16xi32>
      %ge3A_644 = arith.constant 0 : i32
      %ge3A_645 = vector.broadcast %ge3A_644 : i32 to vector<16xi32>
      %ge3A_646 = arith.cmpi sge, %sub3A_643, %ge3A_645 : vector<16xi32>
      %lt3A_647 = arith.constant 125 : i32
      %lt3A_648 = vector.broadcast %lt3A_647 : i32 to vector<16xi32>
      %lt3A_649 = arith.cmpi slt, %sub3A_643, %lt3A_648 : vector<16xi32>
      %and3A_650 = arith.andi %ge3A_646, %lt3A_649 : vector<16xi1>
      %max3A_651 = arith.constant 0 : i32
      %max3A_652 = vector.broadcast %max3A_651 : i32 to vector<16xi32>
      %max3A_653 = arith.maxsi %sub3A_643, %max3A_652 : vector<16xi32>
      %min3A_654 = arith.constant 124 : i32
      %min3A_655 = vector.broadcast %min3A_654 : i32 to vector<16xi32>
      %min3A_656 = arith.minsi %max3A_653, %min3A_655 : vector<16xi32>
      tpu.vector_store_idx %arg6[%min3A_656, %add3A_639], %broadcast_in_dim3A_1 masked %and3A_650 : memref<125x1024xf32, #tpu.memory_space<vmem>>[vector<16xi32>, vector<16xi32>], vector<16xf32>, vector<16xi1>
      %add3A_657 = arith.constant 464 : i32
      %add3A_658 = vector.broadcast %add3A_657 : i32 to vector<16xi32>
      %add3A_659 = arith.addi %iota3A, %add3A_658 : vector<16xi32>
      %get3A_660 = arith.constant 464 : index
      %get3A_661 = tpu.vector_load %arg5[%get3A_660] {strides = array<i32>} : memref<1024xi32, #tpu.memory_space<vmem>>, vector<16xi32>,
      %sub3A_662 = vector.broadcast %mul3A_78 : i32 to vector<16xi32>
      %sub3A_663 = arith.subi %get3A_661, %sub3A_662 : vector<16xi32>
      %ge3A_664 = arith.constant 0 : i32
      %ge3A_665 = vector.broadcast %ge3A_664 : i32 to vector<16xi32>
      %ge3A_666 = arith.cmpi sge, %sub3A_663, %ge3A_665 : vector<16xi32>
      %lt3A_667 = arith.constant 125 : i32
      %lt3A_668 = vector.broadcast %lt3A_667 : i32 to vector<16xi32>
      %lt3A_669 = arith.cmpi slt, %sub3A_663, %lt3A_668 : vector<16xi32>
      %and3A_670 = arith.andi %ge3A_666, %lt3A_669 : vector<16xi1>
      %max3A_671 = arith.constant 0 : i32
      %max3A_672 = vector.broadcast %max3A_671 : i32 to vector<16xi32>
      %max3A_673 = arith.maxsi %sub3A_663, %max3A_672 : vector<16xi32>
      %min3A_674 = arith.constant 124 : i32
      %min3A_675 = vector.broadcast %min3A_674 : i32 to vector<16xi32>
      %min3A_676 = arith.minsi %max3A_673, %min3A_675 : vector<16xi32>
      tpu.vector_store_idx %arg6[%min3A_676, %add3A_659], %broadcast_in_dim3A_1 masked %and3A_670 : memref<125x1024xf32, #tpu.memory_space<vmem>>[vector<16xi32>, vector<16xi32>], vector<16xf32>, vector<16xi1>
      %add3A_677 = arith.constant 480 : i32
      %add3A_678 = vector.broadcast %add3A_677 : i32 to vector<16xi32>
      %add3A_679 = arith.addi %iota3A, %add3A_678 : vector<16xi32>
      %get3A_680 = arith.constant 480 : index
      %get3A_681 = tpu.vector_load %arg5[%get3A_680] {strides = array<i32>} : memref<1024xi32, #tpu.memory_space<vmem>>, vector<16xi32>,
      %sub3A_682 = vector.broadcast %mul3A_78 : i32 to vector<16xi32>
      %sub3A_683 = arith.subi %get3A_681, %sub3A_682 : vector<16xi32>
      %ge3A_684 = arith.constant 0 : i32
      %ge3A_685 = vector.broadcast %ge3A_684 : i32 to vector<16xi32>
      %ge3A_686 = arith.cmpi sge, %sub3A_683, %ge3A_685 : vector<16xi32>
      %lt3A_687 = arith.constant 125 : i32
      %lt3A_688 = vector.broadcast %lt3A_687 : i32 to vector<16xi32>
      %lt3A_689 = arith.cmpi slt, %sub3A_683, %lt3A_688 : vector<16xi32>
      %and3A_690 = arith.andi %ge3A_686, %lt3A_689 : vector<16xi1>
      %max3A_691 = arith.constant 0 : i32
      %max3A_692 = vector.broadcast %max3A_691 : i32 to vector<16xi32>
      %max3A_693 = arith.maxsi %sub3A_683, %max3A_692 : vector<16xi32>
      %min3A_694 = arith.constant 124 : i32
      %min3A_695 = vector.broadcast %min3A_694 : i32 to vector<16xi32>
      %min3A_696 = arith.minsi %max3A_693, %min3A_695 : vector<16xi32>
      tpu.vector_store_idx %arg6[%min3A_696, %add3A_679], %broadcast_in_dim3A_1 masked %and3A_690 : memref<125x1024xf32, #tpu.memory_space<vmem>>[vector<16xi32>, vector<16xi32>], vector<16xf32>, vector<16xi1>
      %add3A_697 = arith.constant 496 : i32
      %add3A_698 = vector.broadcast %add3A_697 : i32 to vector<16xi32>
      %add3A_699 = arith.addi %iota3A, %add3A_698 : vector<16xi32>
      %get3A_700 = arith.constant 496 : index
      %get3A_701 = tpu.vector_load %arg5[%get3A_700] {strides = array<i32>} : memref<1024xi32, #tpu.memory_space<vmem>>, vector<16xi32>,
      %sub3A_702 = vector.broadcast %mul3A_78 : i32 to vector<16xi32>
      %sub3A_703 = arith.subi %get3A_701, %sub3A_702 : vector<16xi32>
      %ge3A_704 = arith.constant 0 : i32
      %ge3A_705 = vector.broadcast %ge3A_704 : i32 to vector<16xi32>
      %ge3A_706 = arith.cmpi sge, %sub3A_703, %ge3A_705 : vector<16xi32>
      %lt3A_707 = arith.constant 125 : i32
      %lt3A_708 = vector.broadcast %lt3A_707 : i32 to vector<16xi32>
      %lt3A_709 = arith.cmpi slt, %sub3A_703, %lt3A_708 : vector<16xi32>
      %and3A_710 = arith.andi %ge3A_706, %lt3A_709 : vector<16xi1>
      %max3A_711 = arith.constant 0 : i32
      %max3A_712 = vector.broadcast %max3A_711 : i32 to vector<16xi32>
      %max3A_713 = arith.maxsi %sub3A_703, %max3A_712 : vector<16xi32>
      %min3A_714 = arith.constant 124 : i32
      %min3A_715 = vector.broadcast %min3A_714 : i32 to vector<16xi32>
      %min3A_716 = arith.minsi %max3A_713, %min3A_715 : vector<16xi32>
      tpu.vector_store_idx %arg6[%min3A_716, %add3A_699], %broadcast_in_dim3A_1 masked %and3A_710 : memref<125x1024xf32, #tpu.memory_space<vmem>>[vector<16xi32>, vector<16xi32>], vector<16xf32>, vector<16xi1>
      %add3A_717 = arith.constant 512 : i32
      %add3A_718 = vector.broadcast %add3A_717 : i32 to vector<16xi32>
      %add3A_719 = arith.addi %iota3A, %add3A_718 : vector<16xi32>
      %get3A_720 = arith.constant 512 : index
      %get3A_721 = tpu.vector_load %arg5[%get3A_720] {strides = array<i32>} : memref<1024xi32, #tpu.memory_space<vmem>>, vector<16xi32>,
      %sub3A_722 = vector.broadcast %mul3A_78 : i32 to vector<16xi32>
      %sub3A_723 = arith.subi %get3A_721, %sub3A_722 : vector<16xi32>
      %ge3A_724 = arith.constant 0 : i32
      %ge3A_725 = vector.broadcast %ge3A_724 : i32 to vector<16xi32>
      %ge3A_726 = arith.cmpi sge, %sub3A_723, %ge3A_725 : vector<16xi32>
      %lt3A_727 = arith.constant 125 : i32
      %lt3A_728 = vector.broadcast %lt3A_727 : i32 to vector<16xi32>
      %lt3A_729 = arith.cmpi slt, %sub3A_723, %lt3A_728 : vector<16xi32>
      %and3A_730 = arith.andi %ge3A_726, %lt3A_729 : vector<16xi1>
      %max3A_731 = arith.constant 0 : i32
      %max3A_732 = vector.broadcast %max3A_731 : i32 to vector<16xi32>
      %max3A_733 = arith.maxsi %sub3A_723, %max3A_732 : vector<16xi32>
      %min3A_734 = arith.constant 124 : i32
      %min3A_735 = vector.broadcast %min3A_734 : i32 to vector<16xi32>
      %min3A_736 = arith.minsi %max3A_733, %min3A_735 : vector<16xi32>
      tpu.vector_store_idx %arg6[%min3A_736, %add3A_719], %broadcast_in_dim3A_1 masked %and3A_730 : memref<125x1024xf32, #tpu.memory_space<vmem>>[vector<16xi32>, vector<16xi32>], vector<16xf32>, vector<16xi1>
      %add3A_737 = arith.constant 528 : i32
      %add3A_738 = vector.broadcast %add3A_737 : i32 to vector<16xi32>
      %add3A_739 = arith.addi %iota3A, %add3A_738 : vector<16xi32>
      %get3A_740 = arith.constant 528 : index
      %get3A_741 = tpu.vector_load %arg5[%get3A_740] {strides = array<i32>} : memref<1024xi32, #tpu.memory_space<vmem>>, vector<16xi32>,
      %sub3A_742 = vector.broadcast %mul3A_78 : i32 to vector<16xi32>
      %sub3A_743 = arith.subi %get3A_741, %sub3A_742 : vector<16xi32>
      %ge3A_744 = arith.constant 0 : i32
      %ge3A_745 = vector.broadcast %ge3A_744 : i32 to vector<16xi32>
      %ge3A_746 = arith.cmpi sge, %sub3A_743, %ge3A_745 : vector<16xi32>
      %lt3A_747 = arith.constant 125 : i32
      %lt3A_748 = vector.broadcast %lt3A_747 : i32 to vector<16xi32>
      %lt3A_749 = arith.cmpi slt, %sub3A_743, %lt3A_748 : vector<16xi32>
      %and3A_750 = arith.andi %ge3A_746, %lt3A_749 : vector<16xi1>
      %max3A_751 = arith.constant 0 : i32
      %max3A_752 = vector.broadcast %max3A_751 : i32 to vector<16xi32>
      %max3A_753 = arith.maxsi %sub3A_743, %max3A_752 : vector<16xi32>
      %min3A_754 = arith.constant 124 : i32
      %min3A_755 = vector.broadcast %min3A_754 : i32 to vector<16xi32>
      %min3A_756 = arith.minsi %max3A_753, %min3A_755 : vector<16xi32>
      tpu.vector_store_idx %arg6[%min3A_756, %add3A_739], %broadcast_in_dim3A_1 masked %and3A_750 : memref<125x1024xf32, #tpu.memory_space<vmem>>[vector<16xi32>, vector<16xi32>], vector<16xf32>, vector<16xi1>
      %add3A_757 = arith.constant 544 : i32
      %add3A_758 = vector.broadcast %add3A_757 : i32 to vector<16xi32>
      %add3A_759 = arith.addi %iota3A, %add3A_758 : vector<16xi32>
      %get3A_760 = arith.constant 544 : index
      %get3A_761 = tpu.vector_load %arg5[%get3A_760] {strides = array<i32>} : memref<1024xi32, #tpu.memory_space<vmem>>, vector<16xi32>,
      %sub3A_762 = vector.broadcast %mul3A_78 : i32 to vector<16xi32>
      %sub3A_763 = arith.subi %get3A_761, %sub3A_762 : vector<16xi32>
      %ge3A_764 = arith.constant 0 : i32
      %ge3A_765 = vector.broadcast %ge3A_764 : i32 to vector<16xi32>
      %ge3A_766 = arith.cmpi sge, %sub3A_763, %ge3A_765 : vector<16xi32>
      %lt3A_767 = arith.constant 125 : i32
      %lt3A_768 = vector.broadcast %lt3A_767 : i32 to vector<16xi32>
      %lt3A_769 = arith.cmpi slt, %sub3A_763, %lt3A_768 : vector<16xi32>
      %and3A_770 = arith.andi %ge3A_766, %lt3A_769 : vector<16xi1>
      %max3A_771 = arith.constant 0 : i32
      %max3A_772 = vector.broadcast %max3A_771 : i32 to vector<16xi32>
      %max3A_773 = arith.maxsi %sub3A_763, %max3A_772 : vector<16xi32>
      %min3A_774 = arith.constant 124 : i32
      %min3A_775 = vector.broadcast %min3A_774 : i32 to vector<16xi32>
      %min3A_776 = arith.minsi %max3A_773, %min3A_775 : vector<16xi32>
      tpu.vector_store_idx %arg6[%min3A_776, %add3A_759], %broadcast_in_dim3A_1 masked %and3A_770 : memref<125x1024xf32, #tpu.memory_space<vmem>>[vector<16xi32>, vector<16xi32>], vector<16xf32>, vector<16xi1>
      %add3A_777 = arith.constant 560 : i32
      %add3A_778 = vector.broadcast %add3A_777 : i32 to vector<16xi32>
      %add3A_779 = arith.addi %iota3A, %add3A_778 : vector<16xi32>
      %get3A_780 = arith.constant 560 : index
      %get3A_781 = tpu.vector_load %arg5[%get3A_780] {strides = array<i32>} : memref<1024xi32, #tpu.memory_space<vmem>>, vector<16xi32>,
      %sub3A_782 = vector.broadcast %mul3A_78 : i32 to vector<16xi32>
      %sub3A_783 = arith.subi %get3A_781, %sub3A_782 : vector<16xi32>
      %ge3A_784 = arith.constant 0 : i32
      %ge3A_785 = vector.broadcast %ge3A_784 : i32 to vector<16xi32>
      %ge3A_786 = arith.cmpi sge, %sub3A_783, %ge3A_785 : vector<16xi32>
      %lt3A_787 = arith.constant 125 : i32
      %lt3A_788 = vector.broadcast %lt3A_787 : i32 to vector<16xi32>
      %lt3A_789 = arith.cmpi slt, %sub3A_783, %lt3A_788 : vector<16xi32>
      %and3A_790 = arith.andi %ge3A_786, %lt3A_789 : vector<16xi1>
      %max3A_791 = arith.constant 0 : i32
      %max3A_792 = vector.broadcast %max3A_791 : i32 to vector<16xi32>
      %max3A_793 = arith.maxsi %sub3A_783, %max3A_792 : vector<16xi32>
      %min3A_794 = arith.constant 124 : i32
      %min3A_795 = vector.broadcast %min3A_794 : i32 to vector<16xi32>
      %min3A_796 = arith.minsi %max3A_793, %min3A_795 : vector<16xi32>
      tpu.vector_store_idx %arg6[%min3A_796, %add3A_779], %broadcast_in_dim3A_1 masked %and3A_790 : memref<125x1024xf32, #tpu.memory_space<vmem>>[vector<16xi32>, vector<16xi32>], vector<16xf32>, vector<16xi1>
      %add3A_797 = arith.constant 576 : i32
      %add3A_798 = vector.broadcast %add3A_797 : i32 to vector<16xi32>
      %add3A_799 = arith.addi %iota3A, %add3A_798 : vector<16xi32>
      %get3A_800 = arith.constant 576 : index
      %get3A_801 = tpu.vector_load %arg5[%get3A_800] {strides = array<i32>} : memref<1024xi32, #tpu.memory_space<vmem>>, vector<16xi32>,
      %sub3A_802 = vector.broadcast %mul3A_78 : i32 to vector<16xi32>
      %sub3A_803 = arith.subi %get3A_801, %sub3A_802 : vector<16xi32>
      %ge3A_804 = arith.constant 0 : i32
      %ge3A_805 = vector.broadcast %ge3A_804 : i32 to vector<16xi32>
      %ge3A_806 = arith.cmpi sge, %sub3A_803, %ge3A_805 : vector<16xi32>
      %lt3A_807 = arith.constant 125 : i32
      %lt3A_808 = vector.broadcast %lt3A_807 : i32 to vector<16xi32>
      %lt3A_809 = arith.cmpi slt, %sub3A_803, %lt3A_808 : vector<16xi32>
      %and3A_810 = arith.andi %ge3A_806, %lt3A_809 : vector<16xi1>
      %max3A_811 = arith.constant 0 : i32
      %max3A_812 = vector.broadcast %max3A_811 : i32 to vector<16xi32>
      %max3A_813 = arith.maxsi %sub3A_803, %max3A_812 : vector<16xi32>
      %min3A_814 = arith.constant 124 : i32
      %min3A_815 = vector.broadcast %min3A_814 : i32 to vector<16xi32>
      %min3A_816 = arith.minsi %max3A_813, %min3A_815 : vector<16xi32>
      tpu.vector_store_idx %arg6[%min3A_816, %add3A_799], %broadcast_in_dim3A_1 masked %and3A_810 : memref<125x1024xf32, #tpu.memory_space<vmem>>[vector<16xi32>, vector<16xi32>], vector<16xf32>, vector<16xi1>
      %add3A_817 = arith.constant 592 : i32
      %add3A_818 = vector.broadcast %add3A_817 : i32 to vector<16xi32>
      %add3A_819 = arith.addi %iota3A, %add3A_818 : vector<16xi32>
      %get3A_820 = arith.constant 592 : index
      %get3A_821 = tpu.vector_load %arg5[%get3A_820] {strides = array<i32>} : memref<1024xi32, #tpu.memory_space<vmem>>, vector<16xi32>,
      %sub3A_822 = vector.broadcast %mul3A_78 : i32 to vector<16xi32>
      %sub3A_823 = arith.subi %get3A_821, %sub3A_822 : vector<16xi32>
      %ge3A_824 = arith.constant 0 : i32
      %ge3A_825 = vector.broadcast %ge3A_824 : i32 to vector<16xi32>
      %ge3A_826 = arith.cmpi sge, %sub3A_823, %ge3A_825 : vector<16xi32>
      %lt3A_827 = arith.constant 125 : i32
      %lt3A_828 = vector.broadcast %lt3A_827 : i32 to vector<16xi32>
      %lt3A_829 = arith.cmpi slt, %sub3A_823, %lt3A_828 : vector<16xi32>
      %and3A_830 = arith.andi %ge3A_826, %lt3A_829 : vector<16xi1>
      %max3A_831 = arith.constant 0 : i32
      %max3A_832 = vector.broadcast %max3A_831 : i32 to vector<16xi32>
      %max3A_833 = arith.maxsi %sub3A_823, %max3A_832 : vector<16xi32>
      %min3A_834 = arith.constant 124 : i32
      %min3A_835 = vector.broadcast %min3A_834 : i32 to vector<16xi32>
      %min3A_836 = arith.minsi %max3A_833, %min3A_835 : vector<16xi32>
      tpu.vector_store_idx %arg6[%min3A_836, %add3A_819], %broadcast_in_dim3A_1 masked %and3A_830 : memref<125x1024xf32, #tpu.memory_space<vmem>>[vector<16xi32>, vector<16xi32>], vector<16xf32>, vector<16xi1>
      %add3A_837 = arith.constant 608 : i32
      %add3A_838 = vector.broadcast %add3A_837 : i32 to vector<16xi32>
      %add3A_839 = arith.addi %iota3A, %add3A_838 : vector<16xi32>
      %get3A_840 = arith.constant 608 : index
      %get3A_841 = tpu.vector_load %arg5[%get3A_840] {strides = array<i32>} : memref<1024xi32, #tpu.memory_space<vmem>>, vector<16xi32>,
      %sub3A_842 = vector.broadcast %mul3A_78 : i32 to vector<16xi32>
      %sub3A_843 = arith.subi %get3A_841, %sub3A_842 : vector<16xi32>
      %ge3A_844 = arith.constant 0 : i32
      %ge3A_845 = vector.broadcast %ge3A_844 : i32 to vector<16xi32>
      %ge3A_846 = arith.cmpi sge, %sub3A_843, %ge3A_845 : vector<16xi32>
      %lt3A_847 = arith.constant 125 : i32
      %lt3A_848 = vector.broadcast %lt3A_847 : i32 to vector<16xi32>
      %lt3A_849 = arith.cmpi slt, %sub3A_843, %lt3A_848 : vector<16xi32>
      %and3A_850 = arith.andi %ge3A_846, %lt3A_849 : vector<16xi1>
      %max3A_851 = arith.constant 0 : i32
      %max3A_852 = vector.broadcast %max3A_851 : i32 to vector<16xi32>
      %max3A_853 = arith.maxsi %sub3A_843, %max3A_852 : vector<16xi32>
      %min3A_854 = arith.constant 124 : i32
      %min3A_855 = vector.broadcast %min3A_854 : i32 to vector<16xi32>
      %min3A_856 = arith.minsi %max3A_853, %min3A_855 : vector<16xi32>
      tpu.vector_store_idx %arg6[%min3A_856, %add3A_839], %broadcast_in_dim3A_1 masked %and3A_850 : memref<125x1024xf32, #tpu.memory_space<vmem>>[vector<16xi32>, vector<16xi32>], vector<16xf32>, vector<16xi1>
      %add3A_857 = arith.constant 624 : i32
      %add3A_858 = vector.broadcast %add3A_857 : i32 to vector<16xi32>
      %add3A_859 = arith.addi %iota3A, %add3A_858 : vector<16xi32>
      %get3A_860 = arith.constant 624 : index
      %get3A_861 = tpu.vector_load %arg5[%get3A_860] {strides = array<i32>} : memref<1024xi32, #tpu.memory_space<vmem>>, vector<16xi32>,
      %sub3A_862 = vector.broadcast %mul3A_78 : i32 to vector<16xi32>
      %sub3A_863 = arith.subi %get3A_861, %sub3A_862 : vector<16xi32>
      %ge3A_864 = arith.constant 0 : i32
      %ge3A_865 = vector.broadcast %ge3A_864 : i32 to vector<16xi32>
      %ge3A_866 = arith.cmpi sge, %sub3A_863, %ge3A_865 : vector<16xi32>
      %lt3A_867 = arith.constant 125 : i32
      %lt3A_868 = vector.broadcast %lt3A_867 : i32 to vector<16xi32>
      %lt3A_869 = arith.cmpi slt, %sub3A_863, %lt3A_868 : vector<16xi32>
      %and3A_870 = arith.andi %ge3A_866, %lt3A_869 : vector<16xi1>
      %max3A_871 = arith.constant 0 : i32
      %max3A_872 = vector.broadcast %max3A_871 : i32 to vector<16xi32>
      %max3A_873 = arith.maxsi %sub3A_863, %max3A_872 : vector<16xi32>
      %min3A_874 = arith.constant 124 : i32
      %min3A_875 = vector.broadcast %min3A_874 : i32 to vector<16xi32>
      %min3A_876 = arith.minsi %max3A_873, %min3A_875 : vector<16xi32>
      tpu.vector_store_idx %arg6[%min3A_876, %add3A_859], %broadcast_in_dim3A_1 masked %and3A_870 : memref<125x1024xf32, #tpu.memory_space<vmem>>[vector<16xi32>, vector<16xi32>], vector<16xf32>, vector<16xi1>
      %add3A_877 = arith.constant 640 : i32
      %add3A_878 = vector.broadcast %add3A_877 : i32 to vector<16xi32>
      %add3A_879 = arith.addi %iota3A, %add3A_878 : vector<16xi32>
      %get3A_880 = arith.constant 640 : index
      %get3A_881 = tpu.vector_load %arg5[%get3A_880] {strides = array<i32>} : memref<1024xi32, #tpu.memory_space<vmem>>, vector<16xi32>,
      %sub3A_882 = vector.broadcast %mul3A_78 : i32 to vector<16xi32>
      %sub3A_883 = arith.subi %get3A_881, %sub3A_882 : vector<16xi32>
      %ge3A_884 = arith.constant 0 : i32
      %ge3A_885 = vector.broadcast %ge3A_884 : i32 to vector<16xi32>
      %ge3A_886 = arith.cmpi sge, %sub3A_883, %ge3A_885 : vector<16xi32>
      %lt3A_887 = arith.constant 125 : i32
      %lt3A_888 = vector.broadcast %lt3A_887 : i32 to vector<16xi32>
      %lt3A_889 = arith.cmpi slt, %sub3A_883, %lt3A_888 : vector<16xi32>
      %and3A_890 = arith.andi %ge3A_886, %lt3A_889 : vector<16xi1>
      %max3A_891 = arith.constant 0 : i32
      %max3A_892 = vector.broadcast %max3A_891 : i32 to vector<16xi32>
      %max3A_893 = arith.maxsi %sub3A_883, %max3A_892 : vector<16xi32>
      %min3A_894 = arith.constant 124 : i32
      %min3A_895 = vector.broadcast %min3A_894 : i32 to vector<16xi32>
      %min3A_896 = arith.minsi %max3A_893, %min3A_895 : vector<16xi32>
      tpu.vector_store_idx %arg6[%min3A_896, %add3A_879], %broadcast_in_dim3A_1 masked %and3A_890 : memref<125x1024xf32, #tpu.memory_space<vmem>>[vector<16xi32>, vector<16xi32>], vector<16xf32>, vector<16xi1>
      %add3A_897 = arith.constant 656 : i32
      %add3A_898 = vector.broadcast %add3A_897 : i32 to vector<16xi32>
      %add3A_899 = arith.addi %iota3A, %add3A_898 : vector<16xi32>
      %get3A_900 = arith.constant 656 : index
      %get3A_901 = tpu.vector_load %arg5[%get3A_900] {strides = array<i32>} : memref<1024xi32, #tpu.memory_space<vmem>>, vector<16xi32>,
      %sub3A_902 = vector.broadcast %mul3A_78 : i32 to vector<16xi32>
      %sub3A_903 = arith.subi %get3A_901, %sub3A_902 : vector<16xi32>
      %ge3A_904 = arith.constant 0 : i32
      %ge3A_905 = vector.broadcast %ge3A_904 : i32 to vector<16xi32>
      %ge3A_906 = arith.cmpi sge, %sub3A_903, %ge3A_905 : vector<16xi32>
      %lt3A_907 = arith.constant 125 : i32
      %lt3A_908 = vector.broadcast %lt3A_907 : i32 to vector<16xi32>
      %lt3A_909 = arith.cmpi slt, %sub3A_903, %lt3A_908 : vector<16xi32>
      %and3A_910 = arith.andi %ge3A_906, %lt3A_909 : vector<16xi1>
      %max3A_911 = arith.constant 0 : i32
      %max3A_912 = vector.broadcast %max3A_911 : i32 to vector<16xi32>
      %max3A_913 = arith.maxsi %sub3A_903, %max3A_912 : vector<16xi32>
      %min3A_914 = arith.constant 124 : i32
      %min3A_915 = vector.broadcast %min3A_914 : i32 to vector<16xi32>
      %min3A_916 = arith.minsi %max3A_913, %min3A_915 : vector<16xi32>
      tpu.vector_store_idx %arg6[%min3A_916, %add3A_899], %broadcast_in_dim3A_1 masked %and3A_910 : memref<125x1024xf32, #tpu.memory_space<vmem>>[vector<16xi32>, vector<16xi32>], vector<16xf32>, vector<16xi1>
      %add3A_917 = arith.constant 672 : i32
      %add3A_918 = vector.broadcast %add3A_917 : i32 to vector<16xi32>
      %add3A_919 = arith.addi %iota3A, %add3A_918 : vector<16xi32>
      %get3A_920 = arith.constant 672 : index
      %get3A_921 = tpu.vector_load %arg5[%get3A_920] {strides = array<i32>} : memref<1024xi32, #tpu.memory_space<vmem>>, vector<16xi32>,
      %sub3A_922 = vector.broadcast %mul3A_78 : i32 to vector<16xi32>
      %sub3A_923 = arith.subi %get3A_921, %sub3A_922 : vector<16xi32>
      %ge3A_924 = arith.constant 0 : i32
      %ge3A_925 = vector.broadcast %ge3A_924 : i32 to vector<16xi32>
      %ge3A_926 = arith.cmpi sge, %sub3A_923, %ge3A_925 : vector<16xi32>
      %lt3A_927 = arith.constant 125 : i32
      %lt3A_928 = vector.broadcast %lt3A_927 : i32 to vector<16xi32>
      %lt3A_929 = arith.cmpi slt, %sub3A_923, %lt3A_928 : vector<16xi32>
      %and3A_930 = arith.andi %ge3A_926, %lt3A_929 : vector<16xi1>
      %max3A_931 = arith.constant 0 : i32
      %max3A_932 = vector.broadcast %max3A_931 : i32 to vector<16xi32>
      %max3A_933 = arith.maxsi %sub3A_923, %max3A_932 : vector<16xi32>
      %min3A_934 = arith.constant 124 : i32
      %min3A_935 = vector.broadcast %min3A_934 : i32 to vector<16xi32>
      %min3A_936 = arith.minsi %max3A_933, %min3A_935 : vector<16xi32>
      tpu.vector_store_idx %arg6[%min3A_936, %add3A_919], %broadcast_in_dim3A_1 masked %and3A_930 : memref<125x1024xf32, #tpu.memory_space<vmem>>[vector<16xi32>, vector<16xi32>], vector<16xf32>, vector<16xi1>
      %add3A_937 = arith.constant 688 : i32
      %add3A_938 = vector.broadcast %add3A_937 : i32 to vector<16xi32>
      %add3A_939 = arith.addi %iota3A, %add3A_938 : vector<16xi32>
      %get3A_940 = arith.constant 688 : index
      %get3A_941 = tpu.vector_load %arg5[%get3A_940] {strides = array<i32>} : memref<1024xi32, #tpu.memory_space<vmem>>, vector<16xi32>,
      %sub3A_942 = vector.broadcast %mul3A_78 : i32 to vector<16xi32>
      %sub3A_943 = arith.subi %get3A_941, %sub3A_942 : vector<16xi32>
      %ge3A_944 = arith.constant 0 : i32
      %ge3A_945 = vector.broadcast %ge3A_944 : i32 to vector<16xi32>
      %ge3A_946 = arith.cmpi sge, %sub3A_943, %ge3A_945 : vector<16xi32>
      %lt3A_947 = arith.constant 125 : i32
      %lt3A_948 = vector.broadcast %lt3A_947 : i32 to vector<16xi32>
      %lt3A_949 = arith.cmpi slt, %sub3A_943, %lt3A_948 : vector<16xi32>
      %and3A_950 = arith.andi %ge3A_946, %lt3A_949 : vector<16xi1>
      %max3A_951 = arith.constant 0 : i32
      %max3A_952 = vector.broadcast %max3A_951 : i32 to vector<16xi32>
      %max3A_953 = arith.maxsi %sub3A_943, %max3A_952 : vector<16xi32>
      %min3A_954 = arith.constant 124 : i32
      %min3A_955 = vector.broadcast %min3A_954 : i32 to vector<16xi32>
      %min3A_956 = arith.minsi %max3A_953, %min3A_955 : vector<16xi32>
      tpu.vector_store_idx %arg6[%min3A_956, %add3A_939], %broadcast_in_dim3A_1 masked %and3A_950 : memref<125x1024xf32, #tpu.memory_space<vmem>>[vector<16xi32>, vector<16xi32>], vector<16xf32>, vector<16xi1>
      %add3A_957 = arith.constant 704 : i32
      %add3A_958 = vector.broadcast %add3A_957 : i32 to vector<16xi32>
      %add3A_959 = arith.addi %iota3A, %add3A_958 : vector<16xi32>
      %get3A_960 = arith.constant 704 : index
      %get3A_961 = tpu.vector_load %arg5[%get3A_960] {strides = array<i32>} : memref<1024xi32, #tpu.memory_space<vmem>>, vector<16xi32>,
      %sub3A_962 = vector.broadcast %mul3A_78 : i32 to vector<16xi32>
      %sub3A_963 = arith.subi %get3A_961, %sub3A_962 : vector<16xi32>
      %ge3A_964 = arith.constant 0 : i32
      %ge3A_965 = vector.broadcast %ge3A_964 : i32 to vector<16xi32>
      %ge3A_966 = arith.cmpi sge, %sub3A_963, %ge3A_965 : vector<16xi32>
      %lt3A_967 = arith.constant 125 : i32
      %lt3A_968 = vector.broadcast %lt3A_967 : i32 to vector<16xi32>
      %lt3A_969 = arith.cmpi slt, %sub3A_963, %lt3A_968 : vector<16xi32>
      %and3A_970 = arith.andi %ge3A_966, %lt3A_969 : vector<16xi1>
      %max3A_971 = arith.constant 0 : i32
      %max3A_972 = vector.broadcast %max3A_971 : i32 to vector<16xi32>
      %max3A_973 = arith.maxsi %sub3A_963, %max3A_972 : vector<16xi32>
      %min3A_974 = arith.constant 124 : i32
      %min3A_975 = vector.broadcast %min3A_974 : i32 to vector<16xi32>
      %min3A_976 = arith.minsi %max3A_973, %min3A_975 : vector<16xi32>
      tpu.vector_store_idx %arg6[%min3A_976, %add3A_959], %broadcast_in_dim3A_1 masked %and3A_970 : memref<125x1024xf32, #tpu.memory_space<vmem>>[vector<16xi32>, vector<16xi32>], vector<16xf32>, vector<16xi1>
      %add3A_977 = arith.constant 720 : i32
      %add3A_978 = vector.broadcast %add3A_977 : i32 to vector<16xi32>
      %add3A_979 = arith.addi %iota3A, %add3A_978 : vector<16xi32>
      %get3A_980 = arith.constant 720 : index
      %get3A_981 = tpu.vector_load %arg5[%get3A_980] {strides = array<i32>} : memref<1024xi32, #tpu.memory_space<vmem>>, vector<16xi32>,
      %sub3A_982 = vector.broadcast %mul3A_78 : i32 to vector<16xi32>
      %sub3A_983 = arith.subi %get3A_981, %sub3A_982 : vector<16xi32>
      %ge3A_984 = arith.constant 0 : i32
      %ge3A_985 = vector.broadcast %ge3A_984 : i32 to vector<16xi32>
      %ge3A_986 = arith.cmpi sge, %sub3A_983, %ge3A_985 : vector<16xi32>
      %lt3A_987 = arith.constant 125 : i32
      %lt3A_988 = vector.broadcast %lt3A_987 : i32 to vector<16xi32>
      %lt3A_989 = arith.cmpi slt, %sub3A_983, %lt3A_988 : vector<16xi32>
      %and3A_990 = arith.andi %ge3A_986, %lt3A_989 : vector<16xi1>
      %max3A_991 = arith.constant 0 : i32
      %max3A_992 = vector.broadcast %max3A_991 : i32 to vector<16xi32>
      %max3A_993 = arith.maxsi %sub3A_983, %max3A_992 : vector<16xi32>
      %min3A_994 = arith.constant 124 : i32
      %min3A_995 = vector.broadcast %min3A_994 : i32 to vector<16xi32>
      %min3A_996 = arith.minsi %max3A_993, %min3A_995 : vector<16xi32>
      tpu.vector_store_idx %arg6[%min3A_996, %add3A_979], %broadcast_in_dim3A_1 masked %and3A_990 : memref<125x1024xf32, #tpu.memory_space<vmem>>[vector<16xi32>, vector<16xi32>], vector<16xf32>, vector<16xi1>
      %add3A_997 = arith.constant 736 : i32
      %add3A_998 = vector.broadcast %add3A_997 : i32 to vector<16xi32>
      %add3A_999 = arith.addi %iota3A, %add3A_998 : vector<16xi32>
      %get3A_1000 = arith.constant 736 : index
      %get3A_1001 = tpu.vector_load %arg5[%get3A_1000] {strides = array<i32>} : memref<1024xi32, #tpu.memory_space<vmem>>, vector<16xi32>,
      %sub3A_1002 = vector.broadcast %mul3A_78 : i32 to vector<16xi32>
      %sub3A_1003 = arith.subi %get3A_1001, %sub3A_1002 : vector<16xi32>
      %ge3A_1004 = arith.constant 0 : i32
      %ge3A_1005 = vector.broadcast %ge3A_1004 : i32 to vector<16xi32>
      %ge3A_1006 = arith.cmpi sge, %sub3A_1003, %ge3A_1005 : vector<16xi32>
      %lt3A_1007 = arith.constant 125 : i32
      %lt3A_1008 = vector.broadcast %lt3A_1007 : i32 to vector<16xi32>
      %lt3A_1009 = arith.cmpi slt, %sub3A_1003, %lt3A_1008 : vector<16xi32>
      %and3A_1010 = arith.andi %ge3A_1006, %lt3A_1009 : vector<16xi1>
      %max3A_1011 = arith.constant 0 : i32
      %max3A_1012 = vector.broadcast %max3A_1011 : i32 to vector<16xi32>
      %max3A_1013 = arith.maxsi %sub3A_1003, %max3A_1012 : vector<16xi32>
      %min3A_1014 = arith.constant 124 : i32
      %min3A_1015 = vector.broadcast %min3A_1014 : i32 to vector<16xi32>
      %min3A_1016 = arith.minsi %max3A_1013, %min3A_1015 : vector<16xi32>
      tpu.vector_store_idx %arg6[%min3A_1016, %add3A_999], %broadcast_in_dim3A_1 masked %and3A_1010 : memref<125x1024xf32, #tpu.memory_space<vmem>>[vector<16xi32>, vector<16xi32>], vector<16xf32>, vector<16xi1>
      %add3A_1017 = arith.constant 752 : i32
      %add3A_1018 = vector.broadcast %add3A_1017 : i32 to vector<16xi32>
      %add3A_1019 = arith.addi %iota3A, %add3A_1018 : vector<16xi32>
      %get3A_1020 = arith.constant 752 : index
      %get3A_1021 = tpu.vector_load %arg5[%get3A_1020] {strides = array<i32>} : memref<1024xi32, #tpu.memory_space<vmem>>, vector<16xi32>,
      %sub3A_1022 = vector.broadcast %mul3A_78 : i32 to vector<16xi32>
      %sub3A_1023 = arith.subi %get3A_1021, %sub3A_1022 : vector<16xi32>
      %ge3A_1024 = arith.constant 0 : i32
      %ge3A_1025 = vector.broadcast %ge3A_1024 : i32 to vector<16xi32>
      %ge3A_1026 = arith.cmpi sge, %sub3A_1023, %ge3A_1025 : vector<16xi32>
      %lt3A_1027 = arith.constant 125 : i32
      %lt3A_1028 = vector.broadcast %lt3A_1027 : i32 to vector<16xi32>
      %lt3A_1029 = arith.cmpi slt, %sub3A_1023, %lt3A_1028 : vector<16xi32>
      %and3A_1030 = arith.andi %ge3A_1026, %lt3A_1029 : vector<16xi1>
      %max3A_1031 = arith.constant 0 : i32
      %max3A_1032 = vector.broadcast %max3A_1031 : i32 to vector<16xi32>
      %max3A_1033 = arith.maxsi %sub3A_1023, %max3A_1032 : vector<16xi32>
      %min3A_1034 = arith.constant 124 : i32
      %min3A_1035 = vector.broadcast %min3A_1034 : i32 to vector<16xi32>
      %min3A_1036 = arith.minsi %max3A_1033, %min3A_1035 : vector<16xi32>
      tpu.vector_store_idx %arg6[%min3A_1036, %add3A_1019], %broadcast_in_dim3A_1 masked %and3A_1030 : memref<125x1024xf32, #tpu.memory_space<vmem>>[vector<16xi32>, vector<16xi32>], vector<16xf32>, vector<16xi1>
      %add3A_1037 = arith.constant 768 : i32
      %add3A_1038 = vector.broadcast %add3A_1037 : i32 to vector<16xi32>
      %add3A_1039 = arith.addi %iota3A, %add3A_1038 : vector<16xi32>
      %get3A_1040 = arith.constant 768 : index
      %get3A_1041 = tpu.vector_load %arg5[%get3A_1040] {strides = array<i32>} : memref<1024xi32, #tpu.memory_space<vmem>>, vector<16xi32>,
      %sub3A_1042 = vector.broadcast %mul3A_78 : i32 to vector<16xi32>
      %sub3A_1043 = arith.subi %get3A_1041, %sub3A_1042 : vector<16xi32>
      %ge3A_1044 = arith.constant 0 : i32
      %ge3A_1045 = vector.broadcast %ge3A_1044 : i32 to vector<16xi32>
      %ge3A_1046 = arith.cmpi sge, %sub3A_1043, %ge3A_1045 : vector<16xi32>
      %lt3A_1047 = arith.constant 125 : i32
      %lt3A_1048 = vector.broadcast %lt3A_1047 : i32 to vector<16xi32>
      %lt3A_1049 = arith.cmpi slt, %sub3A_1043, %lt3A_1048 : vector<16xi32>
      %and3A_1050 = arith.andi %ge3A_1046, %lt3A_1049 : vector<16xi1>
      %max3A_1051 = arith.constant 0 : i32
      %max3A_1052 = vector.broadcast %max3A_1051 : i32 to vector<16xi32>
      %max3A_1053 = arith.maxsi %sub3A_1043, %max3A_1052 : vector<16xi32>
      %min3A_1054 = arith.constant 124 : i32
      %min3A_1055 = vector.broadcast %min3A_1054 : i32 to vector<16xi32>
      %min3A_1056 = arith.minsi %max3A_1053, %min3A_1055 : vector<16xi32>
      tpu.vector_store_idx %arg6[%min3A_1056, %add3A_1039], %broadcast_in_dim3A_1 masked %and3A_1050 : memref<125x1024xf32, #tpu.memory_space<vmem>>[vector<16xi32>, vector<16xi32>], vector<16xf32>, vector<16xi1>
      %add3A_1057 = arith.constant 784 : i32
      %add3A_1058 = vector.broadcast %add3A_1057 : i32 to vector<16xi32>
      %add3A_1059 = arith.addi %iota3A, %add3A_1058 : vector<16xi32>
      %get3A_1060 = arith.constant 784 : index
      %get3A_1061 = tpu.vector_load %arg5[%get3A_1060] {strides = array<i32>} : memref<1024xi32, #tpu.memory_space<vmem>>, vector<16xi32>,
      %sub3A_1062 = vector.broadcast %mul3A_78 : i32 to vector<16xi32>
      %sub3A_1063 = arith.subi %get3A_1061, %sub3A_1062 : vector<16xi32>
      %ge3A_1064 = arith.constant 0 : i32
      %ge3A_1065 = vector.broadcast %ge3A_1064 : i32 to vector<16xi32>
      %ge3A_1066 = arith.cmpi sge, %sub3A_1063, %ge3A_1065 : vector<16xi32>
      %lt3A_1067 = arith.constant 125 : i32
      %lt3A_1068 = vector.broadcast %lt3A_1067 : i32 to vector<16xi32>
      %lt3A_1069 = arith.cmpi slt, %sub3A_1063, %lt3A_1068 : vector<16xi32>
      %and3A_1070 = arith.andi %ge3A_1066, %lt3A_1069 : vector<16xi1>
      %max3A_1071 = arith.constant 0 : i32
      %max3A_1072 = vector.broadcast %max3A_1071 : i32 to vector<16xi32>
      %max3A_1073 = arith.maxsi %sub3A_1063, %max3A_1072 : vector<16xi32>
      %min3A_1074 = arith.constant 124 : i32
      %min3A_1075 = vector.broadcast %min3A_1074 : i32 to vector<16xi32>
      %min3A_1076 = arith.minsi %max3A_1073, %min3A_1075 : vector<16xi32>
      tpu.vector_store_idx %arg6[%min3A_1076, %add3A_1059], %broadcast_in_dim3A_1 masked %and3A_1070 : memref<125x1024xf32, #tpu.memory_space<vmem>>[vector<16xi32>, vector<16xi32>], vector<16xf32>, vector<16xi1>
      %add3A_1077 = arith.constant 800 : i32
      %add3A_1078 = vector.broadcast %add3A_1077 : i32 to vector<16xi32>
      %add3A_1079 = arith.addi %iota3A, %add3A_1078 : vector<16xi32>
      %get3A_1080 = arith.constant 800 : index
      %get3A_1081 = tpu.vector_load %arg5[%get3A_1080] {strides = array<i32>} : memref<1024xi32, #tpu.memory_space<vmem>>, vector<16xi32>,
      %sub3A_1082 = vector.broadcast %mul3A_78 : i32 to vector<16xi32>
      %sub3A_1083 = arith.subi %get3A_1081, %sub3A_1082 : vector<16xi32>
      %ge3A_1084 = arith.constant 0 : i32
      %ge3A_1085 = vector.broadcast %ge3A_1084 : i32 to vector<16xi32>
      %ge3A_1086 = arith.cmpi sge, %sub3A_1083, %ge3A_1085 : vector<16xi32>
      %lt3A_1087 = arith.constant 125 : i32
      %lt3A_1088 = vector.broadcast %lt3A_1087 : i32 to vector<16xi32>
      %lt3A_1089 = arith.cmpi slt, %sub3A_1083, %lt3A_1088 : vector<16xi32>
      %and3A_1090 = arith.andi %ge3A_1086, %lt3A_1089 : vector<16xi1>
      %max3A_1091 = arith.constant 0 : i32
      %max3A_1092 = vector.broadcast %max3A_1091 : i32 to vector<16xi32>
      %max3A_1093 = arith.maxsi %sub3A_1083, %max3A_1092 : vector<16xi32>
      %min3A_1094 = arith.constant 124 : i32
      %min3A_1095 = vector.broadcast %min3A_1094 : i32 to vector<16xi32>
      %min3A_1096 = arith.minsi %max3A_1093, %min3A_1095 : vector<16xi32>
      tpu.vector_store_idx %arg6[%min3A_1096, %add3A_1079], %broadcast_in_dim3A_1 masked %and3A_1090 : memref<125x1024xf32, #tpu.memory_space<vmem>>[vector<16xi32>, vector<16xi32>], vector<16xf32>, vector<16xi1>
      %add3A_1097 = arith.constant 816 : i32
      %add3A_1098 = vector.broadcast %add3A_1097 : i32 to vector<16xi32>
      %add3A_1099 = arith.addi %iota3A, %add3A_1098 : vector<16xi32>
      %get3A_1100 = arith.constant 816 : index
      %get3A_1101 = tpu.vector_load %arg5[%get3A_1100] {strides = array<i32>} : memref<1024xi32, #tpu.memory_space<vmem>>, vector<16xi32>,
      %sub3A_1102 = vector.broadcast %mul3A_78 : i32 to vector<16xi32>
      %sub3A_1103 = arith.subi %get3A_1101, %sub3A_1102 : vector<16xi32>
      %ge3A_1104 = arith.constant 0 : i32
      %ge3A_1105 = vector.broadcast %ge3A_1104 : i32 to vector<16xi32>
      %ge3A_1106 = arith.cmpi sge, %sub3A_1103, %ge3A_1105 : vector<16xi32>
      %lt3A_1107 = arith.constant 125 : i32
      %lt3A_1108 = vector.broadcast %lt3A_1107 : i32 to vector<16xi32>
      %lt3A_1109 = arith.cmpi slt, %sub3A_1103, %lt3A_1108 : vector<16xi32>
      %and3A_1110 = arith.andi %ge3A_1106, %lt3A_1109 : vector<16xi1>
      %max3A_1111 = arith.constant 0 : i32
      %max3A_1112 = vector.broadcast %max3A_1111 : i32 to vector<16xi32>
      %max3A_1113 = arith.maxsi %sub3A_1103, %max3A_1112 : vector<16xi32>
      %min3A_1114 = arith.constant 124 : i32
      %min3A_1115 = vector.broadcast %min3A_1114 : i32 to vector<16xi32>
      %min3A_1116 = arith.minsi %max3A_1113, %min3A_1115 : vector<16xi32>
      tpu.vector_store_idx %arg6[%min3A_1116, %add3A_1099], %broadcast_in_dim3A_1 masked %and3A_1110 : memref<125x1024xf32, #tpu.memory_space<vmem>>[vector<16xi32>, vector<16xi32>], vector<16xf32>, vector<16xi1>
      %add3A_1117 = arith.constant 832 : i32
      %add3A_1118 = vector.broadcast %add3A_1117 : i32 to vector<16xi32>
      %add3A_1119 = arith.addi %iota3A, %add3A_1118 : vector<16xi32>
      %get3A_1120 = arith.constant 832 : index
      %get3A_1121 = tpu.vector_load %arg5[%get3A_1120] {strides = array<i32>} : memref<1024xi32, #tpu.memory_space<vmem>>, vector<16xi32>,
      %sub3A_1122 = vector.broadcast %mul3A_78 : i32 to vector<16xi32>
      %sub3A_1123 = arith.subi %get3A_1121, %sub3A_1122 : vector<16xi32>
      %ge3A_1124 = arith.constant 0 : i32
      %ge3A_1125 = vector.broadcast %ge3A_1124 : i32 to vector<16xi32>
      %ge3A_1126 = arith.cmpi sge, %sub3A_1123, %ge3A_1125 : vector<16xi32>
      %lt3A_1127 = arith.constant 125 : i32
      %lt3A_1128 = vector.broadcast %lt3A_1127 : i32 to vector<16xi32>
      %lt3A_1129 = arith.cmpi slt, %sub3A_1123, %lt3A_1128 : vector<16xi32>
      %and3A_1130 = arith.andi %ge3A_1126, %lt3A_1129 : vector<16xi1>
      %max3A_1131 = arith.constant 0 : i32
      %max3A_1132 = vector.broadcast %max3A_1131 : i32 to vector<16xi32>
      %max3A_1133 = arith.maxsi %sub3A_1123, %max3A_1132 : vector<16xi32>
      %min3A_1134 = arith.constant 124 : i32
      %min3A_1135 = vector.broadcast %min3A_1134 : i32 to vector<16xi32>
      %min3A_1136 = arith.minsi %max3A_1133, %min3A_1135 : vector<16xi32>
      tpu.vector_store_idx %arg6[%min3A_1136, %add3A_1119], %broadcast_in_dim3A_1 masked %and3A_1130 : memref<125x1024xf32, #tpu.memory_space<vmem>>[vector<16xi32>, vector<16xi32>], vector<16xf32>, vector<16xi1>
      %add3A_1137 = arith.constant 848 : i32
      %add3A_1138 = vector.broadcast %add3A_1137 : i32 to vector<16xi32>
      %add3A_1139 = arith.addi %iota3A, %add3A_1138 : vector<16xi32>
      %get3A_1140 = arith.constant 848 : index
      %get3A_1141 = tpu.vector_load %arg5[%get3A_1140] {strides = array<i32>} : memref<1024xi32, #tpu.memory_space<vmem>>, vector<16xi32>,
      %sub3A_1142 = vector.broadcast %mul3A_78 : i32 to vector<16xi32>
      %sub3A_1143 = arith.subi %get3A_1141, %sub3A_1142 : vector<16xi32>
      %ge3A_1144 = arith.constant 0 : i32
      %ge3A_1145 = vector.broadcast %ge3A_1144 : i32 to vector<16xi32>
      %ge3A_1146 = arith.cmpi sge, %sub3A_1143, %ge3A_1145 : vector<16xi32>
      %lt3A_1147 = arith.constant 125 : i32
      %lt3A_1148 = vector.broadcast %lt3A_1147 : i32 to vector<16xi32>
      %lt3A_1149 = arith.cmpi slt, %sub3A_1143, %lt3A_1148 : vector<16xi32>
      %and3A_1150 = arith.andi %ge3A_1146, %lt3A_1149 : vector<16xi1>
      %max3A_1151 = arith.constant 0 : i32
      %max3A_1152 = vector.broadcast %max3A_1151 : i32 to vector<16xi32>
      %max3A_1153 = arith.maxsi %sub3A_1143, %max3A_1152 : vector<16xi32>
      %min3A_1154 = arith.constant 124 : i32
      %min3A_1155 = vector.broadcast %min3A_1154 : i32 to vector<16xi32>
      %min3A_1156 = arith.minsi %max3A_1153, %min3A_1155 : vector<16xi32>
      tpu.vector_store_idx %arg6[%min3A_1156, %add3A_1139], %broadcast_in_dim3A_1 masked %and3A_1150 : memref<125x1024xf32, #tpu.memory_space<vmem>>[vector<16xi32>, vector<16xi32>], vector<16xf32>, vector<16xi1>
      %add3A_1157 = arith.constant 864 : i32
      %add3A_1158 = vector.broadcast %add3A_1157 : i32 to vector<16xi32>
      %add3A_1159 = arith.addi %iota3A, %add3A_1158 : vector<16xi32>
      %get3A_1160 = arith.constant 864 : index
      %get3A_1161 = tpu.vector_load %arg5[%get3A_1160] {strides = array<i32>} : memref<1024xi32, #tpu.memory_space<vmem>>, vector<16xi32>,
      %sub3A_1162 = vector.broadcast %mul3A_78 : i32 to vector<16xi32>
      %sub3A_1163 = arith.subi %get3A_1161, %sub3A_1162 : vector<16xi32>
      %ge3A_1164 = arith.constant 0 : i32
      %ge3A_1165 = vector.broadcast %ge3A_1164 : i32 to vector<16xi32>
      %ge3A_1166 = arith.cmpi sge, %sub3A_1163, %ge3A_1165 : vector<16xi32>
      %lt3A_1167 = arith.constant 125 : i32
      %lt3A_1168 = vector.broadcast %lt3A_1167 : i32 to vector<16xi32>
      %lt3A_1169 = arith.cmpi slt, %sub3A_1163, %lt3A_1168 : vector<16xi32>
      %and3A_1170 = arith.andi %ge3A_1166, %lt3A_1169 : vector<16xi1>
      %max3A_1171 = arith.constant 0 : i32
      %max3A_1172 = vector.broadcast %max3A_1171 : i32 to vector<16xi32>
      %max3A_1173 = arith.maxsi %sub3A_1163, %max3A_1172 : vector<16xi32>
      %min3A_1174 = arith.constant 124 : i32
      %min3A_1175 = vector.broadcast %min3A_1174 : i32 to vector<16xi32>
      %min3A_1176 = arith.minsi %max3A_1173, %min3A_1175 : vector<16xi32>
      tpu.vector_store_idx %arg6[%min3A_1176, %add3A_1159], %broadcast_in_dim3A_1 masked %and3A_1170 : memref<125x1024xf32, #tpu.memory_space<vmem>>[vector<16xi32>, vector<16xi32>], vector<16xf32>, vector<16xi1>
      %add3A_1177 = arith.constant 880 : i32
      %add3A_1178 = vector.broadcast %add3A_1177 : i32 to vector<16xi32>
      %add3A_1179 = arith.addi %iota3A, %add3A_1178 : vector<16xi32>
      %get3A_1180 = arith.constant 880 : index
      %get3A_1181 = tpu.vector_load %arg5[%get3A_1180] {strides = array<i32>} : memref<1024xi32, #tpu.memory_space<vmem>>, vector<16xi32>,
      %sub3A_1182 = vector.broadcast %mul3A_78 : i32 to vector<16xi32>
      %sub3A_1183 = arith.subi %get3A_1181, %sub3A_1182 : vector<16xi32>
      %ge3A_1184 = arith.constant 0 : i32
      %ge3A_1185 = vector.broadcast %ge3A_1184 : i32 to vector<16xi32>
      %ge3A_1186 = arith.cmpi sge, %sub3A_1183, %ge3A_1185 : vector<16xi32>
      %lt3A_1187 = arith.constant 125 : i32
      %lt3A_1188 = vector.broadcast %lt3A_1187 : i32 to vector<16xi32>
      %lt3A_1189 = arith.cmpi slt, %sub3A_1183, %lt3A_1188 : vector<16xi32>
      %and3A_1190 = arith.andi %ge3A_1186, %lt3A_1189 : vector<16xi1>
      %max3A_1191 = arith.constant 0 : i32
      %max3A_1192 = vector.broadcast %max3A_1191 : i32 to vector<16xi32>
      %max3A_1193 = arith.maxsi %sub3A_1183, %max3A_1192 : vector<16xi32>
      %min3A_1194 = arith.constant 124 : i32
      %min3A_1195 = vector.broadcast %min3A_1194 : i32 to vector<16xi32>
      %min3A_1196 = arith.minsi %max3A_1193, %min3A_1195 : vector<16xi32>
      tpu.vector_store_idx %arg6[%min3A_1196, %add3A_1179], %broadcast_in_dim3A_1 masked %and3A_1190 : memref<125x1024xf32, #tpu.memory_space<vmem>>[vector<16xi32>, vector<16xi32>], vector<16xf32>, vector<16xi1>
      %add3A_1197 = arith.constant 896 : i32
      %add3A_1198 = vector.broadcast %add3A_1197 : i32 to vector<16xi32>
      %add3A_1199 = arith.addi %iota3A, %add3A_1198 : vector<16xi32>
      %get3A_1200 = arith.constant 896 : index
      %get3A_1201 = tpu.vector_load %arg5[%get3A_1200] {strides = array<i32>} : memref<1024xi32, #tpu.memory_space<vmem>>, vector<16xi32>,
      %sub3A_1202 = vector.broadcast %mul3A_78 : i32 to vector<16xi32>
      %sub3A_1203 = arith.subi %get3A_1201, %sub3A_1202 : vector<16xi32>
      %ge3A_1204 = arith.constant 0 : i32
      %ge3A_1205 = vector.broadcast %ge3A_1204 : i32 to vector<16xi32>
      %ge3A_1206 = arith.cmpi sge, %sub3A_1203, %ge3A_1205 : vector<16xi32>
      %lt3A_1207 = arith.constant 125 : i32
      %lt3A_1208 = vector.broadcast %lt3A_1207 : i32 to vector<16xi32>
      %lt3A_1209 = arith.cmpi slt, %sub3A_1203, %lt3A_1208 : vector<16xi32>
      %and3A_1210 = arith.andi %ge3A_1206, %lt3A_1209 : vector<16xi1>
      %max3A_1211 = arith.constant 0 : i32
      %max3A_1212 = vector.broadcast %max3A_1211 : i32 to vector<16xi32>
      %max3A_1213 = arith.maxsi %sub3A_1203, %max3A_1212 : vector<16xi32>
      %min3A_1214 = arith.constant 124 : i32
      %min3A_1215 = vector.broadcast %min3A_1214 : i32 to vector<16xi32>
      %min3A_1216 = arith.minsi %max3A_1213, %min3A_1215 : vector<16xi32>
      tpu.vector_store_idx %arg6[%min3A_1216, %add3A_1199], %broadcast_in_dim3A_1 masked %and3A_1210 : memref<125x1024xf32, #tpu.memory_space<vmem>>[vector<16xi32>, vector<16xi32>], vector<16xf32>, vector<16xi1>
      %add3A_1217 = arith.constant 912 : i32
      %add3A_1218 = vector.broadcast %add3A_1217 : i32 to vector<16xi32>
      %add3A_1219 = arith.addi %iota3A, %add3A_1218 : vector<16xi32>
      %get3A_1220 = arith.constant 912 : index
      %get3A_1221 = tpu.vector_load %arg5[%get3A_1220] {strides = array<i32>} : memref<1024xi32, #tpu.memory_space<vmem>>, vector<16xi32>,
      %sub3A_1222 = vector.broadcast %mul3A_78 : i32 to vector<16xi32>
      %sub3A_1223 = arith.subi %get3A_1221, %sub3A_1222 : vector<16xi32>
      %ge3A_1224 = arith.constant 0 : i32
      %ge3A_1225 = vector.broadcast %ge3A_1224 : i32 to vector<16xi32>
      %ge3A_1226 = arith.cmpi sge, %sub3A_1223, %ge3A_1225 : vector<16xi32>
      %lt3A_1227 = arith.constant 125 : i32
      %lt3A_1228 = vector.broadcast %lt3A_1227 : i32 to vector<16xi32>
      %lt3A_1229 = arith.cmpi slt, %sub3A_1223, %lt3A_1228 : vector<16xi32>
      %and3A_1230 = arith.andi %ge3A_1226, %lt3A_1229 : vector<16xi1>
      %max3A_1231 = arith.constant 0 : i32
      %max3A_1232 = vector.broadcast %max3A_1231 : i32 to vector<16xi32>
      %max3A_1233 = arith.maxsi %sub3A_1223, %max3A_1232 : vector<16xi32>
      %min3A_1234 = arith.constant 124 : i32
      %min3A_1235 = vector.broadcast %min3A_1234 : i32 to vector<16xi32>
      %min3A_1236 = arith.minsi %max3A_1233, %min3A_1235 : vector<16xi32>
      tpu.vector_store_idx %arg6[%min3A_1236, %add3A_1219], %broadcast_in_dim3A_1 masked %and3A_1230 : memref<125x1024xf32, #tpu.memory_space<vmem>>[vector<16xi32>, vector<16xi32>], vector<16xf32>, vector<16xi1>
      %add3A_1237 = arith.constant 928 : i32
      %add3A_1238 = vector.broadcast %add3A_1237 : i32 to vector<16xi32>
      %add3A_1239 = arith.addi %iota3A, %add3A_1238 : vector<16xi32>
      %get3A_1240 = arith.constant 928 : index
      %get3A_1241 = tpu.vector_load %arg5[%get3A_1240] {strides = array<i32>} : memref<1024xi32, #tpu.memory_space<vmem>>, vector<16xi32>,
      %sub3A_1242 = vector.broadcast %mul3A_78 : i32 to vector<16xi32>
      %sub3A_1243 = arith.subi %get3A_1241, %sub3A_1242 : vector<16xi32>
      %ge3A_1244 = arith.constant 0 : i32
      %ge3A_1245 = vector.broadcast %ge3A_1244 : i32 to vector<16xi32>
      %ge3A_1246 = arith.cmpi sge, %sub3A_1243, %ge3A_1245 : vector<16xi32>
      %lt3A_1247 = arith.constant 125 : i32
      %lt3A_1248 = vector.broadcast %lt3A_1247 : i32 to vector<16xi32>
      %lt3A_1249 = arith.cmpi slt, %sub3A_1243, %lt3A_1248 : vector<16xi32>
      %and3A_1250 = arith.andi %ge3A_1246, %lt3A_1249 : vector<16xi1>
      %max3A_1251 = arith.constant 0 : i32
      %max3A_1252 = vector.broadcast %max3A_1251 : i32 to vector<16xi32>
      %max3A_1253 = arith.maxsi %sub3A_1243, %max3A_1252 : vector<16xi32>
      %min3A_1254 = arith.constant 124 : i32
      %min3A_1255 = vector.broadcast %min3A_1254 : i32 to vector<16xi32>
      %min3A_1256 = arith.minsi %max3A_1253, %min3A_1255 : vector<16xi32>
      tpu.vector_store_idx %arg6[%min3A_1256, %add3A_1239], %broadcast_in_dim3A_1 masked %and3A_1250 : memref<125x1024xf32, #tpu.memory_space<vmem>>[vector<16xi32>, vector<16xi32>], vector<16xf32>, vector<16xi1>
      %add3A_1257 = arith.constant 944 : i32
      %add3A_1258 = vector.broadcast %add3A_1257 : i32 to vector<16xi32>
      %add3A_1259 = arith.addi %iota3A, %add3A_1258 : vector<16xi32>
      %get3A_1260 = arith.constant 944 : index
      %get3A_1261 = tpu.vector_load %arg5[%get3A_1260] {strides = array<i32>} : memref<1024xi32, #tpu.memory_space<vmem>>, vector<16xi32>,
      %sub3A_1262 = vector.broadcast %mul3A_78 : i32 to vector<16xi32>
      %sub3A_1263 = arith.subi %get3A_1261, %sub3A_1262 : vector<16xi32>
      %ge3A_1264 = arith.constant 0 : i32
      %ge3A_1265 = vector.broadcast %ge3A_1264 : i32 to vector<16xi32>
      %ge3A_1266 = arith.cmpi sge, %sub3A_1263, %ge3A_1265 : vector<16xi32>
      %lt3A_1267 = arith.constant 125 : i32
      %lt3A_1268 = vector.broadcast %lt3A_1267 : i32 to vector<16xi32>
      %lt3A_1269 = arith.cmpi slt, %sub3A_1263, %lt3A_1268 : vector<16xi32>
      %and3A_1270 = arith.andi %ge3A_1266, %lt3A_1269 : vector<16xi1>
      %max3A_1271 = arith.constant 0 : i32
      %max3A_1272 = vector.broadcast %max3A_1271 : i32 to vector<16xi32>
      %max3A_1273 = arith.maxsi %sub3A_1263, %max3A_1272 : vector<16xi32>
      %min3A_1274 = arith.constant 124 : i32
      %min3A_1275 = vector.broadcast %min3A_1274 : i32 to vector<16xi32>
      %min3A_1276 = arith.minsi %max3A_1273, %min3A_1275 : vector<16xi32>
      tpu.vector_store_idx %arg6[%min3A_1276, %add3A_1259], %broadcast_in_dim3A_1 masked %and3A_1270 : memref<125x1024xf32, #tpu.memory_space<vmem>>[vector<16xi32>, vector<16xi32>], vector<16xf32>, vector<16xi1>
      %add3A_1277 = arith.constant 960 : i32
      %add3A_1278 = vector.broadcast %add3A_1277 : i32 to vector<16xi32>
      %add3A_1279 = arith.addi %iota3A, %add3A_1278 : vector<16xi32>
      %get3A_1280 = arith.constant 960 : index
      %get3A_1281 = tpu.vector_load %arg5[%get3A_1280] {strides = array<i32>} : memref<1024xi32, #tpu.memory_space<vmem>>, vector<16xi32>,
      %sub3A_1282 = vector.broadcast %mul3A_78 : i32 to vector<16xi32>
      %sub3A_1283 = arith.subi %get3A_1281, %sub3A_1282 : vector<16xi32>
      %ge3A_1284 = arith.constant 0 : i32
      %ge3A_1285 = vector.broadcast %ge3A_1284 : i32 to vector<16xi32>
      %ge3A_1286 = arith.cmpi sge, %sub3A_1283, %ge3A_1285 : vector<16xi32>
      %lt3A_1287 = arith.constant 125 : i32
      %lt3A_1288 = vector.broadcast %lt3A_1287 : i32 to vector<16xi32>
      %lt3A_1289 = arith.cmpi slt, %sub3A_1283, %lt3A_1288 : vector<16xi32>
      %and3A_1290 = arith.andi %ge3A_1286, %lt3A_1289 : vector<16xi1>
      %max3A_1291 = arith.constant 0 : i32
      %max3A_1292 = vector.broadcast %max3A_1291 : i32 to vector<16xi32>
      %max3A_1293 = arith.maxsi %sub3A_1283, %max3A_1292 : vector<16xi32>
      %min3A_1294 = arith.constant 124 : i32
      %min3A_1295 = vector.broadcast %min3A_1294 : i32 to vector<16xi32>
      %min3A_1296 = arith.minsi %max3A_1293, %min3A_1295 : vector<16xi32>
      tpu.vector_store_idx %arg6[%min3A_1296, %add3A_1279], %broadcast_in_dim3A_1 masked %and3A_1290 : memref<125x1024xf32, #tpu.memory_space<vmem>>[vector<16xi32>, vector<16xi32>], vector<16xf32>, vector<16xi1>
      %add3A_1297 = arith.constant 976 : i32
      %add3A_1298 = vector.broadcast %add3A_1297 : i32 to vector<16xi32>
      %add3A_1299 = arith.addi %iota3A, %add3A_1298 : vector<16xi32>
      %get3A_1300 = arith.constant 976 : index
      %get3A_1301 = tpu.vector_load %arg5[%get3A_1300] {strides = array<i32>} : memref<1024xi32, #tpu.memory_space<vmem>>, vector<16xi32>,
      %sub3A_1302 = vector.broadcast %mul3A_78 : i32 to vector<16xi32>
      %sub3A_1303 = arith.subi %get3A_1301, %sub3A_1302 : vector<16xi32>
      %ge3A_1304 = arith.constant 0 : i32
      %ge3A_1305 = vector.broadcast %ge3A_1304 : i32 to vector<16xi32>
      %ge3A_1306 = arith.cmpi sge, %sub3A_1303, %ge3A_1305 : vector<16xi32>
      %lt3A_1307 = arith.constant 125 : i32
      %lt3A_1308 = vector.broadcast %lt3A_1307 : i32 to vector<16xi32>
      %lt3A_1309 = arith.cmpi slt, %sub3A_1303, %lt3A_1308 : vector<16xi32>
      %and3A_1310 = arith.andi %ge3A_1306, %lt3A_1309 : vector<16xi1>
      %max3A_1311 = arith.constant 0 : i32
      %max3A_1312 = vector.broadcast %max3A_1311 : i32 to vector<16xi32>
      %max3A_1313 = arith.maxsi %sub3A_1303, %max3A_1312 : vector<16xi32>
      %min3A_1314 = arith.constant 124 : i32
      %min3A_1315 = vector.broadcast %min3A_1314 : i32 to vector<16xi32>
      %min3A_1316 = arith.minsi %max3A_1313, %min3A_1315 : vector<16xi32>
      tpu.vector_store_idx %arg6[%min3A_1316, %add3A_1299], %broadcast_in_dim3A_1 masked %and3A_1310 : memref<125x1024xf32, #tpu.memory_space<vmem>>[vector<16xi32>, vector<16xi32>], vector<16xf32>, vector<16xi1>
      %add3A_1317 = arith.constant 992 : i32
      %add3A_1318 = vector.broadcast %add3A_1317 : i32 to vector<16xi32>
      %add3A_1319 = arith.addi %iota3A, %add3A_1318 : vector<16xi32>
      %get3A_1320 = arith.constant 992 : index
      %get3A_1321 = tpu.vector_load %arg5[%get3A_1320] {strides = array<i32>} : memref<1024xi32, #tpu.memory_space<vmem>>, vector<16xi32>,
      %sub3A_1322 = vector.broadcast %mul3A_78 : i32 to vector<16xi32>
      %sub3A_1323 = arith.subi %get3A_1321, %sub3A_1322 : vector<16xi32>
      %ge3A_1324 = arith.constant 0 : i32
      %ge3A_1325 = vector.broadcast %ge3A_1324 : i32 to vector<16xi32>
      %ge3A_1326 = arith.cmpi sge, %sub3A_1323, %ge3A_1325 : vector<16xi32>
      %lt3A_1327 = arith.constant 125 : i32
      %lt3A_1328 = vector.broadcast %lt3A_1327 : i32 to vector<16xi32>
      %lt3A_1329 = arith.cmpi slt, %sub3A_1323, %lt3A_1328 : vector<16xi32>
      %and3A_1330 = arith.andi %ge3A_1326, %lt3A_1329 : vector<16xi1>
      %max3A_1331 = arith.constant 0 : i32
      %max3A_1332 = vector.broadcast %max3A_1331 : i32 to vector<16xi32>
      %max3A_1333 = arith.maxsi %sub3A_1323, %max3A_1332 : vector<16xi32>
      %min3A_1334 = arith.constant 124 : i32
      %min3A_1335 = vector.broadcast %min3A_1334 : i32 to vector<16xi32>
      %min3A_1336 = arith.minsi %max3A_1333, %min3A_1335 : vector<16xi32>
      tpu.vector_store_idx %arg6[%min3A_1336, %add3A_1319], %broadcast_in_dim3A_1 masked %and3A_1330 : memref<125x1024xf32, #tpu.memory_space<vmem>>[vector<16xi32>, vector<16xi32>], vector<16xf32>, vector<16xi1>
      %add3A_1337 = arith.constant 1008 : i32
      %add3A_1338 = vector.broadcast %add3A_1337 : i32 to vector<16xi32>
      %add3A_1339 = arith.addi %iota3A, %add3A_1338 : vector<16xi32>
      %get3A_1340 = arith.constant 1008 : index
      %get3A_1341 = tpu.vector_load %arg5[%get3A_1340] {strides = array<i32>} : memref<1024xi32, #tpu.memory_space<vmem>>, vector<16xi32>,
      %sub3A_1342 = vector.broadcast %mul3A_78 : i32 to vector<16xi32>
      %sub3A_1343 = arith.subi %get3A_1341, %sub3A_1342 : vector<16xi32>
      %ge3A_1344 = arith.constant 0 : i32
      %ge3A_1345 = vector.broadcast %ge3A_1344 : i32 to vector<16xi32>
      %ge3A_1346 = arith.cmpi sge, %sub3A_1343, %ge3A_1345 : vector<16xi32>
      %lt3A_1347 = arith.constant 125 : i32
      %lt3A_1348 = vector.broadcast %lt3A_1347 : i32 to vector<16xi32>
      %lt3A_1349 = arith.cmpi slt, %sub3A_1343, %lt3A_1348 : vector<16xi32>
      %and3A_1350 = arith.andi %ge3A_1346, %lt3A_1349 : vector<16xi1>
      %max3A_1351 = arith.constant 0 : i32
      %max3A_1352 = vector.broadcast %max3A_1351 : i32 to vector<16xi32>
      %max3A_1353 = arith.maxsi %sub3A_1343, %max3A_1352 : vector<16xi32>
      %min3A_1354 = arith.constant 124 : i32
      %min3A_1355 = vector.broadcast %min3A_1354 : i32 to vector<16xi32>
      %min3A_1356 = arith.minsi %max3A_1353, %min3A_1355 : vector<16xi32>
      tpu.vector_store_idx %arg6[%min3A_1356, %add3A_1339], %broadcast_in_dim3A_1 masked %and3A_1350 : memref<125x1024xf32, #tpu.memory_space<vmem>>[vector<16xi32>, vector<16xi32>], vector<16xf32>, vector<16xi1>
      "tpu.region"() ({
        %run_scoped3A = tpu.sem_alloc : memref<!tpu.dma_semaphore, #tpu.memory_space<semaphore_mem>>
        %dma_start3A = arith.constant 0 : i32
        %dma_start3A_2637 = arith.constant 0 : i32
        %dma_start3A_2638 = tpu.memref_slice %arg4[%select_n3A_62, %dma_start3A, %dma_start3A_2637] : memref<50x1000x1024xf32, #tpu.memory_space<hbm>> -> memref<1x1000x1024xf32, #tpu.memory_space<hbm>>
        %dma_start3A_2639 = tpu.memref_squeeze %dma_start3A_2638 : memref<1x1000x1024xf32, #tpu.memory_space<hbm>> -> memref<1000x1024xf32, #tpu.memory_space<hbm>>
        %dma_start3A_2640 = arith.constant 0 : i32
        %dma_start3A_2641 = tpu.memref_slice %dma_start3A_2639[%mul3A_78, %dma_start3A_2640] : memref<1000x1024xf32, #tpu.memory_space<hbm>> -> memref<125x1024xf32, #tpu.memory_space<hbm>>
        %dma_start3A_2642 = arith.constant 0 : i32
        %dma_start3A_2643 = arith.constant 0 : i32
        %dma_start3A_2644 = tpu.memref_slice %arg4[%select_n3A_62, %dma_start3A_2642, %dma_start3A_2643] : memref<50x1000x1024xf32, #tpu.memory_space<hbm>> -> memref<1x1000x1024xf32, #tpu.memory_space<hbm>>
        %dma_start3A_2645 = tpu.memref_squeeze %dma_start3A_2644 : memref<1x1000x1024xf32, #tpu.memory_space<hbm>> -> memref<1000x1024xf32, #tpu.memory_space<hbm>>
        %dma_start3A_2646 = arith.constant 0 : i32
        %dma_start3A_2647 = tpu.memref_slice %dma_start3A_2645[%mul3A_78, %dma_start3A_2646] : memref<1000x1024xf32, #tpu.memory_space<hbm>> -> memref<125x1024xf32, #tpu.memory_space<hbm>>
        tpu.enqueue_dma source(%arg6 : memref<125x1024xf32, #tpu.memory_space<vmem>>) target(%dma_start3A_2647 : memref<125x1024xf32, #tpu.memory_space<hbm>>) target_semaphore(%run_scoped3A : memref<!tpu.dma_semaphore, #tpu.memory_space<semaphore_mem>>)
        %dma_wait3A = arith.constant 0 : i32
        %dma_wait3A_2648 = arith.constant 0 : i32
        %dma_wait3A_2649 = tpu.memref_slice %arg4[%select_n3A_62, %dma_wait3A, %dma_wait3A_2648] : memref<50x1000x1024xf32, #tpu.memory_space<hbm>> -> memref<1x1000x1024xf32, #tpu.memory_space<hbm>>
        %dma_wait3A_2650 = tpu.memref_squeeze %dma_wait3A_2649 : memref<1x1000x1024xf32, #tpu.memory_space<hbm>> -> memref<1000x1024xf32, #tpu.memory_space<hbm>>
        %dma_wait3A_2651 = arith.constant 0 : i32
        %dma_wait3A_2652 = tpu.memref_slice %dma_wait3A_2650[%mul3A_78, %dma_wait3A_2651] : memref<1000x1024xf32, #tpu.memory_space<hbm>> -> memref<125x1024xf32, #tpu.memory_space<hbm>>
        %dma_wait3A_2653 = arith.constant 0 : i32
        %dma_wait3A_2654 = arith.constant 0 : i32
        %dma_wait3A_2655 = tpu.memref_slice %arg4[%select_n3A_62, %dma_wait3A_2653, %dma_wait3A_2654] : memref<50x1000x1024xf32, #tpu.memory_space<hbm>> -> memref<1x1000x1024xf32, #tpu.memory_space<hbm>>
        %dma_wait3A_2656 = tpu.memref_squeeze %dma_wait3A_2655 : memref<1x1000x1024xf32, #tpu.memory_space<hbm>> -> memref<1000x1024xf32, #tpu.memory_space<hbm>>
        %dma_wait3A_2657 = arith.constant 0 : i32
        %dma_wait3A_2658 = tpu.memref_slice %dma_wait3A_2656[%mul3A_78, %dma_wait3A_2657] : memref<1000x1024xf32, #tpu.memory_space<hbm>> -> memref<125x1024xf32, #tpu.memory_space<hbm>>
        tpu.wait_dma2 semaphore(%run_scoped3A : memref<!tpu.dma_semaphore, #tpu.memory_space<semaphore_mem>>) src(%arg6 : memref<125x1024xf32, #tpu.memory_space<vmem>>) dst(%dma_wait3A_2658 : memref<125x1024xf32, #tpu.memory_space<hbm>>)
        tpu.yield
      }) : () -> ()
      %add3A_1357 = arith.constant 0 : i32
      %add3A_1358 = vector.broadcast %add3A_1357 : i32 to vector<16xi32>
      %add3A_1359 = arith.addi %iota3A, %add3A_1358 : vector<16xi32>
      %get3A_1360 = arith.constant 0 : index
      %get3A_1361 = tpu.vector_load %arg5[%get3A_1360] {strides = array<i32>} : memref<1024xi32, #tpu.memory_space<vmem>>, vector<16xi32>,
      %sub3A_1362 = vector.broadcast %mul3A_78 : i32 to vector<16xi32>
      %sub3A_1363 = arith.subi %get3A_1361, %sub3A_1362 : vector<16xi32>
      %ge3A_1364 = arith.constant 0 : i32
      %ge3A_1365 = vector.broadcast %ge3A_1364 : i32 to vector<16xi32>
      %ge3A_1366 = arith.cmpi sge, %sub3A_1363, %ge3A_1365 : vector<16xi32>
      %lt3A_1367 = arith.constant 125 : i32
      %lt3A_1368 = vector.broadcast %lt3A_1367 : i32 to vector<16xi32>
      %lt3A_1369 = arith.cmpi slt, %sub3A_1363, %lt3A_1368 : vector<16xi32>
      %and3A_1370 = arith.andi %ge3A_1366, %lt3A_1369 : vector<16xi1>
      %max3A_1371 = arith.constant 0 : i32
      %max3A_1372 = vector.broadcast %max3A_1371 : i32 to vector<16xi32>
      %max3A_1373 = arith.maxsi %sub3A_1363, %max3A_1372 : vector<16xi32>
      %min3A_1374 = arith.constant 124 : i32
      %min3A_1375 = vector.broadcast %min3A_1374 : i32 to vector<16xi32>
      %min3A_1376 = arith.minsi %max3A_1373, %min3A_1375 : vector<16xi32>
      tpu.vector_store_idx %arg6[%min3A_1376, %add3A_1359], %broadcast_in_dim3A_3 masked %and3A_1370 : memref<125x1024xf32, #tpu.memory_space<vmem>>[vector<16xi32>, vector<16xi32>], vector<16xf32>, vector<16xi1>
      %add3A_1377 = arith.constant 16 : i32
      %add3A_1378 = vector.broadcast %add3A_1377 : i32 to vector<16xi32>
      %add3A_1379 = arith.addi %iota3A, %add3A_1378 : vector<16xi32>
      %get3A_1380 = arith.constant 16 : index
      %get3A_1381 = tpu.vector_load %arg5[%get3A_1380] {strides = array<i32>} : memref<1024xi32, #tpu.memory_space<vmem>>, vector<16xi32>,
      %sub3A_1382 = vector.broadcast %mul3A_78 : i32 to vector<16xi32>
      %sub3A_1383 = arith.subi %get3A_1381, %sub3A_1382 : vector<16xi32>
      %ge3A_1384 = arith.constant 0 : i32
      %ge3A_1385 = vector.broadcast %ge3A_1384 : i32 to vector<16xi32>
      %ge3A_1386 = arith.cmpi sge, %sub3A_1383, %ge3A_1385 : vector<16xi32>
      %lt3A_1387 = arith.constant 125 : i32
      %lt3A_1388 = vector.broadcast %lt3A_1387 : i32 to vector<16xi32>
      %lt3A_1389 = arith.cmpi slt, %sub3A_1383, %lt3A_1388 : vector<16xi32>
      %and3A_1390 = arith.andi %ge3A_1386, %lt3A_1389 : vector<16xi1>
      %max3A_1391 = arith.constant 0 : i32
      %max3A_1392 = vector.broadcast %max3A_1391 : i32 to vector<16xi32>
      %max3A_1393 = arith.maxsi %sub3A_1383, %max3A_1392 : vector<16xi32>
      %min3A_1394 = arith.constant 124 : i32
      %min3A_1395 = vector.broadcast %min3A_1394 : i32 to vector<16xi32>
      %min3A_1396 = arith.minsi %max3A_1393, %min3A_1395 : vector<16xi32>
      tpu.vector_store_idx %arg6[%min3A_1396, %add3A_1379], %broadcast_in_dim3A_3 masked %and3A_1390 : memref<125x1024xf32, #tpu.memory_space<vmem>>[vector<16xi32>, vector<16xi32>], vector<16xf32>, vector<16xi1>
      %add3A_1397 = arith.constant 32 : i32
      %add3A_1398 = vector.broadcast %add3A_1397 : i32 to vector<16xi32>
      %add3A_1399 = arith.addi %iota3A, %add3A_1398 : vector<16xi32>
      %get3A_1400 = arith.constant 32 : index
      %get3A_1401 = tpu.vector_load %arg5[%get3A_1400] {strides = array<i32>} : memref<1024xi32, #tpu.memory_space<vmem>>, vector<16xi32>,
      %sub3A_1402 = vector.broadcast %mul3A_78 : i32 to vector<16xi32>
      %sub3A_1403 = arith.subi %get3A_1401, %sub3A_1402 : vector<16xi32>
      %ge3A_1404 = arith.constant 0 : i32
      %ge3A_1405 = vector.broadcast %ge3A_1404 : i32 to vector<16xi32>
      %ge3A_1406 = arith.cmpi sge, %sub3A_1403, %ge3A_1405 : vector<16xi32>
      %lt3A_1407 = arith.constant 125 : i32
      %lt3A_1408 = vector.broadcast %lt3A_1407 : i32 to vector<16xi32>
      %lt3A_1409 = arith.cmpi slt, %sub3A_1403, %lt3A_1408 : vector<16xi32>
      %and3A_1410 = arith.andi %ge3A_1406, %lt3A_1409 : vector<16xi1>
      %max3A_1411 = arith.constant 0 : i32
      %max3A_1412 = vector.broadcast %max3A_1411 : i32 to vector<16xi32>
      %max3A_1413 = arith.maxsi %sub3A_1403, %max3A_1412 : vector<16xi32>
      %min3A_1414 = arith.constant 124 : i32
      %min3A_1415 = vector.broadcast %min3A_1414 : i32 to vector<16xi32>
      %min3A_1416 = arith.minsi %max3A_1413, %min3A_1415 : vector<16xi32>
      tpu.vector_store_idx %arg6[%min3A_1416, %add3A_1399], %broadcast_in_dim3A_3 masked %and3A_1410 : memref<125x1024xf32, #tpu.memory_space<vmem>>[vector<16xi32>, vector<16xi32>], vector<16xf32>, vector<16xi1>
      %add3A_1417 = arith.constant 48 : i32
      %add3A_1418 = vector.broadcast %add3A_1417 : i32 to vector<16xi32>
      %add3A_1419 = arith.addi %iota3A, %add3A_1418 : vector<16xi32>
      %get3A_1420 = arith.constant 48 : index
      %get3A_1421 = tpu.vector_load %arg5[%get3A_1420] {strides = array<i32>} : memref<1024xi32, #tpu.memory_space<vmem>>, vector<16xi32>,
      %sub3A_1422 = vector.broadcast %mul3A_78 : i32 to vector<16xi32>
      %sub3A_1423 = arith.subi %get3A_1421, %sub3A_1422 : vector<16xi32>
      %ge3A_1424 = arith.constant 0 : i32
      %ge3A_1425 = vector.broadcast %ge3A_1424 : i32 to vector<16xi32>
      %ge3A_1426 = arith.cmpi sge, %sub3A_1423, %ge3A_1425 : vector<16xi32>
      %lt3A_1427 = arith.constant 125 : i32
      %lt3A_1428 = vector.broadcast %lt3A_1427 : i32 to vector<16xi32>
      %lt3A_1429 = arith.cmpi slt, %sub3A_1423, %lt3A_1428 : vector<16xi32>
      %and3A_1430 = arith.andi %ge3A_1426, %lt3A_1429 : vector<16xi1>
      %max3A_1431 = arith.constant 0 : i32
      %max3A_1432 = vector.broadcast %max3A_1431 : i32 to vector<16xi32>
      %max3A_1433 = arith.maxsi %sub3A_1423, %max3A_1432 : vector<16xi32>
      %min3A_1434 = arith.constant 124 : i32
      %min3A_1435 = vector.broadcast %min3A_1434 : i32 to vector<16xi32>
      %min3A_1436 = arith.minsi %max3A_1433, %min3A_1435 : vector<16xi32>
      tpu.vector_store_idx %arg6[%min3A_1436, %add3A_1419], %broadcast_in_dim3A_3 masked %and3A_1430 : memref<125x1024xf32, #tpu.memory_space<vmem>>[vector<16xi32>, vector<16xi32>], vector<16xf32>, vector<16xi1>
      %add3A_1437 = arith.constant 64 : i32
      %add3A_1438 = vector.broadcast %add3A_1437 : i32 to vector<16xi32>
      %add3A_1439 = arith.addi %iota3A, %add3A_1438 : vector<16xi32>
      %get3A_1440 = arith.constant 64 : index
      %get3A_1441 = tpu.vector_load %arg5[%get3A_1440] {strides = array<i32>} : memref<1024xi32, #tpu.memory_space<vmem>>, vector<16xi32>,
      %sub3A_1442 = vector.broadcast %mul3A_78 : i32 to vector<16xi32>
      %sub3A_1443 = arith.subi %get3A_1441, %sub3A_1442 : vector<16xi32>
      %ge3A_1444 = arith.constant 0 : i32
      %ge3A_1445 = vector.broadcast %ge3A_1444 : i32 to vector<16xi32>
      %ge3A_1446 = arith.cmpi sge, %sub3A_1443, %ge3A_1445 : vector<16xi32>
      %lt3A_1447 = arith.constant 125 : i32
      %lt3A_1448 = vector.broadcast %lt3A_1447 : i32 to vector<16xi32>
      %lt3A_1449 = arith.cmpi slt, %sub3A_1443, %lt3A_1448 : vector<16xi32>
      %and3A_1450 = arith.andi %ge3A_1446, %lt3A_1449 : vector<16xi1>
      %max3A_1451 = arith.constant 0 : i32
      %max3A_1452 = vector.broadcast %max3A_1451 : i32 to vector<16xi32>
      %max3A_1453 = arith.maxsi %sub3A_1443, %max3A_1452 : vector<16xi32>
      %min3A_1454 = arith.constant 124 : i32
      %min3A_1455 = vector.broadcast %min3A_1454 : i32 to vector<16xi32>
      %min3A_1456 = arith.minsi %max3A_1453, %min3A_1455 : vector<16xi32>
      tpu.vector_store_idx %arg6[%min3A_1456, %add3A_1439], %broadcast_in_dim3A_3 masked %and3A_1450 : memref<125x1024xf32, #tpu.memory_space<vmem>>[vector<16xi32>, vector<16xi32>], vector<16xf32>, vector<16xi1>
      %add3A_1457 = arith.constant 80 : i32
      %add3A_1458 = vector.broadcast %add3A_1457 : i32 to vector<16xi32>
      %add3A_1459 = arith.addi %iota3A, %add3A_1458 : vector<16xi32>
      %get3A_1460 = arith.constant 80 : index
      %get3A_1461 = tpu.vector_load %arg5[%get3A_1460] {strides = array<i32>} : memref<1024xi32, #tpu.memory_space<vmem>>, vector<16xi32>,
      %sub3A_1462 = vector.broadcast %mul3A_78 : i32 to vector<16xi32>
      %sub3A_1463 = arith.subi %get3A_1461, %sub3A_1462 : vector<16xi32>
      %ge3A_1464 = arith.constant 0 : i32
      %ge3A_1465 = vector.broadcast %ge3A_1464 : i32 to vector<16xi32>
      %ge3A_1466 = arith.cmpi sge, %sub3A_1463, %ge3A_1465 : vector<16xi32>
      %lt3A_1467 = arith.constant 125 : i32
      %lt3A_1468 = vector.broadcast %lt3A_1467 : i32 to vector<16xi32>
      %lt3A_1469 = arith.cmpi slt, %sub3A_1463, %lt3A_1468 : vector<16xi32>
      %and3A_1470 = arith.andi %ge3A_1466, %lt3A_1469 : vector<16xi1>
      %max3A_1471 = arith.constant 0 : i32
      %max3A_1472 = vector.broadcast %max3A_1471 : i32 to vector<16xi32>
      %max3A_1473 = arith.maxsi %sub3A_1463, %max3A_1472 : vector<16xi32>
      %min3A_1474 = arith.constant 124 : i32
      %min3A_1475 = vector.broadcast %min3A_1474 : i32 to vector<16xi32>
      %min3A_1476 = arith.minsi %max3A_1473, %min3A_1475 : vector<16xi32>
      tpu.vector_store_idx %arg6[%min3A_1476, %add3A_1459], %broadcast_in_dim3A_3 masked %and3A_1470 : memref<125x1024xf32, #tpu.memory_space<vmem>>[vector<16xi32>, vector<16xi32>], vector<16xf32>, vector<16xi1>
      %add3A_1477 = arith.constant 96 : i32
      %add3A_1478 = vector.broadcast %add3A_1477 : i32 to vector<16xi32>
      %add3A_1479 = arith.addi %iota3A, %add3A_1478 : vector<16xi32>
      %get3A_1480 = arith.constant 96 : index
      %get3A_1481 = tpu.vector_load %arg5[%get3A_1480] {strides = array<i32>} : memref<1024xi32, #tpu.memory_space<vmem>>, vector<16xi32>,
      %sub3A_1482 = vector.broadcast %mul3A_78 : i32 to vector<16xi32>
      %sub3A_1483 = arith.subi %get3A_1481, %sub3A_1482 : vector<16xi32>
      %ge3A_1484 = arith.constant 0 : i32
      %ge3A_1485 = vector.broadcast %ge3A_1484 : i32 to vector<16xi32>
      %ge3A_1486 = arith.cmpi sge, %sub3A_1483, %ge3A_1485 : vector<16xi32>
      %lt3A_1487 = arith.constant 125 : i32
      %lt3A_1488 = vector.broadcast %lt3A_1487 : i32 to vector<16xi32>
      %lt3A_1489 = arith.cmpi slt, %sub3A_1483, %lt3A_1488 : vector<16xi32>
      %and3A_1490 = arith.andi %ge3A_1486, %lt3A_1489 : vector<16xi1>
      %max3A_1491 = arith.constant 0 : i32
      %max3A_1492 = vector.broadcast %max3A_1491 : i32 to vector<16xi32>
      %max3A_1493 = arith.maxsi %sub3A_1483, %max3A_1492 : vector<16xi32>
      %min3A_1494 = arith.constant 124 : i32
      %min3A_1495 = vector.broadcast %min3A_1494 : i32 to vector<16xi32>
      %min3A_1496 = arith.minsi %max3A_1493, %min3A_1495 : vector<16xi32>
      tpu.vector_store_idx %arg6[%min3A_1496, %add3A_1479], %broadcast_in_dim3A_3 masked %and3A_1490 : memref<125x1024xf32, #tpu.memory_space<vmem>>[vector<16xi32>, vector<16xi32>], vector<16xf32>, vector<16xi1>
      %add3A_1497 = arith.constant 112 : i32
      %add3A_1498 = vector.broadcast %add3A_1497 : i32 to vector<16xi32>
      %add3A_1499 = arith.addi %iota3A, %add3A_1498 : vector<16xi32>
      %get3A_1500 = arith.constant 112 : index
      %get3A_1501 = tpu.vector_load %arg5[%get3A_1500] {strides = array<i32>} : memref<1024xi32, #tpu.memory_space<vmem>>, vector<16xi32>,
      %sub3A_1502 = vector.broadcast %mul3A_78 : i32 to vector<16xi32>
      %sub3A_1503 = arith.subi %get3A_1501, %sub3A_1502 : vector<16xi32>
      %ge3A_1504 = arith.constant 0 : i32
      %ge3A_1505 = vector.broadcast %ge3A_1504 : i32 to vector<16xi32>
      %ge3A_1506 = arith.cmpi sge, %sub3A_1503, %ge3A_1505 : vector<16xi32>
      %lt3A_1507 = arith.constant 125 : i32
      %lt3A_1508 = vector.broadcast %lt3A_1507 : i32 to vector<16xi32>
      %lt3A_1509 = arith.cmpi slt, %sub3A_1503, %lt3A_1508 : vector<16xi32>
      %and3A_1510 = arith.andi %ge3A_1506, %lt3A_1509 : vector<16xi1>
      %max3A_1511 = arith.constant 0 : i32
      %max3A_1512 = vector.broadcast %max3A_1511 : i32 to vector<16xi32>
      %max3A_1513 = arith.maxsi %sub3A_1503, %max3A_1512 : vector<16xi32>
      %min3A_1514 = arith.constant 124 : i32
      %min3A_1515 = vector.broadcast %min3A_1514 : i32 to vector<16xi32>
      %min3A_1516 = arith.minsi %max3A_1513, %min3A_1515 : vector<16xi32>
      tpu.vector_store_idx %arg6[%min3A_1516, %add3A_1499], %broadcast_in_dim3A_3 masked %and3A_1510 : memref<125x1024xf32, #tpu.memory_space<vmem>>[vector<16xi32>, vector<16xi32>], vector<16xf32>, vector<16xi1>
      %add3A_1517 = arith.constant 128 : i32
      %add3A_1518 = vector.broadcast %add3A_1517 : i32 to vector<16xi32>
      %add3A_1519 = arith.addi %iota3A, %add3A_1518 : vector<16xi32>
      %get3A_1520 = arith.constant 128 : index
      %get3A_1521 = tpu.vector_load %arg5[%get3A_1520] {strides = array<i32>} : memref<1024xi32, #tpu.memory_space<vmem>>, vector<16xi32>,
      %sub3A_1522 = vector.broadcast %mul3A_78 : i32 to vector<16xi32>
      %sub3A_1523 = arith.subi %get3A_1521, %sub3A_1522 : vector<16xi32>
      %ge3A_1524 = arith.constant 0 : i32
      %ge3A_1525 = vector.broadcast %ge3A_1524 : i32 to vector<16xi32>
      %ge3A_1526 = arith.cmpi sge, %sub3A_1523, %ge3A_1525 : vector<16xi32>
      %lt3A_1527 = arith.constant 125 : i32
      %lt3A_1528 = vector.broadcast %lt3A_1527 : i32 to vector<16xi32>
      %lt3A_1529 = arith.cmpi slt, %sub3A_1523, %lt3A_1528 : vector<16xi32>
      %and3A_1530 = arith.andi %ge3A_1526, %lt3A_1529 : vector<16xi1>
      %max3A_1531 = arith.constant 0 : i32
      %max3A_1532 = vector.broadcast %max3A_1531 : i32 to vector<16xi32>
      %max3A_1533 = arith.maxsi %sub3A_1523, %max3A_1532 : vector<16xi32>
      %min3A_1534 = arith.constant 124 : i32
      %min3A_1535 = vector.broadcast %min3A_1534 : i32 to vector<16xi32>
      %min3A_1536 = arith.minsi %max3A_1533, %min3A_1535 : vector<16xi32>
      tpu.vector_store_idx %arg6[%min3A_1536, %add3A_1519], %broadcast_in_dim3A_3 masked %and3A_1530 : memref<125x1024xf32, #tpu.memory_space<vmem>>[vector<16xi32>, vector<16xi32>], vector<16xf32>, vector<16xi1>
      %add3A_1537 = arith.constant 144 : i32
      %add3A_1538 = vector.broadcast %add3A_1537 : i32 to vector<16xi32>
      %add3A_1539 = arith.addi %iota3A, %add3A_1538 : vector<16xi32>
      %get3A_1540 = arith.constant 144 : index
      %get3A_1541 = tpu.vector_load %arg5[%get3A_1540] {strides = array<i32>} : memref<1024xi32, #tpu.memory_space<vmem>>, vector<16xi32>,
      %sub3A_1542 = vector.broadcast %mul3A_78 : i32 to vector<16xi32>
      %sub3A_1543 = arith.subi %get3A_1541, %sub3A_1542 : vector<16xi32>
      %ge3A_1544 = arith.constant 0 : i32
      %ge3A_1545 = vector.broadcast %ge3A_1544 : i32 to vector<16xi32>
      %ge3A_1546 = arith.cmpi sge, %sub3A_1543, %ge3A_1545 : vector<16xi32>
      %lt3A_1547 = arith.constant 125 : i32
      %lt3A_1548 = vector.broadcast %lt3A_1547 : i32 to vector<16xi32>
      %lt3A_1549 = arith.cmpi slt, %sub3A_1543, %lt3A_1548 : vector<16xi32>
      %and3A_1550 = arith.andi %ge3A_1546, %lt3A_1549 : vector<16xi1>
      %max3A_1551 = arith.constant 0 : i32
      %max3A_1552 = vector.broadcast %max3A_1551 : i32 to vector<16xi32>
      %max3A_1553 = arith.maxsi %sub3A_1543, %max3A_1552 : vector<16xi32>
      %min3A_1554 = arith.constant 124 : i32
      %min3A_1555 = vector.broadcast %min3A_1554 : i32 to vector<16xi32>
      %min3A_1556 = arith.minsi %max3A_1553, %min3A_1555 : vector<16xi32>
      tpu.vector_store_idx %arg6[%min3A_1556, %add3A_1539], %broadcast_in_dim3A_3 masked %and3A_1550 : memref<125x1024xf32, #tpu.memory_space<vmem>>[vector<16xi32>, vector<16xi32>], vector<16xf32>, vector<16xi1>
      %add3A_1557 = arith.constant 160 : i32
      %add3A_1558 = vector.broadcast %add3A_1557 : i32 to vector<16xi32>
      %add3A_1559 = arith.addi %iota3A, %add3A_1558 : vector<16xi32>
      %get3A_1560 = arith.constant 160 : index
      %get3A_1561 = tpu.vector_load %arg5[%get3A_1560] {strides = array<i32>} : memref<1024xi32, #tpu.memory_space<vmem>>, vector<16xi32>,
      %sub3A_1562 = vector.broadcast %mul3A_78 : i32 to vector<16xi32>
      %sub3A_1563 = arith.subi %get3A_1561, %sub3A_1562 : vector<16xi32>
      %ge3A_1564 = arith.constant 0 : i32
      %ge3A_1565 = vector.broadcast %ge3A_1564 : i32 to vector<16xi32>
      %ge3A_1566 = arith.cmpi sge, %sub3A_1563, %ge3A_1565 : vector<16xi32>
      %lt3A_1567 = arith.constant 125 : i32
      %lt3A_1568 = vector.broadcast %lt3A_1567 : i32 to vector<16xi32>
      %lt3A_1569 = arith.cmpi slt, %sub3A_1563, %lt3A_1568 : vector<16xi32>
      %and3A_1570 = arith.andi %ge3A_1566, %lt3A_1569 : vector<16xi1>
      %max3A_1571 = arith.constant 0 : i32
      %max3A_1572 = vector.broadcast %max3A_1571 : i32 to vector<16xi32>
      %max3A_1573 = arith.maxsi %sub3A_1563, %max3A_1572 : vector<16xi32>
      %min3A_1574 = arith.constant 124 : i32
      %min3A_1575 = vector.broadcast %min3A_1574 : i32 to vector<16xi32>
      %min3A_1576 = arith.minsi %max3A_1573, %min3A_1575 : vector<16xi32>
      tpu.vector_store_idx %arg6[%min3A_1576, %add3A_1559], %broadcast_in_dim3A_3 masked %and3A_1570 : memref<125x1024xf32, #tpu.memory_space<vmem>>[vector<16xi32>, vector<16xi32>], vector<16xf32>, vector<16xi1>
      %add3A_1577 = arith.constant 176 : i32
      %add3A_1578 = vector.broadcast %add3A_1577 : i32 to vector<16xi32>
      %add3A_1579 = arith.addi %iota3A, %add3A_1578 : vector<16xi32>
      %get3A_1580 = arith.constant 176 : index
      %get3A_1581 = tpu.vector_load %arg5[%get3A_1580] {strides = array<i32>} : memref<1024xi32, #tpu.memory_space<vmem>>, vector<16xi32>,
      %sub3A_1582 = vector.broadcast %mul3A_78 : i32 to vector<16xi32>
      %sub3A_1583 = arith.subi %get3A_1581, %sub3A_1582 : vector<16xi32>
      %ge3A_1584 = arith.constant 0 : i32
      %ge3A_1585 = vector.broadcast %ge3A_1584 : i32 to vector<16xi32>
      %ge3A_1586 = arith.cmpi sge, %sub3A_1583, %ge3A_1585 : vector<16xi32>
      %lt3A_1587 = arith.constant 125 : i32
      %lt3A_1588 = vector.broadcast %lt3A_1587 : i32 to vector<16xi32>
      %lt3A_1589 = arith.cmpi slt, %sub3A_1583, %lt3A_1588 : vector<16xi32>
      %and3A_1590 = arith.andi %ge3A_1586, %lt3A_1589 : vector<16xi1>
      %max3A_1591 = arith.constant 0 : i32
      %max3A_1592 = vector.broadcast %max3A_1591 : i32 to vector<16xi32>
      %max3A_1593 = arith.maxsi %sub3A_1583, %max3A_1592 : vector<16xi32>
      %min3A_1594 = arith.constant 124 : i32
      %min3A_1595 = vector.broadcast %min3A_1594 : i32 to vector<16xi32>
      %min3A_1596 = arith.minsi %max3A_1593, %min3A_1595 : vector<16xi32>
      tpu.vector_store_idx %arg6[%min3A_1596, %add3A_1579], %broadcast_in_dim3A_3 masked %and3A_1590 : memref<125x1024xf32, #tpu.memory_space<vmem>>[vector<16xi32>, vector<16xi32>], vector<16xf32>, vector<16xi1>
      %add3A_1597 = arith.constant 192 : i32
      %add3A_1598 = vector.broadcast %add3A_1597 : i32 to vector<16xi32>
      %add3A_1599 = arith.addi %iota3A, %add3A_1598 : vector<16xi32>
      %get3A_1600 = arith.constant 192 : index
      %get3A_1601 = tpu.vector_load %arg5[%get3A_1600] {strides = array<i32>} : memref<1024xi32, #tpu.memory_space<vmem>>, vector<16xi32>,
      %sub3A_1602 = vector.broadcast %mul3A_78 : i32 to vector<16xi32>
      %sub3A_1603 = arith.subi %get3A_1601, %sub3A_1602 : vector<16xi32>
      %ge3A_1604 = arith.constant 0 : i32
      %ge3A_1605 = vector.broadcast %ge3A_1604 : i32 to vector<16xi32>
      %ge3A_1606 = arith.cmpi sge, %sub3A_1603, %ge3A_1605 : vector<16xi32>
      %lt3A_1607 = arith.constant 125 : i32
      %lt3A_1608 = vector.broadcast %lt3A_1607 : i32 to vector<16xi32>
      %lt3A_1609 = arith.cmpi slt, %sub3A_1603, %lt3A_1608 : vector<16xi32>
      %and3A_1610 = arith.andi %ge3A_1606, %lt3A_1609 : vector<16xi1>
      %max3A_1611 = arith.constant 0 : i32
      %max3A_1612 = vector.broadcast %max3A_1611 : i32 to vector<16xi32>
      %max3A_1613 = arith.maxsi %sub3A_1603, %max3A_1612 : vector<16xi32>
      %min3A_1614 = arith.constant 124 : i32
      %min3A_1615 = vector.broadcast %min3A_1614 : i32 to vector<16xi32>
      %min3A_1616 = arith.minsi %max3A_1613, %min3A_1615 : vector<16xi32>
      tpu.vector_store_idx %arg6[%min3A_1616, %add3A_1599], %broadcast_in_dim3A_3 masked %and3A_1610 : memref<125x1024xf32, #tpu.memory_space<vmem>>[vector<16xi32>, vector<16xi32>], vector<16xf32>, vector<16xi1>
      %add3A_1617 = arith.constant 208 : i32
      %add3A_1618 = vector.broadcast %add3A_1617 : i32 to vector<16xi32>
      %add3A_1619 = arith.addi %iota3A, %add3A_1618 : vector<16xi32>
      %get3A_1620 = arith.constant 208 : index
      %get3A_1621 = tpu.vector_load %arg5[%get3A_1620] {strides = array<i32>} : memref<1024xi32, #tpu.memory_space<vmem>>, vector<16xi32>,
      %sub3A_1622 = vector.broadcast %mul3A_78 : i32 to vector<16xi32>
      %sub3A_1623 = arith.subi %get3A_1621, %sub3A_1622 : vector<16xi32>
      %ge3A_1624 = arith.constant 0 : i32
      %ge3A_1625 = vector.broadcast %ge3A_1624 : i32 to vector<16xi32>
      %ge3A_1626 = arith.cmpi sge, %sub3A_1623, %ge3A_1625 : vector<16xi32>
      %lt3A_1627 = arith.constant 125 : i32
      %lt3A_1628 = vector.broadcast %lt3A_1627 : i32 to vector<16xi32>
      %lt3A_1629 = arith.cmpi slt, %sub3A_1623, %lt3A_1628 : vector<16xi32>
      %and3A_1630 = arith.andi %ge3A_1626, %lt3A_1629 : vector<16xi1>
      %max3A_1631 = arith.constant 0 : i32
      %max3A_1632 = vector.broadcast %max3A_1631 : i32 to vector<16xi32>
      %max3A_1633 = arith.maxsi %sub3A_1623, %max3A_1632 : vector<16xi32>
      %min3A_1634 = arith.constant 124 : i32
      %min3A_1635 = vector.broadcast %min3A_1634 : i32 to vector<16xi32>
      %min3A_1636 = arith.minsi %max3A_1633, %min3A_1635 : vector<16xi32>
      tpu.vector_store_idx %arg6[%min3A_1636, %add3A_1619], %broadcast_in_dim3A_3 masked %and3A_1630 : memref<125x1024xf32, #tpu.memory_space<vmem>>[vector<16xi32>, vector<16xi32>], vector<16xf32>, vector<16xi1>
      %add3A_1637 = arith.constant 224 : i32
      %add3A_1638 = vector.broadcast %add3A_1637 : i32 to vector<16xi32>
      %add3A_1639 = arith.addi %iota3A, %add3A_1638 : vector<16xi32>
      %get3A_1640 = arith.constant 224 : index
      %get3A_1641 = tpu.vector_load %arg5[%get3A_1640] {strides = array<i32>} : memref<1024xi32, #tpu.memory_space<vmem>>, vector<16xi32>,
      %sub3A_1642 = vector.broadcast %mul3A_78 : i32 to vector<16xi32>
      %sub3A_1643 = arith.subi %get3A_1641, %sub3A_1642 : vector<16xi32>
      %ge3A_1644 = arith.constant 0 : i32
      %ge3A_1645 = vector.broadcast %ge3A_1644 : i32 to vector<16xi32>
      %ge3A_1646 = arith.cmpi sge, %sub3A_1643, %ge3A_1645 : vector<16xi32>
      %lt3A_1647 = arith.constant 125 : i32
      %lt3A_1648 = vector.broadcast %lt3A_1647 : i32 to vector<16xi32>
      %lt3A_1649 = arith.cmpi slt, %sub3A_1643, %lt3A_1648 : vector<16xi32>
      %and3A_1650 = arith.andi %ge3A_1646, %lt3A_1649 : vector<16xi1>
      %max3A_1651 = arith.constant 0 : i32
      %max3A_1652 = vector.broadcast %max3A_1651 : i32 to vector<16xi32>
      %max3A_1653 = arith.maxsi %sub3A_1643, %max3A_1652 : vector<16xi32>
      %min3A_1654 = arith.constant 124 : i32
      %min3A_1655 = vector.broadcast %min3A_1654 : i32 to vector<16xi32>
      %min3A_1656 = arith.minsi %max3A_1653, %min3A_1655 : vector<16xi32>
      tpu.vector_store_idx %arg6[%min3A_1656, %add3A_1639], %broadcast_in_dim3A_3 masked %and3A_1650 : memref<125x1024xf32, #tpu.memory_space<vmem>>[vector<16xi32>, vector<16xi32>], vector<16xf32>, vector<16xi1>
      %add3A_1657 = arith.constant 240 : i32
      %add3A_1658 = vector.broadcast %add3A_1657 : i32 to vector<16xi32>
      %add3A_1659 = arith.addi %iota3A, %add3A_1658 : vector<16xi32>
      %get3A_1660 = arith.constant 240 : index
      %get3A_1661 = tpu.vector_load %arg5[%get3A_1660] {strides = array<i32>} : memref<1024xi32, #tpu.memory_space<vmem>>, vector<16xi32>,
      %sub3A_1662 = vector.broadcast %mul3A_78 : i32 to vector<16xi32>
      %sub3A_1663 = arith.subi %get3A_1661, %sub3A_1662 : vector<16xi32>
      %ge3A_1664 = arith.constant 0 : i32
      %ge3A_1665 = vector.broadcast %ge3A_1664 : i32 to vector<16xi32>
      %ge3A_1666 = arith.cmpi sge, %sub3A_1663, %ge3A_1665 : vector<16xi32>
      %lt3A_1667 = arith.constant 125 : i32
      %lt3A_1668 = vector.broadcast %lt3A_1667 : i32 to vector<16xi32>
      %lt3A_1669 = arith.cmpi slt, %sub3A_1663, %lt3A_1668 : vector<16xi32>
      %and3A_1670 = arith.andi %ge3A_1666, %lt3A_1669 : vector<16xi1>
      %max3A_1671 = arith.constant 0 : i32
      %max3A_1672 = vector.broadcast %max3A_1671 : i32 to vector<16xi32>
      %max3A_1673 = arith.maxsi %sub3A_1663, %max3A_1672 : vector<16xi32>
      %min3A_1674 = arith.constant 124 : i32
      %min3A_1675 = vector.broadcast %min3A_1674 : i32 to vector<16xi32>
      %min3A_1676 = arith.minsi %max3A_1673, %min3A_1675 : vector<16xi32>
      tpu.vector_store_idx %arg6[%min3A_1676, %add3A_1659], %broadcast_in_dim3A_3 masked %and3A_1670 : memref<125x1024xf32, #tpu.memory_space<vmem>>[vector<16xi32>, vector<16xi32>], vector<16xf32>, vector<16xi1>
      %add3A_1677 = arith.constant 256 : i32
      %add3A_1678 = vector.broadcast %add3A_1677 : i32 to vector<16xi32>
      %add3A_1679 = arith.addi %iota3A, %add3A_1678 : vector<16xi32>
      %get3A_1680 = arith.constant 256 : index
      %get3A_1681 = tpu.vector_load %arg5[%get3A_1680] {strides = array<i32>} : memref<1024xi32, #tpu.memory_space<vmem>>, vector<16xi32>,
      %sub3A_1682 = vector.broadcast %mul3A_78 : i32 to vector<16xi32>
      %sub3A_1683 = arith.subi %get3A_1681, %sub3A_1682 : vector<16xi32>
      %ge3A_1684 = arith.constant 0 : i32
      %ge3A_1685 = vector.broadcast %ge3A_1684 : i32 to vector<16xi32>
      %ge3A_1686 = arith.cmpi sge, %sub3A_1683, %ge3A_1685 : vector<16xi32>
      %lt3A_1687 = arith.constant 125 : i32
      %lt3A_1688 = vector.broadcast %lt3A_1687 : i32 to vector<16xi32>
      %lt3A_1689 = arith.cmpi slt, %sub3A_1683, %lt3A_1688 : vector<16xi32>
      %and3A_1690 = arith.andi %ge3A_1686, %lt3A_1689 : vector<16xi1>
      %max3A_1691 = arith.constant 0 : i32
      %max3A_1692 = vector.broadcast %max3A_1691 : i32 to vector<16xi32>
      %max3A_1693 = arith.maxsi %sub3A_1683, %max3A_1692 : vector<16xi32>
      %min3A_1694 = arith.constant 124 : i32
      %min3A_1695 = vector.broadcast %min3A_1694 : i32 to vector<16xi32>
      %min3A_1696 = arith.minsi %max3A_1693, %min3A_1695 : vector<16xi32>
      tpu.vector_store_idx %arg6[%min3A_1696, %add3A_1679], %broadcast_in_dim3A_3 masked %and3A_1690 : memref<125x1024xf32, #tpu.memory_space<vmem>>[vector<16xi32>, vector<16xi32>], vector<16xf32>, vector<16xi1>
      %add3A_1697 = arith.constant 272 : i32
      %add3A_1698 = vector.broadcast %add3A_1697 : i32 to vector<16xi32>
      %add3A_1699 = arith.addi %iota3A, %add3A_1698 : vector<16xi32>
      %get3A_1700 = arith.constant 272 : index
      %get3A_1701 = tpu.vector_load %arg5[%get3A_1700] {strides = array<i32>} : memref<1024xi32, #tpu.memory_space<vmem>>, vector<16xi32>,
      %sub3A_1702 = vector.broadcast %mul3A_78 : i32 to vector<16xi32>
      %sub3A_1703 = arith.subi %get3A_1701, %sub3A_1702 : vector<16xi32>
      %ge3A_1704 = arith.constant 0 : i32
      %ge3A_1705 = vector.broadcast %ge3A_1704 : i32 to vector<16xi32>
      %ge3A_1706 = arith.cmpi sge, %sub3A_1703, %ge3A_1705 : vector<16xi32>
      %lt3A_1707 = arith.constant 125 : i32
      %lt3A_1708 = vector.broadcast %lt3A_1707 : i32 to vector<16xi32>
      %lt3A_1709 = arith.cmpi slt, %sub3A_1703, %lt3A_1708 : vector<16xi32>
      %and3A_1710 = arith.andi %ge3A_1706, %lt3A_1709 : vector<16xi1>
      %max3A_1711 = arith.constant 0 : i32
      %max3A_1712 = vector.broadcast %max3A_1711 : i32 to vector<16xi32>
      %max3A_1713 = arith.maxsi %sub3A_1703, %max3A_1712 : vector<16xi32>
      %min3A_1714 = arith.constant 124 : i32
      %min3A_1715 = vector.broadcast %min3A_1714 : i32 to vector<16xi32>
      %min3A_1716 = arith.minsi %max3A_1713, %min3A_1715 : vector<16xi32>
      tpu.vector_store_idx %arg6[%min3A_1716, %add3A_1699], %broadcast_in_dim3A_3 masked %and3A_1710 : memref<125x1024xf32, #tpu.memory_space<vmem>>[vector<16xi32>, vector<16xi32>], vector<16xf32>, vector<16xi1>
      %add3A_1717 = arith.constant 288 : i32
      %add3A_1718 = vector.broadcast %add3A_1717 : i32 to vector<16xi32>
      %add3A_1719 = arith.addi %iota3A, %add3A_1718 : vector<16xi32>
      %get3A_1720 = arith.constant 288 : index
      %get3A_1721 = tpu.vector_load %arg5[%get3A_1720] {strides = array<i32>} : memref<1024xi32, #tpu.memory_space<vmem>>, vector<16xi32>,
      %sub3A_1722 = vector.broadcast %mul3A_78 : i32 to vector<16xi32>
      %sub3A_1723 = arith.subi %get3A_1721, %sub3A_1722 : vector<16xi32>
      %ge3A_1724 = arith.constant 0 : i32
      %ge3A_1725 = vector.broadcast %ge3A_1724 : i32 to vector<16xi32>
      %ge3A_1726 = arith.cmpi sge, %sub3A_1723, %ge3A_1725 : vector<16xi32>
      %lt3A_1727 = arith.constant 125 : i32
      %lt3A_1728 = vector.broadcast %lt3A_1727 : i32 to vector<16xi32>
      %lt3A_1729 = arith.cmpi slt, %sub3A_1723, %lt3A_1728 : vector<16xi32>
      %and3A_1730 = arith.andi %ge3A_1726, %lt3A_1729 : vector<16xi1>
      %max3A_1731 = arith.constant 0 : i32
      %max3A_1732 = vector.broadcast %max3A_1731 : i32 to vector<16xi32>
      %max3A_1733 = arith.maxsi %sub3A_1723, %max3A_1732 : vector<16xi32>
      %min3A_1734 = arith.constant 124 : i32
      %min3A_1735 = vector.broadcast %min3A_1734 : i32 to vector<16xi32>
      %min3A_1736 = arith.minsi %max3A_1733, %min3A_1735 : vector<16xi32>
      tpu.vector_store_idx %arg6[%min3A_1736, %add3A_1719], %broadcast_in_dim3A_3 masked %and3A_1730 : memref<125x1024xf32, #tpu.memory_space<vmem>>[vector<16xi32>, vector<16xi32>], vector<16xf32>, vector<16xi1>
      %add3A_1737 = arith.constant 304 : i32
      %add3A_1738 = vector.broadcast %add3A_1737 : i32 to vector<16xi32>
      %add3A_1739 = arith.addi %iota3A, %add3A_1738 : vector<16xi32>
      %get3A_1740 = arith.constant 304 : index
      %get3A_1741 = tpu.vector_load %arg5[%get3A_1740] {strides = array<i32>} : memref<1024xi32, #tpu.memory_space<vmem>>, vector<16xi32>,
      %sub3A_1742 = vector.broadcast %mul3A_78 : i32 to vector<16xi32>
      %sub3A_1743 = arith.subi %get3A_1741, %sub3A_1742 : vector<16xi32>
      %ge3A_1744 = arith.constant 0 : i32
      %ge3A_1745 = vector.broadcast %ge3A_1744 : i32 to vector<16xi32>
      %ge3A_1746 = arith.cmpi sge, %sub3A_1743, %ge3A_1745 : vector<16xi32>
      %lt3A_1747 = arith.constant 125 : i32
      %lt3A_1748 = vector.broadcast %lt3A_1747 : i32 to vector<16xi32>
      %lt3A_1749 = arith.cmpi slt, %sub3A_1743, %lt3A_1748 : vector<16xi32>
      %and3A_1750 = arith.andi %ge3A_1746, %lt3A_1749 : vector<16xi1>
      %max3A_1751 = arith.constant 0 : i32
      %max3A_1752 = vector.broadcast %max3A_1751 : i32 to vector<16xi32>
      %max3A_1753 = arith.maxsi %sub3A_1743, %max3A_1752 : vector<16xi32>
      %min3A_1754 = arith.constant 124 : i32
      %min3A_1755 = vector.broadcast %min3A_1754 : i32 to vector<16xi32>
      %min3A_1756 = arith.minsi %max3A_1753, %min3A_1755 : vector<16xi32>
      tpu.vector_store_idx %arg6[%min3A_1756, %add3A_1739], %broadcast_in_dim3A_3 masked %and3A_1750 : memref<125x1024xf32, #tpu.memory_space<vmem>>[vector<16xi32>, vector<16xi32>], vector<16xf32>, vector<16xi1>
      %add3A_1757 = arith.constant 320 : i32
      %add3A_1758 = vector.broadcast %add3A_1757 : i32 to vector<16xi32>
      %add3A_1759 = arith.addi %iota3A, %add3A_1758 : vector<16xi32>
      %get3A_1760 = arith.constant 320 : index
      %get3A_1761 = tpu.vector_load %arg5[%get3A_1760] {strides = array<i32>} : memref<1024xi32, #tpu.memory_space<vmem>>, vector<16xi32>,
      %sub3A_1762 = vector.broadcast %mul3A_78 : i32 to vector<16xi32>
      %sub3A_1763 = arith.subi %get3A_1761, %sub3A_1762 : vector<16xi32>
      %ge3A_1764 = arith.constant 0 : i32
      %ge3A_1765 = vector.broadcast %ge3A_1764 : i32 to vector<16xi32>
      %ge3A_1766 = arith.cmpi sge, %sub3A_1763, %ge3A_1765 : vector<16xi32>
      %lt3A_1767 = arith.constant 125 : i32
      %lt3A_1768 = vector.broadcast %lt3A_1767 : i32 to vector<16xi32>
      %lt3A_1769 = arith.cmpi slt, %sub3A_1763, %lt3A_1768 : vector<16xi32>
      %and3A_1770 = arith.andi %ge3A_1766, %lt3A_1769 : vector<16xi1>
      %max3A_1771 = arith.constant 0 : i32
      %max3A_1772 = vector.broadcast %max3A_1771 : i32 to vector<16xi32>
      %max3A_1773 = arith.maxsi %sub3A_1763, %max3A_1772 : vector<16xi32>
      %min3A_1774 = arith.constant 124 : i32
      %min3A_1775 = vector.broadcast %min3A_1774 : i32 to vector<16xi32>
      %min3A_1776 = arith.minsi %max3A_1773, %min3A_1775 : vector<16xi32>
      tpu.vector_store_idx %arg6[%min3A_1776, %add3A_1759], %broadcast_in_dim3A_3 masked %and3A_1770 : memref<125x1024xf32, #tpu.memory_space<vmem>>[vector<16xi32>, vector<16xi32>], vector<16xf32>, vector<16xi1>
      %add3A_1777 = arith.constant 336 : i32
      %add3A_1778 = vector.broadcast %add3A_1777 : i32 to vector<16xi32>
      %add3A_1779 = arith.addi %iota3A, %add3A_1778 : vector<16xi32>
      %get3A_1780 = arith.constant 336 : index
      %get3A_1781 = tpu.vector_load %arg5[%get3A_1780] {strides = array<i32>} : memref<1024xi32, #tpu.memory_space<vmem>>, vector<16xi32>,
      %sub3A_1782 = vector.broadcast %mul3A_78 : i32 to vector<16xi32>
      %sub3A_1783 = arith.subi %get3A_1781, %sub3A_1782 : vector<16xi32>
      %ge3A_1784 = arith.constant 0 : i32
      %ge3A_1785 = vector.broadcast %ge3A_1784 : i32 to vector<16xi32>
      %ge3A_1786 = arith.cmpi sge, %sub3A_1783, %ge3A_1785 : vector<16xi32>
      %lt3A_1787 = arith.constant 125 : i32
      %lt3A_1788 = vector.broadcast %lt3A_1787 : i32 to vector<16xi32>
      %lt3A_1789 = arith.cmpi slt, %sub3A_1783, %lt3A_1788 : vector<16xi32>
      %and3A_1790 = arith.andi %ge3A_1786, %lt3A_1789 : vector<16xi1>
      %max3A_1791 = arith.constant 0 : i32
      %max3A_1792 = vector.broadcast %max3A_1791 : i32 to vector<16xi32>
      %max3A_1793 = arith.maxsi %sub3A_1783, %max3A_1792 : vector<16xi32>
      %min3A_1794 = arith.constant 124 : i32
      %min3A_1795 = vector.broadcast %min3A_1794 : i32 to vector<16xi32>
      %min3A_1796 = arith.minsi %max3A_1793, %min3A_1795 : vector<16xi32>
      tpu.vector_store_idx %arg6[%min3A_1796, %add3A_1779], %broadcast_in_dim3A_3 masked %and3A_1790 : memref<125x1024xf32, #tpu.memory_space<vmem>>[vector<16xi32>, vector<16xi32>], vector<16xf32>, vector<16xi1>
      %add3A_1797 = arith.constant 352 : i32
      %add3A_1798 = vector.broadcast %add3A_1797 : i32 to vector<16xi32>
      %add3A_1799 = arith.addi %iota3A, %add3A_1798 : vector<16xi32>
      %get3A_1800 = arith.constant 352 : index
      %get3A_1801 = tpu.vector_load %arg5[%get3A_1800] {strides = array<i32>} : memref<1024xi32, #tpu.memory_space<vmem>>, vector<16xi32>,
      %sub3A_1802 = vector.broadcast %mul3A_78 : i32 to vector<16xi32>
      %sub3A_1803 = arith.subi %get3A_1801, %sub3A_1802 : vector<16xi32>
      %ge3A_1804 = arith.constant 0 : i32
      %ge3A_1805 = vector.broadcast %ge3A_1804 : i32 to vector<16xi32>
      %ge3A_1806 = arith.cmpi sge, %sub3A_1803, %ge3A_1805 : vector<16xi32>
      %lt3A_1807 = arith.constant 125 : i32
      %lt3A_1808 = vector.broadcast %lt3A_1807 : i32 to vector<16xi32>
      %lt3A_1809 = arith.cmpi slt, %sub3A_1803, %lt3A_1808 : vector<16xi32>
      %and3A_1810 = arith.andi %ge3A_1806, %lt3A_1809 : vector<16xi1>
      %max3A_1811 = arith.constant 0 : i32
      %max3A_1812 = vector.broadcast %max3A_1811 : i32 to vector<16xi32>
      %max3A_1813 = arith.maxsi %sub3A_1803, %max3A_1812 : vector<16xi32>
      %min3A_1814 = arith.constant 124 : i32
      %min3A_1815 = vector.broadcast %min3A_1814 : i32 to vector<16xi32>
      %min3A_1816 = arith.minsi %max3A_1813, %min3A_1815 : vector<16xi32>
      tpu.vector_store_idx %arg6[%min3A_1816, %add3A_1799], %broadcast_in_dim3A_3 masked %and3A_1810 : memref<125x1024xf32, #tpu.memory_space<vmem>>[vector<16xi32>, vector<16xi32>], vector<16xf32>, vector<16xi1>
      %add3A_1817 = arith.constant 368 : i32
      %add3A_1818 = vector.broadcast %add3A_1817 : i32 to vector<16xi32>
      %add3A_1819 = arith.addi %iota3A, %add3A_1818 : vector<16xi32>
      %get3A_1820 = arith.constant 368 : index
      %get3A_1821 = tpu.vector_load %arg5[%get3A_1820] {strides = array<i32>} : memref<1024xi32, #tpu.memory_space<vmem>>, vector<16xi32>,
      %sub3A_1822 = vector.broadcast %mul3A_78 : i32 to vector<16xi32>
      %sub3A_1823 = arith.subi %get3A_1821, %sub3A_1822 : vector<16xi32>
      %ge3A_1824 = arith.constant 0 : i32
      %ge3A_1825 = vector.broadcast %ge3A_1824 : i32 to vector<16xi32>
      %ge3A_1826 = arith.cmpi sge, %sub3A_1823, %ge3A_1825 : vector<16xi32>
      %lt3A_1827 = arith.constant 125 : i32
      %lt3A_1828 = vector.broadcast %lt3A_1827 : i32 to vector<16xi32>
      %lt3A_1829 = arith.cmpi slt, %sub3A_1823, %lt3A_1828 : vector<16xi32>
      %and3A_1830 = arith.andi %ge3A_1826, %lt3A_1829 : vector<16xi1>
      %max3A_1831 = arith.constant 0 : i32
      %max3A_1832 = vector.broadcast %max3A_1831 : i32 to vector<16xi32>
      %max3A_1833 = arith.maxsi %sub3A_1823, %max3A_1832 : vector<16xi32>
      %min3A_1834 = arith.constant 124 : i32
      %min3A_1835 = vector.broadcast %min3A_1834 : i32 to vector<16xi32>
      %min3A_1836 = arith.minsi %max3A_1833, %min3A_1835 : vector<16xi32>
      tpu.vector_store_idx %arg6[%min3A_1836, %add3A_1819], %broadcast_in_dim3A_3 masked %and3A_1830 : memref<125x1024xf32, #tpu.memory_space<vmem>>[vector<16xi32>, vector<16xi32>], vector<16xf32>, vector<16xi1>
      %add3A_1837 = arith.constant 384 : i32
      %add3A_1838 = vector.broadcast %add3A_1837 : i32 to vector<16xi32>
      %add3A_1839 = arith.addi %iota3A, %add3A_1838 : vector<16xi32>
      %get3A_1840 = arith.constant 384 : index
      %get3A_1841 = tpu.vector_load %arg5[%get3A_1840] {strides = array<i32>} : memref<1024xi32, #tpu.memory_space<vmem>>, vector<16xi32>,
      %sub3A_1842 = vector.broadcast %mul3A_78 : i32 to vector<16xi32>
      %sub3A_1843 = arith.subi %get3A_1841, %sub3A_1842 : vector<16xi32>
      %ge3A_1844 = arith.constant 0 : i32
      %ge3A_1845 = vector.broadcast %ge3A_1844 : i32 to vector<16xi32>
      %ge3A_1846 = arith.cmpi sge, %sub3A_1843, %ge3A_1845 : vector<16xi32>
      %lt3A_1847 = arith.constant 125 : i32
      %lt3A_1848 = vector.broadcast %lt3A_1847 : i32 to vector<16xi32>
      %lt3A_1849 = arith.cmpi slt, %sub3A_1843, %lt3A_1848 : vector<16xi32>
      %and3A_1850 = arith.andi %ge3A_1846, %lt3A_1849 : vector<16xi1>
      %max3A_1851 = arith.constant 0 : i32
      %max3A_1852 = vector.broadcast %max3A_1851 : i32 to vector<16xi32>
      %max3A_1853 = arith.maxsi %sub3A_1843, %max3A_1852 : vector<16xi32>
      %min3A_1854 = arith.constant 124 : i32
      %min3A_1855 = vector.broadcast %min3A_1854 : i32 to vector<16xi32>
      %min3A_1856 = arith.minsi %max3A_1853, %min3A_1855 : vector<16xi32>
      tpu.vector_store_idx %arg6[%min3A_1856, %add3A_1839], %broadcast_in_dim3A_3 masked %and3A_1850 : memref<125x1024xf32, #tpu.memory_space<vmem>>[vector<16xi32>, vector<16xi32>], vector<16xf32>, vector<16xi1>
      %add3A_1857 = arith.constant 400 : i32
      %add3A_1858 = vector.broadcast %add3A_1857 : i32 to vector<16xi32>
      %add3A_1859 = arith.addi %iota3A, %add3A_1858 : vector<16xi32>
      %get3A_1860 = arith.constant 400 : index
      %get3A_1861 = tpu.vector_load %arg5[%get3A_1860] {strides = array<i32>} : memref<1024xi32, #tpu.memory_space<vmem>>, vector<16xi32>,
      %sub3A_1862 = vector.broadcast %mul3A_78 : i32 to vector<16xi32>
      %sub3A_1863 = arith.subi %get3A_1861, %sub3A_1862 : vector<16xi32>
      %ge3A_1864 = arith.constant 0 : i32
      %ge3A_1865 = vector.broadcast %ge3A_1864 : i32 to vector<16xi32>
      %ge3A_1866 = arith.cmpi sge, %sub3A_1863, %ge3A_1865 : vector<16xi32>
      %lt3A_1867 = arith.constant 125 : i32
      %lt3A_1868 = vector.broadcast %lt3A_1867 : i32 to vector<16xi32>
      %lt3A_1869 = arith.cmpi slt, %sub3A_1863, %lt3A_1868 : vector<16xi32>
      %and3A_1870 = arith.andi %ge3A_1866, %lt3A_1869 : vector<16xi1>
      %max3A_1871 = arith.constant 0 : i32
      %max3A_1872 = vector.broadcast %max3A_1871 : i32 to vector<16xi32>
      %max3A_1873 = arith.maxsi %sub3A_1863, %max3A_1872 : vector<16xi32>
      %min3A_1874 = arith.constant 124 : i32
      %min3A_1875 = vector.broadcast %min3A_1874 : i32 to vector<16xi32>
      %min3A_1876 = arith.minsi %max3A_1873, %min3A_1875 : vector<16xi32>
      tpu.vector_store_idx %arg6[%min3A_1876, %add3A_1859], %broadcast_in_dim3A_3 masked %and3A_1870 : memref<125x1024xf32, #tpu.memory_space<vmem>>[vector<16xi32>, vector<16xi32>], vector<16xf32>, vector<16xi1>
      %add3A_1877 = arith.constant 416 : i32
      %add3A_1878 = vector.broadcast %add3A_1877 : i32 to vector<16xi32>
      %add3A_1879 = arith.addi %iota3A, %add3A_1878 : vector<16xi32>
      %get3A_1880 = arith.constant 416 : index
      %get3A_1881 = tpu.vector_load %arg5[%get3A_1880] {strides = array<i32>} : memref<1024xi32, #tpu.memory_space<vmem>>, vector<16xi32>,
      %sub3A_1882 = vector.broadcast %mul3A_78 : i32 to vector<16xi32>
      %sub3A_1883 = arith.subi %get3A_1881, %sub3A_1882 : vector<16xi32>
      %ge3A_1884 = arith.constant 0 : i32
      %ge3A_1885 = vector.broadcast %ge3A_1884 : i32 to vector<16xi32>
      %ge3A_1886 = arith.cmpi sge, %sub3A_1883, %ge3A_1885 : vector<16xi32>
      %lt3A_1887 = arith.constant 125 : i32
      %lt3A_1888 = vector.broadcast %lt3A_1887 : i32 to vector<16xi32>
      %lt3A_1889 = arith.cmpi slt, %sub3A_1883, %lt3A_1888 : vector<16xi32>
      %and3A_1890 = arith.andi %ge3A_1886, %lt3A_1889 : vector<16xi1>
      %max3A_1891 = arith.constant 0 : i32
      %max3A_1892 = vector.broadcast %max3A_1891 : i32 to vector<16xi32>
      %max3A_1893 = arith.maxsi %sub3A_1883, %max3A_1892 : vector<16xi32>
      %min3A_1894 = arith.constant 124 : i32
      %min3A_1895 = vector.broadcast %min3A_1894 : i32 to vector<16xi32>
      %min3A_1896 = arith.minsi %max3A_1893, %min3A_1895 : vector<16xi32>
      tpu.vector_store_idx %arg6[%min3A_1896, %add3A_1879], %broadcast_in_dim3A_3 masked %and3A_1890 : memref<125x1024xf32, #tpu.memory_space<vmem>>[vector<16xi32>, vector<16xi32>], vector<16xf32>, vector<16xi1>
      %add3A_1897 = arith.constant 432 : i32
      %add3A_1898 = vector.broadcast %add3A_1897 : i32 to vector<16xi32>
      %add3A_1899 = arith.addi %iota3A, %add3A_1898 : vector<16xi32>
      %get3A_1900 = arith.constant 432 : index
      %get3A_1901 = tpu.vector_load %arg5[%get3A_1900] {strides = array<i32>} : memref<1024xi32, #tpu.memory_space<vmem>>, vector<16xi32>,
      %sub3A_1902 = vector.broadcast %mul3A_78 : i32 to vector<16xi32>
      %sub3A_1903 = arith.subi %get3A_1901, %sub3A_1902 : vector<16xi32>
      %ge3A_1904 = arith.constant 0 : i32
      %ge3A_1905 = vector.broadcast %ge3A_1904 : i32 to vector<16xi32>
      %ge3A_1906 = arith.cmpi sge, %sub3A_1903, %ge3A_1905 : vector<16xi32>
      %lt3A_1907 = arith.constant 125 : i32
      %lt3A_1908 = vector.broadcast %lt3A_1907 : i32 to vector<16xi32>
      %lt3A_1909 = arith.cmpi slt, %sub3A_1903, %lt3A_1908 : vector<16xi32>
      %and3A_1910 = arith.andi %ge3A_1906, %lt3A_1909 : vector<16xi1>
      %max3A_1911 = arith.constant 0 : i32
      %max3A_1912 = vector.broadcast %max3A_1911 : i32 to vector<16xi32>
      %max3A_1913 = arith.maxsi %sub3A_1903, %max3A_1912 : vector<16xi32>
      %min3A_1914 = arith.constant 124 : i32
      %min3A_1915 = vector.broadcast %min3A_1914 : i32 to vector<16xi32>
      %min3A_1916 = arith.minsi %max3A_1913, %min3A_1915 : vector<16xi32>
      tpu.vector_store_idx %arg6[%min3A_1916, %add3A_1899], %broadcast_in_dim3A_3 masked %and3A_1910 : memref<125x1024xf32, #tpu.memory_space<vmem>>[vector<16xi32>, vector<16xi32>], vector<16xf32>, vector<16xi1>
      %add3A_1917 = arith.constant 448 : i32
      %add3A_1918 = vector.broadcast %add3A_1917 : i32 to vector<16xi32>
      %add3A_1919 = arith.addi %iota3A, %add3A_1918 : vector<16xi32>
      %get3A_1920 = arith.constant 448 : index
      %get3A_1921 = tpu.vector_load %arg5[%get3A_1920] {strides = array<i32>} : memref<1024xi32, #tpu.memory_space<vmem>>, vector<16xi32>,
      %sub3A_1922 = vector.broadcast %mul3A_78 : i32 to vector<16xi32>
      %sub3A_1923 = arith.subi %get3A_1921, %sub3A_1922 : vector<16xi32>
      %ge3A_1924 = arith.constant 0 : i32
      %ge3A_1925 = vector.broadcast %ge3A_1924 : i32 to vector<16xi32>
      %ge3A_1926 = arith.cmpi sge, %sub3A_1923, %ge3A_1925 : vector<16xi32>
      %lt3A_1927 = arith.constant 125 : i32
      %lt3A_1928 = vector.broadcast %lt3A_1927 : i32 to vector<16xi32>
      %lt3A_1929 = arith.cmpi slt, %sub3A_1923, %lt3A_1928 : vector<16xi32>
      %and3A_1930 = arith.andi %ge3A_1926, %lt3A_1929 : vector<16xi1>
      %max3A_1931 = arith.constant 0 : i32
      %max3A_1932 = vector.broadcast %max3A_1931 : i32 to vector<16xi32>
      %max3A_1933 = arith.maxsi %sub3A_1923, %max3A_1932 : vector<16xi32>
      %min3A_1934 = arith.constant 124 : i32
      %min3A_1935 = vector.broadcast %min3A_1934 : i32 to vector<16xi32>
      %min3A_1936 = arith.minsi %max3A_1933, %min3A_1935 : vector<16xi32>
      tpu.vector_store_idx %arg6[%min3A_1936, %add3A_1919], %broadcast_in_dim3A_3 masked %and3A_1930 : memref<125x1024xf32, #tpu.memory_space<vmem>>[vector<16xi32>, vector<16xi32>], vector<16xf32>, vector<16xi1>
      %add3A_1937 = arith.constant 464 : i32
      %add3A_1938 = vector.broadcast %add3A_1937 : i32 to vector<16xi32>
      %add3A_1939 = arith.addi %iota3A, %add3A_1938 : vector<16xi32>
      %get3A_1940 = arith.constant 464 : index
      %get3A_1941 = tpu.vector_load %arg5[%get3A_1940] {strides = array<i32>} : memref<1024xi32, #tpu.memory_space<vmem>>, vector<16xi32>,
      %sub3A_1942 = vector.broadcast %mul3A_78 : i32 to vector<16xi32>
      %sub3A_1943 = arith.subi %get3A_1941, %sub3A_1942 : vector<16xi32>
      %ge3A_1944 = arith.constant 0 : i32
      %ge3A_1945 = vector.broadcast %ge3A_1944 : i32 to vector<16xi32>
      %ge3A_1946 = arith.cmpi sge, %sub3A_1943, %ge3A_1945 : vector<16xi32>
      %lt3A_1947 = arith.constant 125 : i32
      %lt3A_1948 = vector.broadcast %lt3A_1947 : i32 to vector<16xi32>
      %lt3A_1949 = arith.cmpi slt, %sub3A_1943, %lt3A_1948 : vector<16xi32>
      %and3A_1950 = arith.andi %ge3A_1946, %lt3A_1949 : vector<16xi1>
      %max3A_1951 = arith.constant 0 : i32
      %max3A_1952 = vector.broadcast %max3A_1951 : i32 to vector<16xi32>
      %max3A_1953 = arith.maxsi %sub3A_1943, %max3A_1952 : vector<16xi32>
      %min3A_1954 = arith.constant 124 : i32
      %min3A_1955 = vector.broadcast %min3A_1954 : i32 to vector<16xi32>
      %min3A_1956 = arith.minsi %max3A_1953, %min3A_1955 : vector<16xi32>
      tpu.vector_store_idx %arg6[%min3A_1956, %add3A_1939], %broadcast_in_dim3A_3 masked %and3A_1950 : memref<125x1024xf32, #tpu.memory_space<vmem>>[vector<16xi32>, vector<16xi32>], vector<16xf32>, vector<16xi1>
      %add3A_1957 = arith.constant 480 : i32
      %add3A_1958 = vector.broadcast %add3A_1957 : i32 to vector<16xi32>
      %add3A_1959 = arith.addi %iota3A, %add3A_1958 : vector<16xi32>
      %get3A_1960 = arith.constant 480 : index
      %get3A_1961 = tpu.vector_load %arg5[%get3A_1960] {strides = array<i32>} : memref<1024xi32, #tpu.memory_space<vmem>>, vector<16xi32>,
      %sub3A_1962 = vector.broadcast %mul3A_78 : i32 to vector<16xi32>
      %sub3A_1963 = arith.subi %get3A_1961, %sub3A_1962 : vector<16xi32>
      %ge3A_1964 = arith.constant 0 : i32
      %ge3A_1965 = vector.broadcast %ge3A_1964 : i32 to vector<16xi32>
      %ge3A_1966 = arith.cmpi sge, %sub3A_1963, %ge3A_1965 : vector<16xi32>
      %lt3A_1967 = arith.constant 125 : i32
      %lt3A_1968 = vector.broadcast %lt3A_1967 : i32 to vector<16xi32>
      %lt3A_1969 = arith.cmpi slt, %sub3A_1963, %lt3A_1968 : vector<16xi32>
      %and3A_1970 = arith.andi %ge3A_1966, %lt3A_1969 : vector<16xi1>
      %max3A_1971 = arith.constant 0 : i32
      %max3A_1972 = vector.broadcast %max3A_1971 : i32 to vector<16xi32>
      %max3A_1973 = arith.maxsi %sub3A_1963, %max3A_1972 : vector<16xi32>
      %min3A_1974 = arith.constant 124 : i32
      %min3A_1975 = vector.broadcast %min3A_1974 : i32 to vector<16xi32>
      %min3A_1976 = arith.minsi %max3A_1973, %min3A_1975 : vector<16xi32>
      tpu.vector_store_idx %arg6[%min3A_1976, %add3A_1959], %broadcast_in_dim3A_3 masked %and3A_1970 : memref<125x1024xf32, #tpu.memory_space<vmem>>[vector<16xi32>, vector<16xi32>], vector<16xf32>, vector<16xi1>
      %add3A_1977 = arith.constant 496 : i32
      %add3A_1978 = vector.broadcast %add3A_1977 : i32 to vector<16xi32>
      %add3A_1979 = arith.addi %iota3A, %add3A_1978 : vector<16xi32>
      %get3A_1980 = arith.constant 496 : index
      %get3A_1981 = tpu.vector_load %arg5[%get3A_1980] {strides = array<i32>} : memref<1024xi32, #tpu.memory_space<vmem>>, vector<16xi32>,
      %sub3A_1982 = vector.broadcast %mul3A_78 : i32 to vector<16xi32>
      %sub3A_1983 = arith.subi %get3A_1981, %sub3A_1982 : vector<16xi32>
      %ge3A_1984 = arith.constant 0 : i32
      %ge3A_1985 = vector.broadcast %ge3A_1984 : i32 to vector<16xi32>
      %ge3A_1986 = arith.cmpi sge, %sub3A_1983, %ge3A_1985 : vector<16xi32>
      %lt3A_1987 = arith.constant 125 : i32
      %lt3A_1988 = vector.broadcast %lt3A_1987 : i32 to vector<16xi32>
      %lt3A_1989 = arith.cmpi slt, %sub3A_1983, %lt3A_1988 : vector<16xi32>
      %and3A_1990 = arith.andi %ge3A_1986, %lt3A_1989 : vector<16xi1>
      %max3A_1991 = arith.constant 0 : i32
      %max3A_1992 = vector.broadcast %max3A_1991 : i32 to vector<16xi32>
      %max3A_1993 = arith.maxsi %sub3A_1983, %max3A_1992 : vector<16xi32>
      %min3A_1994 = arith.constant 124 : i32
      %min3A_1995 = vector.broadcast %min3A_1994 : i32 to vector<16xi32>
      %min3A_1996 = arith.minsi %max3A_1993, %min3A_1995 : vector<16xi32>
      tpu.vector_store_idx %arg6[%min3A_1996, %add3A_1979], %broadcast_in_dim3A_3 masked %and3A_1990 : memref<125x1024xf32, #tpu.memory_space<vmem>>[vector<16xi32>, vector<16xi32>], vector<16xf32>, vector<16xi1>
      %add3A_1997 = arith.constant 512 : i32
      %add3A_1998 = vector.broadcast %add3A_1997 : i32 to vector<16xi32>
      %add3A_1999 = arith.addi %iota3A, %add3A_1998 : vector<16xi32>
      %get3A_2000 = arith.constant 512 : index
      %get3A_2001 = tpu.vector_load %arg5[%get3A_2000] {strides = array<i32>} : memref<1024xi32, #tpu.memory_space<vmem>>, vector<16xi32>,
      %sub3A_2002 = vector.broadcast %mul3A_78 : i32 to vector<16xi32>
      %sub3A_2003 = arith.subi %get3A_2001, %sub3A_2002 : vector<16xi32>
      %ge3A_2004 = arith.constant 0 : i32
      %ge3A_2005 = vector.broadcast %ge3A_2004 : i32 to vector<16xi32>
      %ge3A_2006 = arith.cmpi sge, %sub3A_2003, %ge3A_2005 : vector<16xi32>
      %lt3A_2007 = arith.constant 125 : i32
      %lt3A_2008 = vector.broadcast %lt3A_2007 : i32 to vector<16xi32>
      %lt3A_2009 = arith.cmpi slt, %sub3A_2003, %lt3A_2008 : vector<16xi32>
      %and3A_2010 = arith.andi %ge3A_2006, %lt3A_2009 : vector<16xi1>
      %max3A_2011 = arith.constant 0 : i32
      %max3A_2012 = vector.broadcast %max3A_2011 : i32 to vector<16xi32>
      %max3A_2013 = arith.maxsi %sub3A_2003, %max3A_2012 : vector<16xi32>
      %min3A_2014 = arith.constant 124 : i32
      %min3A_2015 = vector.broadcast %min3A_2014 : i32 to vector<16xi32>
      %min3A_2016 = arith.minsi %max3A_2013, %min3A_2015 : vector<16xi32>
      tpu.vector_store_idx %arg6[%min3A_2016, %add3A_1999], %broadcast_in_dim3A_3 masked %and3A_2010 : memref<125x1024xf32, #tpu.memory_space<vmem>>[vector<16xi32>, vector<16xi32>], vector<16xf32>, vector<16xi1>
      %add3A_2017 = arith.constant 528 : i32
      %add3A_2018 = vector.broadcast %add3A_2017 : i32 to vector<16xi32>
      %add3A_2019 = arith.addi %iota3A, %add3A_2018 : vector<16xi32>
      %get3A_2020 = arith.constant 528 : index
      %get3A_2021 = tpu.vector_load %arg5[%get3A_2020] {strides = array<i32>} : memref<1024xi32, #tpu.memory_space<vmem>>, vector<16xi32>,
      %sub3A_2022 = vector.broadcast %mul3A_78 : i32 to vector<16xi32>
      %sub3A_2023 = arith.subi %get3A_2021, %sub3A_2022 : vector<16xi32>
      %ge3A_2024 = arith.constant 0 : i32
      %ge3A_2025 = vector.broadcast %ge3A_2024 : i32 to vector<16xi32>
      %ge3A_2026 = arith.cmpi sge, %sub3A_2023, %ge3A_2025 : vector<16xi32>
      %lt3A_2027 = arith.constant 125 : i32
      %lt3A_2028 = vector.broadcast %lt3A_2027 : i32 to vector<16xi32>
      %lt3A_2029 = arith.cmpi slt, %sub3A_2023, %lt3A_2028 : vector<16xi32>
      %and3A_2030 = arith.andi %ge3A_2026, %lt3A_2029 : vector<16xi1>
      %max3A_2031 = arith.constant 0 : i32
      %max3A_2032 = vector.broadcast %max3A_2031 : i32 to vector<16xi32>
      %max3A_2033 = arith.maxsi %sub3A_2023, %max3A_2032 : vector<16xi32>
      %min3A_2034 = arith.constant 124 : i32
      %min3A_2035 = vector.broadcast %min3A_2034 : i32 to vector<16xi32>
      %min3A_2036 = arith.minsi %max3A_2033, %min3A_2035 : vector<16xi32>
      tpu.vector_store_idx %arg6[%min3A_2036, %add3A_2019], %broadcast_in_dim3A_3 masked %and3A_2030 : memref<125x1024xf32, #tpu.memory_space<vmem>>[vector<16xi32>, vector<16xi32>], vector<16xf32>, vector<16xi1>
      %add3A_2037 = arith.constant 544 : i32
      %add3A_2038 = vector.broadcast %add3A_2037 : i32 to vector<16xi32>
      %add3A_2039 = arith.addi %iota3A, %add3A_2038 : vector<16xi32>
      %get3A_2040 = arith.constant 544 : index
      %get3A_2041 = tpu.vector_load %arg5[%get3A_2040] {strides = array<i32>} : memref<1024xi32, #tpu.memory_space<vmem>>, vector<16xi32>,
      %sub3A_2042 = vector.broadcast %mul3A_78 : i32 to vector<16xi32>
      %sub3A_2043 = arith.subi %get3A_2041, %sub3A_2042 : vector<16xi32>
      %ge3A_2044 = arith.constant 0 : i32
      %ge3A_2045 = vector.broadcast %ge3A_2044 : i32 to vector<16xi32>
      %ge3A_2046 = arith.cmpi sge, %sub3A_2043, %ge3A_2045 : vector<16xi32>
      %lt3A_2047 = arith.constant 125 : i32
      %lt3A_2048 = vector.broadcast %lt3A_2047 : i32 to vector<16xi32>
      %lt3A_2049 = arith.cmpi slt, %sub3A_2043, %lt3A_2048 : vector<16xi32>
      %and3A_2050 = arith.andi %ge3A_2046, %lt3A_2049 : vector<16xi1>
      %max3A_2051 = arith.constant 0 : i32
      %max3A_2052 = vector.broadcast %max3A_2051 : i32 to vector<16xi32>
      %max3A_2053 = arith.maxsi %sub3A_2043, %max3A_2052 : vector<16xi32>
      %min3A_2054 = arith.constant 124 : i32
      %min3A_2055 = vector.broadcast %min3A_2054 : i32 to vector<16xi32>
      %min3A_2056 = arith.minsi %max3A_2053, %min3A_2055 : vector<16xi32>
      tpu.vector_store_idx %arg6[%min3A_2056, %add3A_2039], %broadcast_in_dim3A_3 masked %and3A_2050 : memref<125x1024xf32, #tpu.memory_space<vmem>>[vector<16xi32>, vector<16xi32>], vector<16xf32>, vector<16xi1>
      %add3A_2057 = arith.constant 560 : i32
      %add3A_2058 = vector.broadcast %add3A_2057 : i32 to vector<16xi32>
      %add3A_2059 = arith.addi %iota3A, %add3A_2058 : vector<16xi32>
      %get3A_2060 = arith.constant 560 : index
      %get3A_2061 = tpu.vector_load %arg5[%get3A_2060] {strides = array<i32>} : memref<1024xi32, #tpu.memory_space<vmem>>, vector<16xi32>,
      %sub3A_2062 = vector.broadcast %mul3A_78 : i32 to vector<16xi32>
      %sub3A_2063 = arith.subi %get3A_2061, %sub3A_2062 : vector<16xi32>
      %ge3A_2064 = arith.constant 0 : i32
      %ge3A_2065 = vector.broadcast %ge3A_2064 : i32 to vector<16xi32>
      %ge3A_2066 = arith.cmpi sge, %sub3A_2063, %ge3A_2065 : vector<16xi32>
      %lt3A_2067 = arith.constant 125 : i32
      %lt3A_2068 = vector.broadcast %lt3A_2067 : i32 to vector<16xi32>
      %lt3A_2069 = arith.cmpi slt, %sub3A_2063, %lt3A_2068 : vector<16xi32>
      %and3A_2070 = arith.andi %ge3A_2066, %lt3A_2069 : vector<16xi1>
      %max3A_2071 = arith.constant 0 : i32
      %max3A_2072 = vector.broadcast %max3A_2071 : i32 to vector<16xi32>
      %max3A_2073 = arith.maxsi %sub3A_2063, %max3A_2072 : vector<16xi32>
      %min3A_2074 = arith.constant 124 : i32
      %min3A_2075 = vector.broadcast %min3A_2074 : i32 to vector<16xi32>
      %min3A_2076 = arith.minsi %max3A_2073, %min3A_2075 : vector<16xi32>
      tpu.vector_store_idx %arg6[%min3A_2076, %add3A_2059], %broadcast_in_dim3A_3 masked %and3A_2070 : memref<125x1024xf32, #tpu.memory_space<vmem>>[vector<16xi32>, vector<16xi32>], vector<16xf32>, vector<16xi1>
      %add3A_2077 = arith.constant 576 : i32
      %add3A_2078 = vector.broadcast %add3A_2077 : i32 to vector<16xi32>
      %add3A_2079 = arith.addi %iota3A, %add3A_2078 : vector<16xi32>
      %get3A_2080 = arith.constant 576 : index
      %get3A_2081 = tpu.vector_load %arg5[%get3A_2080] {strides = array<i32>} : memref<1024xi32, #tpu.memory_space<vmem>>, vector<16xi32>,
      %sub3A_2082 = vector.broadcast %mul3A_78 : i32 to vector<16xi32>
      %sub3A_2083 = arith.subi %get3A_2081, %sub3A_2082 : vector<16xi32>
      %ge3A_2084 = arith.constant 0 : i32
      %ge3A_2085 = vector.broadcast %ge3A_2084 : i32 to vector<16xi32>
      %ge3A_2086 = arith.cmpi sge, %sub3A_2083, %ge3A_2085 : vector<16xi32>
      %lt3A_2087 = arith.constant 125 : i32
      %lt3A_2088 = vector.broadcast %lt3A_2087 : i32 to vector<16xi32>
      %lt3A_2089 = arith.cmpi slt, %sub3A_2083, %lt3A_2088 : vector<16xi32>
      %and3A_2090 = arith.andi %ge3A_2086, %lt3A_2089 : vector<16xi1>
      %max3A_2091 = arith.constant 0 : i32
      %max3A_2092 = vector.broadcast %max3A_2091 : i32 to vector<16xi32>
      %max3A_2093 = arith.maxsi %sub3A_2083, %max3A_2092 : vector<16xi32>
      %min3A_2094 = arith.constant 124 : i32
      %min3A_2095 = vector.broadcast %min3A_2094 : i32 to vector<16xi32>
      %min3A_2096 = arith.minsi %max3A_2093, %min3A_2095 : vector<16xi32>
      tpu.vector_store_idx %arg6[%min3A_2096, %add3A_2079], %broadcast_in_dim3A_3 masked %and3A_2090 : memref<125x1024xf32, #tpu.memory_space<vmem>>[vector<16xi32>, vector<16xi32>], vector<16xf32>, vector<16xi1>
      %add3A_2097 = arith.constant 592 : i32
      %add3A_2098 = vector.broadcast %add3A_2097 : i32 to vector<16xi32>
      %add3A_2099 = arith.addi %iota3A, %add3A_2098 : vector<16xi32>
      %get3A_2100 = arith.constant 592 : index
      %get3A_2101 = tpu.vector_load %arg5[%get3A_2100] {strides = array<i32>} : memref<1024xi32, #tpu.memory_space<vmem>>, vector<16xi32>,
      %sub3A_2102 = vector.broadcast %mul3A_78 : i32 to vector<16xi32>
      %sub3A_2103 = arith.subi %get3A_2101, %sub3A_2102 : vector<16xi32>
      %ge3A_2104 = arith.constant 0 : i32
      %ge3A_2105 = vector.broadcast %ge3A_2104 : i32 to vector<16xi32>
      %ge3A_2106 = arith.cmpi sge, %sub3A_2103, %ge3A_2105 : vector<16xi32>
      %lt3A_2107 = arith.constant 125 : i32
      %lt3A_2108 = vector.broadcast %lt3A_2107 : i32 to vector<16xi32>
      %lt3A_2109 = arith.cmpi slt, %sub3A_2103, %lt3A_2108 : vector<16xi32>
      %and3A_2110 = arith.andi %ge3A_2106, %lt3A_2109 : vector<16xi1>
      %max3A_2111 = arith.constant 0 : i32
      %max3A_2112 = vector.broadcast %max3A_2111 : i32 to vector<16xi32>
      %max3A_2113 = arith.maxsi %sub3A_2103, %max3A_2112 : vector<16xi32>
      %min3A_2114 = arith.constant 124 : i32
      %min3A_2115 = vector.broadcast %min3A_2114 : i32 to vector<16xi32>
      %min3A_2116 = arith.minsi %max3A_2113, %min3A_2115 : vector<16xi32>
      tpu.vector_store_idx %arg6[%min3A_2116, %add3A_2099], %broadcast_in_dim3A_3 masked %and3A_2110 : memref<125x1024xf32, #tpu.memory_space<vmem>>[vector<16xi32>, vector<16xi32>], vector<16xf32>, vector<16xi1>
      %add3A_2117 = arith.constant 608 : i32
      %add3A_2118 = vector.broadcast %add3A_2117 : i32 to vector<16xi32>
      %add3A_2119 = arith.addi %iota3A, %add3A_2118 : vector<16xi32>
      %get3A_2120 = arith.constant 608 : index
      %get3A_2121 = tpu.vector_load %arg5[%get3A_2120] {strides = array<i32>} : memref<1024xi32, #tpu.memory_space<vmem>>, vector<16xi32>,
      %sub3A_2122 = vector.broadcast %mul3A_78 : i32 to vector<16xi32>
      %sub3A_2123 = arith.subi %get3A_2121, %sub3A_2122 : vector<16xi32>
      %ge3A_2124 = arith.constant 0 : i32
      %ge3A_2125 = vector.broadcast %ge3A_2124 : i32 to vector<16xi32>
      %ge3A_2126 = arith.cmpi sge, %sub3A_2123, %ge3A_2125 : vector<16xi32>
      %lt3A_2127 = arith.constant 125 : i32
      %lt3A_2128 = vector.broadcast %lt3A_2127 : i32 to vector<16xi32>
      %lt3A_2129 = arith.cmpi slt, %sub3A_2123, %lt3A_2128 : vector<16xi32>
      %and3A_2130 = arith.andi %ge3A_2126, %lt3A_2129 : vector<16xi1>
      %max3A_2131 = arith.constant 0 : i32
      %max3A_2132 = vector.broadcast %max3A_2131 : i32 to vector<16xi32>
      %max3A_2133 = arith.maxsi %sub3A_2123, %max3A_2132 : vector<16xi32>
      %min3A_2134 = arith.constant 124 : i32
      %min3A_2135 = vector.broadcast %min3A_2134 : i32 to vector<16xi32>
      %min3A_2136 = arith.minsi %max3A_2133, %min3A_2135 : vector<16xi32>
      tpu.vector_store_idx %arg6[%min3A_2136, %add3A_2119], %broadcast_in_dim3A_3 masked %and3A_2130 : memref<125x1024xf32, #tpu.memory_space<vmem>>[vector<16xi32>, vector<16xi32>], vector<16xf32>, vector<16xi1>
      %add3A_2137 = arith.constant 624 : i32
      %add3A_2138 = vector.broadcast %add3A_2137 : i32 to vector<16xi32>
      %add3A_2139 = arith.addi %iota3A, %add3A_2138 : vector<16xi32>
      %get3A_2140 = arith.constant 624 : index
      %get3A_2141 = tpu.vector_load %arg5[%get3A_2140] {strides = array<i32>} : memref<1024xi32, #tpu.memory_space<vmem>>, vector<16xi32>,
      %sub3A_2142 = vector.broadcast %mul3A_78 : i32 to vector<16xi32>
      %sub3A_2143 = arith.subi %get3A_2141, %sub3A_2142 : vector<16xi32>
      %ge3A_2144 = arith.constant 0 : i32
      %ge3A_2145 = vector.broadcast %ge3A_2144 : i32 to vector<16xi32>
      %ge3A_2146 = arith.cmpi sge, %sub3A_2143, %ge3A_2145 : vector<16xi32>
      %lt3A_2147 = arith.constant 125 : i32
      %lt3A_2148 = vector.broadcast %lt3A_2147 : i32 to vector<16xi32>
      %lt3A_2149 = arith.cmpi slt, %sub3A_2143, %lt3A_2148 : vector<16xi32>
      %and3A_2150 = arith.andi %ge3A_2146, %lt3A_2149 : vector<16xi1>
      %max3A_2151 = arith.constant 0 : i32
      %max3A_2152 = vector.broadcast %max3A_2151 : i32 to vector<16xi32>
      %max3A_2153 = arith.maxsi %sub3A_2143, %max3A_2152 : vector<16xi32>
      %min3A_2154 = arith.constant 124 : i32
      %min3A_2155 = vector.broadcast %min3A_2154 : i32 to vector<16xi32>
      %min3A_2156 = arith.minsi %max3A_2153, %min3A_2155 : vector<16xi32>
      tpu.vector_store_idx %arg6[%min3A_2156, %add3A_2139], %broadcast_in_dim3A_3 masked %and3A_2150 : memref<125x1024xf32, #tpu.memory_space<vmem>>[vector<16xi32>, vector<16xi32>], vector<16xf32>, vector<16xi1>
      %add3A_2157 = arith.constant 640 : i32
      %add3A_2158 = vector.broadcast %add3A_2157 : i32 to vector<16xi32>
      %add3A_2159 = arith.addi %iota3A, %add3A_2158 : vector<16xi32>
      %get3A_2160 = arith.constant 640 : index
      %get3A_2161 = tpu.vector_load %arg5[%get3A_2160] {strides = array<i32>} : memref<1024xi32, #tpu.memory_space<vmem>>, vector<16xi32>,
      %sub3A_2162 = vector.broadcast %mul3A_78 : i32 to vector<16xi32>
      %sub3A_2163 = arith.subi %get3A_2161, %sub3A_2162 : vector<16xi32>
      %ge3A_2164 = arith.constant 0 : i32
      %ge3A_2165 = vector.broadcast %ge3A_2164 : i32 to vector<16xi32>
      %ge3A_2166 = arith.cmpi sge, %sub3A_2163, %ge3A_2165 : vector<16xi32>
      %lt3A_2167 = arith.constant 125 : i32
      %lt3A_2168 = vector.broadcast %lt3A_2167 : i32 to vector<16xi32>
      %lt3A_2169 = arith.cmpi slt, %sub3A_2163, %lt3A_2168 : vector<16xi32>
      %and3A_2170 = arith.andi %ge3A_2166, %lt3A_2169 : vector<16xi1>
      %max3A_2171 = arith.constant 0 : i32
      %max3A_2172 = vector.broadcast %max3A_2171 : i32 to vector<16xi32>
      %max3A_2173 = arith.maxsi %sub3A_2163, %max3A_2172 : vector<16xi32>
      %min3A_2174 = arith.constant 124 : i32
      %min3A_2175 = vector.broadcast %min3A_2174 : i32 to vector<16xi32>
      %min3A_2176 = arith.minsi %max3A_2173, %min3A_2175 : vector<16xi32>
      tpu.vector_store_idx %arg6[%min3A_2176, %add3A_2159], %broadcast_in_dim3A_3 masked %and3A_2170 : memref<125x1024xf32, #tpu.memory_space<vmem>>[vector<16xi32>, vector<16xi32>], vector<16xf32>, vector<16xi1>
      %add3A_2177 = arith.constant 656 : i32
      %add3A_2178 = vector.broadcast %add3A_2177 : i32 to vector<16xi32>
      %add3A_2179 = arith.addi %iota3A, %add3A_2178 : vector<16xi32>
      %get3A_2180 = arith.constant 656 : index
      %get3A_2181 = tpu.vector_load %arg5[%get3A_2180] {strides = array<i32>} : memref<1024xi32, #tpu.memory_space<vmem>>, vector<16xi32>,
      %sub3A_2182 = vector.broadcast %mul3A_78 : i32 to vector<16xi32>
      %sub3A_2183 = arith.subi %get3A_2181, %sub3A_2182 : vector<16xi32>
      %ge3A_2184 = arith.constant 0 : i32
      %ge3A_2185 = vector.broadcast %ge3A_2184 : i32 to vector<16xi32>
      %ge3A_2186 = arith.cmpi sge, %sub3A_2183, %ge3A_2185 : vector<16xi32>
      %lt3A_2187 = arith.constant 125 : i32
      %lt3A_2188 = vector.broadcast %lt3A_2187 : i32 to vector<16xi32>
      %lt3A_2189 = arith.cmpi slt, %sub3A_2183, %lt3A_2188 : vector<16xi32>
      %and3A_2190 = arith.andi %ge3A_2186, %lt3A_2189 : vector<16xi1>
      %max3A_2191 = arith.constant 0 : i32
      %max3A_2192 = vector.broadcast %max3A_2191 : i32 to vector<16xi32>
      %max3A_2193 = arith.maxsi %sub3A_2183, %max3A_2192 : vector<16xi32>
      %min3A_2194 = arith.constant 124 : i32
      %min3A_2195 = vector.broadcast %min3A_2194 : i32 to vector<16xi32>
      %min3A_2196 = arith.minsi %max3A_2193, %min3A_2195 : vector<16xi32>
      tpu.vector_store_idx %arg6[%min3A_2196, %add3A_2179], %broadcast_in_dim3A_3 masked %and3A_2190 : memref<125x1024xf32, #tpu.memory_space<vmem>>[vector<16xi32>, vector<16xi32>], vector<16xf32>, vector<16xi1>
      %add3A_2197 = arith.constant 672 : i32
      %add3A_2198 = vector.broadcast %add3A_2197 : i32 to vector<16xi32>
      %add3A_2199 = arith.addi %iota3A, %add3A_2198 : vector<16xi32>
      %get3A_2200 = arith.constant 672 : index
      %get3A_2201 = tpu.vector_load %arg5[%get3A_2200] {strides = array<i32>} : memref<1024xi32, #tpu.memory_space<vmem>>, vector<16xi32>,
      %sub3A_2202 = vector.broadcast %mul3A_78 : i32 to vector<16xi32>
      %sub3A_2203 = arith.subi %get3A_2201, %sub3A_2202 : vector<16xi32>
      %ge3A_2204 = arith.constant 0 : i32
      %ge3A_2205 = vector.broadcast %ge3A_2204 : i32 to vector<16xi32>
      %ge3A_2206 = arith.cmpi sge, %sub3A_2203, %ge3A_2205 : vector<16xi32>
      %lt3A_2207 = arith.constant 125 : i32
      %lt3A_2208 = vector.broadcast %lt3A_2207 : i32 to vector<16xi32>
      %lt3A_2209 = arith.cmpi slt, %sub3A_2203, %lt3A_2208 : vector<16xi32>
      %and3A_2210 = arith.andi %ge3A_2206, %lt3A_2209 : vector<16xi1>
      %max3A_2211 = arith.constant 0 : i32
      %max3A_2212 = vector.broadcast %max3A_2211 : i32 to vector<16xi32>
      %max3A_2213 = arith.maxsi %sub3A_2203, %max3A_2212 : vector<16xi32>
      %min3A_2214 = arith.constant 124 : i32
      %min3A_2215 = vector.broadcast %min3A_2214 : i32 to vector<16xi32>
      %min3A_2216 = arith.minsi %max3A_2213, %min3A_2215 : vector<16xi32>
      tpu.vector_store_idx %arg6[%min3A_2216, %add3A_2199], %broadcast_in_dim3A_3 masked %and3A_2210 : memref<125x1024xf32, #tpu.memory_space<vmem>>[vector<16xi32>, vector<16xi32>], vector<16xf32>, vector<16xi1>
      %add3A_2217 = arith.constant 688 : i32
      %add3A_2218 = vector.broadcast %add3A_2217 : i32 to vector<16xi32>
      %add3A_2219 = arith.addi %iota3A, %add3A_2218 : vector<16xi32>
      %get3A_2220 = arith.constant 688 : index
      %get3A_2221 = tpu.vector_load %arg5[%get3A_2220] {strides = array<i32>} : memref<1024xi32, #tpu.memory_space<vmem>>, vector<16xi32>,
      %sub3A_2222 = vector.broadcast %mul3A_78 : i32 to vector<16xi32>
      %sub3A_2223 = arith.subi %get3A_2221, %sub3A_2222 : vector<16xi32>
      %ge3A_2224 = arith.constant 0 : i32
      %ge3A_2225 = vector.broadcast %ge3A_2224 : i32 to vector<16xi32>
      %ge3A_2226 = arith.cmpi sge, %sub3A_2223, %ge3A_2225 : vector<16xi32>
      %lt3A_2227 = arith.constant 125 : i32
      %lt3A_2228 = vector.broadcast %lt3A_2227 : i32 to vector<16xi32>
      %lt3A_2229 = arith.cmpi slt, %sub3A_2223, %lt3A_2228 : vector<16xi32>
      %and3A_2230 = arith.andi %ge3A_2226, %lt3A_2229 : vector<16xi1>
      %max3A_2231 = arith.constant 0 : i32
      %max3A_2232 = vector.broadcast %max3A_2231 : i32 to vector<16xi32>
      %max3A_2233 = arith.maxsi %sub3A_2223, %max3A_2232 : vector<16xi32>
      %min3A_2234 = arith.constant 124 : i32
      %min3A_2235 = vector.broadcast %min3A_2234 : i32 to vector<16xi32>
      %min3A_2236 = arith.minsi %max3A_2233, %min3A_2235 : vector<16xi32>
      tpu.vector_store_idx %arg6[%min3A_2236, %add3A_2219], %broadcast_in_dim3A_3 masked %and3A_2230 : memref<125x1024xf32, #tpu.memory_space<vmem>>[vector<16xi32>, vector<16xi32>], vector<16xf32>, vector<16xi1>
      %add3A_2237 = arith.constant 704 : i32
      %add3A_2238 = vector.broadcast %add3A_2237 : i32 to vector<16xi32>
      %add3A_2239 = arith.addi %iota3A, %add3A_2238 : vector<16xi32>
      %get3A_2240 = arith.constant 704 : index
      %get3A_2241 = tpu.vector_load %arg5[%get3A_2240] {strides = array<i32>} : memref<1024xi32, #tpu.memory_space<vmem>>, vector<16xi32>,
      %sub3A_2242 = vector.broadcast %mul3A_78 : i32 to vector<16xi32>
      %sub3A_2243 = arith.subi %get3A_2241, %sub3A_2242 : vector<16xi32>
      %ge3A_2244 = arith.constant 0 : i32
      %ge3A_2245 = vector.broadcast %ge3A_2244 : i32 to vector<16xi32>
      %ge3A_2246 = arith.cmpi sge, %sub3A_2243, %ge3A_2245 : vector<16xi32>
      %lt3A_2247 = arith.constant 125 : i32
      %lt3A_2248 = vector.broadcast %lt3A_2247 : i32 to vector<16xi32>
      %lt3A_2249 = arith.cmpi slt, %sub3A_2243, %lt3A_2248 : vector<16xi32>
      %and3A_2250 = arith.andi %ge3A_2246, %lt3A_2249 : vector<16xi1>
      %max3A_2251 = arith.constant 0 : i32
      %max3A_2252 = vector.broadcast %max3A_2251 : i32 to vector<16xi32>
      %max3A_2253 = arith.maxsi %sub3A_2243, %max3A_2252 : vector<16xi32>
      %min3A_2254 = arith.constant 124 : i32
      %min3A_2255 = vector.broadcast %min3A_2254 : i32 to vector<16xi32>
      %min3A_2256 = arith.minsi %max3A_2253, %min3A_2255 : vector<16xi32>
      tpu.vector_store_idx %arg6[%min3A_2256, %add3A_2239], %broadcast_in_dim3A_3 masked %and3A_2250 : memref<125x1024xf32, #tpu.memory_space<vmem>>[vector<16xi32>, vector<16xi32>], vector<16xf32>, vector<16xi1>
      %add3A_2257 = arith.constant 720 : i32
      %add3A_2258 = vector.broadcast %add3A_2257 : i32 to vector<16xi32>
      %add3A_2259 = arith.addi %iota3A, %add3A_2258 : vector<16xi32>
      %get3A_2260 = arith.constant 720 : index
      %get3A_2261 = tpu.vector_load %arg5[%get3A_2260] {strides = array<i32>} : memref<1024xi32, #tpu.memory_space<vmem>>, vector<16xi32>,
      %sub3A_2262 = vector.broadcast %mul3A_78 : i32 to vector<16xi32>
      %sub3A_2263 = arith.subi %get3A_2261, %sub3A_2262 : vector<16xi32>
      %ge3A_2264 = arith.constant 0 : i32
      %ge3A_2265 = vector.broadcast %ge3A_2264 : i32 to vector<16xi32>
      %ge3A_2266 = arith.cmpi sge, %sub3A_2263, %ge3A_2265 : vector<16xi32>
      %lt3A_2267 = arith.constant 125 : i32
      %lt3A_2268 = vector.broadcast %lt3A_2267 : i32 to vector<16xi32>
      %lt3A_2269 = arith.cmpi slt, %sub3A_2263, %lt3A_2268 : vector<16xi32>
      %and3A_2270 = arith.andi %ge3A_2266, %lt3A_2269 : vector<16xi1>
      %max3A_2271 = arith.constant 0 : i32
      %max3A_2272 = vector.broadcast %max3A_2271 : i32 to vector<16xi32>
      %max3A_2273 = arith.maxsi %sub3A_2263, %max3A_2272 : vector<16xi32>
      %min3A_2274 = arith.constant 124 : i32
      %min3A_2275 = vector.broadcast %min3A_2274 : i32 to vector<16xi32>
      %min3A_2276 = arith.minsi %max3A_2273, %min3A_2275 : vector<16xi32>
      tpu.vector_store_idx %arg6[%min3A_2276, %add3A_2259], %broadcast_in_dim3A_3 masked %and3A_2270 : memref<125x1024xf32, #tpu.memory_space<vmem>>[vector<16xi32>, vector<16xi32>], vector<16xf32>, vector<16xi1>
      %add3A_2277 = arith.constant 736 : i32
      %add3A_2278 = vector.broadcast %add3A_2277 : i32 to vector<16xi32>
      %add3A_2279 = arith.addi %iota3A, %add3A_2278 : vector<16xi32>
      %get3A_2280 = arith.constant 736 : index
      %get3A_2281 = tpu.vector_load %arg5[%get3A_2280] {strides = array<i32>} : memref<1024xi32, #tpu.memory_space<vmem>>, vector<16xi32>,
      %sub3A_2282 = vector.broadcast %mul3A_78 : i32 to vector<16xi32>
      %sub3A_2283 = arith.subi %get3A_2281, %sub3A_2282 : vector<16xi32>
      %ge3A_2284 = arith.constant 0 : i32
      %ge3A_2285 = vector.broadcast %ge3A_2284 : i32 to vector<16xi32>
      %ge3A_2286 = arith.cmpi sge, %sub3A_2283, %ge3A_2285 : vector<16xi32>
      %lt3A_2287 = arith.constant 125 : i32
      %lt3A_2288 = vector.broadcast %lt3A_2287 : i32 to vector<16xi32>
      %lt3A_2289 = arith.cmpi slt, %sub3A_2283, %lt3A_2288 : vector<16xi32>
      %and3A_2290 = arith.andi %ge3A_2286, %lt3A_2289 : vector<16xi1>
      %max3A_2291 = arith.constant 0 : i32
      %max3A_2292 = vector.broadcast %max3A_2291 : i32 to vector<16xi32>
      %max3A_2293 = arith.maxsi %sub3A_2283, %max3A_2292 : vector<16xi32>
      %min3A_2294 = arith.constant 124 : i32
      %min3A_2295 = vector.broadcast %min3A_2294 : i32 to vector<16xi32>
      %min3A_2296 = arith.minsi %max3A_2293, %min3A_2295 : vector<16xi32>
      tpu.vector_store_idx %arg6[%min3A_2296, %add3A_2279], %broadcast_in_dim3A_3 masked %and3A_2290 : memref<125x1024xf32, #tpu.memory_space<vmem>>[vector<16xi32>, vector<16xi32>], vector<16xf32>, vector<16xi1>
      %add3A_2297 = arith.constant 752 : i32
      %add3A_2298 = vector.broadcast %add3A_2297 : i32 to vector<16xi32>
      %add3A_2299 = arith.addi %iota3A, %add3A_2298 : vector<16xi32>
      %get3A_2300 = arith.constant 752 : index
      %get3A_2301 = tpu.vector_load %arg5[%get3A_2300] {strides = array<i32>} : memref<1024xi32, #tpu.memory_space<vmem>>, vector<16xi32>,
      %sub3A_2302 = vector.broadcast %mul3A_78 : i32 to vector<16xi32>
      %sub3A_2303 = arith.subi %get3A_2301, %sub3A_2302 : vector<16xi32>
      %ge3A_2304 = arith.constant 0 : i32
      %ge3A_2305 = vector.broadcast %ge3A_2304 : i32 to vector<16xi32>
      %ge3A_2306 = arith.cmpi sge, %sub3A_2303, %ge3A_2305 : vector<16xi32>
      %lt3A_2307 = arith.constant 125 : i32
      %lt3A_2308 = vector.broadcast %lt3A_2307 : i32 to vector<16xi32>
      %lt3A_2309 = arith.cmpi slt, %sub3A_2303, %lt3A_2308 : vector<16xi32>
      %and3A_2310 = arith.andi %ge3A_2306, %lt3A_2309 : vector<16xi1>
      %max3A_2311 = arith.constant 0 : i32
      %max3A_2312 = vector.broadcast %max3A_2311 : i32 to vector<16xi32>
      %max3A_2313 = arith.maxsi %sub3A_2303, %max3A_2312 : vector<16xi32>
      %min3A_2314 = arith.constant 124 : i32
      %min3A_2315 = vector.broadcast %min3A_2314 : i32 to vector<16xi32>
      %min3A_2316 = arith.minsi %max3A_2313, %min3A_2315 : vector<16xi32>
      tpu.vector_store_idx %arg6[%min3A_2316, %add3A_2299], %broadcast_in_dim3A_3 masked %and3A_2310 : memref<125x1024xf32, #tpu.memory_space<vmem>>[vector<16xi32>, vector<16xi32>], vector<16xf32>, vector<16xi1>
      %add3A_2317 = arith.constant 768 : i32
      %add3A_2318 = vector.broadcast %add3A_2317 : i32 to vector<16xi32>
      %add3A_2319 = arith.addi %iota3A, %add3A_2318 : vector<16xi32>
      %get3A_2320 = arith.constant 768 : index
      %get3A_2321 = tpu.vector_load %arg5[%get3A_2320] {strides = array<i32>} : memref<1024xi32, #tpu.memory_space<vmem>>, vector<16xi32>,
      %sub3A_2322 = vector.broadcast %mul3A_78 : i32 to vector<16xi32>
      %sub3A_2323 = arith.subi %get3A_2321, %sub3A_2322 : vector<16xi32>
      %ge3A_2324 = arith.constant 0 : i32
      %ge3A_2325 = vector.broadcast %ge3A_2324 : i32 to vector<16xi32>
      %ge3A_2326 = arith.cmpi sge, %sub3A_2323, %ge3A_2325 : vector<16xi32>
      %lt3A_2327 = arith.constant 125 : i32
      %lt3A_2328 = vector.broadcast %lt3A_2327 : i32 to vector<16xi32>
      %lt3A_2329 = arith.cmpi slt, %sub3A_2323, %lt3A_2328 : vector<16xi32>
      %and3A_2330 = arith.andi %ge3A_2326, %lt3A_2329 : vector<16xi1>
      %max3A_2331 = arith.constant 0 : i32
      %max3A_2332 = vector.broadcast %max3A_2331 : i32 to vector<16xi32>
      %max3A_2333 = arith.maxsi %sub3A_2323, %max3A_2332 : vector<16xi32>
      %min3A_2334 = arith.constant 124 : i32
      %min3A_2335 = vector.broadcast %min3A_2334 : i32 to vector<16xi32>
      %min3A_2336 = arith.minsi %max3A_2333, %min3A_2335 : vector<16xi32>
      tpu.vector_store_idx %arg6[%min3A_2336, %add3A_2319], %broadcast_in_dim3A_3 masked %and3A_2330 : memref<125x1024xf32, #tpu.memory_space<vmem>>[vector<16xi32>, vector<16xi32>], vector<16xf32>, vector<16xi1>
      %add3A_2337 = arith.constant 784 : i32
      %add3A_2338 = vector.broadcast %add3A_2337 : i32 to vector<16xi32>
      %add3A_2339 = arith.addi %iota3A, %add3A_2338 : vector<16xi32>
      %get3A_2340 = arith.constant 784 : index
      %get3A_2341 = tpu.vector_load %arg5[%get3A_2340] {strides = array<i32>} : memref<1024xi32, #tpu.memory_space<vmem>>, vector<16xi32>,
      %sub3A_2342 = vector.broadcast %mul3A_78 : i32 to vector<16xi32>
      %sub3A_2343 = arith.subi %get3A_2341, %sub3A_2342 : vector<16xi32>
      %ge3A_2344 = arith.constant 0 : i32
      %ge3A_2345 = vector.broadcast %ge3A_2344 : i32 to vector<16xi32>
      %ge3A_2346 = arith.cmpi sge, %sub3A_2343, %ge3A_2345 : vector<16xi32>
      %lt3A_2347 = arith.constant 125 : i32
      %lt3A_2348 = vector.broadcast %lt3A_2347 : i32 to vector<16xi32>
      %lt3A_2349 = arith.cmpi slt, %sub3A_2343, %lt3A_2348 : vector<16xi32>
      %and3A_2350 = arith.andi %ge3A_2346, %lt3A_2349 : vector<16xi1>
      %max3A_2351 = arith.constant 0 : i32
      %max3A_2352 = vector.broadcast %max3A_2351 : i32 to vector<16xi32>
      %max3A_2353 = arith.maxsi %sub3A_2343, %max3A_2352 : vector<16xi32>
      %min3A_2354 = arith.constant 124 : i32
      %min3A_2355 = vector.broadcast %min3A_2354 : i32 to vector<16xi32>
      %min3A_2356 = arith.minsi %max3A_2353, %min3A_2355 : vector<16xi32>
      tpu.vector_store_idx %arg6[%min3A_2356, %add3A_2339], %broadcast_in_dim3A_3 masked %and3A_2350 : memref<125x1024xf32, #tpu.memory_space<vmem>>[vector<16xi32>, vector<16xi32>], vector<16xf32>, vector<16xi1>
      %add3A_2357 = arith.constant 800 : i32
      %add3A_2358 = vector.broadcast %add3A_2357 : i32 to vector<16xi32>
      %add3A_2359 = arith.addi %iota3A, %add3A_2358 : vector<16xi32>
      %get3A_2360 = arith.constant 800 : index
      %get3A_2361 = tpu.vector_load %arg5[%get3A_2360] {strides = array<i32>} : memref<1024xi32, #tpu.memory_space<vmem>>, vector<16xi32>,
      %sub3A_2362 = vector.broadcast %mul3A_78 : i32 to vector<16xi32>
      %sub3A_2363 = arith.subi %get3A_2361, %sub3A_2362 : vector<16xi32>
      %ge3A_2364 = arith.constant 0 : i32
      %ge3A_2365 = vector.broadcast %ge3A_2364 : i32 to vector<16xi32>
      %ge3A_2366 = arith.cmpi sge, %sub3A_2363, %ge3A_2365 : vector<16xi32>
      %lt3A_2367 = arith.constant 125 : i32
      %lt3A_2368 = vector.broadcast %lt3A_2367 : i32 to vector<16xi32>
      %lt3A_2369 = arith.cmpi slt, %sub3A_2363, %lt3A_2368 : vector<16xi32>
      %and3A_2370 = arith.andi %ge3A_2366, %lt3A_2369 : vector<16xi1>
      %max3A_2371 = arith.constant 0 : i32
      %max3A_2372 = vector.broadcast %max3A_2371 : i32 to vector<16xi32>
      %max3A_2373 = arith.maxsi %sub3A_2363, %max3A_2372 : vector<16xi32>
      %min3A_2374 = arith.constant 124 : i32
      %min3A_2375 = vector.broadcast %min3A_2374 : i32 to vector<16xi32>
      %min3A_2376 = arith.minsi %max3A_2373, %min3A_2375 : vector<16xi32>
      tpu.vector_store_idx %arg6[%min3A_2376, %add3A_2359], %broadcast_in_dim3A_3 masked %and3A_2370 : memref<125x1024xf32, #tpu.memory_space<vmem>>[vector<16xi32>, vector<16xi32>], vector<16xf32>, vector<16xi1>
      %add3A_2377 = arith.constant 816 : i32
      %add3A_2378 = vector.broadcast %add3A_2377 : i32 to vector<16xi32>
      %add3A_2379 = arith.addi %iota3A, %add3A_2378 : vector<16xi32>
      %get3A_2380 = arith.constant 816 : index
      %get3A_2381 = tpu.vector_load %arg5[%get3A_2380] {strides = array<i32>} : memref<1024xi32, #tpu.memory_space<vmem>>, vector<16xi32>,
      %sub3A_2382 = vector.broadcast %mul3A_78 : i32 to vector<16xi32>
      %sub3A_2383 = arith.subi %get3A_2381, %sub3A_2382 : vector<16xi32>
      %ge3A_2384 = arith.constant 0 : i32
      %ge3A_2385 = vector.broadcast %ge3A_2384 : i32 to vector<16xi32>
      %ge3A_2386 = arith.cmpi sge, %sub3A_2383, %ge3A_2385 : vector<16xi32>
      %lt3A_2387 = arith.constant 125 : i32
      %lt3A_2388 = vector.broadcast %lt3A_2387 : i32 to vector<16xi32>
      %lt3A_2389 = arith.cmpi slt, %sub3A_2383, %lt3A_2388 : vector<16xi32>
      %and3A_2390 = arith.andi %ge3A_2386, %lt3A_2389 : vector<16xi1>
      %max3A_2391 = arith.constant 0 : i32
      %max3A_2392 = vector.broadcast %max3A_2391 : i32 to vector<16xi32>
      %max3A_2393 = arith.maxsi %sub3A_2383, %max3A_2392 : vector<16xi32>
      %min3A_2394 = arith.constant 124 : i32
      %min3A_2395 = vector.broadcast %min3A_2394 : i32 to vector<16xi32>
      %min3A_2396 = arith.minsi %max3A_2393, %min3A_2395 : vector<16xi32>
      tpu.vector_store_idx %arg6[%min3A_2396, %add3A_2379], %broadcast_in_dim3A_3 masked %and3A_2390 : memref<125x1024xf32, #tpu.memory_space<vmem>>[vector<16xi32>, vector<16xi32>], vector<16xf32>, vector<16xi1>
      %add3A_2397 = arith.constant 832 : i32
      %add3A_2398 = vector.broadcast %add3A_2397 : i32 to vector<16xi32>
      %add3A_2399 = arith.addi %iota3A, %add3A_2398 : vector<16xi32>
      %get3A_2400 = arith.constant 832 : index
      %get3A_2401 = tpu.vector_load %arg5[%get3A_2400] {strides = array<i32>} : memref<1024xi32, #tpu.memory_space<vmem>>, vector<16xi32>,
      %sub3A_2402 = vector.broadcast %mul3A_78 : i32 to vector<16xi32>
      %sub3A_2403 = arith.subi %get3A_2401, %sub3A_2402 : vector<16xi32>
      %ge3A_2404 = arith.constant 0 : i32
      %ge3A_2405 = vector.broadcast %ge3A_2404 : i32 to vector<16xi32>
      %ge3A_2406 = arith.cmpi sge, %sub3A_2403, %ge3A_2405 : vector<16xi32>
      %lt3A_2407 = arith.constant 125 : i32
      %lt3A_2408 = vector.broadcast %lt3A_2407 : i32 to vector<16xi32>
      %lt3A_2409 = arith.cmpi slt, %sub3A_2403, %lt3A_2408 : vector<16xi32>
      %and3A_2410 = arith.andi %ge3A_2406, %lt3A_2409 : vector<16xi1>
      %max3A_2411 = arith.constant 0 : i32
      %max3A_2412 = vector.broadcast %max3A_2411 : i32 to vector<16xi32>
      %max3A_2413 = arith.maxsi %sub3A_2403, %max3A_2412 : vector<16xi32>
      %min3A_2414 = arith.constant 124 : i32
      %min3A_2415 = vector.broadcast %min3A_2414 : i32 to vector<16xi32>
      %min3A_2416 = arith.minsi %max3A_2413, %min3A_2415 : vector<16xi32>
      tpu.vector_store_idx %arg6[%min3A_2416, %add3A_2399], %broadcast_in_dim3A_3 masked %and3A_2410 : memref<125x1024xf32, #tpu.memory_space<vmem>>[vector<16xi32>, vector<16xi32>], vector<16xf32>, vector<16xi1>
      %add3A_2417 = arith.constant 848 : i32
      %add3A_2418 = vector.broadcast %add3A_2417 : i32 to vector<16xi32>
      %add3A_2419 = arith.addi %iota3A, %add3A_2418 : vector<16xi32>
      %get3A_2420 = arith.constant 848 : index
      %get3A_2421 = tpu.vector_load %arg5[%get3A_2420] {strides = array<i32>} : memref<1024xi32, #tpu.memory_space<vmem>>, vector<16xi32>,
      %sub3A_2422 = vector.broadcast %mul3A_78 : i32 to vector<16xi32>
      %sub3A_2423 = arith.subi %get3A_2421, %sub3A_2422 : vector<16xi32>
      %ge3A_2424 = arith.constant 0 : i32
      %ge3A_2425 = vector.broadcast %ge3A_2424 : i32 to vector<16xi32>
      %ge3A_2426 = arith.cmpi sge, %sub3A_2423, %ge3A_2425 : vector<16xi32>
      %lt3A_2427 = arith.constant 125 : i32
      %lt3A_2428 = vector.broadcast %lt3A_2427 : i32 to vector<16xi32>
      %lt3A_2429 = arith.cmpi slt, %sub3A_2423, %lt3A_2428 : vector<16xi32>
      %and3A_2430 = arith.andi %ge3A_2426, %lt3A_2429 : vector<16xi1>
      %max3A_2431 = arith.constant 0 : i32
      %max3A_2432 = vector.broadcast %max3A_2431 : i32 to vector<16xi32>
      %max3A_2433 = arith.maxsi %sub3A_2423, %max3A_2432 : vector<16xi32>
      %min3A_2434 = arith.constant 124 : i32
      %min3A_2435 = vector.broadcast %min3A_2434 : i32 to vector<16xi32>
      %min3A_2436 = arith.minsi %max3A_2433, %min3A_2435 : vector<16xi32>
      tpu.vector_store_idx %arg6[%min3A_2436, %add3A_2419], %broadcast_in_dim3A_3 masked %and3A_2430 : memref<125x1024xf32, #tpu.memory_space<vmem>>[vector<16xi32>, vector<16xi32>], vector<16xf32>, vector<16xi1>
      %add3A_2437 = arith.constant 864 : i32
      %add3A_2438 = vector.broadcast %add3A_2437 : i32 to vector<16xi32>
      %add3A_2439 = arith.addi %iota3A, %add3A_2438 : vector<16xi32>
      %get3A_2440 = arith.constant 864 : index
      %get3A_2441 = tpu.vector_load %arg5[%get3A_2440] {strides = array<i32>} : memref<1024xi32, #tpu.memory_space<vmem>>, vector<16xi32>,
      %sub3A_2442 = vector.broadcast %mul3A_78 : i32 to vector<16xi32>
      %sub3A_2443 = arith.subi %get3A_2441, %sub3A_2442 : vector<16xi32>
      %ge3A_2444 = arith.constant 0 : i32
      %ge3A_2445 = vector.broadcast %ge3A_2444 : i32 to vector<16xi32>
      %ge3A_2446 = arith.cmpi sge, %sub3A_2443, %ge3A_2445 : vector<16xi32>
      %lt3A_2447 = arith.constant 125 : i32
      %lt3A_2448 = vector.broadcast %lt3A_2447 : i32 to vector<16xi32>
      %lt3A_2449 = arith.cmpi slt, %sub3A_2443, %lt3A_2448 : vector<16xi32>
      %and3A_2450 = arith.andi %ge3A_2446, %lt3A_2449 : vector<16xi1>
      %max3A_2451 = arith.constant 0 : i32
      %max3A_2452 = vector.broadcast %max3A_2451 : i32 to vector<16xi32>
      %max3A_2453 = arith.maxsi %sub3A_2443, %max3A_2452 : vector<16xi32>
      %min3A_2454 = arith.constant 124 : i32
      %min3A_2455 = vector.broadcast %min3A_2454 : i32 to vector<16xi32>
      %min3A_2456 = arith.minsi %max3A_2453, %min3A_2455 : vector<16xi32>
      tpu.vector_store_idx %arg6[%min3A_2456, %add3A_2439], %broadcast_in_dim3A_3 masked %and3A_2450 : memref<125x1024xf32, #tpu.memory_space<vmem>>[vector<16xi32>, vector<16xi32>], vector<16xf32>, vector<16xi1>
      %add3A_2457 = arith.constant 880 : i32
      %add3A_2458 = vector.broadcast %add3A_2457 : i32 to vector<16xi32>
      %add3A_2459 = arith.addi %iota3A, %add3A_2458 : vector<16xi32>
      %get3A_2460 = arith.constant 880 : index
      %get3A_2461 = tpu.vector_load %arg5[%get3A_2460] {strides = array<i32>} : memref<1024xi32, #tpu.memory_space<vmem>>, vector<16xi32>,
      %sub3A_2462 = vector.broadcast %mul3A_78 : i32 to vector<16xi32>
      %sub3A_2463 = arith.subi %get3A_2461, %sub3A_2462 : vector<16xi32>
      %ge3A_2464 = arith.constant 0 : i32
      %ge3A_2465 = vector.broadcast %ge3A_2464 : i32 to vector<16xi32>
      %ge3A_2466 = arith.cmpi sge, %sub3A_2463, %ge3A_2465 : vector<16xi32>
      %lt3A_2467 = arith.constant 125 : i32
      %lt3A_2468 = vector.broadcast %lt3A_2467 : i32 to vector<16xi32>
      %lt3A_2469 = arith.cmpi slt, %sub3A_2463, %lt3A_2468 : vector<16xi32>
      %and3A_2470 = arith.andi %ge3A_2466, %lt3A_2469 : vector<16xi1>
      %max3A_2471 = arith.constant 0 : i32
      %max3A_2472 = vector.broadcast %max3A_2471 : i32 to vector<16xi32>
      %max3A_2473 = arith.maxsi %sub3A_2463, %max3A_2472 : vector<16xi32>
      %min3A_2474 = arith.constant 124 : i32
      %min3A_2475 = vector.broadcast %min3A_2474 : i32 to vector<16xi32>
      %min3A_2476 = arith.minsi %max3A_2473, %min3A_2475 : vector<16xi32>
      tpu.vector_store_idx %arg6[%min3A_2476, %add3A_2459], %broadcast_in_dim3A_3 masked %and3A_2470 : memref<125x1024xf32, #tpu.memory_space<vmem>>[vector<16xi32>, vector<16xi32>], vector<16xf32>, vector<16xi1>
      %add3A_2477 = arith.constant 896 : i32
      %add3A_2478 = vector.broadcast %add3A_2477 : i32 to vector<16xi32>
      %add3A_2479 = arith.addi %iota3A, %add3A_2478 : vector<16xi32>
      %get3A_2480 = arith.constant 896 : index
      %get3A_2481 = tpu.vector_load %arg5[%get3A_2480] {strides = array<i32>} : memref<1024xi32, #tpu.memory_space<vmem>>, vector<16xi32>,
      %sub3A_2482 = vector.broadcast %mul3A_78 : i32 to vector<16xi32>
      %sub3A_2483 = arith.subi %get3A_2481, %sub3A_2482 : vector<16xi32>
      %ge3A_2484 = arith.constant 0 : i32
      %ge3A_2485 = vector.broadcast %ge3A_2484 : i32 to vector<16xi32>
      %ge3A_2486 = arith.cmpi sge, %sub3A_2483, %ge3A_2485 : vector<16xi32>
      %lt3A_2487 = arith.constant 125 : i32
      %lt3A_2488 = vector.broadcast %lt3A_2487 : i32 to vector<16xi32>
      %lt3A_2489 = arith.cmpi slt, %sub3A_2483, %lt3A_2488 : vector<16xi32>
      %and3A_2490 = arith.andi %ge3A_2486, %lt3A_2489 : vector<16xi1>
      %max3A_2491 = arith.constant 0 : i32
      %max3A_2492 = vector.broadcast %max3A_2491 : i32 to vector<16xi32>
      %max3A_2493 = arith.maxsi %sub3A_2483, %max3A_2492 : vector<16xi32>
      %min3A_2494 = arith.constant 124 : i32
      %min3A_2495 = vector.broadcast %min3A_2494 : i32 to vector<16xi32>
      %min3A_2496 = arith.minsi %max3A_2493, %min3A_2495 : vector<16xi32>
      tpu.vector_store_idx %arg6[%min3A_2496, %add3A_2479], %broadcast_in_dim3A_3 masked %and3A_2490 : memref<125x1024xf32, #tpu.memory_space<vmem>>[vector<16xi32>, vector<16xi32>], vector<16xf32>, vector<16xi1>
      %add3A_2497 = arith.constant 912 : i32
      %add3A_2498 = vector.broadcast %add3A_2497 : i32 to vector<16xi32>
      %add3A_2499 = arith.addi %iota3A, %add3A_2498 : vector<16xi32>
      %get3A_2500 = arith.constant 912 : index
      %get3A_2501 = tpu.vector_load %arg5[%get3A_2500] {strides = array<i32>} : memref<1024xi32, #tpu.memory_space<vmem>>, vector<16xi32>,
      %sub3A_2502 = vector.broadcast %mul3A_78 : i32 to vector<16xi32>
      %sub3A_2503 = arith.subi %get3A_2501, %sub3A_2502 : vector<16xi32>
      %ge3A_2504 = arith.constant 0 : i32
      %ge3A_2505 = vector.broadcast %ge3A_2504 : i32 to vector<16xi32>
      %ge3A_2506 = arith.cmpi sge, %sub3A_2503, %ge3A_2505 : vector<16xi32>
      %lt3A_2507 = arith.constant 125 : i32
      %lt3A_2508 = vector.broadcast %lt3A_2507 : i32 to vector<16xi32>
      %lt3A_2509 = arith.cmpi slt, %sub3A_2503, %lt3A_2508 : vector<16xi32>
      %and3A_2510 = arith.andi %ge3A_2506, %lt3A_2509 : vector<16xi1>
      %max3A_2511 = arith.constant 0 : i32
      %max3A_2512 = vector.broadcast %max3A_2511 : i32 to vector<16xi32>
      %max3A_2513 = arith.maxsi %sub3A_2503, %max3A_2512 : vector<16xi32>
      %min3A_2514 = arith.constant 124 : i32
      %min3A_2515 = vector.broadcast %min3A_2514 : i32 to vector<16xi32>
      %min3A_2516 = arith.minsi %max3A_2513, %min3A_2515 : vector<16xi32>
      tpu.vector_store_idx %arg6[%min3A_2516, %add3A_2499], %broadcast_in_dim3A_3 masked %and3A_2510 : memref<125x1024xf32, #tpu.memory_space<vmem>>[vector<16xi32>, vector<16xi32>], vector<16xf32>, vector<16xi1>
      %add3A_2517 = arith.constant 928 : i32
      %add3A_2518 = vector.broadcast %add3A_2517 : i32 to vector<16xi32>
      %add3A_2519 = arith.addi %iota3A, %add3A_2518 : vector<16xi32>
      %get3A_2520 = arith.constant 928 : index
      %get3A_2521 = tpu.vector_load %arg5[%get3A_2520] {strides = array<i32>} : memref<1024xi32, #tpu.memory_space<vmem>>, vector<16xi32>,
      %sub3A_2522 = vector.broadcast %mul3A_78 : i32 to vector<16xi32>
      %sub3A_2523 = arith.subi %get3A_2521, %sub3A_2522 : vector<16xi32>
      %ge3A_2524 = arith.constant 0 : i32
      %ge3A_2525 = vector.broadcast %ge3A_2524 : i32 to vector<16xi32>
      %ge3A_2526 = arith.cmpi sge, %sub3A_2523, %ge3A_2525 : vector<16xi32>
      %lt3A_2527 = arith.constant 125 : i32
      %lt3A_2528 = vector.broadcast %lt3A_2527 : i32 to vector<16xi32>
      %lt3A_2529 = arith.cmpi slt, %sub3A_2523, %lt3A_2528 : vector<16xi32>
      %and3A_2530 = arith.andi %ge3A_2526, %lt3A_2529 : vector<16xi1>
      %max3A_2531 = arith.constant 0 : i32
      %max3A_2532 = vector.broadcast %max3A_2531 : i32 to vector<16xi32>
      %max3A_2533 = arith.maxsi %sub3A_2523, %max3A_2532 : vector<16xi32>
      %min3A_2534 = arith.constant 124 : i32
      %min3A_2535 = vector.broadcast %min3A_2534 : i32 to vector<16xi32>
      %min3A_2536 = arith.minsi %max3A_2533, %min3A_2535 : vector<16xi32>
      tpu.vector_store_idx %arg6[%min3A_2536, %add3A_2519], %broadcast_in_dim3A_3 masked %and3A_2530 : memref<125x1024xf32, #tpu.memory_space<vmem>>[vector<16xi32>, vector<16xi32>], vector<16xf32>, vector<16xi1>
      %add3A_2537 = arith.constant 944 : i32
      %add3A_2538 = vector.broadcast %add3A_2537 : i32 to vector<16xi32>
      %add3A_2539 = arith.addi %iota3A, %add3A_2538 : vector<16xi32>
      %get3A_2540 = arith.constant 944 : index
      %get3A_2541 = tpu.vector_load %arg5[%get3A_2540] {strides = array<i32>} : memref<1024xi32, #tpu.memory_space<vmem>>, vector<16xi32>,
      %sub3A_2542 = vector.broadcast %mul3A_78 : i32 to vector<16xi32>
      %sub3A_2543 = arith.subi %get3A_2541, %sub3A_2542 : vector<16xi32>
      %ge3A_2544 = arith.constant 0 : i32
      %ge3A_2545 = vector.broadcast %ge3A_2544 : i32 to vector<16xi32>
      %ge3A_2546 = arith.cmpi sge, %sub3A_2543, %ge3A_2545 : vector<16xi32>
      %lt3A_2547 = arith.constant 125 : i32
      %lt3A_2548 = vector.broadcast %lt3A_2547 : i32 to vector<16xi32>
      %lt3A_2549 = arith.cmpi slt, %sub3A_2543, %lt3A_2548 : vector<16xi32>
      %and3A_2550 = arith.andi %ge3A_2546, %lt3A_2549 : vector<16xi1>
      %max3A_2551 = arith.constant 0 : i32
      %max3A_2552 = vector.broadcast %max3A_2551 : i32 to vector<16xi32>
      %max3A_2553 = arith.maxsi %sub3A_2543, %max3A_2552 : vector<16xi32>
      %min3A_2554 = arith.constant 124 : i32
      %min3A_2555 = vector.broadcast %min3A_2554 : i32 to vector<16xi32>
      %min3A_2556 = arith.minsi %max3A_2553, %min3A_2555 : vector<16xi32>
      tpu.vector_store_idx %arg6[%min3A_2556, %add3A_2539], %broadcast_in_dim3A_3 masked %and3A_2550 : memref<125x1024xf32, #tpu.memory_space<vmem>>[vector<16xi32>, vector<16xi32>], vector<16xf32>, vector<16xi1>
      %add3A_2557 = arith.constant 960 : i32
      %add3A_2558 = vector.broadcast %add3A_2557 : i32 to vector<16xi32>
      %add3A_2559 = arith.addi %iota3A, %add3A_2558 : vector<16xi32>
      %get3A_2560 = arith.constant 960 : index
      %get3A_2561 = tpu.vector_load %arg5[%get3A_2560] {strides = array<i32>} : memref<1024xi32, #tpu.memory_space<vmem>>, vector<16xi32>,
      %sub3A_2562 = vector.broadcast %mul3A_78 : i32 to vector<16xi32>
      %sub3A_2563 = arith.subi %get3A_2561, %sub3A_2562 : vector<16xi32>
      %ge3A_2564 = arith.constant 0 : i32
      %ge3A_2565 = vector.broadcast %ge3A_2564 : i32 to vector<16xi32>
      %ge3A_2566 = arith.cmpi sge, %sub3A_2563, %ge3A_2565 : vector<16xi32>
      %lt3A_2567 = arith.constant 125 : i32
      %lt3A_2568 = vector.broadcast %lt3A_2567 : i32 to vector<16xi32>
      %lt3A_2569 = arith.cmpi slt, %sub3A_2563, %lt3A_2568 : vector<16xi32>
      %and3A_2570 = arith.andi %ge3A_2566, %lt3A_2569 : vector<16xi1>
      %max3A_2571 = arith.constant 0 : i32
      %max3A_2572 = vector.broadcast %max3A_2571 : i32 to vector<16xi32>
      %max3A_2573 = arith.maxsi %sub3A_2563, %max3A_2572 : vector<16xi32>
      %min3A_2574 = arith.constant 124 : i32
      %min3A_2575 = vector.broadcast %min3A_2574 : i32 to vector<16xi32>
      %min3A_2576 = arith.minsi %max3A_2573, %min3A_2575 : vector<16xi32>
      tpu.vector_store_idx %arg6[%min3A_2576, %add3A_2559], %broadcast_in_dim3A_3 masked %and3A_2570 : memref<125x1024xf32, #tpu.memory_space<vmem>>[vector<16xi32>, vector<16xi32>], vector<16xf32>, vector<16xi1>
      %add3A_2577 = arith.constant 976 : i32
      %add3A_2578 = vector.broadcast %add3A_2577 : i32 to vector<16xi32>
      %add3A_2579 = arith.addi %iota3A, %add3A_2578 : vector<16xi32>
      %get3A_2580 = arith.constant 976 : index
      %get3A_2581 = tpu.vector_load %arg5[%get3A_2580] {strides = array<i32>} : memref<1024xi32, #tpu.memory_space<vmem>>, vector<16xi32>,
      %sub3A_2582 = vector.broadcast %mul3A_78 : i32 to vector<16xi32>
      %sub3A_2583 = arith.subi %get3A_2581, %sub3A_2582 : vector<16xi32>
      %ge3A_2584 = arith.constant 0 : i32
      %ge3A_2585 = vector.broadcast %ge3A_2584 : i32 to vector<16xi32>
      %ge3A_2586 = arith.cmpi sge, %sub3A_2583, %ge3A_2585 : vector<16xi32>
      %lt3A_2587 = arith.constant 125 : i32
      %lt3A_2588 = vector.broadcast %lt3A_2587 : i32 to vector<16xi32>
      %lt3A_2589 = arith.cmpi slt, %sub3A_2583, %lt3A_2588 : vector<16xi32>
      %and3A_2590 = arith.andi %ge3A_2586, %lt3A_2589 : vector<16xi1>
      %max3A_2591 = arith.constant 0 : i32
      %max3A_2592 = vector.broadcast %max3A_2591 : i32 to vector<16xi32>
      %max3A_2593 = arith.maxsi %sub3A_2583, %max3A_2592 : vector<16xi32>
      %min3A_2594 = arith.constant 124 : i32
      %min3A_2595 = vector.broadcast %min3A_2594 : i32 to vector<16xi32>
      %min3A_2596 = arith.minsi %max3A_2593, %min3A_2595 : vector<16xi32>
      tpu.vector_store_idx %arg6[%min3A_2596, %add3A_2579], %broadcast_in_dim3A_3 masked %and3A_2590 : memref<125x1024xf32, #tpu.memory_space<vmem>>[vector<16xi32>, vector<16xi32>], vector<16xf32>, vector<16xi1>
      %add3A_2597 = arith.constant 992 : i32
      %add3A_2598 = vector.broadcast %add3A_2597 : i32 to vector<16xi32>
      %add3A_2599 = arith.addi %iota3A, %add3A_2598 : vector<16xi32>
      %get3A_2600 = arith.constant 992 : index
      %get3A_2601 = tpu.vector_load %arg5[%get3A_2600] {strides = array<i32>} : memref<1024xi32, #tpu.memory_space<vmem>>, vector<16xi32>,
      %sub3A_2602 = vector.broadcast %mul3A_78 : i32 to vector<16xi32>
      %sub3A_2603 = arith.subi %get3A_2601, %sub3A_2602 : vector<16xi32>
      %ge3A_2604 = arith.constant 0 : i32
      %ge3A_2605 = vector.broadcast %ge3A_2604 : i32 to vector<16xi32>
      %ge3A_2606 = arith.cmpi sge, %sub3A_2603, %ge3A_2605 : vector<16xi32>
      %lt3A_2607 = arith.constant 125 : i32
      %lt3A_2608 = vector.broadcast %lt3A_2607 : i32 to vector<16xi32>
      %lt3A_2609 = arith.cmpi slt, %sub3A_2603, %lt3A_2608 : vector<16xi32>
      %and3A_2610 = arith.andi %ge3A_2606, %lt3A_2609 : vector<16xi1>
      %max3A_2611 = arith.constant 0 : i32
      %max3A_2612 = vector.broadcast %max3A_2611 : i32 to vector<16xi32>
      %max3A_2613 = arith.maxsi %sub3A_2603, %max3A_2612 : vector<16xi32>
      %min3A_2614 = arith.constant 124 : i32
      %min3A_2615 = vector.broadcast %min3A_2614 : i32 to vector<16xi32>
      %min3A_2616 = arith.minsi %max3A_2613, %min3A_2615 : vector<16xi32>
      tpu.vector_store_idx %arg6[%min3A_2616, %add3A_2599], %broadcast_in_dim3A_3 masked %and3A_2610 : memref<125x1024xf32, #tpu.memory_space<vmem>>[vector<16xi32>, vector<16xi32>], vector<16xf32>, vector<16xi1>
      %add3A_2617 = arith.constant 1008 : i32
      %add3A_2618 = vector.broadcast %add3A_2617 : i32 to vector<16xi32>
      %add3A_2619 = arith.addi %iota3A, %add3A_2618 : vector<16xi32>
      %get3A_2620 = arith.constant 1008 : index
      %get3A_2621 = tpu.vector_load %arg5[%get3A_2620] {strides = array<i32>} : memref<1024xi32, #tpu.memory_space<vmem>>, vector<16xi32>,
      %sub3A_2622 = vector.broadcast %mul3A_78 : i32 to vector<16xi32>
      %sub3A_2623 = arith.subi %get3A_2621, %sub3A_2622 : vector<16xi32>
      %ge3A_2624 = arith.constant 0 : i32
      %ge3A_2625 = vector.broadcast %ge3A_2624 : i32 to vector<16xi32>
      %ge3A_2626 = arith.cmpi sge, %sub3A_2623, %ge3A_2625 : vector<16xi32>
      %lt3A_2627 = arith.constant 125 : i32
      %lt3A_2628 = vector.broadcast %lt3A_2627 : i32 to vector<16xi32>
      %lt3A_2629 = arith.cmpi slt, %sub3A_2623, %lt3A_2628 : vector<16xi32>
      %and3A_2630 = arith.andi %ge3A_2626, %lt3A_2629 : vector<16xi1>
      %max3A_2631 = arith.constant 0 : i32
      %max3A_2632 = vector.broadcast %max3A_2631 : i32 to vector<16xi32>
      %max3A_2633 = arith.maxsi %sub3A_2623, %max3A_2632 : vector<16xi32>
      %min3A_2634 = arith.constant 124 : i32
      %min3A_2635 = vector.broadcast %min3A_2634 : i32 to vector<16xi32>
      %min3A_2636 = arith.minsi %max3A_2633, %min3A_2635 : vector<16xi32>
      tpu.vector_store_idx %arg6[%min3A_2636, %add3A_2619], %broadcast_in_dim3A_3 masked %and3A_2630 : memref<125x1024xf32, #tpu.memory_space<vmem>>[vector<16xi32>, vector<16xi32>], vector<16xf32>, vector<16xi1>
    }
    return
  }
}

</mosaic_0001>

<sc_bundles>
// kernel: kernel.3.cloned.1.call-start
scs
__scs_entry_jumppad:
0x0: {  	(pc) =	sbr.rel $0x88, $3  }
0x1: {  	(tag) =	ssettag $0x0;
	lr =	simm.s32 $0x1  }
0x2: {  	[smem:$0x3FA0] =	sst lr;
	_ =	strace $0xD0000000  }
0x3: {  	_ = 	snop  }
0x4: {  	_ = 	snop  }
0x5: {  	_ = 	snop  }
0x6: {  	_ = 	snop  }
0x7: {  	_ = 	snop  }
__scs_overlays_trampoline_lowered:
0x8: {  	[smem:$0x3FAF] =	sst s0  }
0x9: {  	[smem:$0x3FB0] =	sst s1  }
0xa: {  	[smem:$0x3FB1] =	sst s2  }
0xb: {  	[smem:$0x3FB2] =	sst s3  }
0xc: {  	[smem:$0x3FB3] =	sst s4  }
0xd: {  	[smem:$0x3FB4] =	sst s5  }
0xe: {  	[smem:$0x3FB5] =	sst s6  }
0xf: {  	[smem:$0x3FB6] =	sst s7  }
0x10: {  	[smem:$0x3FB7] =	sst s8  }
0x11: {  	[smem:$0x3FB8] =	sst s9;
	s0 =	simm.s32 @!p0 $0x0  }
0x12: {  	s1 =	sld [smem:$0x3F9E];
	s0 =	simm.s32 @p0 $0x1  }
0x13: {  	[smem:$0x3FB9] =	sst s0;
	s0 =	simm.s32 @!p1 $0x0  }
0x14: {  	s2 =	sld [smem:$0x3F9D];
	s0 =	simm.s32 @p1 $0x1  }
0x15: {  	[smem:$0x3FBA] =	sst s0;
	s0 =	simm.s32 @!p2 $0x0  }
0x16: {  	s3 =	sld [smem:$0x3FDB];
	s0 =	simm.s32 @p2 $0x1  }
0x17: {  	s4 =	simm.s32 $0x1BF5;
	[smem:$0x3FBC] =	sst s0  }
0x18: {  	s0 =	sld [smem:$0x3F9F];
	_ =	swait.ge [sflag:s4], $0x0  }
0x19: {  	s7 =	sld [smem:$0x3FA0]  }
0x1a: {  	s8 =	sadd.s32 $0xFFFFE003, lr  }
0x1b: {  	s9 =	sadd.s32 $0xFFFFFEF7, lr;
	s5 =	simm.s32 $0xFFFFFFFF;
	p2 =	slt.u32 s8, $0xFFFFF086  }
0x1c: {  	p1 =	slt.u32 s9, $0xF7A;
	s5 =	simm.s32 @!p2 $0x0  }
0x1d: {  	s5 =	simm.s32 @p1 $0x1;
	p0 =	seq.s32 s7, s2  }
0x1e: {  	s7 =	smul.u32 @!p0 $0xF7A, s2;
	p2 =	seq.s32 @!p0 s5, $0x0  }
0x1f: {  	s9 =	smul.u32 $0xF7A, s1;
	s8 =	simm.s32 @!p0 $0x1BF5;
	p2 =	por !p2, p0  }
0x20: {  	[sflag:s8] =	ssyncset.s32 @!p0 $0xFFFFF086;
	s6 =	sadd.s32 @!p0 s3, s7;
	s7 =	simm.s32 @!p0 $0x108  }
0x21: {  	s3 =	sadd.s32 s3, s9;
	s6 =	sadd.s32 @!p0 $0x88, s6;
	s7 =	simm.s32 @p2 $0x1082  }
0x22: {  	[simem:s7], [sflag:s8] =	dma.local @!p0 [hbm:s6], $0xF7A  }
0x23: {  	s9 =	sor.u32 $0xD0000000, s2;
	s6 =	simm.s32 $0x108;
	_ =	swait.ge @!p0 [sflag:s8], $0x0  }
0x24: {  	s3 =	sadd.s32 $0x88, s3;
	s6 =	simm.s32 @!p1 $0x1082;
	[sflag:s4] =	ssyncset.s32 $0xFFFFF086  }
0x25: {  	[simem:s6], [sflag:s4] =	dma.local [hbm:s3], $0xF7A  }
0x26: {  	[smem:$0x3FA0] =	sst s1;
	(tag) =	ssettag s2;
	_ =	strace s9  }
0x27: {  	s1 =	sld [smem:$0x3FB0]  }
0x28: {  	s2 =	sld [smem:$0x3FB1]  }
0x29: {  	s4 =	sld [smem:$0x3FB3]  }
0x2a: {  	p0 =	seq.s32 s5, $0x0;
	s5 =	sld [smem:$0x3FB4]  }
0x2b: {  	s6 =	sld [smem:$0x3FB5]  }
0x2c: {  	s7 =	sld [smem:$0x3FB6]  }
0x2d: {  	s3 =	simm.s32 $0x108;
	s8 =	sld [smem:$0x3FB7]  }
0x2e: {  	s3 =	simm.s32 @!p0 $0x1082;
	s9 =	sld [smem:$0x3FB8]  }
0x2f: {  	lr =	sadd.s32 s0, s3;
	s0 =	sld [smem:$0x3FAF]  }
0x30: {  	s3 =	sld [smem:$0x3FB2]  }
0x31: {  	[smem:$0x3FBB] =	sst s10  }
0x32: {  	s10 =	sld [smem:$0x3FB9];
	_ =	sdelay $0x3  }
0x33: {  	p0 =	seq.s32 s10, $0x1;
	s10 =	sld [smem:$0x3FBB];
	_ =	sdelay $0x3  }
0x34: {  	[smem:$0x3FBB] =	sst s10  }
0x35: {  	s10 =	sld [smem:$0x3FBA];
	_ =	sdelay $0x3  }
0x36: {  	p1 =	seq.s32 s10, $0x1;
	s10 =	sld [smem:$0x3FBB];
	_ =	sdelay $0x3  }
0x37: {  	[smem:$0x3FBB] =	sst s10  }
0x38: {  	s10 =	sld [smem:$0x3FBC]  }
0x39: {  	_ = 	snop;
	(pc) =	sbr.ind lr, $3  }
0x3a: {  	_ = 	snop  }
0x3b: {  	_ = 	snop  }
0x3c: {  	p2 =	seq.s32 s10, $0x1;
	s10 =	sld [smem:$0x3FBB]  }
0x3d: {  	_ =	shalt  }
0x3e: {  	_ =	shalt  }
0x3f: {  	_ =	shalt  }
0x40: {  	_ =	shalt  }
0x41: {  	_ =	shalt  }
0x42: {  	_ =	shalt  }
0x43: {  	_ =	shalt  }
0x44: {  	_ =	shalt  }
0x45: {  	_ =	shalt  }
0x46: {  	_ =	shalt  }
0x47: {  	_ =	shalt  }
0x48: {  	_ =	shalt  }
0x49: {  	_ =	shalt  }
0x4a: {  	_ =	shalt  }
0x4b: {  	_ =	shalt  }
0x4c: {  	_ =	shalt  }
0x4d: {  	_ =	shalt  }
0x4e: {  	_ =	shalt  }
0x4f: {  	_ =	shalt  }
0x50: {  	_ =	shalt  }
0x51: {  	_ =	shalt  }
0x52: {  	_ =	shalt  }
0x53: {  	_ =	shalt  }
0x54: {  	_ =	shalt  }
0x55: {  	_ =	shalt  }
0x56: {  	_ =	shalt  }
0x57: {  	_ =	shalt  }
0x58: {  	_ =	shalt  }
0x59: {  	_ =	shalt  }
0x5a: {  	_ =	shalt  }
0x5b: {  	_ =	shalt  }
0x5c: {  	_ =	shalt  }
0x5d: {  	_ =	shalt  }
0x5e: {  	_ =	shalt  }
0x5f: {  	_ =	shalt  }
0x60: {  	_ =	shalt  }
0x61: {  	_ =	shalt  }
0x62: {  	_ =	shalt  }
0x63: {  	_ =	shalt  }
0x64: {  	_ =	shalt  }
0x65: {  	_ =	shalt  }
0x66: {  	_ =	shalt  }
0x67: {  	_ =	shalt  }
0x68: {  	_ =	shalt  }
0x69: {  	_ =	shalt  }
0x6a: {  	_ =	shalt  }
0x6b: {  	_ =	shalt  }
0x6c: {  	_ =	shalt  }
0x6d: {  	_ =	shalt  }
0x6e: {  	_ =	shalt  }
0x6f: {  	_ =	shalt  }
0x70: {  	_ =	shalt  }
0x71: {  	_ =	shalt  }
0x72: {  	_ =	shalt  }
0x73: {  	_ =	shalt  }
0x74: {  	_ =	shalt  }
0x75: {  	_ =	shalt  }
0x76: {  	_ =	shalt  }
0x77: {  	_ =	shalt  }
0x78: {  	_ =	shalt  }
0x79: {  	_ =	shalt  }
0x7a: {  	_ =	shalt  }
0x7b: {  	_ =	shalt  }
0x7c: {  	_ =	shalt  }
0x7d: {  	_ =	shalt  }
0x7e: {  	_ =	shalt  }
0x7f: {  	_ =	shalt  }
0x80: {  	_ =	shalt  }
0x81: {  	_ =	shalt  }
0x82: {  	_ =	shalt  }
0x83: {  	_ =	shalt  }
0x84: {  	_ =	shalt  }
0x85: {  	_ =	shalt  }
0x86: {  	_ =	shalt  }
0x87: {  	_ =	shalt  }
.Lfunc_end0:
.L_simem_size_0:
called_computation_lowered:
.L_overlay_start_0:
0x88: {  	s2 =	sld [smem:$0x3FD9]  }
0x89: {  	s3 =	sld [smem:$0x3FFE];
	_ =	sdelay $0x1  }
0x8a: {  	s1 =	srdreg.scid  }
0x8b: {  	s0 =	sand.u32 $0x1, s1  }
0x8c: {  	s17 =	sshll.u32 s0, $0xA;
	s2 =	sadd.s32 s3, s2  }
0x8d: {  	s2 =	sadd.s32 s2, s17  }
0x8e: {  	[smem:$0x3FC7] =	sst s2  }
0x8f: {  	_ = 	snop  }
0x90: {  	s2 =	sld [smem:$0x3FD0];
	(tm) =	ssettm $0x1  }
0x91: {  	s18 =	sld [smem:$0x3FFB];
	_ =	sdelay $0x3  }
0x92: {  	_ =	strace s18  }
0x93: {  	s3 =	sld [smem:$0x3FFC];
	_ =	sdelay $0x3  }
0x94: {  	_ =	strace s3  }
0x95: {  	s3 =	sld [smem:$0x3FFD];
	_ =	sdelay $0x3  }
0x96: {  	_ =	strace s3  }
0x97: {  	_ =	strace $0x8FFFFFFF  }
0x98: {  	s19 =	sld [smem:$0x3FDB];
	_ =	sdelay $0x1  }
0x99: {  	s4 =	simm.s32 $_scs_section_size  }
0x9a: {  	s5 =	simm.s32 $_size__tile_overlayer_lowered;
	s6 =	simm.s32 $_tile_overlayer_lowered  }
0x9b: {  	s22 =	simm.s32 $0x1BFF;
	s21 =	sshll.u32 s6, $0x1;
	s3 =	sadd.s32 s4, s19  }
0x9c: {  	s7 =	simm.s32 $0x0;
	s20 =	sshll.u32 s5, $0x1;
	s5 =	sadd.s32 s21, s3  }
0x9d: {  	[timem:s7], [sflag:s22] =	dma.local [hbm:s5], s20  }
0x9e: {  	_ =	swait.ge [sflag:s22], s20  }
0x9f: {  	s4 =	ssub.s32 $0x0, s20;
	[sflag:s22] =	ssyncset.done $0x0  }
0xa0: {  	[sflag:s22] =	ssyncadd.s32 s4;
	_ =	sdelay $0x1  }
0xa1: {  	s23 =	simm.s32 $0x1B8B  }
0xa2: {  	_ =	swait.ge [sflag:s23], $0x1  }
0xa3: {  	[sflag:s23] =	ssyncset.done $0x0  }
0xa4: {  	s25 =	simm.s32 $0x1B8E;
	s24 =	sld [smem:$0x3FFE];
	[sflag:s23] =	ssyncadd.s32 $0xFFFFFFFF  }
0xa5: {  	s26 =	simm.s32 $execute0_lowered;
	[smem:$0x3FD2] =	sst s25  }
0xa6: {  	s5 =	sshll.u32 s26, $0x1;
	_ =	strace $0x80000046;
	[dreg:$0x1] =	wrdreg $0xFFFFFFFF  }
0xa7: {  	s28 =	simm.s32 $_size_execute0_lowered;
	s3 =	sadd.s32 s3, s5;
	[dreg:$0x0] =	wrdreg $0x0  }
0xa8: {  	s5 =	sshll.u32 s28, $0x1;
	[dreg:$0x2] =	wrdreg s3  }
0xa9: {  	[dreg:$0x3] =	wrdreg s5  }
0xaa: {  	[dreg:$0x4] =	wrdreg $0xC0  }
0xab: {  	_ =	task [dreg:s7], $0x5FFFF  }
0xac: {  	[dreg:$0x1] =	wrdreg $0xFFFFFFFF  }
0xad: {  	[dreg:$0x0] =	wrdreg $0x60  }
0xae: {  	[dreg:$0x2] =	wrdreg s24  }
0xaf: {  	[dreg:$0x3] =	wrdreg s2  }
0xb0: {  	[dreg:$0x4] =	wrdreg $0x9  }
0xb1: {  	_ =	task.clear_ibuf [dreg:s7], $0x5FFFF;
	_ =	strace $0x90000046  }
0xb2: {  	s29 =	simm.s32 $0x9;
	_ =	strace $0x80000048  }
0xb3: {  	_ =	swait.ge [sflag:s29], $0x1  }
0xb4: {  	[sflag:s29] =	ssyncadd.s32 $0xFFFFFFFF  }
0xb5: {  	_ =	strace $0x90000048  }
0xb6: {  	_ =	sfence  }
0xb7: {  	s30 =	sld [smem:$0x0];
	_ =	sdelay $0x2  }
0xb8: {  	s31 =	sshll.u32 s1, $0xD;
	s1 =	sshrl.u32 s1, $0x2  }
0xb9: {  	s3 =	sand.u32 $0x4000, s31;
	s1 =	sadd.s32 s1, s30  }
0xba: {  	s0 =	sor.u32 s3, s0;
	s1 =	sshll.u32 s1, $0x11  }
0xbb: {  	s0 =	sor.u32 s1, s0  }
0xbc: {  	s0 =	sadd.s32 $0x8F2B, s0  }
0xbd: {  	[sflag:s0] =	ssyncadd.remote.s32 $0x1  }
0xbe: {  	_ =	sfence.sel $0xFFFF  }
0xbf: {  	[dreg:$0x0] =	wrdreg $0xFFFFFFFF;
	(pc) =	sbr.abs _section_cstart, $3  }
0xc0: {  	[dreg:$0x1] =	wrdreg $0xFFFFFFFF  }
0xc1: {  	_ =	task.clear_ibuf [dreg:s7], $0x2FFFF;
	_ =	strace $0x9FFFFFFF  }
0xc2: {  	(tm) =	ssettm $0x7FFFFFFF  }
0xc3: {  	_ =	shalt  }
tec
execute0_lowered:
.L_overlay_start_1:
0x0: {  	(tag) =	ssettag $0x1  }
0x1: {  	v5 =	vlaneseq.u32;
	v1 =	vimm.f32 $1.000000000e+00  }
0x2: {  	v6 =	vor.u32 $0x10, v5;
	v7 =	vor.u32 $0x20, v5;
	v8 =	vor.u32 $0x30, v5  }
0x3: {  	v9 =	vor.u32 $0x40, v5;
	v10 =	vor.u32 $0x50, v5;
	v11 =	vor.u32 $0x60, v5  }
0x4: {  	v12 =	vor.u32 $0x70, v5;
	v13 =	vor.u32 $0x80, v5;
	v14 =	vor.u32 $0x90, v5  }
0x5: {  	v15 =	vor.u32 $0xA0, v5;
	v16 =	vor.u32 $0xB0, v5;
	v17 =	vor.u32 $0xC0, v5  }
0x6: {  	v18 =	vor.u32 $0xD0, v5;
	v19 =	vor.u32 $0xE0, v5;
	v20 =	vor.u32 $0xF0, v5  }
0x7: {  	v21 =	vor.u32 $0x100, v5;
	v22 =	vor.u32 $0x110, v5;
	v23 =	vor.u32 $0x120, v5  }
0x8: {  	v24 =	vor.u32 $0x130, v5;
	v25 =	vor.u32 $0x140, v5;
	v26 =	vor.u32 $0x150, v5  }
0x9: {  	v27 =	vor.u32 $0x160, v5;
	v28 =	vor.u32 $0x170, v5;
	v29 =	vor.u32 $0x180, v5  }
0xa: {  	v30 =	vor.u32 $0x190, v5;
	v31 =	vor.u32 $0x1A0, v5;
	v32 =	vor.u32 $0x1B0, v5  }
0xb: {  	v33 =	vor.u32 $0x1C0, v5;
	v34 =	vor.u32 $0x1D0, v5;
	v35 =	vor.u32 $0x1E0, v5  }
0xc: {  	v36 =	vor.u32 $0x1F0, v5;
	v37 =	vor.u32 $0x200, v5;
	v38 =	vor.u32 $0x210, v5  }
0xd: {  	v39 =	vor.u32 $0x220, v5;
	v40 =	vor.u32 $0x230, v5;
	v41 =	vor.u32 $0x240, v5  }
0xe: {  	s6 =	rddreg [dreg:$0x0];
	v42 =	vor.u32 $0x250, v5;
	v43 =	vor.u32 $0x260, v5;
	v44 =	vor.u32 $0x270, v5  }
0xf: {  	s1 =	rddreg [dreg:$0x1];
	v45 =	vor.u32 $0x280, v5;
	v46 =	vor.u32 $0x290, v5;
	v47 =	vor.u32 $0x2A0, v5  }
0x10: {  	s0 =	rddreg [dreg:$0x2];
	s4 =	srdreg.scid;
	v48 =	vor.u32 $0x2B0, v5;
	v49 =	vor.u32 $0x2C0, v5;
	v50 =	vor.u32 $0x2D0, v5  }
0x11: {  	s3 =	simm.s32 $0x0;
	s2 =	stileid.u32;
	s9 =	simm.s32 $0x400;
	v51 =	vor.u32 $0x2E0, v5;
	v52 =	vor.u32 $0x2F0, v5;
	v53 =	vor.u32 $0x300, v5  }
0x12: {  	s10 =	simm.s32 $0x1;
	s4 =	sand.u32 $0x1, s4;
	[smem:$0x7FF] =	sst s3;
	v54 =	vor.u32 $0x310, v5;
	v55 =	vor.u32 $0x320, v5;
	v0 =	vor.u32 $0x3B0, v5  }
0x13: {  	s5 =	sshll.u32 s2, $0x1;
	v56 =	vor.u32 $0x330, v5;
	v57 =	vor.u32 $0x340, v5;
	s7 =	ssub.s32 $0x2, s4;
	_ =	strace $0x80000047;
	[tilespmem:$0x1FFC0] =	vst v0;
	v0 =	vor.u32 $0x3C0, v5  }
0x14: {  	s11 =	simm.s32 $0x0;
	v58 =	vor.u32 $0x350, v5;
	v59 =	vor.u32 $0x360, v5;
	s4 =	sor.u32 s4, s5;
	s8 =	sshrl.u32 s7, $0x1;
	[tilespmem:$0x1FFD0] =	vst v0;
	v0 =	vor.u32 $0x3D0, v5  }
0x15: {  	v60 =	vor.u32 $0x370, v5;
	v61 =	vor.u32 $0x380, v5;
	s5 =	sadd.s32 $0x400, s6;
	s31 =	ssub.s32 $0x1AF, s4;
	s7 =	ssub.s32 s7, s8;
	[tilespmem:$0x1FFE0] =	vst v0;
	v0 =	vor.u32 $0x3E0, v5  }
0x16: {  	v62 =	vor.u32 $0x390, v5;
	v63 =	vor.u32 $0x3A0, v5;
	s6 =	sadd.s32 $0x1E00, s6;
	s8 =	sshrl.u32 s31, $0x5;
	s7 =	smax.u32 s7, $0x1;
	[tilespmem:$0x1FFF0] =	vst v0;
	v0 =	vimm.f32 $0.0e+00  }
.LBB2_1:
0x17: {  	[tilespmem:s9], [sflag:$0x1] =	stream.linear.gather [hbm4b:s1+s3], $0x1F400, $0x38;
	[tilespmem:$0x1F800] =	vst v63  }
0x18: {  	_ =	swait.ge [sflag:s10], $0x1F400  }
0x19: {  	[sflag:s10] =	ssyncset.done $0x0  }
0x1a: {  	s12 =	smov.u32 s4;
	s13 =	smov.u32 s8;
	[sflag:s10] =	ssyncadd.s32 $0xFFFE0C00  }
.LBB2_2:
0x1b: {  	s14 =	sshra.s32 s12, $0x1F  }
0x1c: {  	s14 =	sshrl.u32 s14, $0x1D  }
0x1d: {  	s14 =	sadd.s32 s14, s12  }
0x1e: {  	s15 =	sand.u32 $0xFFFFFFF8, s14  }
0x1f: {  	p0 =	slt.s32 s12, $0x1;
	p1 =	sne.s32 s12, s15  }
0x20: {  	p0 =	por !p0, !p1  }
0x21: {  	s15 =	simm.s32 $0x1;
	p0 =	por !p0, !p0  }
0x22: {  	s14 =	sshra.s32 s14, $0x3;
	s15 =	simm.s32 @!p0 $0x0  }
0x23: {  	s14 =	ssub.s32 s14, s15  }
0x24: {  	s15 =	sshll.u32 s14, $0x7  }
0x25: {  	s15 =	sand.u32 $0x1FFFFF80, s15  }
0x26: {  	s15 =	sadd.s32 s5, s15  }
0x27: {  	[tilespmem:s3], [sflag:$0x1] =	stream.linear.gather [hbm4b:s15+s3], $0x400, $0x38;
	[tilespmem:$0x1F800] =	vst v63  }
0x28: {  	_ =	swait.ge [sflag:s10], $0x400  }
0x29: {  	[sflag:s10] =	ssyncset.done $0x0  }
0x2a: {  	[sflag:s10] =	ssyncadd.s32 $0xFFFFFC00  }
0x2b: {  	v3 =	vld [tilespmem:$0x0]  }
0x2c: {  	s31 =	sand.u32 $0x7, s12  }
0x2d: {  	s16 =	smul.u32 $0x7D, s31;
	_ =	sdelay $0x1  }
0x2e: {  	v2 =	vmov s16  }
0x2f: {  	v3 =	vsub.s32 v3, v2  }
0x30: {  	vm0 =	vgt.s32 v3, $0x0  }
0x31: {  	v4 =	vnsel vm0, $0x0, v3  }
0x32: {  	v4 =	vmin.u32 v4, $0x7C  }
0x33: {  	vm13 =	vlt.u32 v3, $0x7D;
	v3 =	vshll.u32 v4, $0xA  }
0x34: {  	v3 =	vor.u32 v5, v3;
	_ =	sdelay $0x4  }
0x35: {  	[tilespmem:v3+s9+$0x0] =	vst.idx.msk vm13, v1  }
0x36: {  	v3 =	vld [tilespmem:$0x10];
	_ =	sdelay $0x4  }
0x37: {  	v3 =	vsub.s32 v3, v2  }
0x38: {  	vm14 =	vgt.s32 v3, $0x0  }
0x39: {  	v4 =	vnsel vm14, $0x0, v3  }
0x3a: {  	v4 =	vmin.u32 v4, $0x7C  }
0x3b: {  	vm15 =	vlt.u32 v3, $0x7D;
	v3 =	vshll.u32 v4, $0xA  }
0x3c: {  	v3 =	vor.u32 v6, v3;
	_ =	sdelay $0x4  }
0x3d: {  	[tilespmem:v3+s9+$0x0] =	vst.idx.msk vm15, v1  }
0x3e: {  	v3 =	vld [tilespmem:$0x20];
	_ =	sdelay $0x4  }
0x3f: {  	v3 =	vsub.s32 v3, v2  }
0x40: {  	vm4 =	vgt.s32 v3, $0x0  }
0x41: {  	v4 =	vnsel vm4, $0x0, v3  }
0x42: {  	v4 =	vmin.u32 v4, $0x7C  }
0x43: {  	vm5 =	vlt.u32 v3, $0x7D;
	v3 =	vshll.u32 v4, $0xA  }
0x44: {  	v3 =	vor.u32 v7, v3;
	_ =	sdelay $0x4  }
0x45: {  	[tilespmem:v3+s9+$0x0] =	vst.idx.msk vm5, v1  }
0x46: {  	v3 =	vld [tilespmem:$0x30];
	_ =	sdelay $0x4  }
0x47: {  	v3 =	vsub.s32 v3, v2  }
0x48: {  	vm6 =	vgt.s32 v3, $0x0  }
0x49: {  	v4 =	vnsel vm6, $0x0, v3  }
0x4a: {  	v4 =	vmin.u32 v4, $0x7C  }
0x4b: {  	vm7 =	vlt.u32 v3, $0x7D;
	v3 =	vshll.u32 v4, $0xA  }
0x4c: {  	v3 =	vor.u32 v8, v3;
	_ =	sdelay $0x4  }
0x4d: {  	[tilespmem:v3+s9+$0x0] =	vst.idx.msk vm7, v1  }
0x4e: {  	v3 =	vld [tilespmem:$0x40];
	_ =	sdelay $0x4  }
0x4f: {  	v3 =	vsub.s32 v3, v2  }
0x50: {  	vm8 =	vgt.s32 v3, $0x0  }
0x51: {  	v4 =	vnsel vm8, $0x0, v3  }
0x52: {  	v4 =	vmin.u32 v4, $0x7C  }
0x53: {  	vm9 =	vlt.u32 v3, $0x7D;
	v3 =	vshll.u32 v4, $0xA  }
0x54: {  	v3 =	vor.u32 v9, v3;
	_ =	sdelay $0x4  }
0x55: {  	[tilespmem:v3+s9+$0x0] =	vst.idx.msk vm9, v1  }
0x56: {  	v3 =	vld [tilespmem:$0x50];
	_ =	sdelay $0x4  }
0x57: {  	v3 =	vsub.s32 v3, v2  }
0x58: {  	vm10 =	vgt.s32 v3, $0x0  }
0x59: {  	v4 =	vnsel vm10, $0x0, v3  }
0x5a: {  	v4 =	vmin.u32 v4, $0x7C  }
0x5b: {  	vm11 =	vlt.u32 v3, $0x7D;
	v3 =	vshll.u32 v4, $0xA  }
0x5c: {  	v3 =	vor.u32 v10, v3;
	_ =	sdelay $0x4  }
0x5d: {  	[tilespmem:v3+s9+$0x0] =	vst.idx.msk vm11, v1  }
0x5e: {  	v3 =	vld [tilespmem:$0x60];
	_ =	sdelay $0x4  }
0x5f: {  	v3 =	vsub.s32 v3, v2  }
0x60: {  	vm12 =	vgt.s32 v3, $0x0  }
0x61: {  	v4 =	vnsel vm12, $0x0, v3  }
0x62: {  	v4 =	vmin.u32 v4, $0x7C  }
0x63: {  	vm13 =	vlt.u32 v3, $0x7D;
	v3 =	vshll.u32 v4, $0xA  }
0x64: {  	v3 =	vor.u32 v11, v3;
	_ =	sdelay $0x4  }
0x65: {  	[tilespmem:v3+s9+$0x0] =	vst.idx.msk vm13, v1  }
0x66: {  	v3 =	vld [tilespmem:$0x70];
	_ =	sdelay $0x4  }
0x67: {  	v3 =	vsub.s32 v3, v2  }
0x68: {  	vm14 =	vgt.s32 v3, $0x0  }
0x69: {  	v4 =	vnsel vm14, $0x0, v3  }
0x6a: {  	v4 =	vmin.u32 v4, $0x7C  }
0x6b: {  	vm15 =	vlt.u32 v3, $0x7D;
	v3 =	vshll.u32 v4, $0xA  }
0x6c: {  	v3 =	vor.u32 v12, v3;
	_ =	sdelay $0x4  }
0x6d: {  	[tilespmem:v3+s9+$0x0] =	vst.idx.msk vm15, v1  }
0x6e: {  	v3 =	vld [tilespmem:$0x80];
	_ =	sdelay $0x4  }
0x6f: {  	v3 =	vsub.s32 v3, v2  }
0x70: {  	vm4 =	vgt.s32 v3, $0x0  }
0x71: {  	v4 =	vnsel vm4, $0x0, v3  }
0x72: {  	v4 =	vmin.u32 v4, $0x7C  }
0x73: {  	vm5 =	vlt.u32 v3, $0x7D;
	v3 =	vshll.u32 v4, $0xA  }
0x74: {  	v3 =	vor.u32 v13, v3;
	_ =	sdelay $0x4  }
0x75: {  	[tilespmem:v3+s9+$0x0] =	vst.idx.msk vm5, v1  }
0x76: {  	v3 =	vld [tilespmem:$0x90];
	_ =	sdelay $0x4  }
0x77: {  	v3 =	vsub.s32 v3, v2  }
0x78: {  	vm6 =	vgt.s32 v3, $0x0  }
0x79: {  	v4 =	vnsel vm6, $0x0, v3  }
0x7a: {  	v4 =	vmin.u32 v4, $0x7C  }
0x7b: {  	vm7 =	vlt.u32 v3, $0x7D;
	v3 =	vshll.u32 v4, $0xA  }
0x7c: {  	v3 =	vor.u32 v14, v3;
	_ =	sdelay $0x4  }
0x7d: {  	[tilespmem:v3+s9+$0x0] =	vst.idx.msk vm7, v1  }
0x7e: {  	v3 =	vld [tilespmem:$0xA0];
	_ =	sdelay $0x4  }
0x7f: {  	v3 =	vsub.s32 v3, v2  }
0x80: {  	vm8 =	vgt.s32 v3, $0x0  }
0x81: {  	v4 =	vnsel vm8, $0x0, v3  }
0x82: {  	v4 =	vmin.u32 v4, $0x7C  }
0x83: {  	vm9 =	vlt.u32 v3, $0x7D;
	v3 =	vshll.u32 v4, $0xA  }
0x84: {  	v3 =	vor.u32 v15, v3;
	_ =	sdelay $0x4  }
0x85: {  	[tilespmem:v3+s9+$0x0] =	vst.idx.msk vm9, v1  }
0x86: {  	v3 =	vld [tilespmem:$0xB0];
	_ =	sdelay $0x4  }
0x87: {  	v3 =	vsub.s32 v3, v2  }
0x88: {  	vm10 =	vgt.s32 v3, $0x0  }
0x89: {  	v4 =	vnsel vm10, $0x0, v3  }
0x8a: {  	v4 =	vmin.u32 v4, $0x7C  }
0x8b: {  	vm11 =	vlt.u32 v3, $0x7D;
	v3 =	vshll.u32 v4, $0xA  }
0x8c: {  	v3 =	vor.u32 v16, v3;
	_ =	sdelay $0x4  }
0x8d: {  	[tilespmem:v3+s9+$0x0] =	vst.idx.msk vm11, v1  }
0x8e: {  	v3 =	vld [tilespmem:$0xC0];
	_ =	sdelay $0x4  }
0x8f: {  	v3 =	vsub.s32 v3, v2  }
0x90: {  	vm12 =	vgt.s32 v3, $0x0  }
0x91: {  	v4 =	vnsel vm12, $0x0, v3  }
0x92: {  	v4 =	vmin.u32 v4, $0x7C  }
0x93: {  	vm13 =	vlt.u32 v3, $0x7D;
	v3 =	vshll.u32 v4, $0xA  }
0x94: {  	v3 =	vor.u32 v17, v3;
	_ =	sdelay $0x4  }
0x95: {  	[tilespmem:v3+s9+$0x0] =	vst.idx.msk vm13, v1  }
0x96: {  	v3 =	vld [tilespmem:$0xD0];
	_ =	sdelay $0x4  }
0x97: {  	v3 =	vsub.s32 v3, v2  }
0x98: {  	vm14 =	vgt.s32 v3, $0x0  }
0x99: {  	v4 =	vnsel vm14, $0x0, v3  }
0x9a: {  	v4 =	vmin.u32 v4, $0x7C  }
0x9b: {  	vm15 =	vlt.u32 v3, $0x7D;
	v3 =	vshll.u32 v4, $0xA  }
0x9c: {  	v3 =	vor.u32 v18, v3;
	_ =	sdelay $0x4  }
0x9d: {  	[tilespmem:v3+s9+$0x0] =	vst.idx.msk vm15, v1  }
0x9e: {  	v3 =	vld [tilespmem:$0xE0];
	_ =	sdelay $0x4  }
0x9f: {  	v3 =	vsub.s32 v3, v2  }
0xa0: {  	vm4 =	vgt.s32 v3, $0x0  }
0xa1: {  	v4 =	vnsel vm4, $0x0, v3  }
0xa2: {  	v4 =	vmin.u32 v4, $0x7C  }
0xa3: {  	vm5 =	vlt.u32 v3, $0x7D;
	v3 =	vshll.u32 v4, $0xA  }
0xa4: {  	v3 =	vor.u32 v19, v3;
	_ =	sdelay $0x4  }
0xa5: {  	[tilespmem:v3+s9+$0x0] =	vst.idx.msk vm5, v1  }
0xa6: {  	v3 =	vld [tilespmem:$0xF0];
	_ =	sdelay $0x4  }
0xa7: {  	v3 =	vsub.s32 v3, v2  }
0xa8: {  	vm6 =	vgt.s32 v3, $0x0  }
0xa9: {  	v4 =	vnsel vm6, $0x0, v3  }
0xaa: {  	v4 =	vmin.u32 v4, $0x7C  }
0xab: {  	vm7 =	vlt.u32 v3, $0x7D;
	v3 =	vshll.u32 v4, $0xA  }
0xac: {  	v3 =	vor.u32 v20, v3;
	_ =	sdelay $0x4  }
0xad: {  	[tilespmem:v3+s9+$0x0] =	vst.idx.msk vm7, v1  }
0xae: {  	v3 =	vld [tilespmem:$0x100];
	_ =	sdelay $0x4  }
0xaf: {  	v3 =	vsub.s32 v3, v2  }
0xb0: {  	vm8 =	vgt.s32 v3, $0x0  }
0xb1: {  	v4 =	vnsel vm8, $0x0, v3  }
0xb2: {  	v4 =	vmin.u32 v4, $0x7C  }
0xb3: {  	vm9 =	vlt.u32 v3, $0x7D;
	v3 =	vshll.u32 v4, $0xA  }
0xb4: {  	v3 =	vor.u32 v21, v3;
	_ =	sdelay $0x4  }
0xb5: {  	[tilespmem:v3+s9+$0x0] =	vst.idx.msk vm9, v1  }
0xb6: {  	v3 =	vld [tilespmem:$0x110];
	_ =	sdelay $0x4  }
0xb7: {  	v3 =	vsub.s32 v3, v2  }
0xb8: {  	vm10 =	vgt.s32 v3, $0x0  }
0xb9: {  	v4 =	vnsel vm10, $0x0, v3  }
0xba: {  	v4 =	vmin.u32 v4, $0x7C  }
0xbb: {  	vm11 =	vlt.u32 v3, $0x7D;
	v3 =	vshll.u32 v4, $0xA  }
0xbc: {  	v3 =	vor.u32 v22, v3;
	_ =	sdelay $0x4  }
0xbd: {  	[tilespmem:v3+s9+$0x0] =	vst.idx.msk vm11, v1  }
0xbe: {  	v3 =	vld [tilespmem:$0x120];
	_ =	sdelay $0x4  }
0xbf: {  	v3 =	vsub.s32 v3, v2  }
0xc0: {  	vm12 =	vgt.s32 v3, $0x0  }
0xc1: {  	v4 =	vnsel vm12, $0x0, v3  }
0xc2: {  	v4 =	vmin.u32 v4, $0x7C  }
0xc3: {  	vm13 =	vlt.u32 v3, $0x7D;
	v3 =	vshll.u32 v4, $0xA  }
0xc4: {  	v3 =	vor.u32 v23, v3;
	_ =	sdelay $0x4  }
0xc5: {  	[tilespmem:v3+s9+$0x0] =	vst.idx.msk vm13, v1  }
0xc6: {  	v3 =	vld [tilespmem:$0x130];
	_ =	sdelay $0x4  }
0xc7: {  	v3 =	vsub.s32 v3, v2  }
0xc8: {  	vm14 =	vgt.s32 v3, $0x0  }
0xc9: {  	v4 =	vnsel vm14, $0x0, v3  }
0xca: {  	v4 =	vmin.u32 v4, $0x7C  }
0xcb: {  	vm15 =	vlt.u32 v3, $0x7D;
	v3 =	vshll.u32 v4, $0xA  }
0xcc: {  	v3 =	vor.u32 v24, v3;
	_ =	sdelay $0x4  }
0xcd: {  	[tilespmem:v3+s9+$0x0] =	vst.idx.msk vm15, v1  }
0xce: {  	v3 =	vld [tilespmem:$0x140];
	_ =	sdelay $0x4  }
0xcf: {  	v3 =	vsub.s32 v3, v2  }
0xd0: {  	vm4 =	vgt.s32 v3, $0x0  }
0xd1: {  	v4 =	vnsel vm4, $0x0, v3  }
0xd2: {  	v4 =	vmin.u32 v4, $0x7C  }
0xd3: {  	vm5 =	vlt.u32 v3, $0x7D;
	v3 =	vshll.u32 v4, $0xA  }
0xd4: {  	v3 =	vor.u32 v25, v3;
	_ =	sdelay $0x4  }
0xd5: {  	[tilespmem:v3+s9+$0x0] =	vst.idx.msk vm5, v1  }
0xd6: {  	v3 =	vld [tilespmem:$0x150];
	_ =	sdelay $0x4  }
0xd7: {  	v3 =	vsub.s32 v3, v2  }
0xd8: {  	vm6 =	vgt.s32 v3, $0x0  }
0xd9: {  	v4 =	vnsel vm6, $0x0, v3  }
0xda: {  	v4 =	vmin.u32 v4, $0x7C  }
0xdb: {  	vm7 =	vlt.u32 v3, $0x7D;
	v3 =	vshll.u32 v4, $0xA  }
0xdc: {  	v3 =	vor.u32 v26, v3;
	_ =	sdelay $0x4  }
0xdd: {  	[tilespmem:v3+s9+$0x0] =	vst.idx.msk vm7, v1  }
0xde: {  	v3 =	vld [tilespmem:$0x160];
	_ =	sdelay $0x4  }
0xdf: {  	v3 =	vsub.s32 v3, v2  }
0xe0: {  	vm8 =	vgt.s32 v3, $0x0  }
0xe1: {  	v4 =	vnsel vm8, $0x0, v3  }
0xe2: {  	v4 =	vmin.u32 v4, $0x7C  }
0xe3: {  	vm9 =	vlt.u32 v3, $0x7D;
	v3 =	vshll.u32 v4, $0xA  }
0xe4: {  	v3 =	vor.u32 v27, v3;
	_ =	sdelay $0x4  }
0xe5: {  	[tilespmem:v3+s9+$0x0] =	vst.idx.msk vm9, v1  }
0xe6: {  	v3 =	vld [tilespmem:$0x170];
	_ =	sdelay $0x4  }
0xe7: {  	v3 =	vsub.s32 v3, v2  }
0xe8: {  	vm10 =	vgt.s32 v3, $0x0  }
0xe9: {  	v4 =	vnsel vm10, $0x0, v3  }
0xea: {  	v4 =	vmin.u32 v4, $0x7C  }
0xeb: {  	vm11 =	vlt.u32 v3, $0x7D;
	v3 =	vshll.u32 v4, $0xA  }
0xec: {  	v3 =	vor.u32 v28, v3;
	_ =	sdelay $0x4  }
0xed: {  	[tilespmem:v3+s9+$0x0] =	vst.idx.msk vm11, v1  }
0xee: {  	v3 =	vld [tilespmem:$0x180];
	_ =	sdelay $0x4  }
0xef: {  	v3 =	vsub.s32 v3, v2  }
0xf0: {  	vm12 =	vgt.s32 v3, $0x0  }
0xf1: {  	v4 =	vnsel vm12, $0x0, v3  }
0xf2: {  	v4 =	vmin.u32 v4, $0x7C  }
0xf3: {  	vm13 =	vlt.u32 v3, $0x7D;
	v3 =	vshll.u32 v4, $0xA  }
0xf4: {  	v3 =	vor.u32 v29, v3;
	_ =	sdelay $0x4  }
0xf5: {  	[tilespmem:v3+s9+$0x0] =	vst.idx.msk vm13, v1  }
0xf6: {  	v3 =	vld [tilespmem:$0x190];
	_ =	sdelay $0x4  }
0xf7: {  	v3 =	vsub.s32 v3, v2  }
0xf8: {  	vm14 =	vgt.s32 v3, $0x0  }
0xf9: {  	v4 =	vnsel vm14, $0x0, v3  }
0xfa: {  	v4 =	vmin.u32 v4, $0x7C  }
0xfb: {  	vm15 =	vlt.u32 v3, $0x7D;
	v3 =	vshll.u32 v4, $0xA  }
0xfc: {  	v3 =	vor.u32 v30, v3;
	_ =	sdelay $0x4  }
0xfd: {  	[tilespmem:v3+s9+$0x0] =	vst.idx.msk vm15, v1  }
0xfe: {  	v3 =	vld [tilespmem:$0x1A0];
	_ =	sdelay $0x4  }
0xff: {  	v3 =	vsub.s32 v3, v2  }
0x100: {  	vm4 =	vgt.s32 v3, $0x0  }
0x101: {  	v4 =	vnsel vm4, $0x0, v3  }
0x102: {  	v4 =	vmin.u32 v4, $0x7C  }
0x103: {  	vm5 =	vlt.u32 v3, $0x7D;
	v3 =	vshll.u32 v4, $0xA  }
0x104: {  	v3 =	vor.u32 v31, v3;
	_ =	sdelay $0x4  }
0x105: {  	[tilespmem:v3+s9+$0x0] =	vst.idx.msk vm5, v1  }
0x106: {  	v3 =	vld [tilespmem:$0x1B0];
	_ =	sdelay $0x4  }
0x107: {  	v3 =	vsub.s32 v3, v2  }
0x108: {  	vm6 =	vgt.s32 v3, $0x0  }
0x109: {  	v4 =	vnsel vm6, $0x0, v3  }
0x10a: {  	v4 =	vmin.u32 v4, $0x7C  }
0x10b: {  	vm7 =	vlt.u32 v3, $0x7D;
	v3 =	vshll.u32 v4, $0xA  }
0x10c: {  	v3 =	vor.u32 v32, v3;
	_ =	sdelay $0x4  }
0x10d: {  	[tilespmem:v3+s9+$0x0] =	vst.idx.msk vm7, v1  }
0x10e: {  	v3 =	vld [tilespmem:$0x1C0];
	_ =	sdelay $0x4  }
0x10f: {  	v3 =	vsub.s32 v3, v2  }
0x110: {  	vm8 =	vgt.s32 v3, $0x0  }
0x111: {  	v4 =	vnsel vm8, $0x0, v3  }
0x112: {  	v4 =	vmin.u32 v4, $0x7C  }
0x113: {  	vm9 =	vlt.u32 v3, $0x7D;
	v3 =	vshll.u32 v4, $0xA  }
0x114: {  	v3 =	vor.u32 v33, v3;
	_ =	sdelay $0x4  }
0x115: {  	[tilespmem:v3+s9+$0x0] =	vst.idx.msk vm9, v1  }
0x116: {  	v3 =	vld [tilespmem:$0x1D0];
	_ =	sdelay $0x4  }
0x117: {  	v3 =	vsub.s32 v3, v2  }
0x118: {  	vm10 =	vgt.s32 v3, $0x0  }
0x119: {  	v4 =	vnsel vm10, $0x0, v3  }
0x11a: {  	v4 =	vmin.u32 v4, $0x7C  }
0x11b: {  	vm11 =	vlt.u32 v3, $0x7D;
	v3 =	vshll.u32 v4, $0xA  }
0x11c: {  	v3 =	vor.u32 v34, v3;
	_ =	sdelay $0x4  }
0x11d: {  	[tilespmem:v3+s9+$0x0] =	vst.idx.msk vm11, v1  }
0x11e: {  	v3 =	vld [tilespmem:$0x1E0];
	_ =	sdelay $0x4  }
0x11f: {  	v3 =	vsub.s32 v3, v2  }
0x120: {  	vm12 =	vgt.s32 v3, $0x0  }
0x121: {  	v4 =	vnsel vm12, $0x0, v3  }
0x122: {  	v4 =	vmin.u32 v4, $0x7C  }
0x123: {  	vm13 =	vlt.u32 v3, $0x7D;
	v3 =	vshll.u32 v4, $0xA  }
0x124: {  	v3 =	vor.u32 v35, v3;
	_ =	sdelay $0x4  }
0x125: {  	[tilespmem:v3+s9+$0x0] =	vst.idx.msk vm13, v1  }
0x126: {  	v3 =	vld [tilespmem:$0x1F0];
	_ =	sdelay $0x4  }
0x127: {  	v3 =	vsub.s32 v3, v2  }
0x128: {  	vm14 =	vgt.s32 v3, $0x0  }
0x129: {  	v4 =	vnsel vm14, $0x0, v3  }
0x12a: {  	v4 =	vmin.u32 v4, $0x7C  }
0x12b: {  	vm15 =	vlt.u32 v3, $0x7D;
	v3 =	vshll.u32 v4, $0xA  }
0x12c: {  	v3 =	vor.u32 v36, v3;
	_ =	sdelay $0x4  }
0x12d: {  	[tilespmem:v3+s9+$0x0] =	vst.idx.msk vm15, v1  }
0x12e: {  	v3 =	vld [tilespmem:$0x200];
	_ =	sdelay $0x4  }
0x12f: {  	v3 =	vsub.s32 v3, v2  }
0x130: {  	vm4 =	vgt.s32 v3, $0x0  }
0x131: {  	v4 =	vnsel vm4, $0x0, v3  }
0x132: {  	v4 =	vmin.u32 v4, $0x7C  }
0x133: {  	vm5 =	vlt.u32 v3, $0x7D;
	v3 =	vshll.u32 v4, $0xA  }
0x134: {  	v3 =	vor.u32 v37, v3;
	_ =	sdelay $0x4  }
0x135: {  	[tilespmem:v3+s9+$0x0] =	vst.idx.msk vm5, v1  }
0x136: {  	v3 =	vld [tilespmem:$0x210];
	_ =	sdelay $0x4  }
0x137: {  	v3 =	vsub.s32 v3, v2  }
0x138: {  	vm6 =	vgt.s32 v3, $0x0  }
0x139: {  	v4 =	vnsel vm6, $0x0, v3  }
0x13a: {  	v4 =	vmin.u32 v4, $0x7C  }
0x13b: {  	vm7 =	vlt.u32 v3, $0x7D;
	v3 =	vshll.u32 v4, $0xA  }
0x13c: {  	v3 =	vor.u32 v38, v3;
	_ =	sdelay $0x4  }
0x13d: {  	[tilespmem:v3+s9+$0x0] =	vst.idx.msk vm7, v1  }
0x13e: {  	v3 =	vld [tilespmem:$0x220];
	_ =	sdelay $0x4  }
0x13f: {  	v3 =	vsub.s32 v3, v2  }
0x140: {  	vm8 =	vgt.s32 v3, $0x0  }
0x141: {  	v4 =	vnsel vm8, $0x0, v3  }
0x142: {  	v4 =	vmin.u32 v4, $0x7C  }
0x143: {  	vm9 =	vlt.u32 v3, $0x7D;
	v3 =	vshll.u32 v4, $0xA  }
0x144: {  	v3 =	vor.u32 v39, v3;
	_ =	sdelay $0x4  }
0x145: {  	[tilespmem:v3+s9+$0x0] =	vst.idx.msk vm9, v1  }
0x146: {  	v3 =	vld [tilespmem:$0x230];
	_ =	sdelay $0x4  }
0x147: {  	v3 =	vsub.s32 v3, v2  }
0x148: {  	vm10 =	vgt.s32 v3, $0x0  }
0x149: {  	v4 =	vnsel vm10, $0x0, v3  }
0x14a: {  	v4 =	vmin.u32 v4, $0x7C  }
0x14b: {  	vm11 =	vlt.u32 v3, $0x7D;
	v3 =	vshll.u32 v4, $0xA  }
0x14c: {  	v3 =	vor.u32 v40, v3;
	_ =	sdelay $0x4  }
0x14d: {  	[tilespmem:v3+s9+$0x0] =	vst.idx.msk vm11, v1  }
0x14e: {  	v3 =	vld [tilespmem:$0x240];
	_ =	sdelay $0x4  }
0x14f: {  	v3 =	vsub.s32 v3, v2  }
0x150: {  	vm12 =	vgt.s32 v3, $0x0  }
0x151: {  	v4 =	vnsel vm12, $0x0, v3  }
0x152: {  	v4 =	vmin.u32 v4, $0x7C  }
0x153: {  	vm13 =	vlt.u32 v3, $0x7D;
	v3 =	vshll.u32 v4, $0xA  }
0x154: {  	v3 =	vor.u32 v41, v3;
	_ =	sdelay $0x4  }
0x155: {  	[tilespmem:v3+s9+$0x0] =	vst.idx.msk vm13, v1  }
0x156: {  	v3 =	vld [tilespmem:$0x250];
	_ =	sdelay $0x4  }
0x157: {  	v3 =	vsub.s32 v3, v2  }
0x158: {  	vm14 =	vgt.s32 v3, $0x0  }
0x159: {  	v4 =	vnsel vm14, $0x0, v3  }
0x15a: {  	v4 =	vmin.u32 v4, $0x7C  }
0x15b: {  	vm15 =	vlt.u32 v3, $0x7D;
	v3 =	vshll.u32 v4, $0xA  }
0x15c: {  	v3 =	vor.u32 v42, v3;
	_ =	sdelay $0x4  }
0x15d: {  	[tilespmem:v3+s9+$0x0] =	vst.idx.msk vm15, v1  }
0x15e: {  	v3 =	vld [tilespmem:$0x260];
	_ =	sdelay $0x4  }
0x15f: {  	v3 =	vsub.s32 v3, v2  }
0x160: {  	vm4 =	vgt.s32 v3, $0x0  }
0x161: {  	v4 =	vnsel vm4, $0x0, v3  }
0x162: {  	v4 =	vmin.u32 v4, $0x7C  }
0x163: {  	vm5 =	vlt.u32 v3, $0x7D;
	v3 =	vshll.u32 v4, $0xA  }
0x164: {  	v3 =	vor.u32 v43, v3;
	_ =	sdelay $0x4  }
0x165: {  	[tilespmem:v3+s9+$0x0] =	vst.idx.msk vm5, v1  }
0x166: {  	v3 =	vld [tilespmem:$0x270];
	_ =	sdelay $0x4  }
0x167: {  	v3 =	vsub.s32 v3, v2  }
0x168: {  	vm6 =	vgt.s32 v3, $0x0  }
0x169: {  	v4 =	vnsel vm6, $0x0, v3  }
0x16a: {  	v4 =	vmin.u32 v4, $0x7C  }
0x16b: {  	vm7 =	vlt.u32 v3, $0x7D;
	v3 =	vshll.u32 v4, $0xA  }
0x16c: {  	v3 =	vor.u32 v44, v3;
	_ =	sdelay $0x4  }
0x16d: {  	[tilespmem:v3+s9+$0x0] =	vst.idx.msk vm7, v1  }
0x16e: {  	v3 =	vld [tilespmem:$0x280];
	_ =	sdelay $0x4  }
0x16f: {  	v3 =	vsub.s32 v3, v2  }
0x170: {  	vm8 =	vgt.s32 v3, $0x0  }
0x171: {  	v4 =	vnsel vm8, $0x0, v3  }
0x172: {  	v4 =	vmin.u32 v4, $0x7C  }
0x173: {  	vm9 =	vlt.u32 v3, $0x7D;
	v3 =	vshll.u32 v4, $0xA  }
0x174: {  	v3 =	vor.u32 v45, v3;
	_ =	sdelay $0x4  }
0x175: {  	[tilespmem:v3+s9+$0x0] =	vst.idx.msk vm9, v1  }
0x176: {  	v3 =	vld [tilespmem:$0x290];
	_ =	sdelay $0x4  }
0x177: {  	v3 =	vsub.s32 v3, v2  }
0x178: {  	vm10 =	vgt.s32 v3, $0x0  }
0x179: {  	v4 =	vnsel vm10, $0x0, v3  }
0x17a: {  	v4 =	vmin.u32 v4, $0x7C  }
0x17b: {  	vm11 =	vlt.u32 v3, $0x7D;
	v3 =	vshll.u32 v4, $0xA  }
0x17c: {  	v3 =	vor.u32 v46, v3;
	_ =	sdelay $0x4  }
0x17d: {  	[tilespmem:v3+s9+$0x0] =	vst.idx.msk vm11, v1  }
0x17e: {  	v3 =	vld [tilespmem:$0x2A0];
	_ =	sdelay $0x4  }
0x17f: {  	v3 =	vsub.s32 v3, v2  }
0x180: {  	vm12 =	vgt.s32 v3, $0x0  }
0x181: {  	v4 =	vnsel vm12, $0x0, v3  }
0x182: {  	v4 =	vmin.u32 v4, $0x7C  }
0x183: {  	vm13 =	vlt.u32 v3, $0x7D;
	v3 =	vshll.u32 v4, $0xA  }
0x184: {  	v3 =	vor.u32 v47, v3;
	_ =	sdelay $0x4  }
0x185: {  	[tilespmem:v3+s9+$0x0] =	vst.idx.msk vm13, v1  }
0x186: {  	v3 =	vld [tilespmem:$0x2B0];
	_ =	sdelay $0x4  }
0x187: {  	v3 =	vsub.s32 v3, v2  }
0x188: {  	vm14 =	vgt.s32 v3, $0x0  }
0x189: {  	v4 =	vnsel vm14, $0x0, v3  }
0x18a: {  	v4 =	vmin.u32 v4, $0x7C  }
0x18b: {  	vm15 =	vlt.u32 v3, $0x7D;
	v3 =	vshll.u32 v4, $0xA  }
0x18c: {  	v3 =	vor.u32 v48, v3;
	_ =	sdelay $0x4  }
0x18d: {  	[tilespmem:v3+s9+$0x0] =	vst.idx.msk vm15, v1  }
0x18e: {  	v3 =	vld [tilespmem:$0x2C0];
	_ =	sdelay $0x4  }
0x18f: {  	v3 =	vsub.s32 v3, v2  }
0x190: {  	vm4 =	vgt.s32 v3, $0x0  }
0x191: {  	v4 =	vnsel vm4, $0x0, v3  }
0x192: {  	v4 =	vmin.u32 v4, $0x7C  }
0x193: {  	vm5 =	vlt.u32 v3, $0x7D;
	v3 =	vshll.u32 v4, $0xA  }
0x194: {  	v3 =	vor.u32 v49, v3;
	_ =	sdelay $0x4  }
0x195: {  	[tilespmem:v3+s9+$0x0] =	vst.idx.msk vm5, v1  }
0x196: {  	v3 =	vld [tilespmem:$0x2D0];
	_ =	sdelay $0x4  }
0x197: {  	v3 =	vsub.s32 v3, v2  }
0x198: {  	vm6 =	vgt.s32 v3, $0x0  }
0x199: {  	v4 =	vnsel vm6, $0x0, v3  }
0x19a: {  	v4 =	vmin.u32 v4, $0x7C  }
0x19b: {  	vm7 =	vlt.u32 v3, $0x7D;
	v3 =	vshll.u32 v4, $0xA  }
0x19c: {  	v3 =	vor.u32 v50, v3;
	_ =	sdelay $0x4  }
0x19d: {  	[tilespmem:v3+s9+$0x0] =	vst.idx.msk vm7, v1  }
0x19e: {  	v3 =	vld [tilespmem:$0x2E0];
	_ =	sdelay $0x4  }
0x19f: {  	v3 =	vsub.s32 v3, v2  }
0x1a0: {  	vm8 =	vgt.s32 v3, $0x0  }
0x1a1: {  	v4 =	vnsel vm8, $0x0, v3  }
0x1a2: {  	v4 =	vmin.u32 v4, $0x7C  }
0x1a3: {  	vm9 =	vlt.u32 v3, $0x7D;
	v3 =	vshll.u32 v4, $0xA  }
0x1a4: {  	v3 =	vor.u32 v51, v3;
	_ =	sdelay $0x4  }
0x1a5: {  	[tilespmem:v3+s9+$0x0] =	vst.idx.msk vm9, v1  }
0x1a6: {  	v3 =	vld [tilespmem:$0x2F0];
	_ =	sdelay $0x4  }
0x1a7: {  	v3 =	vsub.s32 v3, v2  }
0x1a8: {  	vm10 =	vgt.s32 v3, $0x0  }
0x1a9: {  	v4 =	vnsel vm10, $0x0, v3  }
0x1aa: {  	v4 =	vmin.u32 v4, $0x7C  }
0x1ab: {  	vm11 =	vlt.u32 v3, $0x7D;
	v3 =	vshll.u32 v4, $0xA  }
0x1ac: {  	v3 =	vor.u32 v52, v3;
	_ =	sdelay $0x4  }
0x1ad: {  	[tilespmem:v3+s9+$0x0] =	vst.idx.msk vm11, v1  }
0x1ae: {  	v3 =	vld [tilespmem:$0x300];
	_ =	sdelay $0x4  }
0x1af: {  	v3 =	vsub.s32 v3, v2  }
0x1b0: {  	vm12 =	vgt.s32 v3, $0x0  }
0x1b1: {  	v4 =	vnsel vm12, $0x0, v3  }
0x1b2: {  	v4 =	vmin.u32 v4, $0x7C  }
0x1b3: {  	vm13 =	vlt.u32 v3, $0x7D;
	v3 =	vshll.u32 v4, $0xA  }
0x1b4: {  	v3 =	vor.u32 v53, v3;
	_ =	sdelay $0x4  }
0x1b5: {  	[tilespmem:v3+s9+$0x0] =	vst.idx.msk vm13, v1  }
0x1b6: {  	v3 =	vld [tilespmem:$0x310];
	_ =	sdelay $0x4  }
0x1b7: {  	v3 =	vsub.s32 v3, v2  }
0x1b8: {  	vm14 =	vgt.s32 v3, $0x0  }
0x1b9: {  	v4 =	vnsel vm14, $0x0, v3  }
0x1ba: {  	v4 =	vmin.u32 v4, $0x7C  }
0x1bb: {  	vm15 =	vlt.u32 v3, $0x7D;
	v3 =	vshll.u32 v4, $0xA  }
0x1bc: {  	v3 =	vor.u32 v54, v3;
	_ =	sdelay $0x4  }
0x1bd: {  	[tilespmem:v3+s9+$0x0] =	vst.idx.msk vm15, v1  }
0x1be: {  	v3 =	vld [tilespmem:$0x320];
	_ =	sdelay $0x4  }
0x1bf: {  	v3 =	vsub.s32 v3, v2  }
0x1c0: {  	vm4 =	vgt.s32 v3, $0x0  }
0x1c1: {  	v4 =	vnsel vm4, $0x0, v3  }
0x1c2: {  	v4 =	vmin.u32 v4, $0x7C  }
0x1c3: {  	vm5 =	vlt.u32 v3, $0x7D;
	v3 =	vshll.u32 v4, $0xA  }
0x1c4: {  	v3 =	vor.u32 v55, v3;
	_ =	sdelay $0x4  }
0x1c5: {  	[tilespmem:v3+s9+$0x0] =	vst.idx.msk vm5, v1  }
0x1c6: {  	v3 =	vld [tilespmem:$0x330];
	_ =	sdelay $0x4  }
0x1c7: {  	v3 =	vsub.s32 v3, v2  }
0x1c8: {  	vm6 =	vgt.s32 v3, $0x0  }
0x1c9: {  	v4 =	vnsel vm6, $0x0, v3  }
0x1ca: {  	v4 =	vmin.u32 v4, $0x7C  }
0x1cb: {  	vm7 =	vlt.u32 v3, $0x7D;
	v3 =	vshll.u32 v4, $0xA  }
0x1cc: {  	v3 =	vor.u32 v56, v3;
	_ =	sdelay $0x4  }
0x1cd: {  	[tilespmem:v3+s9+$0x0] =	vst.idx.msk vm7, v1  }
0x1ce: {  	v3 =	vld [tilespmem:$0x340];
	_ =	sdelay $0x4  }
0x1cf: {  	v3 =	vsub.s32 v3, v2  }
0x1d0: {  	vm8 =	vgt.s32 v3, $0x0  }
0x1d1: {  	v4 =	vnsel vm8, $0x0, v3  }
0x1d2: {  	v4 =	vmin.u32 v4, $0x7C  }
0x1d3: {  	vm9 =	vlt.u32 v3, $0x7D;
	v3 =	vshll.u32 v4, $0xA  }
0x1d4: {  	v3 =	vor.u32 v57, v3;
	_ =	sdelay $0x4  }
0x1d5: {  	[tilespmem:v3+s9+$0x0] =	vst.idx.msk vm9, v1  }
0x1d6: {  	v3 =	vld [tilespmem:$0x350];
	_ =	sdelay $0x4  }
0x1d7: {  	v3 =	vsub.s32 v3, v2  }
0x1d8: {  	vm10 =	vgt.s32 v3, $0x0  }
0x1d9: {  	v4 =	vnsel vm10, $0x0, v3  }
0x1da: {  	v4 =	vmin.u32 v4, $0x7C  }
0x1db: {  	vm11 =	vlt.u32 v3, $0x7D;
	v3 =	vshll.u32 v4, $0xA  }
0x1dc: {  	v3 =	vor.u32 v58, v3;
	_ =	sdelay $0x4  }
0x1dd: {  	[tilespmem:v3+s9+$0x0] =	vst.idx.msk vm11, v1  }
0x1de: {  	v3 =	vld [tilespmem:$0x360];
	_ =	sdelay $0x4  }
0x1df: {  	v3 =	vsub.s32 v3, v2  }
0x1e0: {  	vm12 =	vgt.s32 v3, $0x0  }
0x1e1: {  	v4 =	vnsel vm12, $0x0, v3  }
0x1e2: {  	v4 =	vmin.u32 v4, $0x7C  }
0x1e3: {  	vm13 =	vlt.u32 v3, $0x7D;
	v3 =	vshll.u32 v4, $0xA  }
0x1e4: {  	v3 =	vor.u32 v59, v3;
	_ =	sdelay $0x4  }
0x1e5: {  	[tilespmem:v3+s9+$0x0] =	vst.idx.msk vm13, v1  }
0x1e6: {  	v3 =	vld [tilespmem:$0x370];
	_ =	sdelay $0x4  }
0x1e7: {  	v3 =	vsub.s32 v3, v2  }
0x1e8: {  	vm14 =	vgt.s32 v3, $0x0  }
0x1e9: {  	v4 =	vnsel vm14, $0x0, v3  }
0x1ea: {  	v4 =	vmin.u32 v4, $0x7C  }
0x1eb: {  	vm15 =	vlt.u32 v3, $0x7D;
	v3 =	vshll.u32 v4, $0xA  }
0x1ec: {  	v3 =	vor.u32 v60, v3;
	_ =	sdelay $0x4  }
0x1ed: {  	[tilespmem:v3+s9+$0x0] =	vst.idx.msk vm15, v1  }
0x1ee: {  	v3 =	vld [tilespmem:$0x380];
	_ =	sdelay $0x4  }
0x1ef: {  	v3 =	vsub.s32 v3, v2  }
0x1f0: {  	vm4 =	vgt.s32 v3, $0x0  }
0x1f1: {  	v4 =	vnsel vm4, $0x0, v3  }
0x1f2: {  	v4 =	vmin.u32 v4, $0x7C  }
0x1f3: {  	vm5 =	vlt.u32 v3, $0x7D;
	v3 =	vshll.u32 v4, $0xA  }
0x1f4: {  	v3 =	vor.u32 v61, v3;
	_ =	sdelay $0x4  }
0x1f5: {  	[tilespmem:v3+s9+$0x0] =	vst.idx.msk vm5, v1  }
0x1f6: {  	v3 =	vld [tilespmem:$0x390];
	_ =	sdelay $0x4  }
0x1f7: {  	v3 =	vsub.s32 v3, v2  }
0x1f8: {  	vm6 =	vgt.s32 v3, $0x0  }
0x1f9: {  	v4 =	vnsel vm6, $0x0, v3  }
0x1fa: {  	v4 =	vmin.u32 v4, $0x7C  }
0x1fb: {  	vm7 =	vlt.u32 v3, $0x7D;
	v3 =	vshll.u32 v4, $0xA  }
0x1fc: {  	v3 =	vor.u32 v62, v3;
	_ =	sdelay $0x4  }
0x1fd: {  	[tilespmem:v3+s9+$0x0] =	vst.idx.msk vm7, v1  }
0x1fe: {  	v3 =	vld [tilespmem:$0x3A0];
	_ =	sdelay $0x4  }
0x1ff: {  	v3 =	vsub.s32 v3, v2  }
0x200: {  	vm8 =	vgt.s32 v3, $0x0  }
0x201: {  	v4 =	vnsel vm8, $0x0, v3  }
0x202: {  	v4 =	vmin.u32 v4, $0x7C  }
0x203: {  	vm9 =	vlt.u32 v3, $0x7D;
	v3 =	vshll.u32 v4, $0xA  }
0x204: {  	v3 =	vor.u32 v63, v3;
	_ =	sdelay $0x4  }
0x205: {  	[tilespmem:v3+s9+$0x0] =	vst.idx.msk vm9, v1  }
0x206: {  	v3 =	vld [tilespmem:$0x3B0];
	_ =	sdelay $0x4  }
0x207: {  	v3 =	vsub.s32 v3, v2  }
0x208: {  	vm10 =	vgt.s32 v3, $0x0  }
0x209: {  	v4 =	vnsel vm10, $0x0, v3  }
0x20a: {  	v4 =	vmin.u32 v4, $0x7C  }
0x20b: {  	vm11 =	vlt.u32 v3, $0x7D;
	v3 =	vshll.u32 v4, $0xA;
	v4 =	vld [tilespmem:$0x1FFC0];
	_ =	sdelay $0x4  }
0x20c: {  	v3 =	vor.u32 v4, v3;
	_ =	sdelay $0x4  }
0x20d: {  	[tilespmem:v3+s9+$0x0] =	vst.idx.msk vm11, v1  }
0x20e: {  	v3 =	vld [tilespmem:$0x3C0];
	_ =	sdelay $0x4  }
0x20f: {  	v3 =	vsub.s32 v3, v2  }
0x210: {  	vm12 =	vgt.s32 v3, $0x0  }
0x211: {  	v4 =	vnsel vm12, $0x0, v3  }
0x212: {  	v4 =	vmin.u32 v4, $0x7C  }
0x213: {  	vm13 =	vlt.u32 v3, $0x7D;
	v3 =	vshll.u32 v4, $0xA;
	v4 =	vld [tilespmem:$0x1FFD0];
	_ =	sdelay $0x4  }
0x214: {  	v3 =	vor.u32 v4, v3;
	_ =	sdelay $0x4  }
0x215: {  	[tilespmem:v3+s9+$0x0] =	vst.idx.msk vm13, v1  }
0x216: {  	v3 =	vld [tilespmem:$0x3D0];
	_ =	sdelay $0x4  }
0x217: {  	v3 =	vsub.s32 v3, v2  }
0x218: {  	vm14 =	vgt.s32 v3, $0x0  }
0x219: {  	v4 =	vnsel vm14, $0x0, v3  }
0x21a: {  	v4 =	vmin.u32 v4, $0x7C  }
0x21b: {  	vm15 =	vlt.u32 v3, $0x7D;
	v3 =	vshll.u32 v4, $0xA;
	v4 =	vld [tilespmem:$0x1FFE0];
	_ =	sdelay $0x4  }
0x21c: {  	v3 =	vor.u32 v4, v3;
	_ =	sdelay $0x4  }
0x21d: {  	[tilespmem:v3+s9+$0x0] =	vst.idx.msk vm15, v1  }
0x21e: {  	v3 =	vld [tilespmem:$0x3E0];
	_ =	sdelay $0x4  }
0x21f: {  	v3 =	vsub.s32 v3, v2  }
0x220: {  	vm4 =	vgt.s32 v3, $0x0  }
0x221: {  	v4 =	vnsel vm4, $0x0, v3  }
0x222: {  	v4 =	vmin.u32 v4, $0x7C  }
0x223: {  	vm5 =	vlt.u32 v3, $0x7D;
	v3 =	vshll.u32 v4, $0xA;
	v4 =	vld [tilespmem:$0x1FFF0];
	_ =	sdelay $0x4  }
0x224: {  	v3 =	vor.u32 v4, v3;
	_ =	sdelay $0x4  }
0x225: {  	[tilespmem:v3+s9+$0x0] =	vst.idx.msk vm5, v1  }
0x226: {  	v3 =	vld [tilespmem:$0x3F0];
	_ =	sdelay $0x4  }
0x227: {  	v3 =	vsub.s32 v3, v2  }
0x228: {  	vm6 =	vgt.s32 v3, $0x0  }
0x229: {  	v4 =	vnsel vm6, $0x0, v3  }
0x22a: {  	v4 =	vmin.u32 v4, $0x7C  }
0x22b: {  	vm7 =	vlt.u32 v3, $0x7D;
	v3 =	vor.u32 $0x3F0, v5;
	v4 =	vshll.u32 v4, $0xA  }
0x22c: {  	v4 =	vor.u32 v3, v4  }
0x22d: {  	s14 =	smul.u32 $0xFA000, s14;
	_ =	sdelay $0x1  }
0x22e: {  	s14 =	sshrl.u32 s14, $0x3;
	s15 =	smul.u32 $0x3E80, s31  }
0x22f: {  	s14 =	sadd.s32 s6, s14;
	[tilespmem:$0x1FFB0] =	vst v3  }
0x230: {  	s14 =	sadd.s32 s15, s14;
	[tilespmem:v4+s9+$0x0] =	vst.idx.msk vm7, v1  }
0x231: {  	[hbm4b:s14+s3] =	stream.linear.scatter [tilespmem:s9], [sflag:$0x1], $0x1F400, $0x38;
	[tilespmem:$0x1F800] =	vst v63  }
0x232: {  	_ =	swait.ge [sflag:s10], $0x1F400  }
0x233: {  	[sflag:s10] =	ssyncset.done $0x0  }
0x234: {  	[sflag:s10] =	ssyncadd.s32 $0xFFFE0C00  }
0x235: {  	v4 =	vld [tilespmem:$0x0];
	_ =	sdelay $0x4  }
0x236: {  	v4 =	vsub.s32 v4, v2  }
0x237: {  	vm8 =	vgt.s32 v4, $0x0  }
0x238: {  	v5 =	vnsel vm8, $0x0, v4  }
0x239: {  	v5 =	vmin.u32 v5, $0x7C  }
0x23a: {  	v1 =	vlaneseq.u32;
	vm9 =	vlt.u32 v4, $0x7D;
	v4 =	vshll.u32 v5, $0xA  }
0x23b: {  	v4 =	vor.u32 v1, v4;
	_ =	sdelay $0x4  }
0x23c: {  	[tilespmem:v4+s9+$0x0] =	vst.idx.msk vm9, v0  }
0x23d: {  	v4 =	vld [tilespmem:$0x10];
	_ =	sdelay $0x4  }
0x23e: {  	v4 =	vsub.s32 v4, v2  }
0x23f: {  	vm10 =	vgt.s32 v4, $0x0  }
0x240: {  	v5 =	vnsel vm10, $0x0, v4  }
0x241: {  	v5 =	vmin.u32 v5, $0x7C  }
0x242: {  	vm11 =	vlt.u32 v4, $0x7D;
	v4 =	vshll.u32 v5, $0xA  }
0x243: {  	v4 =	vor.u32 v6, v4;
	_ =	sdelay $0x4  }
0x244: {  	[tilespmem:v4+s9+$0x0] =	vst.idx.msk vm11, v0  }
0x245: {  	v4 =	vld [tilespmem:$0x20];
	_ =	sdelay $0x4  }
0x246: {  	v4 =	vsub.s32 v4, v2  }
0x247: {  	vm12 =	vgt.s32 v4, $0x0  }
0x248: {  	v5 =	vnsel vm12, $0x0, v4  }
0x249: {  	v5 =	vmin.u32 v5, $0x7C  }
0x24a: {  	vm13 =	vlt.u32 v4, $0x7D;
	v4 =	vshll.u32 v5, $0xA  }
0x24b: {  	v4 =	vor.u32 v7, v4;
	_ =	sdelay $0x4  }
0x24c: {  	[tilespmem:v4+s9+$0x0] =	vst.idx.msk vm13, v0  }
0x24d: {  	v4 =	vld [tilespmem:$0x30];
	_ =	sdelay $0x4  }
0x24e: {  	v4 =	vsub.s32 v4, v2  }
0x24f: {  	vm14 =	vgt.s32 v4, $0x0  }
0x250: {  	v5 =	vnsel vm14, $0x0, v4  }
0x251: {  	v5 =	vmin.u32 v5, $0x7C  }
0x252: {  	vm15 =	vlt.u32 v4, $0x7D;
	v4 =	vshll.u32 v5, $0xA  }
0x253: {  	v4 =	vor.u32 v8, v4;
	_ =	sdelay $0x4  }
0x254: {  	[tilespmem:v4+s9+$0x0] =	vst.idx.msk vm15, v0  }
0x255: {  	v4 =	vld [tilespmem:$0x40];
	_ =	sdelay $0x4  }
0x256: {  	v4 =	vsub.s32 v4, v2  }
0x257: {  	vm4 =	vgt.s32 v4, $0x0  }
0x258: {  	v5 =	vnsel vm4, $0x0, v4  }
0x259: {  	v5 =	vmin.u32 v5, $0x7C  }
0x25a: {  	vm5 =	vlt.u32 v4, $0x7D;
	v4 =	vshll.u32 v5, $0xA  }
0x25b: {  	v4 =	vor.u32 v9, v4;
	_ =	sdelay $0x4  }
0x25c: {  	[tilespmem:v4+s9+$0x0] =	vst.idx.msk vm5, v0  }
0x25d: {  	v4 =	vld [tilespmem:$0x50];
	_ =	sdelay $0x4  }
0x25e: {  	v4 =	vsub.s32 v4, v2  }
0x25f: {  	vm6 =	vgt.s32 v4, $0x0  }
0x260: {  	v5 =	vnsel vm6, $0x0, v4  }
0x261: {  	v5 =	vmin.u32 v5, $0x7C  }
0x262: {  	vm7 =	vlt.u32 v4, $0x7D;
	v4 =	vshll.u32 v5, $0xA  }
0x263: {  	v4 =	vor.u32 v10, v4;
	_ =	sdelay $0x4  }
0x264: {  	[tilespmem:v4+s9+$0x0] =	vst.idx.msk vm7, v0  }
0x265: {  	v4 =	vld [tilespmem:$0x60];
	_ =	sdelay $0x4  }
0x266: {  	v4 =	vsub.s32 v4, v2  }
0x267: {  	vm8 =	vgt.s32 v4, $0x0  }
0x268: {  	v5 =	vnsel vm8, $0x0, v4  }
0x269: {  	v5 =	vmin.u32 v5, $0x7C  }
0x26a: {  	vm9 =	vlt.u32 v4, $0x7D;
	v4 =	vshll.u32 v5, $0xA  }
0x26b: {  	v4 =	vor.u32 v11, v4;
	_ =	sdelay $0x4  }
0x26c: {  	[tilespmem:v4+s9+$0x0] =	vst.idx.msk vm9, v0  }
0x26d: {  	v4 =	vld [tilespmem:$0x70];
	_ =	sdelay $0x4  }
0x26e: {  	v4 =	vsub.s32 v4, v2  }
0x26f: {  	vm10 =	vgt.s32 v4, $0x0  }
0x270: {  	v5 =	vnsel vm10, $0x0, v4  }
0x271: {  	v5 =	vmin.u32 v5, $0x7C  }
0x272: {  	vm11 =	vlt.u32 v4, $0x7D;
	v4 =	vshll.u32 v5, $0xA  }
0x273: {  	v4 =	vor.u32 v12, v4;
	_ =	sdelay $0x4  }
0x274: {  	[tilespmem:v4+s9+$0x0] =	vst.idx.msk vm11, v0  }
0x275: {  	v4 =	vld [tilespmem:$0x80];
	_ =	sdelay $0x4  }
0x276: {  	v4 =	vsub.s32 v4, v2  }
0x277: {  	vm12 =	vgt.s32 v4, $0x0  }
0x278: {  	v5 =	vnsel vm12, $0x0, v4  }
0x279: {  	v5 =	vmin.u32 v5, $0x7C  }
0x27a: {  	vm13 =	vlt.u32 v4, $0x7D;
	v4 =	vshll.u32 v5, $0xA  }
0x27b: {  	v4 =	vor.u32 v13, v4;
	_ =	sdelay $0x4  }
0x27c: {  	[tilespmem:v4+s9+$0x0] =	vst.idx.msk vm13, v0  }
0x27d: {  	v4 =	vld [tilespmem:$0x90];
	_ =	sdelay $0x4  }
0x27e: {  	v4 =	vsub.s32 v4, v2  }
0x27f: {  	vm14 =	vgt.s32 v4, $0x0  }
0x280: {  	v5 =	vnsel vm14, $0x0, v4  }
0x281: {  	v5 =	vmin.u32 v5, $0x7C  }
0x282: {  	vm15 =	vlt.u32 v4, $0x7D;
	v4 =	vshll.u32 v5, $0xA  }
0x283: {  	v4 =	vor.u32 v14, v4;
	_ =	sdelay $0x4  }
0x284: {  	[tilespmem:v4+s9+$0x0] =	vst.idx.msk vm15, v0  }
0x285: {  	v4 =	vld [tilespmem:$0xA0];
	_ =	sdelay $0x4  }
0x286: {  	v4 =	vsub.s32 v4, v2  }
0x287: {  	vm4 =	vgt.s32 v4, $0x0  }
0x288: {  	v5 =	vnsel vm4, $0x0, v4  }
0x289: {  	v5 =	vmin.u32 v5, $0x7C  }
0x28a: {  	vm5 =	vlt.u32 v4, $0x7D;
	v4 =	vshll.u32 v5, $0xA  }
0x28b: {  	v4 =	vor.u32 v15, v4;
	_ =	sdelay $0x4  }
0x28c: {  	[tilespmem:v4+s9+$0x0] =	vst.idx.msk vm5, v0  }
0x28d: {  	v4 =	vld [tilespmem:$0xB0];
	_ =	sdelay $0x4  }
0x28e: {  	v4 =	vsub.s32 v4, v2  }
0x28f: {  	vm6 =	vgt.s32 v4, $0x0  }
0x290: {  	v5 =	vnsel vm6, $0x0, v4  }
0x291: {  	v5 =	vmin.u32 v5, $0x7C  }
0x292: {  	vm7 =	vlt.u32 v4, $0x7D;
	v4 =	vshll.u32 v5, $0xA  }
0x293: {  	v4 =	vor.u32 v16, v4;
	_ =	sdelay $0x4  }
0x294: {  	[tilespmem:v4+s9+$0x0] =	vst.idx.msk vm7, v0  }
0x295: {  	v4 =	vld [tilespmem:$0xC0];
	_ =	sdelay $0x4  }
0x296: {  	v4 =	vsub.s32 v4, v2  }
0x297: {  	vm8 =	vgt.s32 v4, $0x0  }
0x298: {  	v5 =	vnsel vm8, $0x0, v4  }
0x299: {  	v5 =	vmin.u32 v5, $0x7C  }
0x29a: {  	vm9 =	vlt.u32 v4, $0x7D;
	v4 =	vshll.u32 v5, $0xA  }
0x29b: {  	v4 =	vor.u32 v17, v4;
	_ =	sdelay $0x4  }
0x29c: {  	[tilespmem:v4+s9+$0x0] =	vst.idx.msk vm9, v0  }
0x29d: {  	v4 =	vld [tilespmem:$0xD0];
	_ =	sdelay $0x4  }
0x29e: {  	v4 =	vsub.s32 v4, v2  }
0x29f: {  	vm10 =	vgt.s32 v4, $0x0  }
0x2a0: {  	v5 =	vnsel vm10, $0x0, v4  }
0x2a1: {  	v5 =	vmin.u32 v5, $0x7C  }
0x2a2: {  	vm11 =	vlt.u32 v4, $0x7D;
	v4 =	vshll.u32 v5, $0xA  }
0x2a3: {  	v4 =	vor.u32 v18, v4;
	_ =	sdelay $0x4  }
0x2a4: {  	[tilespmem:v4+s9+$0x0] =	vst.idx.msk vm11, v0  }
0x2a5: {  	v4 =	vld [tilespmem:$0xE0];
	_ =	sdelay $0x4  }
0x2a6: {  	v4 =	vsub.s32 v4, v2  }
0x2a7: {  	vm12 =	vgt.s32 v4, $0x0  }
0x2a8: {  	v5 =	vnsel vm12, $0x0, v4  }
0x2a9: {  	v5 =	vmin.u32 v5, $0x7C  }
0x2aa: {  	vm13 =	vlt.u32 v4, $0x7D;
	v4 =	vshll.u32 v5, $0xA  }
0x2ab: {  	v4 =	vor.u32 v19, v4;
	_ =	sdelay $0x4  }
0x2ac: {  	[tilespmem:v4+s9+$0x0] =	vst.idx.msk vm13, v0  }
0x2ad: {  	v4 =	vld [tilespmem:$0xF0];
	_ =	sdelay $0x4  }
0x2ae: {  	v4 =	vsub.s32 v4, v2  }
0x2af: {  	vm14 =	vgt.s32 v4, $0x0  }
0x2b0: {  	v5 =	vnsel vm14, $0x0, v4  }
0x2b1: {  	v5 =	vmin.u32 v5, $0x7C  }
0x2b2: {  	vm15 =	vlt.u32 v4, $0x7D;
	v4 =	vshll.u32 v5, $0xA  }
0x2b3: {  	v4 =	vor.u32 v20, v4;
	_ =	sdelay $0x4  }
0x2b4: {  	[tilespmem:v4+s9+$0x0] =	vst.idx.msk vm15, v0  }
0x2b5: {  	v4 =	vld [tilespmem:$0x100];
	_ =	sdelay $0x4  }
0x2b6: {  	v4 =	vsub.s32 v4, v2  }
0x2b7: {  	vm4 =	vgt.s32 v4, $0x0  }
0x2b8: {  	v5 =	vnsel vm4, $0x0, v4  }
0x2b9: {  	v5 =	vmin.u32 v5, $0x7C  }
0x2ba: {  	vm5 =	vlt.u32 v4, $0x7D;
	v4 =	vshll.u32 v5, $0xA  }
0x2bb: {  	v4 =	vor.u32 v21, v4;
	_ =	sdelay $0x4  }
0x2bc: {  	[tilespmem:v4+s9+$0x0] =	vst.idx.msk vm5, v0  }
0x2bd: {  	v4 =	vld [tilespmem:$0x110];
	_ =	sdelay $0x4  }
0x2be: {  	v4 =	vsub.s32 v4, v2  }
0x2bf: {  	vm6 =	vgt.s32 v4, $0x0  }
0x2c0: {  	v5 =	vnsel vm6, $0x0, v4  }
0x2c1: {  	v5 =	vmin.u32 v5, $0x7C  }
0x2c2: {  	vm7 =	vlt.u32 v4, $0x7D;
	v4 =	vshll.u32 v5, $0xA  }
0x2c3: {  	v4 =	vor.u32 v22, v4;
	_ =	sdelay $0x4  }
0x2c4: {  	[tilespmem:v4+s9+$0x0] =	vst.idx.msk vm7, v0  }
0x2c5: {  	v4 =	vld [tilespmem:$0x120];
	_ =	sdelay $0x4  }
0x2c6: {  	v4 =	vsub.s32 v4, v2  }
0x2c7: {  	vm8 =	vgt.s32 v4, $0x0  }
0x2c8: {  	v5 =	vnsel vm8, $0x0, v4  }
0x2c9: {  	v5 =	vmin.u32 v5, $0x7C  }
0x2ca: {  	vm9 =	vlt.u32 v4, $0x7D;
	v4 =	vshll.u32 v5, $0xA  }
0x2cb: {  	v4 =	vor.u32 v23, v4;
	_ =	sdelay $0x4  }
0x2cc: {  	[tilespmem:v4+s9+$0x0] =	vst.idx.msk vm9, v0  }
0x2cd: {  	v4 =	vld [tilespmem:$0x130];
	_ =	sdelay $0x4  }
0x2ce: {  	v4 =	vsub.s32 v4, v2  }
0x2cf: {  	vm10 =	vgt.s32 v4, $0x0  }
0x2d0: {  	v5 =	vnsel vm10, $0x0, v4  }
0x2d1: {  	v5 =	vmin.u32 v5, $0x7C  }
0x2d2: {  	vm11 =	vlt.u32 v4, $0x7D;
	v4 =	vshll.u32 v5, $0xA  }
0x2d3: {  	v4 =	vor.u32 v24, v4;
	_ =	sdelay $0x4  }
0x2d4: {  	[tilespmem:v4+s9+$0x0] =	vst.idx.msk vm11, v0  }
0x2d5: {  	v4 =	vld [tilespmem:$0x140];
	_ =	sdelay $0x4  }
0x2d6: {  	v4 =	vsub.s32 v4, v2  }
0x2d7: {  	vm12 =	vgt.s32 v4, $0x0  }
0x2d8: {  	v5 =	vnsel vm12, $0x0, v4  }
0x2d9: {  	v5 =	vmin.u32 v5, $0x7C  }
0x2da: {  	vm13 =	vlt.u32 v4, $0x7D;
	v4 =	vshll.u32 v5, $0xA  }
0x2db: {  	v4 =	vor.u32 v25, v4;
	_ =	sdelay $0x4  }
0x2dc: {  	[tilespmem:v4+s9+$0x0] =	vst.idx.msk vm13, v0  }
0x2dd: {  	v4 =	vld [tilespmem:$0x150];
	_ =	sdelay $0x4  }
0x2de: {  	v4 =	vsub.s32 v4, v2  }
0x2df: {  	vm14 =	vgt.s32 v4, $0x0  }
0x2e0: {  	v5 =	vnsel vm14, $0x0, v4  }
0x2e1: {  	v5 =	vmin.u32 v5, $0x7C  }
0x2e2: {  	vm15 =	vlt.u32 v4, $0x7D;
	v4 =	vshll.u32 v5, $0xA  }
0x2e3: {  	v4 =	vor.u32 v26, v4;
	_ =	sdelay $0x4  }
0x2e4: {  	[tilespmem:v4+s9+$0x0] =	vst.idx.msk vm15, v0  }
0x2e5: {  	v4 =	vld [tilespmem:$0x160];
	_ =	sdelay $0x4  }
0x2e6: {  	v4 =	vsub.s32 v4, v2  }
0x2e7: {  	vm4 =	vgt.s32 v4, $0x0  }
0x2e8: {  	v5 =	vnsel vm4, $0x0, v4  }
0x2e9: {  	v5 =	vmin.u32 v5, $0x7C  }
0x2ea: {  	vm5 =	vlt.u32 v4, $0x7D;
	v4 =	vshll.u32 v5, $0xA  }
0x2eb: {  	v4 =	vor.u32 v27, v4;
	_ =	sdelay $0x4  }
0x2ec: {  	[tilespmem:v4+s9+$0x0] =	vst.idx.msk vm5, v0  }
0x2ed: {  	v4 =	vld [tilespmem:$0x170];
	_ =	sdelay $0x4  }
0x2ee: {  	v4 =	vsub.s32 v4, v2  }
0x2ef: {  	vm6 =	vgt.s32 v4, $0x0  }
0x2f0: {  	v5 =	vnsel vm6, $0x0, v4  }
0x2f1: {  	v5 =	vmin.u32 v5, $0x7C  }
0x2f2: {  	vm7 =	vlt.u32 v4, $0x7D;
	v4 =	vshll.u32 v5, $0xA  }
0x2f3: {  	v4 =	vor.u32 v28, v4;
	_ =	sdelay $0x4  }
0x2f4: {  	[tilespmem:v4+s9+$0x0] =	vst.idx.msk vm7, v0  }
0x2f5: {  	v4 =	vld [tilespmem:$0x180];
	_ =	sdelay $0x4  }
0x2f6: {  	v4 =	vsub.s32 v4, v2  }
0x2f7: {  	vm8 =	vgt.s32 v4, $0x0  }
0x2f8: {  	v5 =	vnsel vm8, $0x0, v4  }
0x2f9: {  	v5 =	vmin.u32 v5, $0x7C  }
0x2fa: {  	vm9 =	vlt.u32 v4, $0x7D;
	v4 =	vshll.u32 v5, $0xA  }
0x2fb: {  	v4 =	vor.u32 v29, v4;
	_ =	sdelay $0x4  }
0x2fc: {  	[tilespmem:v4+s9+$0x0] =	vst.idx.msk vm9, v0  }
0x2fd: {  	v4 =	vld [tilespmem:$0x190];
	_ =	sdelay $0x4  }
0x2fe: {  	v4 =	vsub.s32 v4, v2  }
0x2ff: {  	vm10 =	vgt.s32 v4, $0x0  }
0x300: {  	v5 =	vnsel vm10, $0x0, v4  }
0x301: {  	v5 =	vmin.u32 v5, $0x7C  }
0x302: {  	vm11 =	vlt.u32 v4, $0x7D;
	v4 =	vshll.u32 v5, $0xA  }
0x303: {  	v4 =	vor.u32 v30, v4;
	_ =	sdelay $0x4  }
0x304: {  	[tilespmem:v4+s9+$0x0] =	vst.idx.msk vm11, v0  }
0x305: {  	v4 =	vld [tilespmem:$0x1A0];
	_ =	sdelay $0x4  }
0x306: {  	v4 =	vsub.s32 v4, v2  }
0x307: {  	vm12 =	vgt.s32 v4, $0x0  }
0x308: {  	v5 =	vnsel vm12, $0x0, v4  }
0x309: {  	v5 =	vmin.u32 v5, $0x7C  }
0x30a: {  	vm13 =	vlt.u32 v4, $0x7D;
	v4 =	vshll.u32 v5, $0xA  }
0x30b: {  	v4 =	vor.u32 v31, v4;
	_ =	sdelay $0x4  }
0x30c: {  	[tilespmem:v4+s9+$0x0] =	vst.idx.msk vm13, v0  }
0x30d: {  	v4 =	vld [tilespmem:$0x1B0];
	_ =	sdelay $0x4  }
0x30e: {  	v4 =	vsub.s32 v4, v2  }
0x30f: {  	vm14 =	vgt.s32 v4, $0x0  }
0x310: {  	v5 =	vnsel vm14, $0x0, v4  }
0x311: {  	v5 =	vmin.u32 v5, $0x7C  }
0x312: {  	vm15 =	vlt.u32 v4, $0x7D;
	v4 =	vshll.u32 v5, $0xA  }
0x313: {  	v4 =	vor.u32 v32, v4;
	_ =	sdelay $0x4  }
0x314: {  	[tilespmem:v4+s9+$0x0] =	vst.idx.msk vm15, v0  }
0x315: {  	v4 =	vld [tilespmem:$0x1C0];
	_ =	sdelay $0x4  }
0x316: {  	v4 =	vsub.s32 v4, v2  }
0x317: {  	vm4 =	vgt.s32 v4, $0x0  }
0x318: {  	v5 =	vnsel vm4, $0x0, v4  }
0x319: {  	v5 =	vmin.u32 v5, $0x7C  }
0x31a: {  	vm5 =	vlt.u32 v4, $0x7D;
	v4 =	vshll.u32 v5, $0xA  }
0x31b: {  	v4 =	vor.u32 v33, v4;
	_ =	sdelay $0x4  }
0x31c: {  	[tilespmem:v4+s9+$0x0] =	vst.idx.msk vm5, v0  }
0x31d: {  	v4 =	vld [tilespmem:$0x1D0];
	_ =	sdelay $0x4  }
0x31e: {  	v4 =	vsub.s32 v4, v2  }
0x31f: {  	vm6 =	vgt.s32 v4, $0x0  }
0x320: {  	v5 =	vnsel vm6, $0x0, v4  }
0x321: {  	v5 =	vmin.u32 v5, $0x7C  }
0x322: {  	vm7 =	vlt.u32 v4, $0x7D;
	v4 =	vshll.u32 v5, $0xA  }
0x323: {  	v4 =	vor.u32 v34, v4;
	_ =	sdelay $0x4  }
0x324: {  	[tilespmem:v4+s9+$0x0] =	vst.idx.msk vm7, v0  }
0x325: {  	v4 =	vld [tilespmem:$0x1E0];
	_ =	sdelay $0x4  }
0x326: {  	v4 =	vsub.s32 v4, v2  }
0x327: {  	vm8 =	vgt.s32 v4, $0x0  }
0x328: {  	v5 =	vnsel vm8, $0x0, v4  }
0x329: {  	v5 =	vmin.u32 v5, $0x7C  }
0x32a: {  	vm9 =	vlt.u32 v4, $0x7D;
	v4 =	vshll.u32 v5, $0xA  }
0x32b: {  	v4 =	vor.u32 v35, v4;
	_ =	sdelay $0x4  }
0x32c: {  	[tilespmem:v4+s9+$0x0] =	vst.idx.msk vm9, v0  }
0x32d: {  	v4 =	vld [tilespmem:$0x1F0];
	_ =	sdelay $0x4  }
0x32e: {  	v4 =	vsub.s32 v4, v2  }
0x32f: {  	vm10 =	vgt.s32 v4, $0x0  }
0x330: {  	v5 =	vnsel vm10, $0x0, v4  }
0x331: {  	v5 =	vmin.u32 v5, $0x7C  }
0x332: {  	vm11 =	vlt.u32 v4, $0x7D;
	v4 =	vshll.u32 v5, $0xA  }
0x333: {  	v4 =	vor.u32 v36, v4;
	_ =	sdelay $0x4  }
0x334: {  	[tilespmem:v4+s9+$0x0] =	vst.idx.msk vm11, v0  }
0x335: {  	v4 =	vld [tilespmem:$0x200];
	_ =	sdelay $0x4  }
0x336: {  	v4 =	vsub.s32 v4, v2  }
0x337: {  	vm12 =	vgt.s32 v4, $0x0  }
0x338: {  	v5 =	vnsel vm12, $0x0, v4  }
0x339: {  	v5 =	vmin.u32 v5, $0x7C  }
0x33a: {  	vm13 =	vlt.u32 v4, $0x7D;
	v4 =	vshll.u32 v5, $0xA  }
0x33b: {  	v4 =	vor.u32 v37, v4;
	_ =	sdelay $0x4  }
0x33c: {  	[tilespmem:v4+s9+$0x0] =	vst.idx.msk vm13, v0  }
0x33d: {  	v4 =	vld [tilespmem:$0x210];
	_ =	sdelay $0x4  }
0x33e: {  	v4 =	vsub.s32 v4, v2  }
0x33f: {  	vm14 =	vgt.s32 v4, $0x0  }
0x340: {  	v5 =	vnsel vm14, $0x0, v4  }
0x341: {  	v5 =	vmin.u32 v5, $0x7C  }
0x342: {  	vm15 =	vlt.u32 v4, $0x7D;
	v4 =	vshll.u32 v5, $0xA  }
0x343: {  	v4 =	vor.u32 v38, v4;
	_ =	sdelay $0x4  }
0x344: {  	[tilespmem:v4+s9+$0x0] =	vst.idx.msk vm15, v0  }
0x345: {  	v4 =	vld [tilespmem:$0x220];
	_ =	sdelay $0x4  }
0x346: {  	v4 =	vsub.s32 v4, v2  }
0x347: {  	vm4 =	vgt.s32 v4, $0x0  }
0x348: {  	v5 =	vnsel vm4, $0x0, v4  }
0x349: {  	v5 =	vmin.u32 v5, $0x7C  }
0x34a: {  	vm5 =	vlt.u32 v4, $0x7D;
	v4 =	vshll.u32 v5, $0xA  }
0x34b: {  	v4 =	vor.u32 v39, v4;
	_ =	sdelay $0x4  }
0x34c: {  	[tilespmem:v4+s9+$0x0] =	vst.idx.msk vm5, v0  }
0x34d: {  	v4 =	vld [tilespmem:$0x230];
	_ =	sdelay $0x4  }
0x34e: {  	v4 =	vsub.s32 v4, v2  }
0x34f: {  	vm6 =	vgt.s32 v4, $0x0  }
0x350: {  	v5 =	vnsel vm6, $0x0, v4  }
0x351: {  	v5 =	vmin.u32 v5, $0x7C  }
0x352: {  	vm7 =	vlt.u32 v4, $0x7D;
	v4 =	vshll.u32 v5, $0xA  }
0x353: {  	v4 =	vor.u32 v40, v4;
	_ =	sdelay $0x4  }
0x354: {  	[tilespmem:v4+s9+$0x0] =	vst.idx.msk vm7, v0  }
0x355: {  	v4 =	vld [tilespmem:$0x240];
	_ =	sdelay $0x4  }
0x356: {  	v4 =	vsub.s32 v4, v2  }
0x357: {  	vm8 =	vgt.s32 v4, $0x0  }
0x358: {  	v5 =	vnsel vm8, $0x0, v4  }
0x359: {  	v5 =	vmin.u32 v5, $0x7C  }
0x35a: {  	vm9 =	vlt.u32 v4, $0x7D;
	v4 =	vshll.u32 v5, $0xA  }
0x35b: {  	v4 =	vor.u32 v41, v4;
	_ =	sdelay $0x4  }
0x35c: {  	[tilespmem:v4+s9+$0x0] =	vst.idx.msk vm9, v0  }
0x35d: {  	v4 =	vld [tilespmem:$0x250];
	_ =	sdelay $0x4  }
0x35e: {  	v4 =	vsub.s32 v4, v2  }
0x35f: {  	vm10 =	vgt.s32 v4, $0x0  }
0x360: {  	v5 =	vnsel vm10, $0x0, v4  }
0x361: {  	v5 =	vmin.u32 v5, $0x7C  }
0x362: {  	vm11 =	vlt.u32 v4, $0x7D;
	v4 =	vshll.u32 v5, $0xA  }
0x363: {  	v4 =	vor.u32 v42, v4;
	_ =	sdelay $0x4  }
0x364: {  	[tilespmem:v4+s9+$0x0] =	vst.idx.msk vm11, v0  }
0x365: {  	v4 =	vld [tilespmem:$0x260];
	_ =	sdelay $0x4  }
0x366: {  	v4 =	vsub.s32 v4, v2  }
0x367: {  	vm12 =	vgt.s32 v4, $0x0  }
0x368: {  	v5 =	vnsel vm12, $0x0, v4  }
0x369: {  	v5 =	vmin.u32 v5, $0x7C  }
0x36a: {  	vm13 =	vlt.u32 v4, $0x7D;
	v4 =	vshll.u32 v5, $0xA  }
0x36b: {  	v4 =	vor.u32 v43, v4;
	_ =	sdelay $0x4  }
0x36c: {  	[tilespmem:v4+s9+$0x0] =	vst.idx.msk vm13, v0  }
0x36d: {  	v4 =	vld [tilespmem:$0x270];
	_ =	sdelay $0x4  }
0x36e: {  	v4 =	vsub.s32 v4, v2  }
0x36f: {  	vm14 =	vgt.s32 v4, $0x0  }
0x370: {  	v5 =	vnsel vm14, $0x0, v4  }
0x371: {  	v5 =	vmin.u32 v5, $0x7C  }
0x372: {  	vm15 =	vlt.u32 v4, $0x7D;
	v4 =	vshll.u32 v5, $0xA  }
0x373: {  	v4 =	vor.u32 v44, v4;
	_ =	sdelay $0x4  }
0x374: {  	[tilespmem:v4+s9+$0x0] =	vst.idx.msk vm15, v0  }
0x375: {  	v4 =	vld [tilespmem:$0x280];
	_ =	sdelay $0x4  }
0x376: {  	v4 =	vsub.s32 v4, v2  }
0x377: {  	vm4 =	vgt.s32 v4, $0x0  }
0x378: {  	v5 =	vnsel vm4, $0x0, v4  }
0x379: {  	v5 =	vmin.u32 v5, $0x7C  }
0x37a: {  	vm5 =	vlt.u32 v4, $0x7D;
	v4 =	vshll.u32 v5, $0xA  }
0x37b: {  	v4 =	vor.u32 v45, v4;
	_ =	sdelay $0x4  }
0x37c: {  	[tilespmem:v4+s9+$0x0] =	vst.idx.msk vm5, v0  }
0x37d: {  	v4 =	vld [tilespmem:$0x290];
	_ =	sdelay $0x4  }
0x37e: {  	v4 =	vsub.s32 v4, v2  }
0x37f: {  	vm6 =	vgt.s32 v4, $0x0  }
0x380: {  	v5 =	vnsel vm6, $0x0, v4  }
0x381: {  	v5 =	vmin.u32 v5, $0x7C  }
0x382: {  	vm7 =	vlt.u32 v4, $0x7D;
	v4 =	vshll.u32 v5, $0xA  }
0x383: {  	v4 =	vor.u32 v46, v4;
	_ =	sdelay $0x4  }
0x384: {  	[tilespmem:v4+s9+$0x0] =	vst.idx.msk vm7, v0  }
0x385: {  	v4 =	vld [tilespmem:$0x2A0];
	_ =	sdelay $0x4  }
0x386: {  	v4 =	vsub.s32 v4, v2  }
0x387: {  	vm8 =	vgt.s32 v4, $0x0  }
0x388: {  	v5 =	vnsel vm8, $0x0, v4  }
0x389: {  	v5 =	vmin.u32 v5, $0x7C  }
0x38a: {  	vm9 =	vlt.u32 v4, $0x7D;
	v4 =	vshll.u32 v5, $0xA  }
0x38b: {  	v4 =	vor.u32 v47, v4;
	_ =	sdelay $0x4  }
0x38c: {  	[tilespmem:v4+s9+$0x0] =	vst.idx.msk vm9, v0  }
0x38d: {  	v4 =	vld [tilespmem:$0x2B0];
	_ =	sdelay $0x4  }
0x38e: {  	v4 =	vsub.s32 v4, v2  }
0x38f: {  	vm10 =	vgt.s32 v4, $0x0  }
0x390: {  	v5 =	vnsel vm10, $0x0, v4  }
0x391: {  	v5 =	vmin.u32 v5, $0x7C  }
0x392: {  	vm11 =	vlt.u32 v4, $0x7D;
	v4 =	vshll.u32 v5, $0xA  }
0x393: {  	v4 =	vor.u32 v48, v4;
	_ =	sdelay $0x4  }
0x394: {  	[tilespmem:v4+s9+$0x0] =	vst.idx.msk vm11, v0  }
0x395: {  	v4 =	vld [tilespmem:$0x2C0];
	_ =	sdelay $0x4  }
0x396: {  	v4 =	vsub.s32 v4, v2  }
0x397: {  	vm12 =	vgt.s32 v4, $0x0  }
0x398: {  	v5 =	vnsel vm12, $0x0, v4  }
0x399: {  	v5 =	vmin.u32 v5, $0x7C  }
0x39a: {  	vm13 =	vlt.u32 v4, $0x7D;
	v4 =	vshll.u32 v5, $0xA  }
0x39b: {  	v4 =	vor.u32 v49, v4;
	_ =	sdelay $0x4  }
0x39c: {  	[tilespmem:v4+s9+$0x0] =	vst.idx.msk vm13, v0  }
0x39d: {  	v4 =	vld [tilespmem:$0x2D0];
	_ =	sdelay $0x4  }
0x39e: {  	v4 =	vsub.s32 v4, v2  }
0x39f: {  	vm14 =	vgt.s32 v4, $0x0  }
0x3a0: {  	v5 =	vnsel vm14, $0x0, v4  }
0x3a1: {  	v5 =	vmin.u32 v5, $0x7C  }
0x3a2: {  	vm15 =	vlt.u32 v4, $0x7D;
	v4 =	vshll.u32 v5, $0xA  }
0x3a3: {  	v4 =	vor.u32 v50, v4;
	_ =	sdelay $0x4  }
0x3a4: {  	[tilespmem:v4+s9+$0x0] =	vst.idx.msk vm15, v0  }
0x3a5: {  	v4 =	vld [tilespmem:$0x2E0];
	_ =	sdelay $0x4  }
0x3a6: {  	v4 =	vsub.s32 v4, v2  }
0x3a7: {  	vm4 =	vgt.s32 v4, $0x0  }
0x3a8: {  	v5 =	vnsel vm4, $0x0, v4  }
0x3a9: {  	v5 =	vmin.u32 v5, $0x7C  }
0x3aa: {  	vm5 =	vlt.u32 v4, $0x7D;
	v4 =	vshll.u32 v5, $0xA  }
0x3ab: {  	v4 =	vor.u32 v51, v4;
	_ =	sdelay $0x4  }
0x3ac: {  	[tilespmem:v4+s9+$0x0] =	vst.idx.msk vm5, v0  }
0x3ad: {  	v4 =	vld [tilespmem:$0x2F0];
	_ =	sdelay $0x4  }
0x3ae: {  	v4 =	vsub.s32 v4, v2  }
0x3af: {  	vm6 =	vgt.s32 v4, $0x0  }
0x3b0: {  	v5 =	vnsel vm6, $0x0, v4  }
0x3b1: {  	v5 =	vmin.u32 v5, $0x7C  }
0x3b2: {  	vm7 =	vlt.u32 v4, $0x7D;
	v4 =	vshll.u32 v5, $0xA  }
0x3b3: {  	v4 =	vor.u32 v52, v4;
	_ =	sdelay $0x4  }
0x3b4: {  	[tilespmem:v4+s9+$0x0] =	vst.idx.msk vm7, v0  }
0x3b5: {  	v4 =	vld [tilespmem:$0x300];
	_ =	sdelay $0x4  }
0x3b6: {  	v4 =	vsub.s32 v4, v2  }
0x3b7: {  	vm8 =	vgt.s32 v4, $0x0  }
0x3b8: {  	v5 =	vnsel vm8, $0x0, v4  }
0x3b9: {  	v5 =	vmin.u32 v5, $0x7C  }
0x3ba: {  	vm9 =	vlt.u32 v4, $0x7D;
	v4 =	vshll.u32 v5, $0xA  }
0x3bb: {  	v4 =	vor.u32 v53, v4;
	_ =	sdelay $0x4  }
0x3bc: {  	[tilespmem:v4+s9+$0x0] =	vst.idx.msk vm9, v0  }
0x3bd: {  	v4 =	vld [tilespmem:$0x310];
	_ =	sdelay $0x4  }
0x3be: {  	v4 =	vsub.s32 v4, v2  }
0x3bf: {  	vm10 =	vgt.s32 v4, $0x0  }
0x3c0: {  	v5 =	vnsel vm10, $0x0, v4  }
0x3c1: {  	v5 =	vmin.u32 v5, $0x7C  }
0x3c2: {  	vm11 =	vlt.u32 v4, $0x7D;
	v4 =	vshll.u32 v5, $0xA  }
0x3c3: {  	v4 =	vor.u32 v54, v4;
	_ =	sdelay $0x4  }
0x3c4: {  	[tilespmem:v4+s9+$0x0] =	vst.idx.msk vm11, v0  }
0x3c5: {  	v4 =	vld [tilespmem:$0x320];
	_ =	sdelay $0x4  }
0x3c6: {  	v4 =	vsub.s32 v4, v2  }
0x3c7: {  	vm12 =	vgt.s32 v4, $0x0  }
0x3c8: {  	v5 =	vnsel vm12, $0x0, v4  }
0x3c9: {  	v5 =	vmin.u32 v5, $0x7C  }
0x3ca: {  	vm13 =	vlt.u32 v4, $0x7D;
	v4 =	vshll.u32 v5, $0xA  }
0x3cb: {  	v4 =	vor.u32 v55, v4;
	_ =	sdelay $0x4  }
0x3cc: {  	[tilespmem:v4+s9+$0x0] =	vst.idx.msk vm13, v0  }
0x3cd: {  	v4 =	vld [tilespmem:$0x330];
	_ =	sdelay $0x4  }
0x3ce: {  	v4 =	vsub.s32 v4, v2  }
0x3cf: {  	vm14 =	vgt.s32 v4, $0x0  }
0x3d0: {  	v5 =	vnsel vm14, $0x0, v4  }
0x3d1: {  	v5 =	vmin.u32 v5, $0x7C  }
0x3d2: {  	vm15 =	vlt.u32 v4, $0x7D;
	v4 =	vshll.u32 v5, $0xA  }
0x3d3: {  	v4 =	vor.u32 v56, v4;
	_ =	sdelay $0x4  }
0x3d4: {  	[tilespmem:v4+s9+$0x0] =	vst.idx.msk vm15, v0  }
0x3d5: {  	v4 =	vld [tilespmem:$0x340];
	_ =	sdelay $0x4  }
0x3d6: {  	v4 =	vsub.s32 v4, v2  }
0x3d7: {  	vm4 =	vgt.s32 v4, $0x0  }
0x3d8: {  	v5 =	vnsel vm4, $0x0, v4  }
0x3d9: {  	v5 =	vmin.u32 v5, $0x7C  }
0x3da: {  	vm5 =	vlt.u32 v4, $0x7D;
	v4 =	vshll.u32 v5, $0xA  }
0x3db: {  	v4 =	vor.u32 v57, v4;
	_ =	sdelay $0x4  }
0x3dc: {  	[tilespmem:v4+s9+$0x0] =	vst.idx.msk vm5, v0  }
0x3dd: {  	v4 =	vld [tilespmem:$0x350];
	_ =	sdelay $0x4  }
0x3de: {  	v4 =	vsub.s32 v4, v2  }
0x3df: {  	vm6 =	vgt.s32 v4, $0x0  }
0x3e0: {  	v5 =	vnsel vm6, $0x0, v4  }
0x3e1: {  	v5 =	vmin.u32 v5, $0x7C  }
0x3e2: {  	vm7 =	vlt.u32 v4, $0x7D;
	v4 =	vshll.u32 v5, $0xA  }
0x3e3: {  	v4 =	vor.u32 v58, v4;
	_ =	sdelay $0x4  }
0x3e4: {  	[tilespmem:v4+s9+$0x0] =	vst.idx.msk vm7, v0  }
0x3e5: {  	v4 =	vld [tilespmem:$0x360];
	_ =	sdelay $0x4  }
0x3e6: {  	v4 =	vsub.s32 v4, v2  }
0x3e7: {  	vm8 =	vgt.s32 v4, $0x0  }
0x3e8: {  	v5 =	vnsel vm8, $0x0, v4  }
0x3e9: {  	v5 =	vmin.u32 v5, $0x7C  }
0x3ea: {  	vm9 =	vlt.u32 v4, $0x7D;
	v4 =	vshll.u32 v5, $0xA  }
0x3eb: {  	v4 =	vor.u32 v59, v4;
	_ =	sdelay $0x4  }
0x3ec: {  	[tilespmem:v4+s9+$0x0] =	vst.idx.msk vm9, v0  }
0x3ed: {  	v4 =	vld [tilespmem:$0x370];
	_ =	sdelay $0x4  }
0x3ee: {  	v4 =	vsub.s32 v4, v2  }
0x3ef: {  	vm10 =	vgt.s32 v4, $0x0  }
0x3f0: {  	v5 =	vnsel vm10, $0x0, v4  }
0x3f1: {  	v5 =	vmin.u32 v5, $0x7C  }
0x3f2: {  	vm11 =	vlt.u32 v4, $0x7D;
	v4 =	vshll.u32 v5, $0xA  }
0x3f3: {  	v4 =	vor.u32 v60, v4;
	_ =	sdelay $0x4  }
0x3f4: {  	[tilespmem:v4+s9+$0x0] =	vst.idx.msk vm11, v0  }
0x3f5: {  	v4 =	vld [tilespmem:$0x380];
	_ =	sdelay $0x4  }
0x3f6: {  	v4 =	vsub.s32 v4, v2  }
0x3f7: {  	vm12 =	vgt.s32 v4, $0x0  }
0x3f8: {  	v5 =	vnsel vm12, $0x0, v4  }
0x3f9: {  	v5 =	vmin.u32 v5, $0x7C  }
0x3fa: {  	vm13 =	vlt.u32 v4, $0x7D;
	v4 =	vshll.u32 v5, $0xA  }
0x3fb: {  	v4 =	vor.u32 v61, v4;
	_ =	sdelay $0x4  }
0x3fc: {  	[tilespmem:v4+s9+$0x0] =	vst.idx.msk vm13, v0  }
0x3fd: {  	v4 =	vld [tilespmem:$0x390];
	_ =	sdelay $0x4  }
0x3fe: {  	v4 =	vsub.s32 v4, v2  }
0x3ff: {  	vm14 =	vgt.s32 v4, $0x0  }
0x400: {  	v5 =	vnsel vm14, $0x0, v4  }
0x401: {  	v5 =	vmin.u32 v5, $0x7C  }
0x402: {  	vm15 =	vlt.u32 v4, $0x7D;
	v4 =	vshll.u32 v5, $0xA  }
0x403: {  	v4 =	vor.u32 v62, v4;
	_ =	sdelay $0x4  }
0x404: {  	[tilespmem:v4+s9+$0x0] =	vst.idx.msk vm15, v0  }
0x405: {  	v4 =	vld [tilespmem:$0x3A0];
	_ =	sdelay $0x4  }
0x406: {  	v4 =	vsub.s32 v4, v2  }
0x407: {  	vm4 =	vgt.s32 v4, $0x0  }
0x408: {  	v5 =	vnsel vm4, $0x0, v4  }
0x409: {  	v5 =	vmin.u32 v5, $0x7C  }
0x40a: {  	vm5 =	vlt.u32 v4, $0x7D;
	v4 =	vshll.u32 v5, $0xA  }
0x40b: {  	v4 =	vor.u32 v63, v4;
	_ =	sdelay $0x4  }
0x40c: {  	[tilespmem:v4+s9+$0x0] =	vst.idx.msk vm5, v0  }
0x40d: {  	v4 =	vld [tilespmem:$0x3B0];
	_ =	sdelay $0x4  }
0x40e: {  	v4 =	vsub.s32 v4, v2  }
0x40f: {  	vm6 =	vgt.s32 v4, $0x0  }
0x410: {  	v5 =	vnsel vm6, $0x0, v4  }
0x411: {  	v5 =	vmin.u32 v5, $0x7C  }
0x412: {  	vm7 =	vlt.u32 v4, $0x7D;
	v4 =	vshll.u32 v5, $0xA;
	v5 =	vld [tilespmem:$0x1FFC0];
	_ =	sdelay $0x4  }
0x413: {  	v4 =	vor.u32 v5, v4;
	_ =	sdelay $0x4  }
0x414: {  	[tilespmem:v4+s9+$0x0] =	vst.idx.msk vm7, v0  }
0x415: {  	v4 =	vld [tilespmem:$0x3C0];
	_ =	sdelay $0x4  }
0x416: {  	v4 =	vsub.s32 v4, v2  }
0x417: {  	vm8 =	vgt.s32 v4, $0x0  }
0x418: {  	v5 =	vnsel vm8, $0x0, v4  }
0x419: {  	v5 =	vmin.u32 v5, $0x7C  }
0x41a: {  	vm9 =	vlt.u32 v4, $0x7D;
	v4 =	vshll.u32 v5, $0xA;
	v5 =	vld [tilespmem:$0x1FFD0];
	_ =	sdelay $0x4  }
0x41b: {  	v4 =	vor.u32 v5, v4;
	_ =	sdelay $0x4  }
0x41c: {  	[tilespmem:v4+s9+$0x0] =	vst.idx.msk vm9, v0  }
0x41d: {  	v4 =	vld [tilespmem:$0x3D0];
	_ =	sdelay $0x4  }
0x41e: {  	v4 =	vsub.s32 v4, v2  }
0x41f: {  	vm10 =	vgt.s32 v4, $0x0  }
0x420: {  	v5 =	vnsel vm10, $0x0, v4  }
0x421: {  	v5 =	vmin.u32 v5, $0x7C  }
0x422: {  	vm11 =	vlt.u32 v4, $0x7D;
	v4 =	vshll.u32 v5, $0xA;
	v5 =	vld [tilespmem:$0x1FFE0];
	_ =	sdelay $0x4  }
0x423: {  	v4 =	vor.u32 v5, v4;
	_ =	sdelay $0x4  }
0x424: {  	[tilespmem:v4+s9+$0x0] =	vst.idx.msk vm11, v0  }
0x425: {  	v4 =	vld [tilespmem:$0x3E0];
	_ =	sdelay $0x4  }
0x426: {  	v3 =	vld [tilespmem:$0x1FFF0];
	v4 =	vsub.s32 v4, v2  }
0x427: {  	vm12 =	vgt.s32 v4, $0x0  }
0x428: {  	v5 =	vnsel vm12, $0x0, v4  }
0x429: {  	v5 =	vmin.u32 v5, $0x7C  }
0x42a: {  	vm13 =	vlt.u32 v4, $0x7D;
	v4 =	vshll.u32 v5, $0xA  }
0x42b: {  	v4 =	vor.u32 v3, v4;
	_ =	sdelay $0x4  }
0x42c: {  	[tilespmem:v4+s9+$0x0] =	vst.idx.msk vm13, v0  }
0x42d: {  	v4 =	vld [tilespmem:$0x3F0];
	_ =	sdelay $0x4  }
0x42e: {  	v3 =	vld [tilespmem:$0x1FFB0];
	v2 =	vsub.s32 v4, v2  }
0x42f: {  	vm14 =	vgt.s32 v2, $0x0  }
0x430: {  	v4 =	vnsel vm14, $0x0, v2  }
0x431: {  	v4 =	vmin.u32 v4, $0x7C  }
0x432: {  	vm15 =	vlt.u32 v2, $0x7D;
	v2 =	vshll.u32 v4, $0xA  }
0x433: {  	p0 =	sne.s32 s13, $0x1;
	v2 =	vor.u32 v3, v2  }
.Ltmp0:
0x434: {  	_ = 	snop;
	(pc) =	sbr.rel @p0 .LBB2_2-.Ltmp0, $2  }
0x435: {  	_ =	sdelay $0x2  }
0x436: {  	s12 =	sadd.s32 $0x20, s12;
	s13 =	sadd.s32 $0xFFFFFFFF, s13;
	v1 =	vimm.f32 $1.000000000e+00;
	v5 =	vlaneseq.u32;
	[tilespmem:v2+s9+$0x0] =	vst.idx.msk vm15, v0  }
0x437: {  	s11 =	sadd.s32 $0x1, s11  }
0x438: {  	p0 =	sne.s32 s11, s7  }
.Ltmp1:
0x439: {  	_ = 	snop;
	(pc) =	sbr.rel @p0 .LBB2_1-.Ltmp1, $1  }
0x43a: {  	_ =	sdelay $0x3  }
0x43b: {  	_ =	sfence.sel $0x180000  }
0x43c: {  	[bflag:$0x0] =	sbarrier.arrive $0xFFFF  }
0x43d: {  	p0 =	sne.s32 s2, $0x0;
	_ =	strace $0x90000047  }
0x43e: {  	s0 =	sadd.s32 @!p0 $0x100000, s0;
	[bflag:$0x2] =	sbarrier.arrive $0xFFFF  }
0x43f: {  	[sflag:s0] =	ssyncadd.tile.s32 @!p0 $0x1;
	_ =	shalt  }
.Lfunc_end2:
_tile_overlayer_lowered:
.L_overlay_start_2:
0x440: {  	(tag) =	ssettag $0x2  }
0x441: {  	s0 =	rddreg [dreg:$0x0];
	s2 =	stileid.u32  }
0x442: {  	s1 =	rddreg [dreg:$0x1];
	p0 =	sne.s32 s2, $0x0  }
0x443: {  	s3 =	rddreg [dreg:$0x2];
	[bflag:$0x3] =	sbarrier.arrive $0xFFFF;
	s2 =	simm.s32 @!p0 $0x1C01  }
0x444: {  	[timem:s3], [sflag:s2] =	dma.local @!p0 [hbm:s0], s1  }
0x445: {  	s0 =	simm.s32 @!p0 $0x1  }
0x446: {  	_ =	swait.ge @!p0 [sflag:s0], s1  }
0x447: {  	s1 =	ssub.s32 @!p0 $0x0, s1;
	[sflag:s0] =	ssyncset.done @!p0 $0x0  }
0x448: {  	[sflag:s0] =	ssyncadd.s32 @!p0 s1  }
0x449: {  	[bflag:$0x3] =	sbarrier.arrive $0xFFFF  }
0x44a: {  	_ =	shalt  }

</sc_bundles>
